<compile_context>
chip_gen: v7x
topology: tpu7x:2x2x1
jax: 0.10.2.dev20260603
libtpu: 0.0.44.dev20260713+nightly
codegen_flags: <defaults>
</compile_context>

<pallas_src>
import jax
import jax.numpy as jnp
from jax import lax
from jax.experimental import pallas as pl
from jax.experimental.pallas import tpu as pltpu
from jax.experimental.pallas import tpu_sc as plsc

N = 10000
NPAD = 10240
F = 128
H = 64
E = 320000

NC = 2
NS = 16
NW = NC * NS
B = 80
EPW = E // NW
EPAD = EPW
NB = EPAD // B
RPT = NPAD // NS
CO = 80
CH = RPT // CO
GB = 5
HR = NPAD // 128
HT = HR // NS



RB = 2048
_GRID = (NPAD // RB,)
_rows = pl.BlockSpec((RB, H), lambda i: (i, 0))
_rows128 = pl.BlockSpec((RB, 2 * H), lambda i: (i, 0))
_cntspec = pl.BlockSpec((NC, RB), lambda i: (0, i))


def _fullspec(r, c):
    return pl.BlockSpec((r, c), lambda i: (0, 0))


def _pre_body(x_ref, wl_ref, wr_ref, b_ref, y_ref, z_ref):
    x = x_ref[...]
    y_ref[...] = jnp.dot(x, wl_ref[...], preferred_element_type=jnp.float32)
    z_ref[...] = jnp.dot(x, wr_ref[...], preferred_element_type=jnp.float32) + b_ref[...]


def _inv_cnt(cntp_ref):
    cnt = jnp.maximum(cntp_ref[0:1, :] + cntp_ref[1:2, :], 1.0)
    return jnp.transpose(cnt)


def _mid_body(aggp_ref, cntp_ref, z1_ref, wl_ref, wr_ref, b_ref, y_ref, z_ref):
    agg = aggp_ref[:, 0:H] + aggp_ref[:, H:2 * H]
    h = jax.nn.sigmoid(agg / _inv_cnt(cntp_ref) + z1_ref[...])
    y_ref[...] = jnp.dot(h, wl_ref[...], preferred_element_type=jnp.float32)
    z_ref[...] = jnp.dot(h, wr_ref[...], preferred_element_type=jnp.float32) + b_ref[...]


def _post_body(aggp_ref, cntp_ref, z2_ref, out_ref):
    agg = aggp_ref[:, 0:H] + aggp_ref[:, H:2 * H]
    out_ref[...] = agg / _inv_cnt(cntp_ref) + z2_ref[...]


_tc_pre = pl.pallas_call(
    _pre_body,
    grid=_GRID,
    in_specs=[pl.BlockSpec((RB, F), lambda i: (i, 0)),
              _fullspec(F, H), _fullspec(F, H), _fullspec(1, H)],
    out_specs=[_rows, _rows],
    out_shape=[jax.ShapeDtypeStruct((N, H), jnp.float32),
               jax.ShapeDtypeStruct((N, H), jnp.float32)],
)

_tc_mid = pl.pallas_call(
    _mid_body,
    grid=_GRID,
    in_specs=[_rows128, _cntspec, _rows,
              _fullspec(H, H), _fullspec(H, H), _fullspec(1, H)],
    out_specs=[_rows, _rows],
    out_shape=[jax.ShapeDtypeStruct((N, H), jnp.float32),
               jax.ShapeDtypeStruct((N, H), jnp.float32)],
)

_tc_post = pl.pallas_call(
    _post_body,
    grid=_GRID,
    in_specs=[_rows128, _cntspec, _rows],
    out_specs=_rows,
    out_shape=jax.ShapeDtypeStruct((N, H), jnp.float32),
)



def _fill_rows(buf, ncols, val):
    v = jnp.full((16,), val, jnp.float32)

    def body(i, _):
        for j in range(ncols // 16):
            buf[i, pl.ds(j * 16, 16)] = v
        return 0

    lax.fori_loop(0, buf.shape[0], body, 0)


def _make_sc(with_cnt):
    mesh = plsc.VectorSubcoreMesh(
        core_axis_name="c", subcore_axis_name="s", num_cores=NC, num_subcores=NS)
    out_type = [jax.ShapeDtypeStruct((NPAD, NC * H), jnp.float32)]
    scratch = (
        [pltpu.VMEM((NB, B), jnp.int32),
         pltpu.VMEM((NB, B), jnp.int32)]
        + [pltpu.VMEM((B, H), jnp.float32)] * GB
        + [pltpu.VMEM((CO, H), jnp.float32),
           pltpu.VMEM_SHARED((NPAD, H), jnp.float32)]
        + [pltpu.SemaphoreType.DMA] * GB
        + [pltpu.SemaphoreType.DMA] * GB
    )
    if with_cnt:
        out_type.append(jax.ShapeDtypeStruct((NC, HR, 128), jnp.float32))
        scratch = scratch + [
            pltpu.VMEM((HR, 128), jnp.float32),
            pltpu.VMEM((1, HR), jnp.int32),
            pltpu.VMEM((HT, 128), jnp.float32),
            pltpu.VMEM_SHARED((HR, 128), jnp.float32),
        ]

    def body(table, idx3, *refs):
        if with_cnt:
            (agg_out, cnt_out, srcv, dstv, *rest) = refs
        else:
            (agg_out, srcv, dstv, *rest) = refs
            cnt_out = None
        rows = rest[:GB]
        zrows, acc = rest[GB], rest[GB + 1]
        gsem = rest[GB + 2:2 * GB + 2]
        ssem = rest[2 * GB + 2:3 * GB + 2]
        if with_cnt:
            hist, rowid, cstage, cacc = rest[3 * GB + 2:]
        else:
            hist = rowid = cstage = cacc = None
        c = lax.axis_index("c")
        s = lax.axis_index("s")
        wid = c * NS + s
        base = s * RPT

        _fill_rows(zrows, H, 0.0)
        if with_cnt:
            _fill_rows(hist, 128, 0.0)
            for k in range(HR // 16):
                rowid[0, pl.ds(16 * k, 16)] = lax.iota(jnp.int32, 16) + 16 * k

            @pl.when(s == 0)
            def _():
                pltpu.sync_copy(hist, cacc)

        for k in range(CH):
            sl = pl.ds(base + k * CO, CO)
            pltpu.sync_copy(zrows, acc.at[sl])
        plsc.subcore_barrier()

        pltpu.sync_copy(idx3.at[0, wid], srcv)
        pltpu.sync_copy(idx3.at[1, wid], dstv)

        LEAD = GB - 2

        def wait_g(b, j):
            pltpu.make_async_copy(table.at[srcv.at[j]], rows[b], gsem[b]).wait()

        def wait_s(b):
            pltpu.make_async_copy(rows[b], acc.at[dstv.at[0]], ssem[b]).wait()

        def hist_batch(j):
            def hbody(k, _):
                d = dstv[j, pl.ds(16 * k, 16)]
                occ, last = plsc.scan_count(d)
                plsc.addupdate_scatter(
                    hist, [lax.shift_right_logical(d, 7),
                           lax.bitwise_and(d, 127)],
                    occ.astype(jnp.float32), mask=last)
                return 0

            lax.fori_loop(0, B // 16, hbody, 0)

        def issue(j, b, do_swait, do_gather):
            bw = (b + LEAD) % GB
            if do_swait:
                wait_s(bw)
            if do_gather:
                pltpu.async_copy(table.at[srcv.at[j + LEAD]], rows[bw], gsem[bw])
            wait_g(b, j)
            pltpu.async_copy(rows[b], acc.at[dstv.at[j]], ssem[b], add=True)
            if with_cnt:
                hist_batch(j)

        for b in range(LEAD):
            pltpu.async_copy(table.at[srcv.at[b]], rows[b], gsem[b])
        for b in range(GB):
            issue(b, b, do_swait=(b >= GB - LEAD), do_gather=True)

        def outer(t, _):
            for b in range(GB):
                issue(GB * t + b, b, do_swait=True, do_gather=True)
            return 0

        lax.fori_loop(1, NB // GB - 1, outer, 0)
        for b in range(GB):
            j = NB - GB + b
            issue(j, b, do_swait=True, do_gather=(j + LEAD < NB))
        for b in range(LEAD, GB):
            wait_s(b)
        if with_cnt:
            pltpu.sync_copy(hist, cacc.at[rowid.at[0]], add=True)
        plsc.subcore_barrier()

        for k in range(CH):
            sl = pl.ds(base + k * CO, CO)
            pltpu.sync_copy(acc.at[sl], zrows)
            pltpu.sync_copy(zrows, agg_out.at[sl, pl.ds(c * H, H)])
        if with_cnt:
            pltpu.sync_copy(cacc.at[pl.ds(s * HT, HT)], cstage)
            pltpu.sync_copy(cstage, cnt_out.at[c, pl.ds(s * HT, HT)])

    return pl.kernel(
        body, out_type=out_type, mesh=mesh, scratch_types=scratch,
        compiler_params=pltpu.CompilerParams(
            use_tc_tiling_on_sc=False,
            needs_layout_passes=False if with_cnt else None))


_sc_l1 = _make_sc(with_cnt=True)
_sc_l2 = _make_sc(with_cnt=False)



@jax.jit
def kernel(x, edge_index, W1l, b1l, W1r, W2l, b2l, W2r):
    idx3 = edge_index.astype(jnp.int32).reshape(2, NW, NB, B)

    y1, z1 = _tc_pre(x, W1l, W1r, b1l.reshape(1, H))
    agg1p, cntp = _sc_l1(y1, idx3)
    cnt2 = cntp.reshape(NC, NPAD)
    y2, z2 = _tc_mid(agg1p, cnt2, z1, W2l, W2r, b2l.reshape(1, H))
    [agg2p] = _sc_l2(y2, idx3)
    return _tc_post(agg2p, cnt2, z2)

# --- scband reference (transcript-rebuilt; emitter-appended) ---
"""Pipeline reference for scband-sage-8967891714111 (READ-ONLY COPY).

The authoritative reference and input builder live on the scoring server;
editing this copy changes nothing except your own understanding.
"""

import jax, jax.numpy as jnp
import numpy as np

N_NODES = 10000
NFEAT = 128
HIDDEN = 64
NCLASS = 64
N_EDGES = 320000


def setup_inputs(seed: int = 0) -> dict:
    key = jax.random.key(seed)
    k = jax.random.split(key, 9)
    x = jax.random.normal(k[0], (N_NODES, NFEAT), dtype=jnp.float32)
    edge_index = jax.random.randint(k[1], (2, N_EDGES), 0, N_NODES, dtype=jnp.int64)
    s1 = 1.0 / np.sqrt(NFEAT)
    s2 = 1.0 / np.sqrt(HIDDEN)
    W1l = jax.random.uniform(k[2], (NFEAT, HIDDEN), jnp.float32, -s1, s1)
    b1l = jax.random.uniform(k[3], (HIDDEN,), jnp.float32, -s1, s1)
    W1r = jax.random.uniform(k[4], (NFEAT, HIDDEN), jnp.float32, -s1, s1)
    W2l = jax.random.uniform(k[5], (HIDDEN, NCLASS), jnp.float32, -s2, s2)
    b2l = jax.random.uniform(k[6], (NCLASS,), jnp.float32, -s2, s2)
    W2r = jax.random.uniform(k[7], (HIDDEN, NCLASS), jnp.float32, -s2, s2)
    return {"x": x, "edge_index": edge_index, "W1l": W1l, "b1l": b1l, "W1r": W1r, "W2l": W2l, "b2l": b2l, "W2r": W2r}


def _sage_conv(x, src, dst, Wl, bl, Wr, num_nodes):
    # PyG SAGEConv with mean aggregation: out = lin_l(mean_{j in N(i)} x_j) + lin_r(x_i)
    msg = jnp.take(x, src, axis=0)                      # gather source features [E, d]
    agg = jax.ops.segment_sum(msg, dst, num_segments=num_nodes)  # scatter-add to dst
    cnt = jax.ops.segment_sum(jnp.ones((msg.shape[0],), dtype=x.dtype), dst, num_segments=num_nodes)
    mean = agg / jnp.clip(cnt, 1.0, None)[:, None]
    return mean @ Wl + bl + x @ Wr


def reference(x, edge_index, W1l, b1l, W1r, W2l, b2l, W2r):
    src = edge_index[0]
    dst = edge_index[1]
    n = x.shape[0]
    h = _sage_conv(x, src, dst, W1l, b1l, W1r, n)
    h = jax.nn.sigmoid(h)
    out = _sage_conv(h, src, dst, W2l, b2l, W2r, n)
    return out

if __name__ == "__main__":
    import jax
    _d = setup_inputs()
    print(jax.jit(kernel)(*tuple(_d.values())))

</pallas_src>

<mosaic_0001>
#map = affine_map<(d0, d1) -> (0, 0)>
#map1 = affine_map<(d0, d1) -> (0, 0, 0, 0)>
#map2 = affine_map<(d0, d1) -> (0, 0, 0)>
module attributes {stable_mosaic.version = 14 : i64} {
  func.func @body(%arg0: i32, %arg1: i32, %arg2: memref<10000x64xf32, #tpu.memory_space<hbm>>, %arg3: memref<2x32x125x80xi32, #tpu.memory_space<hbm>>, %arg4: memref<10240x128xf32, #tpu.memory_space<hbm>>, %arg5: memref<2x80x128xf32, #tpu.memory_space<hbm>>, %arg6: memref<125x80xi32, #tpu.memory_space<vmem>>, %arg7: memref<125x80xi32, #tpu.memory_space<vmem>>, %arg8: memref<80x64xf32, #tpu.memory_space<vmem>>, %arg9: memref<80x64xf32, #tpu.memory_space<vmem>>, %arg10: memref<80x64xf32, #tpu.memory_space<vmem>>, %arg11: memref<80x64xf32, #tpu.memory_space<vmem>>, %arg12: memref<80x64xf32, #tpu.memory_space<vmem>>, %arg13: memref<80x64xf32, #tpu.memory_space<vmem>>, %arg14: memref<10240x64xf32, #tpu.memory_space<vmem_shared>>, %arg15: memref<!tpu.dma_semaphore, #tpu.memory_space<semaphore_mem>>, %arg16: memref<!tpu.dma_semaphore, #tpu.memory_space<semaphore_mem>>, %arg17: memref<!tpu.dma_semaphore, #tpu.memory_space<semaphore_mem>>, %arg18: memref<!tpu.dma_semaphore, #tpu.memory_space<semaphore_mem>>, %arg19: memref<!tpu.dma_semaphore, #tpu.memory_space<semaphore_mem>>, %arg20: memref<!tpu.dma_semaphore, #tpu.memory_space<semaphore_mem>>, %arg21: memref<!tpu.dma_semaphore, #tpu.memory_space<semaphore_mem>>, %arg22: memref<!tpu.dma_semaphore, #tpu.memory_space<semaphore_mem>>, %arg23: memref<!tpu.dma_semaphore, #tpu.memory_space<semaphore_mem>>, %arg24: memref<!tpu.dma_semaphore, #tpu.memory_space<semaphore_mem>>, %arg25: memref<80x128xf32, #tpu.memory_space<vmem>>, %arg26: memref<1x80xi32, #tpu.memory_space<vmem>>, %arg27: memref<5x128xf32, #tpu.memory_space<vmem>>, %arg28: memref<80x128xf32, #tpu.memory_space<vmem_shared>>) attributes {dimension_semantics = [#tpu.dimension_semantics<core_parallel>, #tpu.dimension_semantics<subcore_parallel>], iteration_bounds = array<i64: 2, 16>, scalar_prefetch = 0 : i64, scratch_operands = 23 : i64, tpu.core_type = #tpu.core_type<sc_vector_subcore>, window_params = [{transform_indices = #map}, {transform_indices = #map1}, {transform_indices = #map}, {transform_indices = #map2}]} {
    %mul3A = arith.constant 16 : i32
    %mul3A_0 = arith.muli %arg0, %mul3A : i32
    %add3A = arith.addi %mul3A_0, %arg1 : i32
    %mul3A_1 = arith.constant 640 : i32
    %mul3A_2 = arith.muli %arg1, %mul3A_1 : i32
    %broadcast_in_dim3A = arith.constant 0.000000e+00 : f32
    %broadcast_in_dim3A_3 = vector.broadcast %broadcast_in_dim3A : f32 to vector<16xf32>
    %scan3A = arith.constant 0 : i32
    %scan3A_4 = arith.constant 0 : i32
    %scan3A_5 = arith.constant 80 : i32
    %scan3A_6 = arith.addi %scan3A_4, %scan3A_5 : i32
    %scan3A_7 = arith.constant 1 : i32
    %scan3A_8 = scf.for %scan3A_469 = %scan3A_4 to %scan3A_6 step %scan3A_7 iter_args(%scan3A_470 = %scan3A) -> (i32)  : i32 {
      %swap3A_471 = arith.index_cast %scan3A_469 : i32 to index
      %swap3A_472 = arith.constant 0 : index
      %swap3A_473 = tpu.vector_load %arg13[%swap3A_471, %swap3A_472] {strides = array<i32>} : memref<80x64xf32, #tpu.memory_space<vmem>>, vector<16xf32>,
      tpu.vector_store %arg13[%swap3A_471, %swap3A_472], %broadcast_in_dim3A_3 {strides = array<i32>} : memref<80x64xf32, #tpu.memory_space<vmem>>, vector<16xf32>,
      %swap3A_474 = arith.index_cast %scan3A_469 : i32 to index
      %swap3A_475 = arith.constant 16 : index
      %swap3A_476 = tpu.vector_load %arg13[%swap3A_474, %swap3A_475] {strides = array<i32>} : memref<80x64xf32, #tpu.memory_space<vmem>>, vector<16xf32>,
      tpu.vector_store %arg13[%swap3A_474, %swap3A_475], %broadcast_in_dim3A_3 {strides = array<i32>} : memref<80x64xf32, #tpu.memory_space<vmem>>, vector<16xf32>,
      %swap3A_477 = arith.index_cast %scan3A_469 : i32 to index
      %swap3A_478 = arith.constant 32 : index
      %swap3A_479 = tpu.vector_load %arg13[%swap3A_477, %swap3A_478] {strides = array<i32>} : memref<80x64xf32, #tpu.memory_space<vmem>>, vector<16xf32>,
      tpu.vector_store %arg13[%swap3A_477, %swap3A_478], %broadcast_in_dim3A_3 {strides = array<i32>} : memref<80x64xf32, #tpu.memory_space<vmem>>, vector<16xf32>,
      %swap3A_480 = arith.index_cast %scan3A_469 : i32 to index
      %swap3A_481 = arith.constant 48 : index
      %swap3A_482 = tpu.vector_load %arg13[%swap3A_480, %swap3A_481] {strides = array<i32>} : memref<80x64xf32, #tpu.memory_space<vmem>>, vector<16xf32>,
      tpu.vector_store %arg13[%swap3A_480, %swap3A_481], %broadcast_in_dim3A_3 {strides = array<i32>} : memref<80x64xf32, #tpu.memory_space<vmem>>, vector<16xf32>,
      %scan3A_483 = arith.constant 0 : i32
      scf.yield %scan3A_483 : i32
    }
    %scan3A_9 = arith.constant 80 : i32
    %broadcast_in_dim3A_10 = arith.constant 0.000000e+00 : f32
    %broadcast_in_dim3A_11 = vector.broadcast %broadcast_in_dim3A_10 : f32 to vector<16xf32>
    %scan3A_12 = arith.constant 0 : i32
    %scan3A_13 = arith.constant 0 : i32
    %scan3A_14 = arith.constant 80 : i32
    %scan3A_15 = arith.addi %scan3A_13, %scan3A_14 : i32
    %scan3A_16 = arith.constant 1 : i32
    %scan3A_17 = scf.for %scan3A_469 = %scan3A_13 to %scan3A_15 step %scan3A_16 iter_args(%scan3A_470 = %scan3A_12) -> (i32)  : i32 {
      %swap3A_471 = arith.index_cast %scan3A_469 : i32 to index
      %swap3A_472 = arith.constant 0 : index
      %swap3A_473 = tpu.vector_load %arg25[%swap3A_471, %swap3A_472] {strides = array<i32>} : memref<80x128xf32, #tpu.memory_space<vmem>>, vector<16xf32>,
      tpu.vector_store %arg25[%swap3A_471, %swap3A_472], %broadcast_in_dim3A_11 {strides = array<i32>} : memref<80x128xf32, #tpu.memory_space<vmem>>, vector<16xf32>,
      %swap3A_474 = arith.index_cast %scan3A_469 : i32 to index
      %swap3A_475 = arith.constant 16 : index
      %swap3A_476 = tpu.vector_load %arg25[%swap3A_474, %swap3A_475] {strides = array<i32>} : memref<80x128xf32, #tpu.memory_space<vmem>>, vector<16xf32>,
      tpu.vector_store %arg25[%swap3A_474, %swap3A_475], %broadcast_in_dim3A_11 {strides = array<i32>} : memref<80x128xf32, #tpu.memory_space<vmem>>, vector<16xf32>,
      %swap3A_477 = arith.index_cast %scan3A_469 : i32 to index
      %swap3A_478 = arith.constant 32 : index
      %swap3A_479 = tpu.vector_load %arg25[%swap3A_477, %swap3A_478] {strides = array<i32>} : memref<80x128xf32, #tpu.memory_space<vmem>>, vector<16xf32>,
      tpu.vector_store %arg25[%swap3A_477, %swap3A_478], %broadcast_in_dim3A_11 {strides = array<i32>} : memref<80x128xf32, #tpu.memory_space<vmem>>, vector<16xf32>,
      %swap3A_480 = arith.index_cast %scan3A_469 : i32 to index
      %swap3A_481 = arith.constant 48 : index
      %swap3A_482 = tpu.vector_load %arg25[%swap3A_480, %swap3A_481] {strides = array<i32>} : memref<80x128xf32, #tpu.memory_space<vmem>>, vector<16xf32>,
      tpu.vector_store %arg25[%swap3A_480, %swap3A_481], %broadcast_in_dim3A_11 {strides = array<i32>} : memref<80x128xf32, #tpu.memory_space<vmem>>, vector<16xf32>,
      %swap3A_483 = arith.index_cast %scan3A_469 : i32 to index
      %swap3A_484 = arith.constant 64 : index
      %swap3A_485 = tpu.vector_load %arg25[%swap3A_483, %swap3A_484] {strides = array<i32>} : memref<80x128xf32, #tpu.memory_space<vmem>>, vector<16xf32>,
      tpu.vector_store %arg25[%swap3A_483, %swap3A_484], %broadcast_in_dim3A_11 {strides = array<i32>} : memref<80x128xf32, #tpu.memory_space<vmem>>, vector<16xf32>,
      %swap3A_486 = arith.index_cast %scan3A_469 : i32 to index
      %swap3A_487 = arith.constant 80 : index
      %swap3A_488 = tpu.vector_load %arg25[%swap3A_486, %swap3A_487] {strides = array<i32>} : memref<80x128xf32, #tpu.memory_space<vmem>>, vector<16xf32>,
      tpu.vector_store %arg25[%swap3A_486, %swap3A_487], %broadcast_in_dim3A_11 {strides = array<i32>} : memref<80x128xf32, #tpu.memory_space<vmem>>, vector<16xf32>,
      %swap3A_489 = arith.index_cast %scan3A_469 : i32 to index
      %swap3A_490 = arith.constant 96 : index
      %swap3A_491 = tpu.vector_load %arg25[%swap3A_489, %swap3A_490] {strides = array<i32>} : memref<80x128xf32, #tpu.memory_space<vmem>>, vector<16xf32>,
      tpu.vector_store %arg25[%swap3A_489, %swap3A_490], %broadcast_in_dim3A_11 {strides = array<i32>} : memref<80x128xf32, #tpu.memory_space<vmem>>, vector<16xf32>,
      %swap3A_492 = arith.index_cast %scan3A_469 : i32 to index
      %swap3A_493 = arith.constant 112 : index
      %swap3A_494 = tpu.vector_load %arg25[%swap3A_492, %swap3A_493] {strides = array<i32>} : memref<80x128xf32, #tpu.memory_space<vmem>>, vector<16xf32>,
      tpu.vector_store %arg25[%swap3A_492, %swap3A_493], %broadcast_in_dim3A_11 {strides = array<i32>} : memref<80x128xf32, #tpu.memory_space<vmem>>, vector<16xf32>,
      %scan3A_495 = arith.constant 0 : i32
      scf.yield %scan3A_495 : i32
    }
    %scan3A_18 = arith.constant 80 : i32
    %iota3A = tpu.iota {dimensions = array<i32: 0>} : vector<16xi32>
    %add3A_19 = arith.constant 0 : i32
    %add3A_20 = vector.broadcast %add3A_19 : i32 to vector<16xi32>
    %add3A_21 = arith.addi %iota3A, %add3A_20 : vector<16xi32>
    %swap3A = arith.constant 0 : i32
    %swap3A_22 = arith.index_cast %swap3A : i32 to index
    %swap3A_23 = arith.constant 0 : index
    %swap3A_24 = tpu.vector_load %arg26[%swap3A_22, %swap3A_23] {strides = array<i32>} : memref<1x80xi32, #tpu.memory_space<vmem>>, vector<16xi32>,
    tpu.vector_store %arg26[%swap3A_22, %swap3A_23], %add3A_21 {strides = array<i32>} : memref<1x80xi32, #tpu.memory_space<vmem>>, vector<16xi32>,
    %iota3A_25 = tpu.iota {dimensions = array<i32: 0>} : vector<16xi32>
    %add3A_26 = arith.constant 16 : i32
    %add3A_27 = vector.broadcast %add3A_26 : i32 to vector<16xi32>
    %add3A_28 = arith.addi %iota3A_25, %add3A_27 : vector<16xi32>
    %swap3A_29 = arith.constant 0 : i32
    %swap3A_30 = arith.index_cast %swap3A_29 : i32 to index
    %swap3A_31 = arith.constant 16 : index
    %swap3A_32 = tpu.vector_load %arg26[%swap3A_30, %swap3A_31] {strides = array<i32>} : memref<1x80xi32, #tpu.memory_space<vmem>>, vector<16xi32>,
    tpu.vector_store %arg26[%swap3A_30, %swap3A_31], %add3A_28 {strides = array<i32>} : memref<1x80xi32, #tpu.memory_space<vmem>>, vector<16xi32>,
    %iota3A_33 = tpu.iota {dimensions = array<i32: 0>} : vector<16xi32>
    %add3A_34 = arith.constant 32 : i32
    %add3A_35 = vector.broadcast %add3A_34 : i32 to vector<16xi32>
    %add3A_36 = arith.addi %iota3A_33, %add3A_35 : vector<16xi32>
    %swap3A_37 = arith.constant 0 : i32
    %swap3A_38 = arith.index_cast %swap3A_37 : i32 to index
    %swap3A_39 = arith.constant 32 : index
    %swap3A_40 = tpu.vector_load %arg26[%swap3A_38, %swap3A_39] {strides = array<i32>} : memref<1x80xi32, #tpu.memory_space<vmem>>, vector<16xi32>,
    tpu.vector_store %arg26[%swap3A_38, %swap3A_39], %add3A_36 {strides = array<i32>} : memref<1x80xi32, #tpu.memory_space<vmem>>, vector<16xi32>,
    %iota3A_41 = tpu.iota {dimensions = array<i32: 0>} : vector<16xi32>
    %add3A_42 = arith.constant 48 : i32
    %add3A_43 = vector.broadcast %add3A_42 : i32 to vector<16xi32>
    %add3A_44 = arith.addi %iota3A_41, %add3A_43 : vector<16xi32>
    %swap3A_45 = arith.constant 0 : i32
    %swap3A_46 = arith.index_cast %swap3A_45 : i32 to index
    %swap3A_47 = arith.constant 48 : index
    %swap3A_48 = tpu.vector_load %arg26[%swap3A_46, %swap3A_47] {strides = array<i32>} : memref<1x80xi32, #tpu.memory_space<vmem>>, vector<16xi32>,
    tpu.vector_store %arg26[%swap3A_46, %swap3A_47], %add3A_44 {strides = array<i32>} : memref<1x80xi32, #tpu.memory_space<vmem>>, vector<16xi32>,
    %iota3A_49 = tpu.iota {dimensions = array<i32: 0>} : vector<16xi32>
    %add3A_50 = arith.constant 64 : i32
    %add3A_51 = vector.broadcast %add3A_50 : i32 to vector<16xi32>
    %add3A_52 = arith.addi %iota3A_49, %add3A_51 : vector<16xi32>
    %swap3A_53 = arith.constant 0 : i32
    %swap3A_54 = arith.index_cast %swap3A_53 : i32 to index
    %swap3A_55 = arith.constant 64 : index
    %swap3A_56 = tpu.vector_load %arg26[%swap3A_54, %swap3A_55] {strides = array<i32>} : memref<1x80xi32, #tpu.memory_space<vmem>>, vector<16xi32>,
    tpu.vector_store %arg26[%swap3A_54, %swap3A_55], %add3A_52 {strides = array<i32>} : memref<1x80xi32, #tpu.memory_space<vmem>>, vector<16xi32>,
    %eq3A = arith.constant 0 : i32
    %eq3A_57 = arith.cmpi eq, %arg1, %eq3A : i32
    %convert_element_type3A = arith.extui %eq3A_57 : i1 to i32
    %cond3A = arith.constant 0 : i32
    %cond3A_58 = arith.cmpi ne, %convert_element_type3A, %cond3A : i32
    scf.if %cond3A_58 {
      "tpu.region"() ({
        %run_scoped3A_469 = tpu.sem_alloc : memref<!tpu.dma_semaphore, #tpu.memory_space<semaphore_mem>>
        tpu.enqueue_dma source(%arg25 : memref<80x128xf32, #tpu.memory_space<vmem>>) target(%arg28 : memref<80x128xf32, #tpu.memory_space<vmem_shared>>) target_semaphore(%run_scoped3A_469 : memref<!tpu.dma_semaphore, #tpu.memory_space<semaphore_mem>>)
        tpu.wait_dma2 semaphore(%run_scoped3A_469 : memref<!tpu.dma_semaphore, #tpu.memory_space<semaphore_mem>>) src(%arg25 : memref<80x128xf32, #tpu.memory_space<vmem>>) dst(%arg28 : memref<80x128xf32, #tpu.memory_space<vmem_shared>>)
        tpu.yield
      }) : () -> ()
    } else {
    }
    %add3A_59 = arith.constant 0 : i32
    %add3A_60 = arith.addi %mul3A_2, %add3A_59 : i32
    "tpu.region"() ({
      %run_scoped3A_469 = tpu.sem_alloc : memref<!tpu.dma_semaphore, #tpu.memory_space<semaphore_mem>>
      %dma_start3A_470 = arith.constant 0 : i32
      %dma_start3A_471 = tpu.memref_slice %arg14[%add3A_60, %dma_start3A_470] : memref<10240x64xf32, #tpu.memory_space<vmem_shared>> -> memref<80x64xf32, #tpu.memory_space<vmem_shared>>
      %dma_start3A_472 = arith.constant 0 : i32
      %dma_start3A_473 = tpu.memref_slice %arg14[%add3A_60, %dma_start3A_472] : memref<10240x64xf32, #tpu.memory_space<vmem_shared>> -> memref<80x64xf32, #tpu.memory_space<vmem_shared>>
      tpu.enqueue_dma source(%arg13 : memref<80x64xf32, #tpu.memory_space<vmem>>) target(%dma_start3A_473 : memref<80x64xf32, #tpu.memory_space<vmem_shared>>) target_semaphore(%run_scoped3A_469 : memref<!tpu.dma_semaphore, #tpu.memory_space<semaphore_mem>>)
      %dma_wait3A_474 = arith.constant 0 : i32
      %dma_wait3A_475 = tpu.memref_slice %arg14[%add3A_60, %dma_wait3A_474] : memref<10240x64xf32, #tpu.memory_space<vmem_shared>> -> memref<80x64xf32, #tpu.memory_space<vmem_shared>>
      %dma_wait3A_476 = arith.constant 0 : i32
      %dma_wait3A_477 = tpu.memref_slice %arg14[%add3A_60, %dma_wait3A_476] : memref<10240x64xf32, #tpu.memory_space<vmem_shared>> -> memref<80x64xf32, #tpu.memory_space<vmem_shared>>
      tpu.wait_dma2 semaphore(%run_scoped3A_469 : memref<!tpu.dma_semaphore, #tpu.memory_space<semaphore_mem>>) src(%arg13 : memref<80x64xf32, #tpu.memory_space<vmem>>) dst(%dma_wait3A_477 : memref<80x64xf32, #tpu.memory_space<vmem_shared>>)
      tpu.yield
    }) : () -> ()
    %add3A_61 = arith.constant 80 : i32
    %add3A_62 = arith.addi %mul3A_2, %add3A_61 : i32
    "tpu.region"() ({
      %run_scoped3A_469 = tpu.sem_alloc : memref<!tpu.dma_semaphore, #tpu.memory_space<semaphore_mem>>
      %dma_start3A_470 = arith.constant 0 : i32
      %dma_start3A_471 = tpu.memref_slice %arg14[%add3A_62, %dma_start3A_470] : memref<10240x64xf32, #tpu.memory_space<vmem_shared>> -> memref<80x64xf32, #tpu.memory_space<vmem_shared>>
      %dma_start3A_472 = arith.constant 0 : i32
      %dma_start3A_473 = tpu.memref_slice %arg14[%add3A_62, %dma_start3A_472] : memref<10240x64xf32, #tpu.memory_space<vmem_shared>> -> memref<80x64xf32, #tpu.memory_space<vmem_shared>>
      tpu.enqueue_dma source(%arg13 : memref<80x64xf32, #tpu.memory_space<vmem>>) target(%dma_start3A_473 : memref<80x64xf32, #tpu.memory_space<vmem_shared>>) target_semaphore(%run_scoped3A_469 : memref<!tpu.dma_semaphore, #tpu.memory_space<semaphore_mem>>)
      %dma_wait3A_474 = arith.constant 0 : i32
      %dma_wait3A_475 = tpu.memref_slice %arg14[%add3A_62, %dma_wait3A_474] : memref<10240x64xf32, #tpu.memory_space<vmem_shared>> -> memref<80x64xf32, #tpu.memory_space<vmem_shared>>
      %dma_wait3A_476 = arith.constant 0 : i32
      %dma_wait3A_477 = tpu.memref_slice %arg14[%add3A_62, %dma_wait3A_476] : memref<10240x64xf32, #tpu.memory_space<vmem_shared>> -> memref<80x64xf32, #tpu.memory_space<vmem_shared>>
      tpu.wait_dma2 semaphore(%run_scoped3A_469 : memref<!tpu.dma_semaphore, #tpu.memory_space<semaphore_mem>>) src(%arg13 : memref<80x64xf32, #tpu.memory_space<vmem>>) dst(%dma_wait3A_477 : memref<80x64xf32, #tpu.memory_space<vmem_shared>>)
      tpu.yield
    }) : () -> ()
    %add3A_63 = arith.constant 160 : i32
    %add3A_64 = arith.addi %mul3A_2, %add3A_63 : i32
    "tpu.region"() ({
      %run_scoped3A_469 = tpu.sem_alloc : memref<!tpu.dma_semaphore, #tpu.memory_space<semaphore_mem>>
      %dma_start3A_470 = arith.constant 0 : i32
      %dma_start3A_471 = tpu.memref_slice %arg14[%add3A_64, %dma_start3A_470] : memref<10240x64xf32, #tpu.memory_space<vmem_shared>> -> memref<80x64xf32, #tpu.memory_space<vmem_shared>>
      %dma_start3A_472 = arith.constant 0 : i32
      %dma_start3A_473 = tpu.memref_slice %arg14[%add3A_64, %dma_start3A_472] : memref<10240x64xf32, #tpu.memory_space<vmem_shared>> -> memref<80x64xf32, #tpu.memory_space<vmem_shared>>
      tpu.enqueue_dma source(%arg13 : memref<80x64xf32, #tpu.memory_space<vmem>>) target(%dma_start3A_473 : memref<80x64xf32, #tpu.memory_space<vmem_shared>>) target_semaphore(%run_scoped3A_469 : memref<!tpu.dma_semaphore, #tpu.memory_space<semaphore_mem>>)
      %dma_wait3A_474 = arith.constant 0 : i32
      %dma_wait3A_475 = tpu.memref_slice %arg14[%add3A_64, %dma_wait3A_474] : memref<10240x64xf32, #tpu.memory_space<vmem_shared>> -> memref<80x64xf32, #tpu.memory_space<vmem_shared>>
      %dma_wait3A_476 = arith.constant 0 : i32
      %dma_wait3A_477 = tpu.memref_slice %arg14[%add3A_64, %dma_wait3A_476] : memref<10240x64xf32, #tpu.memory_space<vmem_shared>> -> memref<80x64xf32, #tpu.memory_space<vmem_shared>>
      tpu.wait_dma2 semaphore(%run_scoped3A_469 : memref<!tpu.dma_semaphore, #tpu.memory_space<semaphore_mem>>) src(%arg13 : memref<80x64xf32, #tpu.memory_space<vmem>>) dst(%dma_wait3A_477 : memref<80x64xf32, #tpu.memory_space<vmem_shared>>)
      tpu.yield
    }) : () -> ()
    %add3A_65 = arith.constant 240 : i32
    %add3A_66 = arith.addi %mul3A_2, %add3A_65 : i32
    "tpu.region"() ({
      %run_scoped3A_469 = tpu.sem_alloc : memref<!tpu.dma_semaphore, #tpu.memory_space<semaphore_mem>>
      %dma_start3A_470 = arith.constant 0 : i32
      %dma_start3A_471 = tpu.memref_slice %arg14[%add3A_66, %dma_start3A_470] : memref<10240x64xf32, #tpu.memory_space<vmem_shared>> -> memref<80x64xf32, #tpu.memory_space<vmem_shared>>
      %dma_start3A_472 = arith.constant 0 : i32
      %dma_start3A_473 = tpu.memref_slice %arg14[%add3A_66, %dma_start3A_472] : memref<10240x64xf32, #tpu.memory_space<vmem_shared>> -> memref<80x64xf32, #tpu.memory_space<vmem_shared>>
      tpu.enqueue_dma source(%arg13 : memref<80x64xf32, #tpu.memory_space<vmem>>) target(%dma_start3A_473 : memref<80x64xf32, #tpu.memory_space<vmem_shared>>) target_semaphore(%run_scoped3A_469 : memref<!tpu.dma_semaphore, #tpu.memory_space<semaphore_mem>>)
      %dma_wait3A_474 = arith.constant 0 : i32
      %dma_wait3A_475 = tpu.memref_slice %arg14[%add3A_66, %dma_wait3A_474] : memref<10240x64xf32, #tpu.memory_space<vmem_shared>> -> memref<80x64xf32, #tpu.memory_space<vmem_shared>>
      %dma_wait3A_476 = arith.constant 0 : i32
      %dma_wait3A_477 = tpu.memref_slice %arg14[%add3A_66, %dma_wait3A_476] : memref<10240x64xf32, #tpu.memory_space<vmem_shared>> -> memref<80x64xf32, #tpu.memory_space<vmem_shared>>
      tpu.wait_dma2 semaphore(%run_scoped3A_469 : memref<!tpu.dma_semaphore, #tpu.memory_space<semaphore_mem>>) src(%arg13 : memref<80x64xf32, #tpu.memory_space<vmem>>) dst(%dma_wait3A_477 : memref<80x64xf32, #tpu.memory_space<vmem_shared>>)
      tpu.yield
    }) : () -> ()
    %add3A_67 = arith.constant 320 : i32
    %add3A_68 = arith.addi %mul3A_2, %add3A_67 : i32
    "tpu.region"() ({
      %run_scoped3A_469 = tpu.sem_alloc : memref<!tpu.dma_semaphore, #tpu.memory_space<semaphore_mem>>
      %dma_start3A_470 = arith.constant 0 : i32
      %dma_start3A_471 = tpu.memref_slice %arg14[%add3A_68, %dma_start3A_470] : memref<10240x64xf32, #tpu.memory_space<vmem_shared>> -> memref<80x64xf32, #tpu.memory_space<vmem_shared>>
      %dma_start3A_472 = arith.constant 0 : i32
      %dma_start3A_473 = tpu.memref_slice %arg14[%add3A_68, %dma_start3A_472] : memref<10240x64xf32, #tpu.memory_space<vmem_shared>> -> memref<80x64xf32, #tpu.memory_space<vmem_shared>>
      tpu.enqueue_dma source(%arg13 : memref<80x64xf32, #tpu.memory_space<vmem>>) target(%dma_start3A_473 : memref<80x64xf32, #tpu.memory_space<vmem_shared>>) target_semaphore(%run_scoped3A_469 : memref<!tpu.dma_semaphore, #tpu.memory_space<semaphore_mem>>)
      %dma_wait3A_474 = arith.constant 0 : i32
      %dma_wait3A_475 = tpu.memref_slice %arg14[%add3A_68, %dma_wait3A_474] : memref<10240x64xf32, #tpu.memory_space<vmem_shared>> -> memref<80x64xf32, #tpu.memory_space<vmem_shared>>
      %dma_wait3A_476 = arith.constant 0 : i32
      %dma_wait3A_477 = tpu.memref_slice %arg14[%add3A_68, %dma_wait3A_476] : memref<10240x64xf32, #tpu.memory_space<vmem_shared>> -> memref<80x64xf32, #tpu.memory_space<vmem_shared>>
      tpu.wait_dma2 semaphore(%run_scoped3A_469 : memref<!tpu.dma_semaphore, #tpu.memory_space<semaphore_mem>>) src(%arg13 : memref<80x64xf32, #tpu.memory_space<vmem>>) dst(%dma_wait3A_477 : memref<80x64xf32, #tpu.memory_space<vmem_shared>>)
      tpu.yield
    }) : () -> ()
    %add3A_69 = arith.constant 400 : i32
    %add3A_70 = arith.addi %mul3A_2, %add3A_69 : i32
    "tpu.region"() ({
      %run_scoped3A_469 = tpu.sem_alloc : memref<!tpu.dma_semaphore, #tpu.memory_space<semaphore_mem>>
      %dma_start3A_470 = arith.constant 0 : i32
      %dma_start3A_471 = tpu.memref_slice %arg14[%add3A_70, %dma_start3A_470] : memref<10240x64xf32, #tpu.memory_space<vmem_shared>> -> memref<80x64xf32, #tpu.memory_space<vmem_shared>>
      %dma_start3A_472 = arith.constant 0 : i32
      %dma_start3A_473 = tpu.memref_slice %arg14[%add3A_70, %dma_start3A_472] : memref<10240x64xf32, #tpu.memory_space<vmem_shared>> -> memref<80x64xf32, #tpu.memory_space<vmem_shared>>
      tpu.enqueue_dma source(%arg13 : memref<80x64xf32, #tpu.memory_space<vmem>>) target(%dma_start3A_473 : memref<80x64xf32, #tpu.memory_space<vmem_shared>>) target_semaphore(%run_scoped3A_469 : memref<!tpu.dma_semaphore, #tpu.memory_space<semaphore_mem>>)
      %dma_wait3A_474 = arith.constant 0 : i32
      %dma_wait3A_475 = tpu.memref_slice %arg14[%add3A_70, %dma_wait3A_474] : memref<10240x64xf32, #tpu.memory_space<vmem_shared>> -> memref<80x64xf32, #tpu.memory_space<vmem_shared>>
      %dma_wait3A_476 = arith.constant 0 : i32
      %dma_wait3A_477 = tpu.memref_slice %arg14[%add3A_70, %dma_wait3A_476] : memref<10240x64xf32, #tpu.memory_space<vmem_shared>> -> memref<80x64xf32, #tpu.memory_space<vmem_shared>>
      tpu.wait_dma2 semaphore(%run_scoped3A_469 : memref<!tpu.dma_semaphore, #tpu.memory_space<semaphore_mem>>) src(%arg13 : memref<80x64xf32, #tpu.memory_space<vmem>>) dst(%dma_wait3A_477 : memref<80x64xf32, #tpu.memory_space<vmem_shared>>)
      tpu.yield
    }) : () -> ()
    %add3A_71 = arith.constant 480 : i32
    %add3A_72 = arith.addi %mul3A_2, %add3A_71 : i32
    "tpu.region"() ({
      %run_scoped3A_469 = tpu.sem_alloc : memref<!tpu.dma_semaphore, #tpu.memory_space<semaphore_mem>>
      %dma_start3A_470 = arith.constant 0 : i32
      %dma_start3A_471 = tpu.memref_slice %arg14[%add3A_72, %dma_start3A_470] : memref<10240x64xf32, #tpu.memory_space<vmem_shared>> -> memref<80x64xf32, #tpu.memory_space<vmem_shared>>
      %dma_start3A_472 = arith.constant 0 : i32
      %dma_start3A_473 = tpu.memref_slice %arg14[%add3A_72, %dma_start3A_472] : memref<10240x64xf32, #tpu.memory_space<vmem_shared>> -> memref<80x64xf32, #tpu.memory_space<vmem_shared>>
      tpu.enqueue_dma source(%arg13 : memref<80x64xf32, #tpu.memory_space<vmem>>) target(%dma_start3A_473 : memref<80x64xf32, #tpu.memory_space<vmem_shared>>) target_semaphore(%run_scoped3A_469 : memref<!tpu.dma_semaphore, #tpu.memory_space<semaphore_mem>>)
      %dma_wait3A_474 = arith.constant 0 : i32
      %dma_wait3A_475 = tpu.memref_slice %arg14[%add3A_72, %dma_wait3A_474] : memref<10240x64xf32, #tpu.memory_space<vmem_shared>> -> memref<80x64xf32, #tpu.memory_space<vmem_shared>>
      %dma_wait3A_476 = arith.constant 0 : i32
      %dma_wait3A_477 = tpu.memref_slice %arg14[%add3A_72, %dma_wait3A_476] : memref<10240x64xf32, #tpu.memory_space<vmem_shared>> -> memref<80x64xf32, #tpu.memory_space<vmem_shared>>
      tpu.wait_dma2 semaphore(%run_scoped3A_469 : memref<!tpu.dma_semaphore, #tpu.memory_space<semaphore_mem>>) src(%arg13 : memref<80x64xf32, #tpu.memory_space<vmem>>) dst(%dma_wait3A_477 : memref<80x64xf32, #tpu.memory_space<vmem_shared>>)
      tpu.yield
    }) : () -> ()
    %add3A_73 = arith.constant 560 : i32
    %add3A_74 = arith.addi %mul3A_2, %add3A_73 : i32
    "tpu.region"() ({
      %run_scoped3A_469 = tpu.sem_alloc : memref<!tpu.dma_semaphore, #tpu.memory_space<semaphore_mem>>
      %dma_start3A_470 = arith.constant 0 : i32
      %dma_start3A_471 = tpu.memref_slice %arg14[%add3A_74, %dma_start3A_470] : memref<10240x64xf32, #tpu.memory_space<vmem_shared>> -> memref<80x64xf32, #tpu.memory_space<vmem_shared>>
      %dma_start3A_472 = arith.constant 0 : i32
      %dma_start3A_473 = tpu.memref_slice %arg14[%add3A_74, %dma_start3A_472] : memref<10240x64xf32, #tpu.memory_space<vmem_shared>> -> memref<80x64xf32, #tpu.memory_space<vmem_shared>>
      tpu.enqueue_dma source(%arg13 : memref<80x64xf32, #tpu.memory_space<vmem>>) target(%dma_start3A_473 : memref<80x64xf32, #tpu.memory_space<vmem_shared>>) target_semaphore(%run_scoped3A_469 : memref<!tpu.dma_semaphore, #tpu.memory_space<semaphore_mem>>)
      %dma_wait3A_474 = arith.constant 0 : i32
      %dma_wait3A_475 = tpu.memref_slice %arg14[%add3A_74, %dma_wait3A_474] : memref<10240x64xf32, #tpu.memory_space<vmem_shared>> -> memref<80x64xf32, #tpu.memory_space<vmem_shared>>
      %dma_wait3A_476 = arith.constant 0 : i32
      %dma_wait3A_477 = tpu.memref_slice %arg14[%add3A_74, %dma_wait3A_476] : memref<10240x64xf32, #tpu.memory_space<vmem_shared>> -> memref<80x64xf32, #tpu.memory_space<vmem_shared>>
      tpu.wait_dma2 semaphore(%run_scoped3A_469 : memref<!tpu.dma_semaphore, #tpu.memory_space<semaphore_mem>>) src(%arg13 : memref<80x64xf32, #tpu.memory_space<vmem>>) dst(%dma_wait3A_477 : memref<80x64xf32, #tpu.memory_space<vmem_shared>>)
      tpu.yield
    }) : () -> ()
    %barrier3A = arith.constant 0 : index
    tpu.barrier barrier_id(%barrier3A)
    %run_scoped3A = arith.constant 0 : i32
    "tpu.region"() ({
      %run_scoped3A_469 = tpu.sem_alloc : memref<!tpu.dma_semaphore, #tpu.memory_space<semaphore_mem>>
      %dma_start3A_470 = arith.constant 0 : i32
      %dma_start3A_471 = arith.constant 0 : i32
      %dma_start3A_472 = tpu.memref_slice %arg3[%run_scoped3A, %add3A, %dma_start3A_470, %dma_start3A_471] : memref<2x32x125x80xi32, #tpu.memory_space<hbm>> -> memref<1x1x125x80xi32, #tpu.memory_space<hbm>>
      %dma_start3A_473 = tpu.memref_squeeze %dma_start3A_472 : memref<1x1x125x80xi32, #tpu.memory_space<hbm>> -> memref<125x80xi32, #tpu.memory_space<hbm>>
      %dma_start3A_474 = arith.constant 0 : i32
      %dma_start3A_475 = arith.constant 0 : i32
      %dma_start3A_476 = tpu.memref_slice %arg3[%run_scoped3A, %add3A, %dma_start3A_474, %dma_start3A_475] : memref<2x32x125x80xi32, #tpu.memory_space<hbm>> -> memref<1x1x125x80xi32, #tpu.memory_space<hbm>>
      %dma_start3A_477 = tpu.memref_squeeze %dma_start3A_476 : memref<1x1x125x80xi32, #tpu.memory_space<hbm>> -> memref<125x80xi32, #tpu.memory_space<hbm>>
      tpu.enqueue_dma source(%dma_start3A_477 : memref<125x80xi32, #tpu.memory_space<hbm>>) target(%arg6 : memref<125x80xi32, #tpu.memory_space<vmem>>) target_semaphore(%run_scoped3A_469 : memref<!tpu.dma_semaphore, #tpu.memory_space<semaphore_mem>>)
      %dma_wait3A_478 = arith.constant 0 : i32
      %dma_wait3A_479 = arith.constant 0 : i32
      %dma_wait3A_480 = tpu.memref_slice %arg3[%run_scoped3A, %add3A, %dma_wait3A_478, %dma_wait3A_479] : memref<2x32x125x80xi32, #tpu.memory_space<hbm>> -> memref<1x1x125x80xi32, #tpu.memory_space<hbm>>
      %dma_wait3A_481 = tpu.memref_squeeze %dma_wait3A_480 : memref<1x1x125x80xi32, #tpu.memory_space<hbm>> -> memref<125x80xi32, #tpu.memory_space<hbm>>
      %dma_wait3A_482 = arith.constant 0 : i32
      %dma_wait3A_483 = arith.constant 0 : i32
      %dma_wait3A_484 = tpu.memref_slice %arg3[%run_scoped3A, %add3A, %dma_wait3A_482, %dma_wait3A_483] : memref<2x32x125x80xi32, #tpu.memory_space<hbm>> -> memref<1x1x125x80xi32, #tpu.memory_space<hbm>>
      %dma_wait3A_485 = tpu.memref_squeeze %dma_wait3A_484 : memref<1x1x125x80xi32, #tpu.memory_space<hbm>> -> memref<125x80xi32, #tpu.memory_space<hbm>>
      tpu.wait_dma2 semaphore(%run_scoped3A_469 : memref<!tpu.dma_semaphore, #tpu.memory_space<semaphore_mem>>) src(%dma_wait3A_485 : memref<125x80xi32, #tpu.memory_space<hbm>>) dst(%arg6 : memref<125x80xi32, #tpu.memory_space<vmem>>)
      tpu.yield
    }) : () -> ()
    %run_scoped3A_75 = arith.constant 1 : i32
    "tpu.region"() ({
      %run_scoped3A_469 = tpu.sem_alloc : memref<!tpu.dma_semaphore, #tpu.memory_space<semaphore_mem>>
      %dma_start3A_470 = arith.constant 0 : i32
      %dma_start3A_471 = arith.constant 0 : i32
      %dma_start3A_472 = tpu.memref_slice %arg3[%run_scoped3A_75, %add3A, %dma_start3A_470, %dma_start3A_471] : memref<2x32x125x80xi32, #tpu.memory_space<hbm>> -> memref<1x1x125x80xi32, #tpu.memory_space<hbm>>
      %dma_start3A_473 = tpu.memref_squeeze %dma_start3A_472 : memref<1x1x125x80xi32, #tpu.memory_space<hbm>> -> memref<125x80xi32, #tpu.memory_space<hbm>>
      %dma_start3A_474 = arith.constant 0 : i32
      %dma_start3A_475 = arith.constant 0 : i32
      %dma_start3A_476 = tpu.memref_slice %arg3[%run_scoped3A_75, %add3A, %dma_start3A_474, %dma_start3A_475] : memref<2x32x125x80xi32, #tpu.memory_space<hbm>> -> memref<1x1x125x80xi32, #tpu.memory_space<hbm>>
      %dma_start3A_477 = tpu.memref_squeeze %dma_start3A_476 : memref<1x1x125x80xi32, #tpu.memory_space<hbm>> -> memref<125x80xi32, #tpu.memory_space<hbm>>
      tpu.enqueue_dma source(%dma_start3A_477 : memref<125x80xi32, #tpu.memory_space<hbm>>) target(%arg7 : memref<125x80xi32, #tpu.memory_space<vmem>>) target_semaphore(%run_scoped3A_469 : memref<!tpu.dma_semaphore, #tpu.memory_space<semaphore_mem>>)
      %dma_wait3A_478 = arith.constant 0 : i32
      %dma_wait3A_479 = arith.constant 0 : i32
      %dma_wait3A_480 = tpu.memref_slice %arg3[%run_scoped3A_75, %add3A, %dma_wait3A_478, %dma_wait3A_479] : memref<2x32x125x80xi32, #tpu.memory_space<hbm>> -> memref<1x1x125x80xi32, #tpu.memory_space<hbm>>
      %dma_wait3A_481 = tpu.memref_squeeze %dma_wait3A_480 : memref<1x1x125x80xi32, #tpu.memory_space<hbm>> -> memref<125x80xi32, #tpu.memory_space<hbm>>
      %dma_wait3A_482 = arith.constant 0 : i32
      %dma_wait3A_483 = arith.constant 0 : i32
      %dma_wait3A_484 = tpu.memref_slice %arg3[%run_scoped3A_75, %add3A, %dma_wait3A_482, %dma_wait3A_483] : memref<2x32x125x80xi32, #tpu.memory_space<hbm>> -> memref<1x1x125x80xi32, #tpu.memory_space<hbm>>
      %dma_wait3A_485 = tpu.memref_squeeze %dma_wait3A_484 : memref<1x1x125x80xi32, #tpu.memory_space<hbm>> -> memref<125x80xi32, #tpu.memory_space<hbm>>
      tpu.wait_dma2 semaphore(%run_scoped3A_469 : memref<!tpu.dma_semaphore, #tpu.memory_space<semaphore_mem>>) src(%dma_wait3A_485 : memref<125x80xi32, #tpu.memory_space<hbm>>) dst(%arg7 : memref<125x80xi32, #tpu.memory_space<vmem>>)
      tpu.yield
    }) : () -> ()
    %dma_start3A = arith.constant 0 : i32
    %dma_start3A_76 = arith.constant 0 : i32
    %dma_start3A_77 = tpu.memref_slice %arg6[%dma_start3A, %dma_start3A_76] : memref<125x80xi32, #tpu.memory_space<vmem>> -> memref<1x80xi32, #tpu.memory_space<vmem>>
    %dma_start3A_78 = tpu.memref_squeeze %dma_start3A_77 : memref<1x80xi32, #tpu.memory_space<vmem>> -> memref<80xi32, #tpu.memory_space<vmem>>
    %dma_start3A_79 = arith.constant 0 : i32
    %dma_start3A_80 = arith.constant 0 : i32
    %dma_start3A_81 = tpu.memref_slice %arg2[%dma_start3A_79, %dma_start3A_80] : memref<10000x64xf32, #tpu.memory_space<hbm>> -> memref<10000x64xf32, #tpu.memory_space<hbm>>
    tpu.enqueue_indirect_dma source(%dma_start3A_81 : memref<10000x64xf32, #tpu.memory_space<hbm>>) target(%arg8 : memref<80x64xf32, #tpu.memory_space<vmem>>) offsets(%dma_start3A_78 : memref<80xi32, #tpu.memory_space<vmem>>) semaphore(%arg15 : memref<!tpu.dma_semaphore, #tpu.memory_space<semaphore_mem>>)
    %dma_start3A_82 = arith.constant 1 : i32
    %dma_start3A_83 = arith.constant 0 : i32
    %dma_start3A_84 = tpu.memref_slice %arg6[%dma_start3A_82, %dma_start3A_83] : memref<125x80xi32, #tpu.memory_space<vmem>> -> memref<1x80xi32, #tpu.memory_space<vmem>>
    %dma_start3A_85 = tpu.memref_squeeze %dma_start3A_84 : memref<1x80xi32, #tpu.memory_space<vmem>> -> memref<80xi32, #tpu.memory_space<vmem>>
    %dma_start3A_86 = arith.constant 0 : i32
    %dma_start3A_87 = arith.constant 0 : i32
    %dma_start3A_88 = tpu.memref_slice %arg2[%dma_start3A_86, %dma_start3A_87] : memref<10000x64xf32, #tpu.memory_space<hbm>> -> memref<10000x64xf32, #tpu.memory_space<hbm>>
    tpu.enqueue_indirect_dma source(%dma_start3A_88 : memref<10000x64xf32, #tpu.memory_space<hbm>>) target(%arg9 : memref<80x64xf32, #tpu.memory_space<vmem>>) offsets(%dma_start3A_85 : memref<80xi32, #tpu.memory_space<vmem>>) semaphore(%arg16 : memref<!tpu.dma_semaphore, #tpu.memory_space<semaphore_mem>>)
    %dma_start3A_89 = arith.constant 2 : i32
    %dma_start3A_90 = arith.constant 0 : i32
    %dma_start3A_91 = tpu.memref_slice %arg6[%dma_start3A_89, %dma_start3A_90] : memref<125x80xi32, #tpu.memory_space<vmem>> -> memref<1x80xi32, #tpu.memory_space<vmem>>
    %dma_start3A_92 = tpu.memref_squeeze %dma_start3A_91 : memref<1x80xi32, #tpu.memory_space<vmem>> -> memref<80xi32, #tpu.memory_space<vmem>>
    %dma_start3A_93 = arith.constant 0 : i32
    %dma_start3A_94 = arith.constant 0 : i32
    %dma_start3A_95 = tpu.memref_slice %arg2[%dma_start3A_93, %dma_start3A_94] : memref<10000x64xf32, #tpu.memory_space<hbm>> -> memref<10000x64xf32, #tpu.memory_space<hbm>>
    tpu.enqueue_indirect_dma source(%dma_start3A_95 : memref<10000x64xf32, #tpu.memory_space<hbm>>) target(%arg10 : memref<80x64xf32, #tpu.memory_space<vmem>>) offsets(%dma_start3A_92 : memref<80xi32, #tpu.memory_space<vmem>>) semaphore(%arg17 : memref<!tpu.dma_semaphore, #tpu.memory_space<semaphore_mem>>)
    %dma_start3A_96 = arith.constant 3 : i32
    %dma_start3A_97 = arith.constant 0 : i32
    %dma_start3A_98 = tpu.memref_slice %arg6[%dma_start3A_96, %dma_start3A_97] : memref<125x80xi32, #tpu.memory_space<vmem>> -> memref<1x80xi32, #tpu.memory_space<vmem>>
    %dma_start3A_99 = tpu.memref_squeeze %dma_start3A_98 : memref<1x80xi32, #tpu.memory_space<vmem>> -> memref<80xi32, #tpu.memory_space<vmem>>
    %dma_start3A_100 = arith.constant 0 : i32
    %dma_start3A_101 = arith.constant 0 : i32
    %dma_start3A_102 = tpu.memref_slice %arg2[%dma_start3A_100, %dma_start3A_101] : memref<10000x64xf32, #tpu.memory_space<hbm>> -> memref<10000x64xf32, #tpu.memory_space<hbm>>
    tpu.enqueue_indirect_dma source(%dma_start3A_102 : memref<10000x64xf32, #tpu.memory_space<hbm>>) target(%arg11 : memref<80x64xf32, #tpu.memory_space<vmem>>) offsets(%dma_start3A_99 : memref<80xi32, #tpu.memory_space<vmem>>) semaphore(%arg18 : memref<!tpu.dma_semaphore, #tpu.memory_space<semaphore_mem>>)
    %dma_wait3A = arith.constant 0 : i32
    %dma_wait3A_103 = arith.constant 0 : i32
    %dma_wait3A_104 = tpu.memref_slice %arg6[%dma_wait3A, %dma_wait3A_103] : memref<125x80xi32, #tpu.memory_space<vmem>> -> memref<1x80xi32, #tpu.memory_space<vmem>>
    %dma_wait3A_105 = tpu.memref_squeeze %dma_wait3A_104 : memref<1x80xi32, #tpu.memory_space<vmem>> -> memref<80xi32, #tpu.memory_space<vmem>>
    %dma_wait3A_106 = arith.constant 0 : i32
    %dma_wait3A_107 = arith.constant 0 : i32
    %dma_wait3A_108 = tpu.memref_slice %arg2[%dma_wait3A_106, %dma_wait3A_107] : memref<10000x64xf32, #tpu.memory_space<hbm>> -> memref<10000x64xf32, #tpu.memory_space<hbm>>
    tpu.wait_indirect_dma semaphore(%arg15 : memref<!tpu.dma_semaphore, #tpu.memory_space<semaphore_mem>>) src(%dma_wait3A_108 : memref<10000x64xf32, #tpu.memory_space<hbm>>) dst(%arg8 : memref<80x64xf32, #tpu.memory_space<vmem>>)
    %dma_start3A_109 = arith.constant 0 : i32
    %dma_start3A_110 = arith.constant 0 : i32
    %dma_start3A_111 = tpu.memref_slice %arg7[%dma_start3A_109, %dma_start3A_110] : memref<125x80xi32, #tpu.memory_space<vmem>> -> memref<1x80xi32, #tpu.memory_space<vmem>>
    %dma_start3A_112 = tpu.memref_squeeze %dma_start3A_111 : memref<1x80xi32, #tpu.memory_space<vmem>> -> memref<80xi32, #tpu.memory_space<vmem>>
    %dma_start3A_113 = arith.constant 0 : i32
    %dma_start3A_114 = arith.constant 0 : i32
    %dma_start3A_115 = tpu.memref_slice %arg14[%dma_start3A_113, %dma_start3A_114] : memref<10240x64xf32, #tpu.memory_space<vmem_shared>> -> memref<10240x64xf32, #tpu.memory_space<vmem_shared>>
    tpu.enqueue_indirect_dma source(%arg8 : memref<80x64xf32, #tpu.memory_space<vmem>>) target(%dma_start3A_115 : memref<10240x64xf32, #tpu.memory_space<vmem_shared>>) offsets(%dma_start3A_112 : memref<80xi32, #tpu.memory_space<vmem>>) semaphore(%arg20 : memref<!tpu.dma_semaphore, #tpu.memory_space<semaphore_mem>>) {add = true}
    %scan3A_116 = arith.constant 0 : i32
    %scan3A_117 = arith.constant 0 : i32
    %scan3A_118 = arith.constant 5 : i32
    %scan3A_119 = arith.addi %scan3A_117, %scan3A_118 : i32
    %scan3A_120 = arith.constant 1 : i32
    %scan3A_121 = scf.for %scan3A_469 = %scan3A_117 to %scan3A_119 step %scan3A_120 iter_args(%scan3A_470 = %scan3A_116) -> (i32)  : i32 {
      %mul3A_471 = arith.constant 16 : i32
      %mul3A_472 = arith.muli %mul3A_471, %scan3A_469 : i32
      %get3A = arith.constant 0 : i32
      %get3A_473 = arith.index_cast %get3A : i32 to index
      %get3A_474 = arith.index_cast %mul3A_472 : i32 to index
      %get3A_475 = tpu.vector_load %arg7[%get3A_473, %get3A_474] {strides = array<i32>} : memref<125x80xi32, #tpu.memory_space<vmem>>, vector<16xi32>,
      %broadcast_in_dim3A_476 = arith.constant true
      %broadcast_in_dim3A_477 = vector.broadcast %broadcast_in_dim3A_476 : i1 to vector<16xi1>
      %unique3A, %unique3A_478 = tpu.scan_count mask(%broadcast_in_dim3A_477 : vector<16xi1>) value(%get3A_475 : vector<16xi32>) : vector<16xi1>, vector<16xi32>
      %shift_right_logical3A = arith.constant 7 : i32
      %shift_right_logical3A_479 = vector.broadcast %shift_right_logical3A : i32 to vector<16xi32>
      %shift_right_logical3A_480 = arith.shrui %get3A_475, %shift_right_logical3A_479 : vector<16xi32>
      %and3A = arith.constant 127 : i32
      %and3A_481 = vector.broadcast %and3A : i32 to vector<16xi32>
      %and3A_482 = arith.andi %get3A_475, %and3A_481 : vector<16xi32>
      %convert_element_type3A_483 = arith.sitofp %unique3A_478 : vector<16xi32> to vector<16xf32>
      tpu.vector_store_idx %arg25[%shift_right_logical3A_480, %and3A_482], %convert_element_type3A_483 masked %unique3A {add = true} : memref<80x128xf32, #tpu.memory_space<vmem>>[vector<16xi32>, vector<16xi32>], vector<16xf32>, vector<16xi1>
      %scan3A_484 = arith.constant 0 : i32
      scf.yield %scan3A_484 : i32
    }
    %scan3A_122 = arith.constant 5 : i32
    %dma_start3A_123 = arith.constant 4 : i32
    %dma_start3A_124 = arith.constant 0 : i32
    %dma_start3A_125 = tpu.memref_slice %arg6[%dma_start3A_123, %dma_start3A_124] : memref<125x80xi32, #tpu.memory_space<vmem>> -> memref<1x80xi32, #tpu.memory_space<vmem>>
    %dma_start3A_126 = tpu.memref_squeeze %dma_start3A_125 : memref<1x80xi32, #tpu.memory_space<vmem>> -> memref<80xi32, #tpu.memory_space<vmem>>
    %dma_start3A_127 = arith.constant 0 : i32
    %dma_start3A_128 = arith.constant 0 : i32
    %dma_start3A_129 = tpu.memref_slice %arg2[%dma_start3A_127, %dma_start3A_128] : memref<10000x64xf32, #tpu.memory_space<hbm>> -> memref<10000x64xf32, #tpu.memory_space<hbm>>
    tpu.enqueue_indirect_dma source(%dma_start3A_129 : memref<10000x64xf32, #tpu.memory_space<hbm>>) target(%arg12 : memref<80x64xf32, #tpu.memory_space<vmem>>) offsets(%dma_start3A_126 : memref<80xi32, #tpu.memory_space<vmem>>) semaphore(%arg19 : memref<!tpu.dma_semaphore, #tpu.memory_space<semaphore_mem>>)
    %dma_wait3A_130 = arith.constant 1 : i32
    %dma_wait3A_131 = arith.constant 0 : i32
    %dma_wait3A_132 = tpu.memref_slice %arg6[%dma_wait3A_130, %dma_wait3A_131] : memref<125x80xi32, #tpu.memory_space<vmem>> -> memref<1x80xi32, #tpu.memory_space<vmem>>
    %dma_wait3A_133 = tpu.memref_squeeze %dma_wait3A_132 : memref<1x80xi32, #tpu.memory_space<vmem>> -> memref<80xi32, #tpu.memory_space<vmem>>
    %dma_wait3A_134 = arith.constant 0 : i32
    %dma_wait3A_135 = arith.constant 0 : i32
    %dma_wait3A_136 = tpu.memref_slice %arg2[%dma_wait3A_134, %dma_wait3A_135] : memref<10000x64xf32, #tpu.memory_space<hbm>> -> memref<10000x64xf32, #tpu.memory_space<hbm>>
    tpu.wait_indirect_dma semaphore(%arg16 : memref<!tpu.dma_semaphore, #tpu.memory_space<semaphore_mem>>) src(%dma_wait3A_136 : memref<10000x64xf32, #tpu.memory_space<hbm>>) dst(%arg9 : memref<80x64xf32, #tpu.memory_space<vmem>>)
    %dma_start3A_137 = arith.constant 1 : i32
    %dma_start3A_138 = arith.constant 0 : i32
    %dma_start3A_139 = tpu.memref_slice %arg7[%dma_start3A_137, %dma_start3A_138] : memref<125x80xi32, #tpu.memory_space<vmem>> -> memref<1x80xi32, #tpu.memory_space<vmem>>
    %dma_start3A_140 = tpu.memref_squeeze %dma_start3A_139 : memref<1x80xi32, #tpu.memory_space<vmem>> -> memref<80xi32, #tpu.memory_space<vmem>>
    %dma_start3A_141 = arith.constant 0 : i32
    %dma_start3A_142 = arith.constant 0 : i32
    %dma_start3A_143 = tpu.memref_slice %arg14[%dma_start3A_141, %dma_start3A_142] : memref<10240x64xf32, #tpu.memory_space<vmem_shared>> -> memref<10240x64xf32, #tpu.memory_space<vmem_shared>>
    tpu.enqueue_indirect_dma source(%arg9 : memref<80x64xf32, #tpu.memory_space<vmem>>) target(%dma_start3A_143 : memref<10240x64xf32, #tpu.memory_space<vmem_shared>>) offsets(%dma_start3A_140 : memref<80xi32, #tpu.memory_space<vmem>>) semaphore(%arg21 : memref<!tpu.dma_semaphore, #tpu.memory_space<semaphore_mem>>) {add = true}
    %scan3A_144 = arith.constant 0 : i32
    %scan3A_145 = arith.constant 0 : i32
    %scan3A_146 = arith.constant 5 : i32
    %scan3A_147 = arith.addi %scan3A_145, %scan3A_146 : i32
    %scan3A_148 = arith.constant 1 : i32
    %scan3A_149 = scf.for %scan3A_469 = %scan3A_145 to %scan3A_147 step %scan3A_148 iter_args(%scan3A_470 = %scan3A_144) -> (i32)  : i32 {
      %mul3A_471 = arith.constant 16 : i32
      %mul3A_472 = arith.muli %mul3A_471, %scan3A_469 : i32
      %get3A = arith.constant 1 : i32
      %get3A_473 = arith.index_cast %get3A : i32 to index
      %get3A_474 = arith.index_cast %mul3A_472 : i32 to index
      %get3A_475 = tpu.vector_load %arg7[%get3A_473, %get3A_474] {strides = array<i32>} : memref<125x80xi32, #tpu.memory_space<vmem>>, vector<16xi32>,
      %broadcast_in_dim3A_476 = arith.constant true
      %broadcast_in_dim3A_477 = vector.broadcast %broadcast_in_dim3A_476 : i1 to vector<16xi1>
      %unique3A, %unique3A_478 = tpu.scan_count mask(%broadcast_in_dim3A_477 : vector<16xi1>) value(%get3A_475 : vector<16xi32>) : vector<16xi1>, vector<16xi32>
      %shift_right_logical3A = arith.constant 7 : i32
      %shift_right_logical3A_479 = vector.broadcast %shift_right_logical3A : i32 to vector<16xi32>
      %shift_right_logical3A_480 = arith.shrui %get3A_475, %shift_right_logical3A_479 : vector<16xi32>
      %and3A = arith.constant 127 : i32
      %and3A_481 = vector.broadcast %and3A : i32 to vector<16xi32>
      %and3A_482 = arith.andi %get3A_475, %and3A_481 : vector<16xi32>
      %convert_element_type3A_483 = arith.sitofp %unique3A_478 : vector<16xi32> to vector<16xf32>
      tpu.vector_store_idx %arg25[%shift_right_logical3A_480, %and3A_482], %convert_element_type3A_483 masked %unique3A {add = true} : memref<80x128xf32, #tpu.memory_space<vmem>>[vector<16xi32>, vector<16xi32>], vector<16xf32>, vector<16xi1>
      %scan3A_484 = arith.constant 0 : i32
      scf.yield %scan3A_484 : i32
    }
    %scan3A_150 = arith.constant 5 : i32
    %dma_wait3A_151 = arith.constant 0 : i32
    %dma_wait3A_152 = arith.constant 0 : i32
    %dma_wait3A_153 = tpu.memref_slice %arg7[%dma_wait3A_151, %dma_wait3A_152] : memref<125x80xi32, #tpu.memory_space<vmem>> -> memref<1x80xi32, #tpu.memory_space<vmem>>
    %dma_wait3A_154 = tpu.memref_squeeze %dma_wait3A_153 : memref<1x80xi32, #tpu.memory_space<vmem>> -> memref<80xi32, #tpu.memory_space<vmem>>
    %dma_wait3A_155 = arith.constant 0 : i32
    %dma_wait3A_156 = arith.constant 0 : i32
    %dma_wait3A_157 = tpu.memref_slice %arg14[%dma_wait3A_155, %dma_wait3A_156] : memref<10240x64xf32, #tpu.memory_space<vmem_shared>> -> memref<10240x64xf32, #tpu.memory_space<vmem_shared>>
    tpu.wait_indirect_dma semaphore(%arg20 : memref<!tpu.dma_semaphore, #tpu.memory_space<semaphore_mem>>) src(%arg8 : memref<80x64xf32, #tpu.memory_space<vmem>>) dst(%dma_wait3A_157 : memref<10240x64xf32, #tpu.memory_space<vmem_shared>>)
    %dma_start3A_158 = arith.constant 5 : i32
    %dma_start3A_159 = arith.constant 0 : i32
    %dma_start3A_160 = tpu.memref_slice %arg6[%dma_start3A_158, %dma_start3A_159] : memref<125x80xi32, #tpu.memory_space<vmem>> -> memref<1x80xi32, #tpu.memory_space<vmem>>
    %dma_start3A_161 = tpu.memref_squeeze %dma_start3A_160 : memref<1x80xi32, #tpu.memory_space<vmem>> -> memref<80xi32, #tpu.memory_space<vmem>>
    %dma_start3A_162 = arith.constant 0 : i32
    %dma_start3A_163 = arith.constant 0 : i32
    %dma_start3A_164 = tpu.memref_slice %arg2[%dma_start3A_162, %dma_start3A_163] : memref<10000x64xf32, #tpu.memory_space<hbm>> -> memref<10000x64xf32, #tpu.memory_space<hbm>>
    tpu.enqueue_indirect_dma source(%dma_start3A_164 : memref<10000x64xf32, #tpu.memory_space<hbm>>) target(%arg8 : memref<80x64xf32, #tpu.memory_space<vmem>>) offsets(%dma_start3A_161 : memref<80xi32, #tpu.memory_space<vmem>>) semaphore(%arg15 : memref<!tpu.dma_semaphore, #tpu.memory_space<semaphore_mem>>)
    %dma_wait3A_165 = arith.constant 2 : i32
    %dma_wait3A_166 = arith.constant 0 : i32
    %dma_wait3A_167 = tpu.memref_slice %arg6[%dma_wait3A_165, %dma_wait3A_166] : memref<125x80xi32, #tpu.memory_space<vmem>> -> memref<1x80xi32, #tpu.memory_space<vmem>>
    %dma_wait3A_168 = tpu.memref_squeeze %dma_wait3A_167 : memref<1x80xi32, #tpu.memory_space<vmem>> -> memref<80xi32, #tpu.memory_space<vmem>>
    %dma_wait3A_169 = arith.constant 0 : i32
    %dma_wait3A_170 = arith.constant 0 : i32
    %dma_wait3A_171 = tpu.memref_slice %arg2[%dma_wait3A_169, %dma_wait3A_170] : memref<10000x64xf32, #tpu.memory_space<hbm>> -> memref<10000x64xf32, #tpu.memory_space<hbm>>
    tpu.wait_indirect_dma semaphore(%arg17 : memref<!tpu.dma_semaphore, #tpu.memory_space<semaphore_mem>>) src(%dma_wait3A_171 : memref<10000x64xf32, #tpu.memory_space<hbm>>) dst(%arg10 : memref<80x64xf32, #tpu.memory_space<vmem>>)
    %dma_start3A_172 = arith.constant 2 : i32
    %dma_start3A_173 = arith.constant 0 : i32
    %dma_start3A_174 = tpu.memref_slice %arg7[%dma_start3A_172, %dma_start3A_173] : memref<125x80xi32, #tpu.memory_space<vmem>> -> memref<1x80xi32, #tpu.memory_space<vmem>>
    %dma_start3A_175 = tpu.memref_squeeze %dma_start3A_174 : memref<1x80xi32, #tpu.memory_space<vmem>> -> memref<80xi32, #tpu.memory_space<vmem>>
    %dma_start3A_176 = arith.constant 0 : i32
    %dma_start3A_177 = arith.constant 0 : i32
    %dma_start3A_178 = tpu.memref_slice %arg14[%dma_start3A_176, %dma_start3A_177] : memref<10240x64xf32, #tpu.memory_space<vmem_shared>> -> memref<10240x64xf32, #tpu.memory_space<vmem_shared>>
    tpu.enqueue_indirect_dma source(%arg10 : memref<80x64xf32, #tpu.memory_space<vmem>>) target(%dma_start3A_178 : memref<10240x64xf32, #tpu.memory_space<vmem_shared>>) offsets(%dma_start3A_175 : memref<80xi32, #tpu.memory_space<vmem>>) semaphore(%arg22 : memref<!tpu.dma_semaphore, #tpu.memory_space<semaphore_mem>>) {add = true}
    %scan3A_179 = arith.constant 0 : i32
    %scan3A_180 = arith.constant 0 : i32
    %scan3A_181 = arith.constant 5 : i32
    %scan3A_182 = arith.addi %scan3A_180, %scan3A_181 : i32
    %scan3A_183 = arith.constant 1 : i32
    %scan3A_184 = scf.for %scan3A_469 = %scan3A_180 to %scan3A_182 step %scan3A_183 iter_args(%scan3A_470 = %scan3A_179) -> (i32)  : i32 {
      %mul3A_471 = arith.constant 16 : i32
      %mul3A_472 = arith.muli %mul3A_471, %scan3A_469 : i32
      %get3A = arith.constant 2 : i32
      %get3A_473 = arith.index_cast %get3A : i32 to index
      %get3A_474 = arith.index_cast %mul3A_472 : i32 to index
      %get3A_475 = tpu.vector_load %arg7[%get3A_473, %get3A_474] {strides = array<i32>} : memref<125x80xi32, #tpu.memory_space<vmem>>, vector<16xi32>,
      %broadcast_in_dim3A_476 = arith.constant true
      %broadcast_in_dim3A_477 = vector.broadcast %broadcast_in_dim3A_476 : i1 to vector<16xi1>
      %unique3A, %unique3A_478 = tpu.scan_count mask(%broadcast_in_dim3A_477 : vector<16xi1>) value(%get3A_475 : vector<16xi32>) : vector<16xi1>, vector<16xi32>
      %shift_right_logical3A = arith.constant 7 : i32
      %shift_right_logical3A_479 = vector.broadcast %shift_right_logical3A : i32 to vector<16xi32>
      %shift_right_logical3A_480 = arith.shrui %get3A_475, %shift_right_logical3A_479 : vector<16xi32>
      %and3A = arith.constant 127 : i32
      %and3A_481 = vector.broadcast %and3A : i32 to vector<16xi32>
      %and3A_482 = arith.andi %get3A_475, %and3A_481 : vector<16xi32>
      %convert_element_type3A_483 = arith.sitofp %unique3A_478 : vector<16xi32> to vector<16xf32>
      tpu.vector_store_idx %arg25[%shift_right_logical3A_480, %and3A_482], %convert_element_type3A_483 masked %unique3A {add = true} : memref<80x128xf32, #tpu.memory_space<vmem>>[vector<16xi32>, vector<16xi32>], vector<16xf32>, vector<16xi1>
      %scan3A_484 = arith.constant 0 : i32
      scf.yield %scan3A_484 : i32
    }
    %scan3A_185 = arith.constant 5 : i32
    %dma_wait3A_186 = arith.constant 0 : i32
    %dma_wait3A_187 = arith.constant 0 : i32
    %dma_wait3A_188 = tpu.memref_slice %arg7[%dma_wait3A_186, %dma_wait3A_187] : memref<125x80xi32, #tpu.memory_space<vmem>> -> memref<1x80xi32, #tpu.memory_space<vmem>>
    %dma_wait3A_189 = tpu.memref_squeeze %dma_wait3A_188 : memref<1x80xi32, #tpu.memory_space<vmem>> -> memref<80xi32, #tpu.memory_space<vmem>>
    %dma_wait3A_190 = arith.constant 0 : i32
    %dma_wait3A_191 = arith.constant 0 : i32
    %dma_wait3A_192 = tpu.memref_slice %arg14[%dma_wait3A_190, %dma_wait3A_191] : memref<10240x64xf32, #tpu.memory_space<vmem_shared>> -> memref<10240x64xf32, #tpu.memory_space<vmem_shared>>
    tpu.wait_indirect_dma semaphore(%arg21 : memref<!tpu.dma_semaphore, #tpu.memory_space<semaphore_mem>>) src(%arg9 : memref<80x64xf32, #tpu.memory_space<vmem>>) dst(%dma_wait3A_192 : memref<10240x64xf32, #tpu.memory_space<vmem_shared>>)
    %dma_start3A_193 = arith.constant 6 : i32
    %dma_start3A_194 = arith.constant 0 : i32
    %dma_start3A_195 = tpu.memref_slice %arg6[%dma_start3A_193, %dma_start3A_194] : memref<125x80xi32, #tpu.memory_space<vmem>> -> memref<1x80xi32, #tpu.memory_space<vmem>>
    %dma_start3A_196 = tpu.memref_squeeze %dma_start3A_195 : memref<1x80xi32, #tpu.memory_space<vmem>> -> memref<80xi32, #tpu.memory_space<vmem>>
    %dma_start3A_197 = arith.constant 0 : i32
    %dma_start3A_198 = arith.constant 0 : i32
    %dma_start3A_199 = tpu.memref_slice %arg2[%dma_start3A_197, %dma_start3A_198] : memref<10000x64xf32, #tpu.memory_space<hbm>> -> memref<10000x64xf32, #tpu.memory_space<hbm>>
    tpu.enqueue_indirect_dma source(%dma_start3A_199 : memref<10000x64xf32, #tpu.memory_space<hbm>>) target(%arg9 : memref<80x64xf32, #tpu.memory_space<vmem>>) offsets(%dma_start3A_196 : memref<80xi32, #tpu.memory_space<vmem>>) semaphore(%arg16 : memref<!tpu.dma_semaphore, #tpu.memory_space<semaphore_mem>>)
    %dma_wait3A_200 = arith.constant 3 : i32
    %dma_wait3A_201 = arith.constant 0 : i32
    %dma_wait3A_202 = tpu.memref_slice %arg6[%dma_wait3A_200, %dma_wait3A_201] : memref<125x80xi32, #tpu.memory_space<vmem>> -> memref<1x80xi32, #tpu.memory_space<vmem>>
    %dma_wait3A_203 = tpu.memref_squeeze %dma_wait3A_202 : memref<1x80xi32, #tpu.memory_space<vmem>> -> memref<80xi32, #tpu.memory_space<vmem>>
    %dma_wait3A_204 = arith.constant 0 : i32
    %dma_wait3A_205 = arith.constant 0 : i32
    %dma_wait3A_206 = tpu.memref_slice %arg2[%dma_wait3A_204, %dma_wait3A_205] : memref<10000x64xf32, #tpu.memory_space<hbm>> -> memref<10000x64xf32, #tpu.memory_space<hbm>>
    tpu.wait_indirect_dma semaphore(%arg18 : memref<!tpu.dma_semaphore, #tpu.memory_space<semaphore_mem>>) src(%dma_wait3A_206 : memref<10000x64xf32, #tpu.memory_space<hbm>>) dst(%arg11 : memref<80x64xf32, #tpu.memory_space<vmem>>)
    %dma_start3A_207 = arith.constant 3 : i32
    %dma_start3A_208 = arith.constant 0 : i32
    %dma_start3A_209 = tpu.memref_slice %arg7[%dma_start3A_207, %dma_start3A_208] : memref<125x80xi32, #tpu.memory_space<vmem>> -> memref<1x80xi32, #tpu.memory_space<vmem>>
    %dma_start3A_210 = tpu.memref_squeeze %dma_start3A_209 : memref<1x80xi32, #tpu.memory_space<vmem>> -> memref<80xi32, #tpu.memory_space<vmem>>
    %dma_start3A_211 = arith.constant 0 : i32
    %dma_start3A_212 = arith.constant 0 : i32
    %dma_start3A_213 = tpu.memref_slice %arg14[%dma_start3A_211, %dma_start3A_212] : memref<10240x64xf32, #tpu.memory_space<vmem_shared>> -> memref<10240x64xf32, #tpu.memory_space<vmem_shared>>
    tpu.enqueue_indirect_dma source(%arg11 : memref<80x64xf32, #tpu.memory_space<vmem>>) target(%dma_start3A_213 : memref<10240x64xf32, #tpu.memory_space<vmem_shared>>) offsets(%dma_start3A_210 : memref<80xi32, #tpu.memory_space<vmem>>) semaphore(%arg23 : memref<!tpu.dma_semaphore, #tpu.memory_space<semaphore_mem>>) {add = true}
    %scan3A_214 = arith.constant 0 : i32
    %scan3A_215 = arith.constant 0 : i32
    %scan3A_216 = arith.constant 5 : i32
    %scan3A_217 = arith.addi %scan3A_215, %scan3A_216 : i32
    %scan3A_218 = arith.constant 1 : i32
    %scan3A_219 = scf.for %scan3A_469 = %scan3A_215 to %scan3A_217 step %scan3A_218 iter_args(%scan3A_470 = %scan3A_214) -> (i32)  : i32 {
      %mul3A_471 = arith.constant 16 : i32
      %mul3A_472 = arith.muli %mul3A_471, %scan3A_469 : i32
      %get3A = arith.constant 3 : i32
      %get3A_473 = arith.index_cast %get3A : i32 to index
      %get3A_474 = arith.index_cast %mul3A_472 : i32 to index
      %get3A_475 = tpu.vector_load %arg7[%get3A_473, %get3A_474] {strides = array<i32>} : memref<125x80xi32, #tpu.memory_space<vmem>>, vector<16xi32>,
      %broadcast_in_dim3A_476 = arith.constant true
      %broadcast_in_dim3A_477 = vector.broadcast %broadcast_in_dim3A_476 : i1 to vector<16xi1>
      %unique3A, %unique3A_478 = tpu.scan_count mask(%broadcast_in_dim3A_477 : vector<16xi1>) value(%get3A_475 : vector<16xi32>) : vector<16xi1>, vector<16xi32>
      %shift_right_logical3A = arith.constant 7 : i32
      %shift_right_logical3A_479 = vector.broadcast %shift_right_logical3A : i32 to vector<16xi32>
      %shift_right_logical3A_480 = arith.shrui %get3A_475, %shift_right_logical3A_479 : vector<16xi32>
      %and3A = arith.constant 127 : i32
      %and3A_481 = vector.broadcast %and3A : i32 to vector<16xi32>
      %and3A_482 = arith.andi %get3A_475, %and3A_481 : vector<16xi32>
      %convert_element_type3A_483 = arith.sitofp %unique3A_478 : vector<16xi32> to vector<16xf32>
      tpu.vector_store_idx %arg25[%shift_right_logical3A_480, %and3A_482], %convert_element_type3A_483 masked %unique3A {add = true} : memref<80x128xf32, #tpu.memory_space<vmem>>[vector<16xi32>, vector<16xi32>], vector<16xf32>, vector<16xi1>
      %scan3A_484 = arith.constant 0 : i32
      scf.yield %scan3A_484 : i32
    }
    %scan3A_220 = arith.constant 5 : i32
    %dma_wait3A_221 = arith.constant 0 : i32
    %dma_wait3A_222 = arith.constant 0 : i32
    %dma_wait3A_223 = tpu.memref_slice %arg7[%dma_wait3A_221, %dma_wait3A_222] : memref<125x80xi32, #tpu.memory_space<vmem>> -> memref<1x80xi32, #tpu.memory_space<vmem>>
    %dma_wait3A_224 = tpu.memref_squeeze %dma_wait3A_223 : memref<1x80xi32, #tpu.memory_space<vmem>> -> memref<80xi32, #tpu.memory_space<vmem>>
    %dma_wait3A_225 = arith.constant 0 : i32
    %dma_wait3A_226 = arith.constant 0 : i32
    %dma_wait3A_227 = tpu.memref_slice %arg14[%dma_wait3A_225, %dma_wait3A_226] : memref<10240x64xf32, #tpu.memory_space<vmem_shared>> -> memref<10240x64xf32, #tpu.memory_space<vmem_shared>>
    tpu.wait_indirect_dma semaphore(%arg22 : memref<!tpu.dma_semaphore, #tpu.memory_space<semaphore_mem>>) src(%arg10 : memref<80x64xf32, #tpu.memory_space<vmem>>) dst(%dma_wait3A_227 : memref<10240x64xf32, #tpu.memory_space<vmem_shared>>)
    %dma_start3A_228 = arith.constant 7 : i32
    %dma_start3A_229 = arith.constant 0 : i32
    %dma_start3A_230 = tpu.memref_slice %arg6[%dma_start3A_228, %dma_start3A_229] : memref<125x80xi32, #tpu.memory_space<vmem>> -> memref<1x80xi32, #tpu.memory_space<vmem>>
    %dma_start3A_231 = tpu.memref_squeeze %dma_start3A_230 : memref<1x80xi32, #tpu.memory_space<vmem>> -> memref<80xi32, #tpu.memory_space<vmem>>
    %dma_start3A_232 = arith.constant 0 : i32
    %dma_start3A_233 = arith.constant 0 : i32
    %dma_start3A_234 = tpu.memref_slice %arg2[%dma_start3A_232, %dma_start3A_233] : memref<10000x64xf32, #tpu.memory_space<hbm>> -> memref<10000x64xf32, #tpu.memory_space<hbm>>
    tpu.enqueue_indirect_dma source(%dma_start3A_234 : memref<10000x64xf32, #tpu.memory_space<hbm>>) target(%arg10 : memref<80x64xf32, #tpu.memory_space<vmem>>) offsets(%dma_start3A_231 : memref<80xi32, #tpu.memory_space<vmem>>) semaphore(%arg17 : memref<!tpu.dma_semaphore, #tpu.memory_space<semaphore_mem>>)
    %dma_wait3A_235 = arith.constant 4 : i32
    %dma_wait3A_236 = arith.constant 0 : i32
    %dma_wait3A_237 = tpu.memref_slice %arg6[%dma_wait3A_235, %dma_wait3A_236] : memref<125x80xi32, #tpu.memory_space<vmem>> -> memref<1x80xi32, #tpu.memory_space<vmem>>
    %dma_wait3A_238 = tpu.memref_squeeze %dma_wait3A_237 : memref<1x80xi32, #tpu.memory_space<vmem>> -> memref<80xi32, #tpu.memory_space<vmem>>
    %dma_wait3A_239 = arith.constant 0 : i32
    %dma_wait3A_240 = arith.constant 0 : i32
    %dma_wait3A_241 = tpu.memref_slice %arg2[%dma_wait3A_239, %dma_wait3A_240] : memref<10000x64xf32, #tpu.memory_space<hbm>> -> memref<10000x64xf32, #tpu.memory_space<hbm>>
    tpu.wait_indirect_dma semaphore(%arg19 : memref<!tpu.dma_semaphore, #tpu.memory_space<semaphore_mem>>) src(%dma_wait3A_241 : memref<10000x64xf32, #tpu.memory_space<hbm>>) dst(%arg12 : memref<80x64xf32, #tpu.memory_space<vmem>>)
    %dma_start3A_242 = arith.constant 4 : i32
    %dma_start3A_243 = arith.constant 0 : i32
    %dma_start3A_244 = tpu.memref_slice %arg7[%dma_start3A_242, %dma_start3A_243] : memref<125x80xi32, #tpu.memory_space<vmem>> -> memref<1x80xi32, #tpu.memory_space<vmem>>
    %dma_start3A_245 = tpu.memref_squeeze %dma_start3A_244 : memref<1x80xi32, #tpu.memory_space<vmem>> -> memref<80xi32, #tpu.memory_space<vmem>>
    %dma_start3A_246 = arith.constant 0 : i32
    %dma_start3A_247 = arith.constant 0 : i32
    %dma_start3A_248 = tpu.memref_slice %arg14[%dma_start3A_246, %dma_start3A_247] : memref<10240x64xf32, #tpu.memory_space<vmem_shared>> -> memref<10240x64xf32, #tpu.memory_space<vmem_shared>>
    tpu.enqueue_indirect_dma source(%arg12 : memref<80x64xf32, #tpu.memory_space<vmem>>) target(%dma_start3A_248 : memref<10240x64xf32, #tpu.memory_space<vmem_shared>>) offsets(%dma_start3A_245 : memref<80xi32, #tpu.memory_space<vmem>>) semaphore(%arg24 : memref<!tpu.dma_semaphore, #tpu.memory_space<semaphore_mem>>) {add = true}
    %scan3A_249 = arith.constant 0 : i32
    %scan3A_250 = arith.constant 0 : i32
    %scan3A_251 = arith.constant 5 : i32
    %scan3A_252 = arith.addi %scan3A_250, %scan3A_251 : i32
    %scan3A_253 = arith.constant 1 : i32
    %scan3A_254 = scf.for %scan3A_469 = %scan3A_250 to %scan3A_252 step %scan3A_253 iter_args(%scan3A_470 = %scan3A_249) -> (i32)  : i32 {
      %mul3A_471 = arith.constant 16 : i32
      %mul3A_472 = arith.muli %mul3A_471, %scan3A_469 : i32
      %get3A = arith.constant 4 : i32
      %get3A_473 = arith.index_cast %get3A : i32 to index
      %get3A_474 = arith.index_cast %mul3A_472 : i32 to index
      %get3A_475 = tpu.vector_load %arg7[%get3A_473, %get3A_474] {strides = array<i32>} : memref<125x80xi32, #tpu.memory_space<vmem>>, vector<16xi32>,
      %broadcast_in_dim3A_476 = arith.constant true
      %broadcast_in_dim3A_477 = vector.broadcast %broadcast_in_dim3A_476 : i1 to vector<16xi1>
      %unique3A, %unique3A_478 = tpu.scan_count mask(%broadcast_in_dim3A_477 : vector<16xi1>) value(%get3A_475 : vector<16xi32>) : vector<16xi1>, vector<16xi32>
      %shift_right_logical3A = arith.constant 7 : i32
      %shift_right_logical3A_479 = vector.broadcast %shift_right_logical3A : i32 to vector<16xi32>
      %shift_right_logical3A_480 = arith.shrui %get3A_475, %shift_right_logical3A_479 : vector<16xi32>
      %and3A = arith.constant 127 : i32
      %and3A_481 = vector.broadcast %and3A : i32 to vector<16xi32>
      %and3A_482 = arith.andi %get3A_475, %and3A_481 : vector<16xi32>
      %convert_element_type3A_483 = arith.sitofp %unique3A_478 : vector<16xi32> to vector<16xf32>
      tpu.vector_store_idx %arg25[%shift_right_logical3A_480, %and3A_482], %convert_element_type3A_483 masked %unique3A {add = true} : memref<80x128xf32, #tpu.memory_space<vmem>>[vector<16xi32>, vector<16xi32>], vector<16xf32>, vector<16xi1>
      %scan3A_484 = arith.constant 0 : i32
      scf.yield %scan3A_484 : i32
    }
    %scan3A_255 = arith.constant 5 : i32
    %scan3A_256 = arith.constant 0 : i32
    %scan3A_257 = arith.constant 1 : i32
    %scan3A_258 = arith.constant 23 : i32
    %scan3A_259 = arith.addi %scan3A_257, %scan3A_258 : i32
    %scan3A_260 = arith.constant 1 : i32
    %scan3A_261 = scf.for %scan3A_469 = %scan3A_257 to %scan3A_259 step %scan3A_260 iter_args(%scan3A_470 = %scan3A_256) -> (i32)  : i32 {
      %mul3A_471 = arith.constant 5 : i32
      %mul3A_472 = arith.muli %mul3A_471, %scan3A_469 : i32
      %add3A_473 = arith.constant 0 : i32
      %add3A_474 = arith.addi %mul3A_472, %add3A_473 : i32
      %dma_wait3A_475 = arith.constant 0 : i32
      %dma_wait3A_476 = arith.constant 0 : i32
      %dma_wait3A_477 = tpu.memref_slice %arg7[%dma_wait3A_475, %dma_wait3A_476] : memref<125x80xi32, #tpu.memory_space<vmem>> -> memref<1x80xi32, #tpu.memory_space<vmem>>
      %dma_wait3A_478 = tpu.memref_squeeze %dma_wait3A_477 : memref<1x80xi32, #tpu.memory_space<vmem>> -> memref<80xi32, #tpu.memory_space<vmem>>
      %dma_wait3A_479 = arith.constant 0 : i32
      %dma_wait3A_480 = arith.constant 0 : i32
      %dma_wait3A_481 = tpu.memref_slice %arg14[%dma_wait3A_479, %dma_wait3A_480] : memref<10240x64xf32, #tpu.memory_space<vmem_shared>> -> memref<10240x64xf32, #tpu.memory_space<vmem_shared>>
      tpu.wait_indirect_dma semaphore(%arg23 : memref<!tpu.dma_semaphore, #tpu.memory_space<semaphore_mem>>) src(%arg11 : memref<80x64xf32, #tpu.memory_space<vmem>>) dst(%dma_wait3A_481 : memref<10240x64xf32, #tpu.memory_space<vmem_shared>>)
      %add3A_482 = arith.constant 3 : i32
      %add3A_483 = arith.addi %add3A_474, %add3A_482 : i32
      %dma_start3A_484 = arith.constant 0 : i32
      %dma_start3A_485 = tpu.memref_slice %arg6[%add3A_483, %dma_start3A_484] : memref<125x80xi32, #tpu.memory_space<vmem>> -> memref<1x80xi32, #tpu.memory_space<vmem>>
      %dma_start3A_486 = tpu.memref_squeeze %dma_start3A_485 : memref<1x80xi32, #tpu.memory_space<vmem>> -> memref<80xi32, #tpu.memory_space<vmem>>
      %dma_start3A_487 = arith.constant 0 : i32
      %dma_start3A_488 = arith.constant 0 : i32
      %dma_start3A_489 = tpu.memref_slice %arg2[%dma_start3A_487, %dma_start3A_488] : memref<10000x64xf32, #tpu.memory_space<hbm>> -> memref<10000x64xf32, #tpu.memory_space<hbm>>
      tpu.enqueue_indirect_dma source(%dma_start3A_489 : memref<10000x64xf32, #tpu.memory_space<hbm>>) target(%arg11 : memref<80x64xf32, #tpu.memory_space<vmem>>) offsets(%dma_start3A_486 : memref<80xi32, #tpu.memory_space<vmem>>) semaphore(%arg18 : memref<!tpu.dma_semaphore, #tpu.memory_space<semaphore_mem>>)
      %dma_wait3A_490 = arith.constant 0 : i32
      %dma_wait3A_491 = tpu.memref_slice %arg6[%add3A_474, %dma_wait3A_490] : memref<125x80xi32, #tpu.memory_space<vmem>> -> memref<1x80xi32, #tpu.memory_space<vmem>>
      %dma_wait3A_492 = tpu.memref_squeeze %dma_wait3A_491 : memref<1x80xi32, #tpu.memory_space<vmem>> -> memref<80xi32, #tpu.memory_space<vmem>>
      %dma_wait3A_493 = arith.constant 0 : i32
      %dma_wait3A_494 = arith.constant 0 : i32
      %dma_wait3A_495 = tpu.memref_slice %arg2[%dma_wait3A_493, %dma_wait3A_494] : memref<10000x64xf32, #tpu.memory_space<hbm>> -> memref<10000x64xf32, #tpu.memory_space<hbm>>
      tpu.wait_indirect_dma semaphore(%arg15 : memref<!tpu.dma_semaphore, #tpu.memory_space<semaphore_mem>>) src(%dma_wait3A_495 : memref<10000x64xf32, #tpu.memory_space<hbm>>) dst(%arg8 : memref<80x64xf32, #tpu.memory_space<vmem>>)
      %dma_start3A_496 = arith.constant 0 : i32
      %dma_start3A_497 = tpu.memref_slice %arg7[%add3A_474, %dma_start3A_496] : memref<125x80xi32, #tpu.memory_space<vmem>> -> memref<1x80xi32, #tpu.memory_space<vmem>>
      %dma_start3A_498 = tpu.memref_squeeze %dma_start3A_497 : memref<1x80xi32, #tpu.memory_space<vmem>> -> memref<80xi32, #tpu.memory_space<vmem>>
      %dma_start3A_499 = arith.constant 0 : i32
      %dma_start3A_500 = arith.constant 0 : i32
      %dma_start3A_501 = tpu.memref_slice %arg14[%dma_start3A_499, %dma_start3A_500] : memref<10240x64xf32, #tpu.memory_space<vmem_shared>> -> memref<10240x64xf32, #tpu.memory_space<vmem_shared>>
      tpu.enqueue_indirect_dma source(%arg8 : memref<80x64xf32, #tpu.memory_space<vmem>>) target(%dma_start3A_501 : memref<10240x64xf32, #tpu.memory_space<vmem_shared>>) offsets(%dma_start3A_498 : memref<80xi32, #tpu.memory_space<vmem>>) semaphore(%arg20 : memref<!tpu.dma_semaphore, #tpu.memory_space<semaphore_mem>>) {add = true}
      %scan3A_502 = arith.constant 0 : i32
      %scan3A_503 = arith.constant 0 : i32
      %scan3A_504 = arith.constant 5 : i32
      %scan3A_505 = arith.addi %scan3A_503, %scan3A_504 : i32
      %scan3A_506 = arith.constant 1 : i32
      %scan3A_507 = scf.for %scan3A_662 = %scan3A_503 to %scan3A_505 step %scan3A_506 iter_args(%scan3A_663 = %scan3A_502) -> (i32)  : i32 {
        %mul3A_664 = arith.constant 16 : i32
        %mul3A_665 = arith.muli %mul3A_664, %scan3A_662 : i32
        %get3A = arith.index_cast %add3A_474 : i32 to index
        %get3A_666 = arith.index_cast %mul3A_665 : i32 to index
        %get3A_667 = tpu.vector_load %arg7[%get3A, %get3A_666] {strides = array<i32>} : memref<125x80xi32, #tpu.memory_space<vmem>>, vector<16xi32>,
        %broadcast_in_dim3A_668 = arith.constant true
        %broadcast_in_dim3A_669 = vector.broadcast %broadcast_in_dim3A_668 : i1 to vector<16xi1>
        %unique3A, %unique3A_670 = tpu.scan_count mask(%broadcast_in_dim3A_669 : vector<16xi1>) value(%get3A_667 : vector<16xi32>) : vector<16xi1>, vector<16xi32>
        %shift_right_logical3A = arith.constant 7 : i32
        %shift_right_logical3A_671 = vector.broadcast %shift_right_logical3A : i32 to vector<16xi32>
        %shift_right_logical3A_672 = arith.shrui %get3A_667, %shift_right_logical3A_671 : vector<16xi32>
        %and3A = arith.constant 127 : i32
        %and3A_673 = vector.broadcast %and3A : i32 to vector<16xi32>
        %and3A_674 = arith.andi %get3A_667, %and3A_673 : vector<16xi32>
        %convert_element_type3A_675 = arith.sitofp %unique3A_670 : vector<16xi32> to vector<16xf32>
        tpu.vector_store_idx %arg25[%shift_right_logical3A_672, %and3A_674], %convert_element_type3A_675 masked %unique3A {add = true} : memref<80x128xf32, #tpu.memory_space<vmem>>[vector<16xi32>, vector<16xi32>], vector<16xf32>, vector<16xi1>
        %scan3A_676 = arith.constant 0 : i32
        scf.yield %scan3A_676 : i32
      }
      %scan3A_508 = arith.constant 5 : i32
      %mul3A_509 = arith.constant 5 : i32
      %mul3A_510 = arith.muli %mul3A_509, %scan3A_469 : i32
      %add3A_511 = arith.constant 1 : i32
      %add3A_512 = arith.addi %mul3A_510, %add3A_511 : i32
      %dma_wait3A_513 = arith.constant 0 : i32
      %dma_wait3A_514 = arith.constant 0 : i32
      %dma_wait3A_515 = tpu.memref_slice %arg7[%dma_wait3A_513, %dma_wait3A_514] : memref<125x80xi32, #tpu.memory_space<vmem>> -> memref<1x80xi32, #tpu.memory_space<vmem>>
      %dma_wait3A_516 = tpu.memref_squeeze %dma_wait3A_515 : memref<1x80xi32, #tpu.memory_space<vmem>> -> memref<80xi32, #tpu.memory_space<vmem>>
      %dma_wait3A_517 = arith.constant 0 : i32
      %dma_wait3A_518 = arith.constant 0 : i32
      %dma_wait3A_519 = tpu.memref_slice %arg14[%dma_wait3A_517, %dma_wait3A_518] : memref<10240x64xf32, #tpu.memory_space<vmem_shared>> -> memref<10240x64xf32, #tpu.memory_space<vmem_shared>>
      tpu.wait_indirect_dma semaphore(%arg24 : memref<!tpu.dma_semaphore, #tpu.memory_space<semaphore_mem>>) src(%arg12 : memref<80x64xf32, #tpu.memory_space<vmem>>) dst(%dma_wait3A_519 : memref<10240x64xf32, #tpu.memory_space<vmem_shared>>)
      %add3A_520 = arith.constant 3 : i32
      %add3A_521 = arith.addi %add3A_512, %add3A_520 : i32
      %dma_start3A_522 = arith.constant 0 : i32
      %dma_start3A_523 = tpu.memref_slice %arg6[%add3A_521, %dma_start3A_522] : memref<125x80xi32, #tpu.memory_space<vmem>> -> memref<1x80xi32, #tpu.memory_space<vmem>>
      %dma_start3A_524 = tpu.memref_squeeze %dma_start3A_523 : memref<1x80xi32, #tpu.memory_space<vmem>> -> memref<80xi32, #tpu.memory_space<vmem>>
      %dma_start3A_525 = arith.constant 0 : i32
      %dma_start3A_526 = arith.constant 0 : i32
      %dma_start3A_527 = tpu.memref_slice %arg2[%dma_start3A_525, %dma_start3A_526] : memref<10000x64xf32, #tpu.memory_space<hbm>> -> memref<10000x64xf32, #tpu.memory_space<hbm>>
      tpu.enqueue_indirect_dma source(%dma_start3A_527 : memref<10000x64xf32, #tpu.memory_space<hbm>>) target(%arg12 : memref<80x64xf32, #tpu.memory_space<vmem>>) offsets(%dma_start3A_524 : memref<80xi32, #tpu.memory_space<vmem>>) semaphore(%arg19 : memref<!tpu.dma_semaphore, #tpu.memory_space<semaphore_mem>>)
      %dma_wait3A_528 = arith.constant 0 : i32
      %dma_wait3A_529 = tpu.memref_slice %arg6[%add3A_512, %dma_wait3A_528] : memref<125x80xi32, #tpu.memory_space<vmem>> -> memref<1x80xi32, #tpu.memory_space<vmem>>
      %dma_wait3A_530 = tpu.memref_squeeze %dma_wait3A_529 : memref<1x80xi32, #tpu.memory_space<vmem>> -> memref<80xi32, #tpu.memory_space<vmem>>
      %dma_wait3A_531 = arith.constant 0 : i32
      %dma_wait3A_532 = arith.constant 0 : i32
      %dma_wait3A_533 = tpu.memref_slice %arg2[%dma_wait3A_531, %dma_wait3A_532] : memref<10000x64xf32, #tpu.memory_space<hbm>> -> memref<10000x64xf32, #tpu.memory_space<hbm>>
      tpu.wait_indirect_dma semaphore(%arg16 : memref<!tpu.dma_semaphore, #tpu.memory_space<semaphore_mem>>) src(%dma_wait3A_533 : memref<10000x64xf32, #tpu.memory_space<hbm>>) dst(%arg9 : memref<80x64xf32, #tpu.memory_space<vmem>>)
      %dma_start3A_534 = arith.constant 0 : i32
      %dma_start3A_535 = tpu.memref_slice %arg7[%add3A_512, %dma_start3A_534] : memref<125x80xi32, #tpu.memory_space<vmem>> -> memref<1x80xi32, #tpu.memory_space<vmem>>
      %dma_start3A_536 = tpu.memref_squeeze %dma_start3A_535 : memref<1x80xi32, #tpu.memory_space<vmem>> -> memref<80xi32, #tpu.memory_space<vmem>>
      %dma_start3A_537 = arith.constant 0 : i32
      %dma_start3A_538 = arith.constant 0 : i32
      %dma_start3A_539 = tpu.memref_slice %arg14[%dma_start3A_537, %dma_start3A_538] : memref<10240x64xf32, #tpu.memory_space<vmem_shared>> -> memref<10240x64xf32, #tpu.memory_space<vmem_shared>>
      tpu.enqueue_indirect_dma source(%arg9 : memref<80x64xf32, #tpu.memory_space<vmem>>) target(%dma_start3A_539 : memref<10240x64xf32, #tpu.memory_space<vmem_shared>>) offsets(%dma_start3A_536 : memref<80xi32, #tpu.memory_space<vmem>>) semaphore(%arg21 : memref<!tpu.dma_semaphore, #tpu.memory_space<semaphore_mem>>) {add = true}
      %scan3A_540 = arith.constant 0 : i32
      %scan3A_541 = arith.constant 0 : i32
      %scan3A_542 = arith.constant 5 : i32
      %scan3A_543 = arith.addi %scan3A_541, %scan3A_542 : i32
      %scan3A_544 = arith.constant 1 : i32
      %scan3A_545 = scf.for %scan3A_662 = %scan3A_541 to %scan3A_543 step %scan3A_544 iter_args(%scan3A_663 = %scan3A_540) -> (i32)  : i32 {
        %mul3A_664 = arith.constant 16 : i32
        %mul3A_665 = arith.muli %mul3A_664, %scan3A_662 : i32
        %get3A = arith.index_cast %add3A_512 : i32 to index
        %get3A_666 = arith.index_cast %mul3A_665 : i32 to index
        %get3A_667 = tpu.vector_load %arg7[%get3A, %get3A_666] {strides = array<i32>} : memref<125x80xi32, #tpu.memory_space<vmem>>, vector<16xi32>,
        %broadcast_in_dim3A_668 = arith.constant true
        %broadcast_in_dim3A_669 = vector.broadcast %broadcast_in_dim3A_668 : i1 to vector<16xi1>
        %unique3A, %unique3A_670 = tpu.scan_count mask(%broadcast_in_dim3A_669 : vector<16xi1>) value(%get3A_667 : vector<16xi32>) : vector<16xi1>, vector<16xi32>
        %shift_right_logical3A = arith.constant 7 : i32
        %shift_right_logical3A_671 = vector.broadcast %shift_right_logical3A : i32 to vector<16xi32>
        %shift_right_logical3A_672 = arith.shrui %get3A_667, %shift_right_logical3A_671 : vector<16xi32>
        %and3A = arith.constant 127 : i32
        %and3A_673 = vector.broadcast %and3A : i32 to vector<16xi32>
        %and3A_674 = arith.andi %get3A_667, %and3A_673 : vector<16xi32>
        %convert_element_type3A_675 = arith.sitofp %unique3A_670 : vector<16xi32> to vector<16xf32>
        tpu.vector_store_idx %arg25[%shift_right_logical3A_672, %and3A_674], %convert_element_type3A_675 masked %unique3A {add = true} : memref<80x128xf32, #tpu.memory_space<vmem>>[vector<16xi32>, vector<16xi32>], vector<16xf32>, vector<16xi1>
        %scan3A_676 = arith.constant 0 : i32
        scf.yield %scan3A_676 : i32
      }
      %scan3A_546 = arith.constant 5 : i32
      %mul3A_547 = arith.constant 5 : i32
      %mul3A_548 = arith.muli %mul3A_547, %scan3A_469 : i32
      %add3A_549 = arith.constant 2 : i32
      %add3A_550 = arith.addi %mul3A_548, %add3A_549 : i32
      %dma_wait3A_551 = arith.constant 0 : i32
      %dma_wait3A_552 = arith.constant 0 : i32
      %dma_wait3A_553 = tpu.memref_slice %arg7[%dma_wait3A_551, %dma_wait3A_552] : memref<125x80xi32, #tpu.memory_space<vmem>> -> memref<1x80xi32, #tpu.memory_space<vmem>>
      %dma_wait3A_554 = tpu.memref_squeeze %dma_wait3A_553 : memref<1x80xi32, #tpu.memory_space<vmem>> -> memref<80xi32, #tpu.memory_space<vmem>>
      %dma_wait3A_555 = arith.constant 0 : i32
      %dma_wait3A_556 = arith.constant 0 : i32
      %dma_wait3A_557 = tpu.memref_slice %arg14[%dma_wait3A_555, %dma_wait3A_556] : memref<10240x64xf32, #tpu.memory_space<vmem_shared>> -> memref<10240x64xf32, #tpu.memory_space<vmem_shared>>
      tpu.wait_indirect_dma semaphore(%arg20 : memref<!tpu.dma_semaphore, #tpu.memory_space<semaphore_mem>>) src(%arg8 : memref<80x64xf32, #tpu.memory_space<vmem>>) dst(%dma_wait3A_557 : memref<10240x64xf32, #tpu.memory_space<vmem_shared>>)
      %add3A_558 = arith.constant 3 : i32
      %add3A_559 = arith.addi %add3A_550, %add3A_558 : i32
      %dma_start3A_560 = arith.constant 0 : i32
      %dma_start3A_561 = tpu.memref_slice %arg6[%add3A_559, %dma_start3A_560] : memref<125x80xi32, #tpu.memory_space<vmem>> -> memref<1x80xi32, #tpu.memory_space<vmem>>
      %dma_start3A_562 = tpu.memref_squeeze %dma_start3A_561 : memref<1x80xi32, #tpu.memory_space<vmem>> -> memref<80xi32, #tpu.memory_space<vmem>>
      %dma_start3A_563 = arith.constant 0 : i32
      %dma_start3A_564 = arith.constant 0 : i32
      %dma_start3A_565 = tpu.memref_slice %arg2[%dma_start3A_563, %dma_start3A_564] : memref<10000x64xf32, #tpu.memory_space<hbm>> -> memref<10000x64xf32, #tpu.memory_space<hbm>>
      tpu.enqueue_indirect_dma source(%dma_start3A_565 : memref<10000x64xf32, #tpu.memory_space<hbm>>) target(%arg8 : memref<80x64xf32, #tpu.memory_space<vmem>>) offsets(%dma_start3A_562 : memref<80xi32, #tpu.memory_space<vmem>>) semaphore(%arg15 : memref<!tpu.dma_semaphore, #tpu.memory_space<semaphore_mem>>)
      %dma_wait3A_566 = arith.constant 0 : i32
      %dma_wait3A_567 = tpu.memref_slice %arg6[%add3A_550, %dma_wait3A_566] : memref<125x80xi32, #tpu.memory_space<vmem>> -> memref<1x80xi32, #tpu.memory_space<vmem>>
      %dma_wait3A_568 = tpu.memref_squeeze %dma_wait3A_567 : memref<1x80xi32, #tpu.memory_space<vmem>> -> memref<80xi32, #tpu.memory_space<vmem>>
      %dma_wait3A_569 = arith.constant 0 : i32
      %dma_wait3A_570 = arith.constant 0 : i32
      %dma_wait3A_571 = tpu.memref_slice %arg2[%dma_wait3A_569, %dma_wait3A_570] : memref<10000x64xf32, #tpu.memory_space<hbm>> -> memref<10000x64xf32, #tpu.memory_space<hbm>>
      tpu.wait_indirect_dma semaphore(%arg17 : memref<!tpu.dma_semaphore, #tpu.memory_space<semaphore_mem>>) src(%dma_wait3A_571 : memref<10000x64xf32, #tpu.memory_space<hbm>>) dst(%arg10 : memref<80x64xf32, #tpu.memory_space<vmem>>)
      %dma_start3A_572 = arith.constant 0 : i32
      %dma_start3A_573 = tpu.memref_slice %arg7[%add3A_550, %dma_start3A_572] : memref<125x80xi32, #tpu.memory_space<vmem>> -> memref<1x80xi32, #tpu.memory_space<vmem>>
      %dma_start3A_574 = tpu.memref_squeeze %dma_start3A_573 : memref<1x80xi32, #tpu.memory_space<vmem>> -> memref<80xi32, #tpu.memory_space<vmem>>
      %dma_start3A_575 = arith.constant 0 : i32
      %dma_start3A_576 = arith.constant 0 : i32
      %dma_start3A_577 = tpu.memref_slice %arg14[%dma_start3A_575, %dma_start3A_576] : memref<10240x64xf32, #tpu.memory_space<vmem_shared>> -> memref<10240x64xf32, #tpu.memory_space<vmem_shared>>
      tpu.enqueue_indirect_dma source(%arg10 : memref<80x64xf32, #tpu.memory_space<vmem>>) target(%dma_start3A_577 : memref<10240x64xf32, #tpu.memory_space<vmem_shared>>) offsets(%dma_start3A_574 : memref<80xi32, #tpu.memory_space<vmem>>) semaphore(%arg22 : memref<!tpu.dma_semaphore, #tpu.memory_space<semaphore_mem>>) {add = true}
      %scan3A_578 = arith.constant 0 : i32
      %scan3A_579 = arith.constant 0 : i32
      %scan3A_580 = arith.constant 5 : i32
      %scan3A_581 = arith.addi %scan3A_579, %scan3A_580 : i32
      %scan3A_582 = arith.constant 1 : i32
      %scan3A_583 = scf.for %scan3A_662 = %scan3A_579 to %scan3A_581 step %scan3A_582 iter_args(%scan3A_663 = %scan3A_578) -> (i32)  : i32 {
        %mul3A_664 = arith.constant 16 : i32
        %mul3A_665 = arith.muli %mul3A_664, %scan3A_662 : i32
        %get3A = arith.index_cast %add3A_550 : i32 to index
        %get3A_666 = arith.index_cast %mul3A_665 : i32 to index
        %get3A_667 = tpu.vector_load %arg7[%get3A, %get3A_666] {strides = array<i32>} : memref<125x80xi32, #tpu.memory_space<vmem>>, vector<16xi32>,
        %broadcast_in_dim3A_668 = arith.constant true
        %broadcast_in_dim3A_669 = vector.broadcast %broadcast_in_dim3A_668 : i1 to vector<16xi1>
        %unique3A, %unique3A_670 = tpu.scan_count mask(%broadcast_in_dim3A_669 : vector<16xi1>) value(%get3A_667 : vector<16xi32>) : vector<16xi1>, vector<16xi32>
        %shift_right_logical3A = arith.constant 7 : i32
        %shift_right_logical3A_671 = vector.broadcast %shift_right_logical3A : i32 to vector<16xi32>
        %shift_right_logical3A_672 = arith.shrui %get3A_667, %shift_right_logical3A_671 : vector<16xi32>
        %and3A = arith.constant 127 : i32
        %and3A_673 = vector.broadcast %and3A : i32 to vector<16xi32>
        %and3A_674 = arith.andi %get3A_667, %and3A_673 : vector<16xi32>
        %convert_element_type3A_675 = arith.sitofp %unique3A_670 : vector<16xi32> to vector<16xf32>
        tpu.vector_store_idx %arg25[%shift_right_logical3A_672, %and3A_674], %convert_element_type3A_675 masked %unique3A {add = true} : memref<80x128xf32, #tpu.memory_space<vmem>>[vector<16xi32>, vector<16xi32>], vector<16xf32>, vector<16xi1>
        %scan3A_676 = arith.constant 0 : i32
        scf.yield %scan3A_676 : i32
      }
      %scan3A_584 = arith.constant 5 : i32
      %mul3A_585 = arith.constant 5 : i32
      %mul3A_586 = arith.muli %mul3A_585, %scan3A_469 : i32
      %add3A_587 = arith.constant 3 : i32
      %add3A_588 = arith.addi %mul3A_586, %add3A_587 : i32
      %dma_wait3A_589 = arith.constant 0 : i32
      %dma_wait3A_590 = arith.constant 0 : i32
      %dma_wait3A_591 = tpu.memref_slice %arg7[%dma_wait3A_589, %dma_wait3A_590] : memref<125x80xi32, #tpu.memory_space<vmem>> -> memref<1x80xi32, #tpu.memory_space<vmem>>
      %dma_wait3A_592 = tpu.memref_squeeze %dma_wait3A_591 : memref<1x80xi32, #tpu.memory_space<vmem>> -> memref<80xi32, #tpu.memory_space<vmem>>
      %dma_wait3A_593 = arith.constant 0 : i32
      %dma_wait3A_594 = arith.constant 0 : i32
      %dma_wait3A_595 = tpu.memref_slice %arg14[%dma_wait3A_593, %dma_wait3A_594] : memref<10240x64xf32, #tpu.memory_space<vmem_shared>> -> memref<10240x64xf32, #tpu.memory_space<vmem_shared>>
      tpu.wait_indirect_dma semaphore(%arg21 : memref<!tpu.dma_semaphore, #tpu.memory_space<semaphore_mem>>) src(%arg9 : memref<80x64xf32, #tpu.memory_space<vmem>>) dst(%dma_wait3A_595 : memref<10240x64xf32, #tpu.memory_space<vmem_shared>>)
      %add3A_596 = arith.constant 3 : i32
      %add3A_597 = arith.addi %add3A_588, %add3A_596 : i32
      %dma_start3A_598 = arith.constant 0 : i32
      %dma_start3A_599 = tpu.memref_slice %arg6[%add3A_597, %dma_start3A_598] : memref<125x80xi32, #tpu.memory_space<vmem>> -> memref<1x80xi32, #tpu.memory_space<vmem>>
      %dma_start3A_600 = tpu.memref_squeeze %dma_start3A_599 : memref<1x80xi32, #tpu.memory_space<vmem>> -> memref<80xi32, #tpu.memory_space<vmem>>
      %dma_start3A_601 = arith.constant 0 : i32
      %dma_start3A_602 = arith.constant 0 : i32
      %dma_start3A_603 = tpu.memref_slice %arg2[%dma_start3A_601, %dma_start3A_602] : memref<10000x64xf32, #tpu.memory_space<hbm>> -> memref<10000x64xf32, #tpu.memory_space<hbm>>
      tpu.enqueue_indirect_dma source(%dma_start3A_603 : memref<10000x64xf32, #tpu.memory_space<hbm>>) target(%arg9 : memref<80x64xf32, #tpu.memory_space<vmem>>) offsets(%dma_start3A_600 : memref<80xi32, #tpu.memory_space<vmem>>) semaphore(%arg16 : memref<!tpu.dma_semaphore, #tpu.memory_space<semaphore_mem>>)
      %dma_wait3A_604 = arith.constant 0 : i32
      %dma_wait3A_605 = tpu.memref_slice %arg6[%add3A_588, %dma_wait3A_604] : memref<125x80xi32, #tpu.memory_space<vmem>> -> memref<1x80xi32, #tpu.memory_space<vmem>>
      %dma_wait3A_606 = tpu.memref_squeeze %dma_wait3A_605 : memref<1x80xi32, #tpu.memory_space<vmem>> -> memref<80xi32, #tpu.memory_space<vmem>>
      %dma_wait3A_607 = arith.constant 0 : i32
      %dma_wait3A_608 = arith.constant 0 : i32
      %dma_wait3A_609 = tpu.memref_slice %arg2[%dma_wait3A_607, %dma_wait3A_608] : memref<10000x64xf32, #tpu.memory_space<hbm>> -> memref<10000x64xf32, #tpu.memory_space<hbm>>
      tpu.wait_indirect_dma semaphore(%arg18 : memref<!tpu.dma_semaphore, #tpu.memory_space<semaphore_mem>>) src(%dma_wait3A_609 : memref<10000x64xf32, #tpu.memory_space<hbm>>) dst(%arg11 : memref<80x64xf32, #tpu.memory_space<vmem>>)
      %dma_start3A_610 = arith.constant 0 : i32
      %dma_start3A_611 = tpu.memref_slice %arg7[%add3A_588, %dma_start3A_610] : memref<125x80xi32, #tpu.memory_space<vmem>> -> memref<1x80xi32, #tpu.memory_space<vmem>>
      %dma_start3A_612 = tpu.memref_squeeze %dma_start3A_611 : memref<1x80xi32, #tpu.memory_space<vmem>> -> memref<80xi32, #tpu.memory_space<vmem>>
      %dma_start3A_613 = arith.constant 0 : i32
      %dma_start3A_614 = arith.constant 0 : i32
      %dma_start3A_615 = tpu.memref_slice %arg14[%dma_start3A_613, %dma_start3A_614] : memref<10240x64xf32, #tpu.memory_space<vmem_shared>> -> memref<10240x64xf32, #tpu.memory_space<vmem_shared>>
      tpu.enqueue_indirect_dma source(%arg11 : memref<80x64xf32, #tpu.memory_space<vmem>>) target(%dma_start3A_615 : memref<10240x64xf32, #tpu.memory_space<vmem_shared>>) offsets(%dma_start3A_612 : memref<80xi32, #tpu.memory_space<vmem>>) semaphore(%arg23 : memref<!tpu.dma_semaphore, #tpu.memory_space<semaphore_mem>>) {add = true}
      %scan3A_616 = arith.constant 0 : i32
      %scan3A_617 = arith.constant 0 : i32
      %scan3A_618 = arith.constant 5 : i32
      %scan3A_619 = arith.addi %scan3A_617, %scan3A_618 : i32
      %scan3A_620 = arith.constant 1 : i32
      %scan3A_621 = scf.for %scan3A_662 = %scan3A_617 to %scan3A_619 step %scan3A_620 iter_args(%scan3A_663 = %scan3A_616) -> (i32)  : i32 {
        %mul3A_664 = arith.constant 16 : i32
        %mul3A_665 = arith.muli %mul3A_664, %scan3A_662 : i32
        %get3A = arith.index_cast %add3A_588 : i32 to index
        %get3A_666 = arith.index_cast %mul3A_665 : i32 to index
        %get3A_667 = tpu.vector_load %arg7[%get3A, %get3A_666] {strides = array<i32>} : memref<125x80xi32, #tpu.memory_space<vmem>>, vector<16xi32>,
        %broadcast_in_dim3A_668 = arith.constant true
        %broadcast_in_dim3A_669 = vector.broadcast %broadcast_in_dim3A_668 : i1 to vector<16xi1>
        %unique3A, %unique3A_670 = tpu.scan_count mask(%broadcast_in_dim3A_669 : vector<16xi1>) value(%get3A_667 : vector<16xi32>) : vector<16xi1>, vector<16xi32>
        %shift_right_logical3A = arith.constant 7 : i32
        %shift_right_logical3A_671 = vector.broadcast %shift_right_logical3A : i32 to vector<16xi32>
        %shift_right_logical3A_672 = arith.shrui %get3A_667, %shift_right_logical3A_671 : vector<16xi32>
        %and3A = arith.constant 127 : i32
        %and3A_673 = vector.broadcast %and3A : i32 to vector<16xi32>
        %and3A_674 = arith.andi %get3A_667, %and3A_673 : vector<16xi32>
        %convert_element_type3A_675 = arith.sitofp %unique3A_670 : vector<16xi32> to vector<16xf32>
        tpu.vector_store_idx %arg25[%shift_right_logical3A_672, %and3A_674], %convert_element_type3A_675 masked %unique3A {add = true} : memref<80x128xf32, #tpu.memory_space<vmem>>[vector<16xi32>, vector<16xi32>], vector<16xf32>, vector<16xi1>
        %scan3A_676 = arith.constant 0 : i32
        scf.yield %scan3A_676 : i32
      }
      %scan3A_622 = arith.constant 5 : i32
      %mul3A_623 = arith.constant 5 : i32
      %mul3A_624 = arith.muli %mul3A_623, %scan3A_469 : i32
      %add3A_625 = arith.constant 4 : i32
      %add3A_626 = arith.addi %mul3A_624, %add3A_625 : i32
      %dma_wait3A_627 = arith.constant 0 : i32
      %dma_wait3A_628 = arith.constant 0 : i32
      %dma_wait3A_629 = tpu.memref_slice %arg7[%dma_wait3A_627, %dma_wait3A_628] : memref<125x80xi32, #tpu.memory_space<vmem>> -> memref<1x80xi32, #tpu.memory_space<vmem>>
      %dma_wait3A_630 = tpu.memref_squeeze %dma_wait3A_629 : memref<1x80xi32, #tpu.memory_space<vmem>> -> memref<80xi32, #tpu.memory_space<vmem>>
      %dma_wait3A_631 = arith.constant 0 : i32
      %dma_wait3A_632 = arith.constant 0 : i32
      %dma_wait3A_633 = tpu.memref_slice %arg14[%dma_wait3A_631, %dma_wait3A_632] : memref<10240x64xf32, #tpu.memory_space<vmem_shared>> -> memref<10240x64xf32, #tpu.memory_space<vmem_shared>>
      tpu.wait_indirect_dma semaphore(%arg22 : memref<!tpu.dma_semaphore, #tpu.memory_space<semaphore_mem>>) src(%arg10 : memref<80x64xf32, #tpu.memory_space<vmem>>) dst(%dma_wait3A_633 : memref<10240x64xf32, #tpu.memory_space<vmem_shared>>)
      %add3A_634 = arith.constant 3 : i32
      %add3A_635 = arith.addi %add3A_626, %add3A_634 : i32
      %dma_start3A_636 = arith.constant 0 : i32
      %dma_start3A_637 = tpu.memref_slice %arg6[%add3A_635, %dma_start3A_636] : memref<125x80xi32, #tpu.memory_space<vmem>> -> memref<1x80xi32, #tpu.memory_space<vmem>>
      %dma_start3A_638 = tpu.memref_squeeze %dma_start3A_637 : memref<1x80xi32, #tpu.memory_space<vmem>> -> memref<80xi32, #tpu.memory_space<vmem>>
      %dma_start3A_639 = arith.constant 0 : i32
      %dma_start3A_640 = arith.constant 0 : i32
      %dma_start3A_641 = tpu.memref_slice %arg2[%dma_start3A_639, %dma_start3A_640] : memref<10000x64xf32, #tpu.memory_space<hbm>> -> memref<10000x64xf32, #tpu.memory_space<hbm>>
      tpu.enqueue_indirect_dma source(%dma_start3A_641 : memref<10000x64xf32, #tpu.memory_space<hbm>>) target(%arg10 : memref<80x64xf32, #tpu.memory_space<vmem>>) offsets(%dma_start3A_638 : memref<80xi32, #tpu.memory_space<vmem>>) semaphore(%arg17 : memref<!tpu.dma_semaphore, #tpu.memory_space<semaphore_mem>>)
      %dma_wait3A_642 = arith.constant 0 : i32
      %dma_wait3A_643 = tpu.memref_slice %arg6[%add3A_626, %dma_wait3A_642] : memref<125x80xi32, #tpu.memory_space<vmem>> -> memref<1x80xi32, #tpu.memory_space<vmem>>
      %dma_wait3A_644 = tpu.memref_squeeze %dma_wait3A_643 : memref<1x80xi32, #tpu.memory_space<vmem>> -> memref<80xi32, #tpu.memory_space<vmem>>
      %dma_wait3A_645 = arith.constant 0 : i32
      %dma_wait3A_646 = arith.constant 0 : i32
      %dma_wait3A_647 = tpu.memref_slice %arg2[%dma_wait3A_645, %dma_wait3A_646] : memref<10000x64xf32, #tpu.memory_space<hbm>> -> memref<10000x64xf32, #tpu.memory_space<hbm>>
      tpu.wait_indirect_dma semaphore(%arg19 : memref<!tpu.dma_semaphore, #tpu.memory_space<semaphore_mem>>) src(%dma_wait3A_647 : memref<10000x64xf32, #tpu.memory_space<hbm>>) dst(%arg12 : memref<80x64xf32, #tpu.memory_space<vmem>>)
      %dma_start3A_648 = arith.constant 0 : i32
      %dma_start3A_649 = tpu.memref_slice %arg7[%add3A_626, %dma_start3A_648] : memref<125x80xi32, #tpu.memory_space<vmem>> -> memref<1x80xi32, #tpu.memory_space<vmem>>
      %dma_start3A_650 = tpu.memref_squeeze %dma_start3A_649 : memref<1x80xi32, #tpu.memory_space<vmem>> -> memref<80xi32, #tpu.memory_space<vmem>>
      %dma_start3A_651 = arith.constant 0 : i32
      %dma_start3A_652 = arith.constant 0 : i32
      %dma_start3A_653 = tpu.memref_slice %arg14[%dma_start3A_651, %dma_start3A_652] : memref<10240x64xf32, #tpu.memory_space<vmem_shared>> -> memref<10240x64xf32, #tpu.memory_space<vmem_shared>>
      tpu.enqueue_indirect_dma source(%arg12 : memref<80x64xf32, #tpu.memory_space<vmem>>) target(%dma_start3A_653 : memref<10240x64xf32, #tpu.memory_space<vmem_shared>>) offsets(%dma_start3A_650 : memref<80xi32, #tpu.memory_space<vmem>>) semaphore(%arg24 : memref<!tpu.dma_semaphore, #tpu.memory_space<semaphore_mem>>) {add = true}
      %scan3A_654 = arith.constant 0 : i32
      %scan3A_655 = arith.constant 0 : i32
      %scan3A_656 = arith.constant 5 : i32
      %scan3A_657 = arith.addi %scan3A_655, %scan3A_656 : i32
      %scan3A_658 = arith.constant 1 : i32
      %scan3A_659 = scf.for %scan3A_662 = %scan3A_655 to %scan3A_657 step %scan3A_658 iter_args(%scan3A_663 = %scan3A_654) -> (i32)  : i32 {
        %mul3A_664 = arith.constant 16 : i32
        %mul3A_665 = arith.muli %mul3A_664, %scan3A_662 : i32
        %get3A = arith.index_cast %add3A_626 : i32 to index
        %get3A_666 = arith.index_cast %mul3A_665 : i32 to index
        %get3A_667 = tpu.vector_load %arg7[%get3A, %get3A_666] {strides = array<i32>} : memref<125x80xi32, #tpu.memory_space<vmem>>, vector<16xi32>,
        %broadcast_in_dim3A_668 = arith.constant true
        %broadcast_in_dim3A_669 = vector.broadcast %broadcast_in_dim3A_668 : i1 to vector<16xi1>
        %unique3A, %unique3A_670 = tpu.scan_count mask(%broadcast_in_dim3A_669 : vector<16xi1>) value(%get3A_667 : vector<16xi32>) : vector<16xi1>, vector<16xi32>
        %shift_right_logical3A = arith.constant 7 : i32
        %shift_right_logical3A_671 = vector.broadcast %shift_right_logical3A : i32 to vector<16xi32>
        %shift_right_logical3A_672 = arith.shrui %get3A_667, %shift_right_logical3A_671 : vector<16xi32>
        %and3A = arith.constant 127 : i32
        %and3A_673 = vector.broadcast %and3A : i32 to vector<16xi32>
        %and3A_674 = arith.andi %get3A_667, %and3A_673 : vector<16xi32>
        %convert_element_type3A_675 = arith.sitofp %unique3A_670 : vector<16xi32> to vector<16xf32>
        tpu.vector_store_idx %arg25[%shift_right_logical3A_672, %and3A_674], %convert_element_type3A_675 masked %unique3A {add = true} : memref<80x128xf32, #tpu.memory_space<vmem>>[vector<16xi32>, vector<16xi32>], vector<16xf32>, vector<16xi1>
        %scan3A_676 = arith.constant 0 : i32
        scf.yield %scan3A_676 : i32
      }
      %scan3A_660 = arith.constant 5 : i32
      %scan3A_661 = arith.constant 0 : i32
      scf.yield %scan3A_661 : i32
    }
    %scan3A_262 = arith.constant 23 : i32
    %dma_wait3A_263 = arith.constant 0 : i32
    %dma_wait3A_264 = arith.constant 0 : i32
    %dma_wait3A_265 = tpu.memref_slice %arg7[%dma_wait3A_263, %dma_wait3A_264] : memref<125x80xi32, #tpu.memory_space<vmem>> -> memref<1x80xi32, #tpu.memory_space<vmem>>
    %dma_wait3A_266 = tpu.memref_squeeze %dma_wait3A_265 : memref<1x80xi32, #tpu.memory_space<vmem>> -> memref<80xi32, #tpu.memory_space<vmem>>
    %dma_wait3A_267 = arith.constant 0 : i32
    %dma_wait3A_268 = arith.constant 0 : i32
    %dma_wait3A_269 = tpu.memref_slice %arg14[%dma_wait3A_267, %dma_wait3A_268] : memref<10240x64xf32, #tpu.memory_space<vmem_shared>> -> memref<10240x64xf32, #tpu.memory_space<vmem_shared>>
    tpu.wait_indirect_dma semaphore(%arg23 : memref<!tpu.dma_semaphore, #tpu.memory_space<semaphore_mem>>) src(%arg11 : memref<80x64xf32, #tpu.memory_space<vmem>>) dst(%dma_wait3A_269 : memref<10240x64xf32, #tpu.memory_space<vmem_shared>>)
    %dma_start3A_270 = arith.constant 123 : i32
    %dma_start3A_271 = arith.constant 0 : i32
    %dma_start3A_272 = tpu.memref_slice %arg6[%dma_start3A_270, %dma_start3A_271] : memref<125x80xi32, #tpu.memory_space<vmem>> -> memref<1x80xi32, #tpu.memory_space<vmem>>
    %dma_start3A_273 = tpu.memref_squeeze %dma_start3A_272 : memref<1x80xi32, #tpu.memory_space<vmem>> -> memref<80xi32, #tpu.memory_space<vmem>>
    %dma_start3A_274 = arith.constant 0 : i32
    %dma_start3A_275 = arith.constant 0 : i32
    %dma_start3A_276 = tpu.memref_slice %arg2[%dma_start3A_274, %dma_start3A_275] : memref<10000x64xf32, #tpu.memory_space<hbm>> -> memref<10000x64xf32, #tpu.memory_space<hbm>>
    tpu.enqueue_indirect_dma source(%dma_start3A_276 : memref<10000x64xf32, #tpu.memory_space<hbm>>) target(%arg11 : memref<80x64xf32, #tpu.memory_space<vmem>>) offsets(%dma_start3A_273 : memref<80xi32, #tpu.memory_space<vmem>>) semaphore(%arg18 : memref<!tpu.dma_semaphore, #tpu.memory_space<semaphore_mem>>)
    %dma_wait3A_277 = arith.constant 120 : i32
    %dma_wait3A_278 = arith.constant 0 : i32
    %dma_wait3A_279 = tpu.memref_slice %arg6[%dma_wait3A_277, %dma_wait3A_278] : memref<125x80xi32, #tpu.memory_space<vmem>> -> memref<1x80xi32, #tpu.memory_space<vmem>>
    %dma_wait3A_280 = tpu.memref_squeeze %dma_wait3A_279 : memref<1x80xi32, #tpu.memory_space<vmem>> -> memref<80xi32, #tpu.memory_space<vmem>>
    %dma_wait3A_281 = arith.constant 0 : i32
    %dma_wait3A_282 = arith.constant 0 : i32
    %dma_wait3A_283 = tpu.memref_slice %arg2[%dma_wait3A_281, %dma_wait3A_282] : memref<10000x64xf32, #tpu.memory_space<hbm>> -> memref<10000x64xf32, #tpu.memory_space<hbm>>
    tpu.wait_indirect_dma semaphore(%arg15 : memref<!tpu.dma_semaphore, #tpu.memory_space<semaphore_mem>>) src(%dma_wait3A_283 : memref<10000x64xf32, #tpu.memory_space<hbm>>) dst(%arg8 : memref<80x64xf32, #tpu.memory_space<vmem>>)
    %dma_start3A_284 = arith.constant 120 : i32
    %dma_start3A_285 = arith.constant 0 : i32
    %dma_start3A_286 = tpu.memref_slice %arg7[%dma_start3A_284, %dma_start3A_285] : memref<125x80xi32, #tpu.memory_space<vmem>> -> memref<1x80xi32, #tpu.memory_space<vmem>>
    %dma_start3A_287 = tpu.memref_squeeze %dma_start3A_286 : memref<1x80xi32, #tpu.memory_space<vmem>> -> memref<80xi32, #tpu.memory_space<vmem>>
    %dma_start3A_288 = arith.constant 0 : i32
    %dma_start3A_289 = arith.constant 0 : i32
    %dma_start3A_290 = tpu.memref_slice %arg14[%dma_start3A_288, %dma_start3A_289] : memref<10240x64xf32, #tpu.memory_space<vmem_shared>> -> memref<10240x64xf32, #tpu.memory_space<vmem_shared>>
    tpu.enqueue_indirect_dma source(%arg8 : memref<80x64xf32, #tpu.memory_space<vmem>>) target(%dma_start3A_290 : memref<10240x64xf32, #tpu.memory_space<vmem_shared>>) offsets(%dma_start3A_287 : memref<80xi32, #tpu.memory_space<vmem>>) semaphore(%arg20 : memref<!tpu.dma_semaphore, #tpu.memory_space<semaphore_mem>>) {add = true}
    %scan3A_291 = arith.constant 0 : i32
    %scan3A_292 = arith.constant 0 : i32
    %scan3A_293 = arith.constant 5 : i32
    %scan3A_294 = arith.addi %scan3A_292, %scan3A_293 : i32
    %scan3A_295 = arith.constant 1 : i32
    %scan3A_296 = scf.for %scan3A_469 = %scan3A_292 to %scan3A_294 step %scan3A_295 iter_args(%scan3A_470 = %scan3A_291) -> (i32)  : i32 {
      %mul3A_471 = arith.constant 16 : i32
      %mul3A_472 = arith.muli %mul3A_471, %scan3A_469 : i32
      %get3A = arith.constant 120 : i32
      %get3A_473 = arith.index_cast %get3A : i32 to index
      %get3A_474 = arith.index_cast %mul3A_472 : i32 to index
      %get3A_475 = tpu.vector_load %arg7[%get3A_473, %get3A_474] {strides = array<i32>} : memref<125x80xi32, #tpu.memory_space<vmem>>, vector<16xi32>,
      %broadcast_in_dim3A_476 = arith.constant true
      %broadcast_in_dim3A_477 = vector.broadcast %broadcast_in_dim3A_476 : i1 to vector<16xi1>
      %unique3A, %unique3A_478 = tpu.scan_count mask(%broadcast_in_dim3A_477 : vector<16xi1>) value(%get3A_475 : vector<16xi32>) : vector<16xi1>, vector<16xi32>
      %shift_right_logical3A = arith.constant 7 : i32
      %shift_right_logical3A_479 = vector.broadcast %shift_right_logical3A : i32 to vector<16xi32>
      %shift_right_logical3A_480 = arith.shrui %get3A_475, %shift_right_logical3A_479 : vector<16xi32>
      %and3A = arith.constant 127 : i32
      %and3A_481 = vector.broadcast %and3A : i32 to vector<16xi32>
      %and3A_482 = arith.andi %get3A_475, %and3A_481 : vector<16xi32>
      %convert_element_type3A_483 = arith.sitofp %unique3A_478 : vector<16xi32> to vector<16xf32>
      tpu.vector_store_idx %arg25[%shift_right_logical3A_480, %and3A_482], %convert_element_type3A_483 masked %unique3A {add = true} : memref<80x128xf32, #tpu.memory_space<vmem>>[vector<16xi32>, vector<16xi32>], vector<16xf32>, vector<16xi1>
      %scan3A_484 = arith.constant 0 : i32
      scf.yield %scan3A_484 : i32
    }
    %scan3A_297 = arith.constant 5 : i32
    %dma_wait3A_298 = arith.constant 0 : i32
    %dma_wait3A_299 = arith.constant 0 : i32
    %dma_wait3A_300 = tpu.memref_slice %arg7[%dma_wait3A_298, %dma_wait3A_299] : memref<125x80xi32, #tpu.memory_space<vmem>> -> memref<1x80xi32, #tpu.memory_space<vmem>>
    %dma_wait3A_301 = tpu.memref_squeeze %dma_wait3A_300 : memref<1x80xi32, #tpu.memory_space<vmem>> -> memref<80xi32, #tpu.memory_space<vmem>>
    %dma_wait3A_302 = arith.constant 0 : i32
    %dma_wait3A_303 = arith.constant 0 : i32
    %dma_wait3A_304 = tpu.memref_slice %arg14[%dma_wait3A_302, %dma_wait3A_303] : memref<10240x64xf32, #tpu.memory_space<vmem_shared>> -> memref<10240x64xf32, #tpu.memory_space<vmem_shared>>
    tpu.wait_indirect_dma semaphore(%arg24 : memref<!tpu.dma_semaphore, #tpu.memory_space<semaphore_mem>>) src(%arg12 : memref<80x64xf32, #tpu.memory_space<vmem>>) dst(%dma_wait3A_304 : memref<10240x64xf32, #tpu.memory_space<vmem_shared>>)
    %dma_start3A_305 = arith.constant 124 : i32
    %dma_start3A_306 = arith.constant 0 : i32
    %dma_start3A_307 = tpu.memref_slice %arg6[%dma_start3A_305, %dma_start3A_306] : memref<125x80xi32, #tpu.memory_space<vmem>> -> memref<1x80xi32, #tpu.memory_space<vmem>>
    %dma_start3A_308 = tpu.memref_squeeze %dma_start3A_307 : memref<1x80xi32, #tpu.memory_space<vmem>> -> memref<80xi32, #tpu.memory_space<vmem>>
    %dma_start3A_309 = arith.constant 0 : i32
    %dma_start3A_310 = arith.constant 0 : i32
    %dma_start3A_311 = tpu.memref_slice %arg2[%dma_start3A_309, %dma_start3A_310] : memref<10000x64xf32, #tpu.memory_space<hbm>> -> memref<10000x64xf32, #tpu.memory_space<hbm>>
    tpu.enqueue_indirect_dma source(%dma_start3A_311 : memref<10000x64xf32, #tpu.memory_space<hbm>>) target(%arg12 : memref<80x64xf32, #tpu.memory_space<vmem>>) offsets(%dma_start3A_308 : memref<80xi32, #tpu.memory_space<vmem>>) semaphore(%arg19 : memref<!tpu.dma_semaphore, #tpu.memory_space<semaphore_mem>>)
    %dma_wait3A_312 = arith.constant 121 : i32
    %dma_wait3A_313 = arith.constant 0 : i32
    %dma_wait3A_314 = tpu.memref_slice %arg6[%dma_wait3A_312, %dma_wait3A_313] : memref<125x80xi32, #tpu.memory_space<vmem>> -> memref<1x80xi32, #tpu.memory_space<vmem>>
    %dma_wait3A_315 = tpu.memref_squeeze %dma_wait3A_314 : memref<1x80xi32, #tpu.memory_space<vmem>> -> memref<80xi32, #tpu.memory_space<vmem>>
    %dma_wait3A_316 = arith.constant 0 : i32
    %dma_wait3A_317 = arith.constant 0 : i32
    %dma_wait3A_318 = tpu.memref_slice %arg2[%dma_wait3A_316, %dma_wait3A_317] : memref<10000x64xf32, #tpu.memory_space<hbm>> -> memref<10000x64xf32, #tpu.memory_space<hbm>>
    tpu.wait_indirect_dma semaphore(%arg16 : memref<!tpu.dma_semaphore, #tpu.memory_space<semaphore_mem>>) src(%dma_wait3A_318 : memref<10000x64xf32, #tpu.memory_space<hbm>>) dst(%arg9 : memref<80x64xf32, #tpu.memory_space<vmem>>)
    %dma_start3A_319 = arith.constant 121 : i32
    %dma_start3A_320 = arith.constant 0 : i32
    %dma_start3A_321 = tpu.memref_slice %arg7[%dma_start3A_319, %dma_start3A_320] : memref<125x80xi32, #tpu.memory_space<vmem>> -> memref<1x80xi32, #tpu.memory_space<vmem>>
    %dma_start3A_322 = tpu.memref_squeeze %dma_start3A_321 : memref<1x80xi32, #tpu.memory_space<vmem>> -> memref<80xi32, #tpu.memory_space<vmem>>
    %dma_start3A_323 = arith.constant 0 : i32
    %dma_start3A_324 = arith.constant 0 : i32
    %dma_start3A_325 = tpu.memref_slice %arg14[%dma_start3A_323, %dma_start3A_324] : memref<10240x64xf32, #tpu.memory_space<vmem_shared>> -> memref<10240x64xf32, #tpu.memory_space<vmem_shared>>
    tpu.enqueue_indirect_dma source(%arg9 : memref<80x64xf32, #tpu.memory_space<vmem>>) target(%dma_start3A_325 : memref<10240x64xf32, #tpu.memory_space<vmem_shared>>) offsets(%dma_start3A_322 : memref<80xi32, #tpu.memory_space<vmem>>) semaphore(%arg21 : memref<!tpu.dma_semaphore, #tpu.memory_space<semaphore_mem>>) {add = true}
    %scan3A_326 = arith.constant 0 : i32
    %scan3A_327 = arith.constant 0 : i32
    %scan3A_328 = arith.constant 5 : i32
    %scan3A_329 = arith.addi %scan3A_327, %scan3A_328 : i32
    %scan3A_330 = arith.constant 1 : i32
    %scan3A_331 = scf.for %scan3A_469 = %scan3A_327 to %scan3A_329 step %scan3A_330 iter_args(%scan3A_470 = %scan3A_326) -> (i32)  : i32 {
      %mul3A_471 = arith.constant 16 : i32
      %mul3A_472 = arith.muli %mul3A_471, %scan3A_469 : i32
      %get3A = arith.constant 121 : i32
      %get3A_473 = arith.index_cast %get3A : i32 to index
      %get3A_474 = arith.index_cast %mul3A_472 : i32 to index
      %get3A_475 = tpu.vector_load %arg7[%get3A_473, %get3A_474] {strides = array<i32>} : memref<125x80xi32, #tpu.memory_space<vmem>>, vector<16xi32>,
      %broadcast_in_dim3A_476 = arith.constant true
      %broadcast_in_dim3A_477 = vector.broadcast %broadcast_in_dim3A_476 : i1 to vector<16xi1>
      %unique3A, %unique3A_478 = tpu.scan_count mask(%broadcast_in_dim3A_477 : vector<16xi1>) value(%get3A_475 : vector<16xi32>) : vector<16xi1>, vector<16xi32>
      %shift_right_logical3A = arith.constant 7 : i32
      %shift_right_logical3A_479 = vector.broadcast %shift_right_logical3A : i32 to vector<16xi32>
      %shift_right_logical3A_480 = arith.shrui %get3A_475, %shift_right_logical3A_479 : vector<16xi32>
      %and3A = arith.constant 127 : i32
      %and3A_481 = vector.broadcast %and3A : i32 to vector<16xi32>
      %and3A_482 = arith.andi %get3A_475, %and3A_481 : vector<16xi32>
      %convert_element_type3A_483 = arith.sitofp %unique3A_478 : vector<16xi32> to vector<16xf32>
      tpu.vector_store_idx %arg25[%shift_right_logical3A_480, %and3A_482], %convert_element_type3A_483 masked %unique3A {add = true} : memref<80x128xf32, #tpu.memory_space<vmem>>[vector<16xi32>, vector<16xi32>], vector<16xf32>, vector<16xi1>
      %scan3A_484 = arith.constant 0 : i32
      scf.yield %scan3A_484 : i32
    }
    %scan3A_332 = arith.constant 5 : i32
    %dma_wait3A_333 = arith.constant 0 : i32
    %dma_wait3A_334 = arith.constant 0 : i32
    %dma_wait3A_335 = tpu.memref_slice %arg7[%dma_wait3A_333, %dma_wait3A_334] : memref<125x80xi32, #tpu.memory_space<vmem>> -> memref<1x80xi32, #tpu.memory_space<vmem>>
    %dma_wait3A_336 = tpu.memref_squeeze %dma_wait3A_335 : memref<1x80xi32, #tpu.memory_space<vmem>> -> memref<80xi32, #tpu.memory_space<vmem>>
    %dma_wait3A_337 = arith.constant 0 : i32
    %dma_wait3A_338 = arith.constant 0 : i32
    %dma_wait3A_339 = tpu.memref_slice %arg14[%dma_wait3A_337, %dma_wait3A_338] : memref<10240x64xf32, #tpu.memory_space<vmem_shared>> -> memref<10240x64xf32, #tpu.memory_space<vmem_shared>>
    tpu.wait_indirect_dma semaphore(%arg20 : memref<!tpu.dma_semaphore, #tpu.memory_space<semaphore_mem>>) src(%arg8 : memref<80x64xf32, #tpu.memory_space<vmem>>) dst(%dma_wait3A_339 : memref<10240x64xf32, #tpu.memory_space<vmem_shared>>)
    %dma_wait3A_340 = arith.constant 122 : i32
    %dma_wait3A_341 = arith.constant 0 : i32
    %dma_wait3A_342 = tpu.memref_slice %arg6[%dma_wait3A_340, %dma_wait3A_341] : memref<125x80xi32, #tpu.memory_space<vmem>> -> memref<1x80xi32, #tpu.memory_space<vmem>>
    %dma_wait3A_343 = tpu.memref_squeeze %dma_wait3A_342 : memref<1x80xi32, #tpu.memory_space<vmem>> -> memref<80xi32, #tpu.memory_space<vmem>>
    %dma_wait3A_344 = arith.constant 0 : i32
    %dma_wait3A_345 = arith.constant 0 : i32
    %dma_wait3A_346 = tpu.memref_slice %arg2[%dma_wait3A_344, %dma_wait3A_345] : memref<10000x64xf32, #tpu.memory_space<hbm>> -> memref<10000x64xf32, #tpu.memory_space<hbm>>
    tpu.wait_indirect_dma semaphore(%arg17 : memref<!tpu.dma_semaphore, #tpu.memory_space<semaphore_mem>>) src(%dma_wait3A_346 : memref<10000x64xf32, #tpu.memory_space<hbm>>) dst(%arg10 : memref<80x64xf32, #tpu.memory_space<vmem>>)
    %dma_start3A_347 = arith.constant 122 : i32
    %dma_start3A_348 = arith.constant 0 : i32
    %dma_start3A_349 = tpu.memref_slice %arg7[%dma_start3A_347, %dma_start3A_348] : memref<125x80xi32, #tpu.memory_space<vmem>> -> memref<1x80xi32, #tpu.memory_space<vmem>>
    %dma_start3A_350 = tpu.memref_squeeze %dma_start3A_349 : memref<1x80xi32, #tpu.memory_space<vmem>> -> memref<80xi32, #tpu.memory_space<vmem>>
    %dma_start3A_351 = arith.constant 0 : i32
    %dma_start3A_352 = arith.constant 0 : i32
    %dma_start3A_353 = tpu.memref_slice %arg14[%dma_start3A_351, %dma_start3A_352] : memref<10240x64xf32, #tpu.memory_space<vmem_shared>> -> memref<10240x64xf32, #tpu.memory_space<vmem_shared>>
    tpu.enqueue_indirect_dma source(%arg10 : memref<80x64xf32, #tpu.memory_space<vmem>>) target(%dma_start3A_353 : memref<10240x64xf32, #tpu.memory_space<vmem_shared>>) offsets(%dma_start3A_350 : memref<80xi32, #tpu.memory_space<vmem>>) semaphore(%arg22 : memref<!tpu.dma_semaphore, #tpu.memory_space<semaphore_mem>>) {add = true}
    %scan3A_354 = arith.constant 0 : i32
    %scan3A_355 = arith.constant 0 : i32
    %scan3A_356 = arith.constant 5 : i32
    %scan3A_357 = arith.addi %scan3A_355, %scan3A_356 : i32
    %scan3A_358 = arith.constant 1 : i32
    %scan3A_359 = scf.for %scan3A_469 = %scan3A_355 to %scan3A_357 step %scan3A_358 iter_args(%scan3A_470 = %scan3A_354) -> (i32)  : i32 {
      %mul3A_471 = arith.constant 16 : i32
      %mul3A_472 = arith.muli %mul3A_471, %scan3A_469 : i32
      %get3A = arith.constant 122 : i32
      %get3A_473 = arith.index_cast %get3A : i32 to index
      %get3A_474 = arith.index_cast %mul3A_472 : i32 to index
      %get3A_475 = tpu.vector_load %arg7[%get3A_473, %get3A_474] {strides = array<i32>} : memref<125x80xi32, #tpu.memory_space<vmem>>, vector<16xi32>,
      %broadcast_in_dim3A_476 = arith.constant true
      %broadcast_in_dim3A_477 = vector.broadcast %broadcast_in_dim3A_476 : i1 to vector<16xi1>
      %unique3A, %unique3A_478 = tpu.scan_count mask(%broadcast_in_dim3A_477 : vector<16xi1>) value(%get3A_475 : vector<16xi32>) : vector<16xi1>, vector<16xi32>
      %shift_right_logical3A = arith.constant 7 : i32
      %shift_right_logical3A_479 = vector.broadcast %shift_right_logical3A : i32 to vector<16xi32>
      %shift_right_logical3A_480 = arith.shrui %get3A_475, %shift_right_logical3A_479 : vector<16xi32>
      %and3A = arith.constant 127 : i32
      %and3A_481 = vector.broadcast %and3A : i32 to vector<16xi32>
      %and3A_482 = arith.andi %get3A_475, %and3A_481 : vector<16xi32>
      %convert_element_type3A_483 = arith.sitofp %unique3A_478 : vector<16xi32> to vector<16xf32>
      tpu.vector_store_idx %arg25[%shift_right_logical3A_480, %and3A_482], %convert_element_type3A_483 masked %unique3A {add = true} : memref<80x128xf32, #tpu.memory_space<vmem>>[vector<16xi32>, vector<16xi32>], vector<16xf32>, vector<16xi1>
      %scan3A_484 = arith.constant 0 : i32
      scf.yield %scan3A_484 : i32
    }
    %scan3A_360 = arith.constant 5 : i32
    %dma_wait3A_361 = arith.constant 0 : i32
    %dma_wait3A_362 = arith.constant 0 : i32
    %dma_wait3A_363 = tpu.memref_slice %arg7[%dma_wait3A_361, %dma_wait3A_362] : memref<125x80xi32, #tpu.memory_space<vmem>> -> memref<1x80xi32, #tpu.memory_space<vmem>>
    %dma_wait3A_364 = tpu.memref_squeeze %dma_wait3A_363 : memref<1x80xi32, #tpu.memory_space<vmem>> -> memref<80xi32, #tpu.memory_space<vmem>>
    %dma_wait3A_365 = arith.constant 0 : i32
    %dma_wait3A_366 = arith.constant 0 : i32
    %dma_wait3A_367 = tpu.memref_slice %arg14[%dma_wait3A_365, %dma_wait3A_366] : memref<10240x64xf32, #tpu.memory_space<vmem_shared>> -> memref<10240x64xf32, #tpu.memory_space<vmem_shared>>
    tpu.wait_indirect_dma semaphore(%arg21 : memref<!tpu.dma_semaphore, #tpu.memory_space<semaphore_mem>>) src(%arg9 : memref<80x64xf32, #tpu.memory_space<vmem>>) dst(%dma_wait3A_367 : memref<10240x64xf32, #tpu.memory_space<vmem_shared>>)
    %dma_wait3A_368 = arith.constant 123 : i32
    %dma_wait3A_369 = arith.constant 0 : i32
    %dma_wait3A_370 = tpu.memref_slice %arg6[%dma_wait3A_368, %dma_wait3A_369] : memref<125x80xi32, #tpu.memory_space<vmem>> -> memref<1x80xi32, #tpu.memory_space<vmem>>
    %dma_wait3A_371 = tpu.memref_squeeze %dma_wait3A_370 : memref<1x80xi32, #tpu.memory_space<vmem>> -> memref<80xi32, #tpu.memory_space<vmem>>
    %dma_wait3A_372 = arith.constant 0 : i32
    %dma_wait3A_373 = arith.constant 0 : i32
    %dma_wait3A_374 = tpu.memref_slice %arg2[%dma_wait3A_372, %dma_wait3A_373] : memref<10000x64xf32, #tpu.memory_space<hbm>> -> memref<10000x64xf32, #tpu.memory_space<hbm>>
    tpu.wait_indirect_dma semaphore(%arg18 : memref<!tpu.dma_semaphore, #tpu.memory_space<semaphore_mem>>) src(%dma_wait3A_374 : memref<10000x64xf32, #tpu.memory_space<hbm>>) dst(%arg11 : memref<80x64xf32, #tpu.memory_space<vmem>>)
    %dma_start3A_375 = arith.constant 123 : i32
    %dma_start3A_376 = arith.constant 0 : i32
    %dma_start3A_377 = tpu.memref_slice %arg7[%dma_start3A_375, %dma_start3A_376] : memref<125x80xi32, #tpu.memory_space<vmem>> -> memref<1x80xi32, #tpu.memory_space<vmem>>
    %dma_start3A_378 = tpu.memref_squeeze %dma_start3A_377 : memref<1x80xi32, #tpu.memory_space<vmem>> -> memref<80xi32, #tpu.memory_space<vmem>>
    %dma_start3A_379 = arith.constant 0 : i32
    %dma_start3A_380 = arith.constant 0 : i32
    %dma_start3A_381 = tpu.memref_slice %arg14[%dma_start3A_379, %dma_start3A_380] : memref<10240x64xf32, #tpu.memory_space<vmem_shared>> -> memref<10240x64xf32, #tpu.memory_space<vmem_shared>>
    tpu.enqueue_indirect_dma source(%arg11 : memref<80x64xf32, #tpu.memory_space<vmem>>) target(%dma_start3A_381 : memref<10240x64xf32, #tpu.memory_space<vmem_shared>>) offsets(%dma_start3A_378 : memref<80xi32, #tpu.memory_space<vmem>>) semaphore(%arg23 : memref<!tpu.dma_semaphore, #tpu.memory_space<semaphore_mem>>) {add = true}
    %scan3A_382 = arith.constant 0 : i32
    %scan3A_383 = arith.constant 0 : i32
    %scan3A_384 = arith.constant 5 : i32
    %scan3A_385 = arith.addi %scan3A_383, %scan3A_384 : i32
    %scan3A_386 = arith.constant 1 : i32
    %scan3A_387 = scf.for %scan3A_469 = %scan3A_383 to %scan3A_385 step %scan3A_386 iter_args(%scan3A_470 = %scan3A_382) -> (i32)  : i32 {
      %mul3A_471 = arith.constant 16 : i32
      %mul3A_472 = arith.muli %mul3A_471, %scan3A_469 : i32
      %get3A = arith.constant 123 : i32
      %get3A_473 = arith.index_cast %get3A : i32 to index
      %get3A_474 = arith.index_cast %mul3A_472 : i32 to index
      %get3A_475 = tpu.vector_load %arg7[%get3A_473, %get3A_474] {strides = array<i32>} : memref<125x80xi32, #tpu.memory_space<vmem>>, vector<16xi32>,
      %broadcast_in_dim3A_476 = arith.constant true
      %broadcast_in_dim3A_477 = vector.broadcast %broadcast_in_dim3A_476 : i1 to vector<16xi1>
      %unique3A, %unique3A_478 = tpu.scan_count mask(%broadcast_in_dim3A_477 : vector<16xi1>) value(%get3A_475 : vector<16xi32>) : vector<16xi1>, vector<16xi32>
      %shift_right_logical3A = arith.constant 7 : i32
      %shift_right_logical3A_479 = vector.broadcast %shift_right_logical3A : i32 to vector<16xi32>
      %shift_right_logical3A_480 = arith.shrui %get3A_475, %shift_right_logical3A_479 : vector<16xi32>
      %and3A = arith.constant 127 : i32
      %and3A_481 = vector.broadcast %and3A : i32 to vector<16xi32>
      %and3A_482 = arith.andi %get3A_475, %and3A_481 : vector<16xi32>
      %convert_element_type3A_483 = arith.sitofp %unique3A_478 : vector<16xi32> to vector<16xf32>
      tpu.vector_store_idx %arg25[%shift_right_logical3A_480, %and3A_482], %convert_element_type3A_483 masked %unique3A {add = true} : memref<80x128xf32, #tpu.memory_space<vmem>>[vector<16xi32>, vector<16xi32>], vector<16xf32>, vector<16xi1>
      %scan3A_484 = arith.constant 0 : i32
      scf.yield %scan3A_484 : i32
    }
    %scan3A_388 = arith.constant 5 : i32
    %dma_wait3A_389 = arith.constant 0 : i32
    %dma_wait3A_390 = arith.constant 0 : i32
    %dma_wait3A_391 = tpu.memref_slice %arg7[%dma_wait3A_389, %dma_wait3A_390] : memref<125x80xi32, #tpu.memory_space<vmem>> -> memref<1x80xi32, #tpu.memory_space<vmem>>
    %dma_wait3A_392 = tpu.memref_squeeze %dma_wait3A_391 : memref<1x80xi32, #tpu.memory_space<vmem>> -> memref<80xi32, #tpu.memory_space<vmem>>
    %dma_wait3A_393 = arith.constant 0 : i32
    %dma_wait3A_394 = arith.constant 0 : i32
    %dma_wait3A_395 = tpu.memref_slice %arg14[%dma_wait3A_393, %dma_wait3A_394] : memref<10240x64xf32, #tpu.memory_space<vmem_shared>> -> memref<10240x64xf32, #tpu.memory_space<vmem_shared>>
    tpu.wait_indirect_dma semaphore(%arg22 : memref<!tpu.dma_semaphore, #tpu.memory_space<semaphore_mem>>) src(%arg10 : memref<80x64xf32, #tpu.memory_space<vmem>>) dst(%dma_wait3A_395 : memref<10240x64xf32, #tpu.memory_space<vmem_shared>>)
    %dma_wait3A_396 = arith.constant 124 : i32
    %dma_wait3A_397 = arith.constant 0 : i32
    %dma_wait3A_398 = tpu.memref_slice %arg6[%dma_wait3A_396, %dma_wait3A_397] : memref<125x80xi32, #tpu.memory_space<vmem>> -> memref<1x80xi32, #tpu.memory_space<vmem>>
    %dma_wait3A_399 = tpu.memref_squeeze %dma_wait3A_398 : memref<1x80xi32, #tpu.memory_space<vmem>> -> memref<80xi32, #tpu.memory_space<vmem>>
    %dma_wait3A_400 = arith.constant 0 : i32
    %dma_wait3A_401 = arith.constant 0 : i32
    %dma_wait3A_402 = tpu.memref_slice %arg2[%dma_wait3A_400, %dma_wait3A_401] : memref<10000x64xf32, #tpu.memory_space<hbm>> -> memref<10000x64xf32, #tpu.memory_space<hbm>>
    tpu.wait_indirect_dma semaphore(%arg19 : memref<!tpu.dma_semaphore, #tpu.memory_space<semaphore_mem>>) src(%dma_wait3A_402 : memref<10000x64xf32, #tpu.memory_space<hbm>>) dst(%arg12 : memref<80x64xf32, #tpu.memory_space<vmem>>)
    %dma_start3A_403 = arith.constant 124 : i32
    %dma_start3A_404 = arith.constant 0 : i32
    %dma_start3A_405 = tpu.memref_slice %arg7[%dma_start3A_403, %dma_start3A_404] : memref<125x80xi32, #tpu.memory_space<vmem>> -> memref<1x80xi32, #tpu.memory_space<vmem>>
    %dma_start3A_406 = tpu.memref_squeeze %dma_start3A_405 : memref<1x80xi32, #tpu.memory_space<vmem>> -> memref<80xi32, #tpu.memory_space<vmem>>
    %dma_start3A_407 = arith.constant 0 : i32
    %dma_start3A_408 = arith.constant 0 : i32
    %dma_start3A_409 = tpu.memref_slice %arg14[%dma_start3A_407, %dma_start3A_408] : memref<10240x64xf32, #tpu.memory_space<vmem_shared>> -> memref<10240x64xf32, #tpu.memory_space<vmem_shared>>
    tpu.enqueue_indirect_dma source(%arg12 : memref<80x64xf32, #tpu.memory_space<vmem>>) target(%dma_start3A_409 : memref<10240x64xf32, #tpu.memory_space<vmem_shared>>) offsets(%dma_start3A_406 : memref<80xi32, #tpu.memory_space<vmem>>) semaphore(%arg24 : memref<!tpu.dma_semaphore, #tpu.memory_space<semaphore_mem>>) {add = true}
    %scan3A_410 = arith.constant 0 : i32
    %scan3A_411 = arith.constant 0 : i32
    %scan3A_412 = arith.constant 5 : i32
    %scan3A_413 = arith.addi %scan3A_411, %scan3A_412 : i32
    %scan3A_414 = arith.constant 1 : i32
    %scan3A_415 = scf.for %scan3A_469 = %scan3A_411 to %scan3A_413 step %scan3A_414 iter_args(%scan3A_470 = %scan3A_410) -> (i32)  : i32 {
      %mul3A_471 = arith.constant 16 : i32
      %mul3A_472 = arith.muli %mul3A_471, %scan3A_469 : i32
      %get3A = arith.constant 124 : i32
      %get3A_473 = arith.index_cast %get3A : i32 to index
      %get3A_474 = arith.index_cast %mul3A_472 : i32 to index
      %get3A_475 = tpu.vector_load %arg7[%get3A_473, %get3A_474] {strides = array<i32>} : memref<125x80xi32, #tpu.memory_space<vmem>>, vector<16xi32>,
      %broadcast_in_dim3A_476 = arith.constant true
      %broadcast_in_dim3A_477 = vector.broadcast %broadcast_in_dim3A_476 : i1 to vector<16xi1>
      %unique3A, %unique3A_478 = tpu.scan_count mask(%broadcast_in_dim3A_477 : vector<16xi1>) value(%get3A_475 : vector<16xi32>) : vector<16xi1>, vector<16xi32>
      %shift_right_logical3A = arith.constant 7 : i32
      %shift_right_logical3A_479 = vector.broadcast %shift_right_logical3A : i32 to vector<16xi32>
      %shift_right_logical3A_480 = arith.shrui %get3A_475, %shift_right_logical3A_479 : vector<16xi32>
      %and3A = arith.constant 127 : i32
      %and3A_481 = vector.broadcast %and3A : i32 to vector<16xi32>
      %and3A_482 = arith.andi %get3A_475, %and3A_481 : vector<16xi32>
      %convert_element_type3A_483 = arith.sitofp %unique3A_478 : vector<16xi32> to vector<16xf32>
      tpu.vector_store_idx %arg25[%shift_right_logical3A_480, %and3A_482], %convert_element_type3A_483 masked %unique3A {add = true} : memref<80x128xf32, #tpu.memory_space<vmem>>[vector<16xi32>, vector<16xi32>], vector<16xf32>, vector<16xi1>
      %scan3A_484 = arith.constant 0 : i32
      scf.yield %scan3A_484 : i32
    }
    %scan3A_416 = arith.constant 5 : i32
    %dma_wait3A_417 = arith.constant 0 : i32
    %dma_wait3A_418 = arith.constant 0 : i32
    %dma_wait3A_419 = tpu.memref_slice %arg7[%dma_wait3A_417, %dma_wait3A_418] : memref<125x80xi32, #tpu.memory_space<vmem>> -> memref<1x80xi32, #tpu.memory_space<vmem>>
    %dma_wait3A_420 = tpu.memref_squeeze %dma_wait3A_419 : memref<1x80xi32, #tpu.memory_space<vmem>> -> memref<80xi32, #tpu.memory_space<vmem>>
    %dma_wait3A_421 = arith.constant 0 : i32
    %dma_wait3A_422 = arith.constant 0 : i32
    %dma_wait3A_423 = tpu.memref_slice %arg14[%dma_wait3A_421, %dma_wait3A_422] : memref<10240x64xf32, #tpu.memory_space<vmem_shared>> -> memref<10240x64xf32, #tpu.memory_space<vmem_shared>>
    tpu.wait_indirect_dma semaphore(%arg23 : memref<!tpu.dma_semaphore, #tpu.memory_space<semaphore_mem>>) src(%arg11 : memref<80x64xf32, #tpu.memory_space<vmem>>) dst(%dma_wait3A_423 : memref<10240x64xf32, #tpu.memory_space<vmem_shared>>)
    %dma_wait3A_424 = arith.constant 0 : i32
    %dma_wait3A_425 = arith.constant 0 : i32
    %dma_wait3A_426 = tpu.memref_slice %arg7[%dma_wait3A_424, %dma_wait3A_425] : memref<125x80xi32, #tpu.memory_space<vmem>> -> memref<1x80xi32, #tpu.memory_space<vmem>>
    %dma_wait3A_427 = tpu.memref_squeeze %dma_wait3A_426 : memref<1x80xi32, #tpu.memory_space<vmem>> -> memref<80xi32, #tpu.memory_space<vmem>>
    %dma_wait3A_428 = arith.constant 0 : i32
    %dma_wait3A_429 = arith.constant 0 : i32
    %dma_wait3A_430 = tpu.memref_slice %arg14[%dma_wait3A_428, %dma_wait3A_429] : memref<10240x64xf32, #tpu.memory_space<vmem_shared>> -> memref<10240x64xf32, #tpu.memory_space<vmem_shared>>
    tpu.wait_indirect_dma semaphore(%arg24 : memref<!tpu.dma_semaphore, #tpu.memory_space<semaphore_mem>>) src(%arg12 : memref<80x64xf32, #tpu.memory_space<vmem>>) dst(%dma_wait3A_430 : memref<10240x64xf32, #tpu.memory_space<vmem_shared>>)
    %run_scoped3A_431 = arith.constant 0 : i32
    "tpu.region"() ({
      %run_scoped3A_469 = tpu.sem_alloc : memref<!tpu.dma_semaphore, #tpu.memory_space<semaphore_mem>>
      %dma_start3A_470 = arith.constant 0 : i32
      %dma_start3A_471 = tpu.memref_slice %arg26[%run_scoped3A_431, %dma_start3A_470] : memref<1x80xi32, #tpu.memory_space<vmem>> -> memref<1x80xi32, #tpu.memory_space<vmem>>
      %dma_start3A_472 = tpu.memref_squeeze %dma_start3A_471 : memref<1x80xi32, #tpu.memory_space<vmem>> -> memref<80xi32, #tpu.memory_space<vmem>>
      %dma_start3A_473 = arith.constant 0 : i32
      %dma_start3A_474 = arith.constant 0 : i32
      %dma_start3A_475 = tpu.memref_slice %arg28[%dma_start3A_473, %dma_start3A_474] : memref<80x128xf32, #tpu.memory_space<vmem_shared>> -> memref<80x128xf32, #tpu.memory_space<vmem_shared>>
      tpu.enqueue_indirect_dma source(%arg25 : memref<80x128xf32, #tpu.memory_space<vmem>>) target(%dma_start3A_475 : memref<80x128xf32, #tpu.memory_space<vmem_shared>>) offsets(%dma_start3A_472 : memref<80xi32, #tpu.memory_space<vmem>>) semaphore(%run_scoped3A_469 : memref<!tpu.dma_semaphore, #tpu.memory_space<semaphore_mem>>) {add = true}
      %dma_wait3A_476 = arith.constant 0 : i32
      %dma_wait3A_477 = tpu.memref_slice %arg26[%run_scoped3A_431, %dma_wait3A_476] : memref<1x80xi32, #tpu.memory_space<vmem>> -> memref<1x80xi32, #tpu.memory_space<vmem>>
      %dma_wait3A_478 = tpu.memref_squeeze %dma_wait3A_477 : memref<1x80xi32, #tpu.memory_space<vmem>> -> memref<80xi32, #tpu.memory_space<vmem>>
      %dma_wait3A_479 = arith.constant 0 : i32
      %dma_wait3A_480 = arith.constant 0 : i32
      %dma_wait3A_481 = tpu.memref_slice %arg28[%dma_wait3A_479, %dma_wait3A_480] : memref<80x128xf32, #tpu.memory_space<vmem_shared>> -> memref<80x128xf32, #tpu.memory_space<vmem_shared>>
      tpu.wait_indirect_dma semaphore(%run_scoped3A_469 : memref<!tpu.dma_semaphore, #tpu.memory_space<semaphore_mem>>) src(%arg25 : memref<80x128xf32, #tpu.memory_space<vmem>>) dst(%dma_wait3A_481 : memref<80x128xf32, #tpu.memory_space<vmem_shared>>)
      tpu.yield
    }) : () -> ()
    %barrier3A_432 = arith.constant 0 : index
    tpu.barrier barrier_id(%barrier3A_432)
    %add3A_433 = arith.constant 0 : i32
    %add3A_434 = arith.addi %mul3A_2, %add3A_433 : i32
    "tpu.region"() ({
      %run_scoped3A_469 = tpu.sem_alloc : memref<!tpu.dma_semaphore, #tpu.memory_space<semaphore_mem>>
      %dma_start3A_470 = arith.constant 0 : i32
      %dma_start3A_471 = tpu.memref_slice %arg14[%add3A_434, %dma_start3A_470] : memref<10240x64xf32, #tpu.memory_space<vmem_shared>> -> memref<80x64xf32, #tpu.memory_space<vmem_shared>>
      %dma_start3A_472 = arith.constant 0 : i32
      %dma_start3A_473 = tpu.memref_slice %arg14[%add3A_434, %dma_start3A_472] : memref<10240x64xf32, #tpu.memory_space<vmem_shared>> -> memref<80x64xf32, #tpu.memory_space<vmem_shared>>
      tpu.enqueue_dma source(%dma_start3A_473 : memref<80x64xf32, #tpu.memory_space<vmem_shared>>) target(%arg13 : memref<80x64xf32, #tpu.memory_space<vmem>>) target_semaphore(%run_scoped3A_469 : memref<!tpu.dma_semaphore, #tpu.memory_space<semaphore_mem>>)
      %dma_wait3A_474 = arith.constant 0 : i32
      %dma_wait3A_475 = tpu.memref_slice %arg14[%add3A_434, %dma_wait3A_474] : memref<10240x64xf32, #tpu.memory_space<vmem_shared>> -> memref<80x64xf32, #tpu.memory_space<vmem_shared>>
      %dma_wait3A_476 = arith.constant 0 : i32
      %dma_wait3A_477 = tpu.memref_slice %arg14[%add3A_434, %dma_wait3A_476] : memref<10240x64xf32, #tpu.memory_space<vmem_shared>> -> memref<80x64xf32, #tpu.memory_space<vmem_shared>>
      tpu.wait_dma2 semaphore(%run_scoped3A_469 : memref<!tpu.dma_semaphore, #tpu.memory_space<semaphore_mem>>) src(%dma_wait3A_477 : memref<80x64xf32, #tpu.memory_space<vmem_shared>>) dst(%arg13 : memref<80x64xf32, #tpu.memory_space<vmem>>)
      tpu.yield
    }) : () -> ()
    %mul3A_435 = arith.constant 64 : i32
    %mul3A_436 = arith.muli %arg0, %mul3A_435 : i32
    "tpu.region"() ({
      %run_scoped3A_469 = tpu.sem_alloc : memref<!tpu.dma_semaphore, #tpu.memory_space<semaphore_mem>>
      %dma_start3A_470 = tpu.memref_slice %arg4[%add3A_434, %mul3A_436] : memref<10240x128xf32, #tpu.memory_space<hbm>> -> memref<80x64xf32, #tpu.memory_space<hbm>>
      %dma_start3A_471 = tpu.memref_slice %arg4[%add3A_434, %mul3A_436] : memref<10240x128xf32, #tpu.memory_space<hbm>> -> memref<80x64xf32, #tpu.memory_space<hbm>>
      tpu.enqueue_dma source(%arg13 : memref<80x64xf32, #tpu.memory_space<vmem>>) target(%dma_start3A_471 : memref<80x64xf32, #tpu.memory_space<hbm>>) target_semaphore(%run_scoped3A_469 : memref<!tpu.dma_semaphore, #tpu.memory_space<semaphore_mem>>)
      %dma_wait3A_472 = tpu.memref_slice %arg4[%add3A_434, %mul3A_436] : memref<10240x128xf32, #tpu.memory_space<hbm>> -> memref<80x64xf32, #tpu.memory_space<hbm>>
      %dma_wait3A_473 = tpu.memref_slice %arg4[%add3A_434, %mul3A_436] : memref<10240x128xf32, #tpu.memory_space<hbm>> -> memref<80x64xf32, #tpu.memory_space<hbm>>
      tpu.wait_dma2 semaphore(%run_scoped3A_469 : memref<!tpu.dma_semaphore, #tpu.memory_space<semaphore_mem>>) src(%arg13 : memref<80x64xf32, #tpu.memory_space<vmem>>) dst(%dma_wait3A_473 : memref<80x64xf32, #tpu.memory_space<hbm>>)
      tpu.yield
    }) : () -> ()
    %add3A_437 = arith.constant 80 : i32
    %add3A_438 = arith.addi %mul3A_2, %add3A_437 : i32
    "tpu.region"() ({
      %run_scoped3A_469 = tpu.sem_alloc : memref<!tpu.dma_semaphore, #tpu.memory_space<semaphore_mem>>
      %dma_start3A_470 = arith.constant 0 : i32
      %dma_start3A_471 = tpu.memref_slice %arg14[%add3A_438, %dma_start3A_470] : memref<10240x64xf32, #tpu.memory_space<vmem_shared>> -> memref<80x64xf32, #tpu.memory_space<vmem_shared>>
      %dma_start3A_472 = arith.constant 0 : i32
      %dma_start3A_473 = tpu.memref_slice %arg14[%add3A_438, %dma_start3A_472] : memref<10240x64xf32, #tpu.memory_space<vmem_shared>> -> memref<80x64xf32, #tpu.memory_space<vmem_shared>>
      tpu.enqueue_dma source(%dma_start3A_473 : memref<80x64xf32, #tpu.memory_space<vmem_shared>>) target(%arg13 : memref<80x64xf32, #tpu.memory_space<vmem>>) target_semaphore(%run_scoped3A_469 : memref<!tpu.dma_semaphore, #tpu.memory_space<semaphore_mem>>)
      %dma_wait3A_474 = arith.constant 0 : i32
      %dma_wait3A_475 = tpu.memref_slice %arg14[%add3A_438, %dma_wait3A_474] : memref<10240x64xf32, #tpu.memory_space<vmem_shared>> -> memref<80x64xf32, #tpu.memory_space<vmem_shared>>
      %dma_wait3A_476 = arith.constant 0 : i32
      %dma_wait3A_477 = tpu.memref_slice %arg14[%add3A_438, %dma_wait3A_476] : memref<10240x64xf32, #tpu.memory_space<vmem_shared>> -> memref<80x64xf32, #tpu.memory_space<vmem_shared>>
      tpu.wait_dma2 semaphore(%run_scoped3A_469 : memref<!tpu.dma_semaphore, #tpu.memory_space<semaphore_mem>>) src(%dma_wait3A_477 : memref<80x64xf32, #tpu.memory_space<vmem_shared>>) dst(%arg13 : memref<80x64xf32, #tpu.memory_space<vmem>>)
      tpu.yield
    }) : () -> ()
    %mul3A_439 = arith.constant 64 : i32
    %mul3A_440 = arith.muli %arg0, %mul3A_439 : i32
    "tpu.region"() ({
      %run_scoped3A_469 = tpu.sem_alloc : memref<!tpu.dma_semaphore, #tpu.memory_space<semaphore_mem>>
      %dma_start3A_470 = tpu.memref_slice %arg4[%add3A_438, %mul3A_440] : memref<10240x128xf32, #tpu.memory_space<hbm>> -> memref<80x64xf32, #tpu.memory_space<hbm>>
      %dma_start3A_471 = tpu.memref_slice %arg4[%add3A_438, %mul3A_440] : memref<10240x128xf32, #tpu.memory_space<hbm>> -> memref<80x64xf32, #tpu.memory_space<hbm>>
      tpu.enqueue_dma source(%arg13 : memref<80x64xf32, #tpu.memory_space<vmem>>) target(%dma_start3A_471 : memref<80x64xf32, #tpu.memory_space<hbm>>) target_semaphore(%run_scoped3A_469 : memref<!tpu.dma_semaphore, #tpu.memory_space<semaphore_mem>>)
      %dma_wait3A_472 = tpu.memref_slice %arg4[%add3A_438, %mul3A_440] : memref<10240x128xf32, #tpu.memory_space<hbm>> -> memref<80x64xf32, #tpu.memory_space<hbm>>
      %dma_wait3A_473 = tpu.memref_slice %arg4[%add3A_438, %mul3A_440] : memref<10240x128xf32, #tpu.memory_space<hbm>> -> memref<80x64xf32, #tpu.memory_space<hbm>>
      tpu.wait_dma2 semaphore(%run_scoped3A_469 : memref<!tpu.dma_semaphore, #tpu.memory_space<semaphore_mem>>) src(%arg13 : memref<80x64xf32, #tpu.memory_space<vmem>>) dst(%dma_wait3A_473 : memref<80x64xf32, #tpu.memory_space<hbm>>)
      tpu.yield
    }) : () -> ()
    %add3A_441 = arith.constant 160 : i32
    %add3A_442 = arith.addi %mul3A_2, %add3A_441 : i32
    "tpu.region"() ({
      %run_scoped3A_469 = tpu.sem_alloc : memref<!tpu.dma_semaphore, #tpu.memory_space<semaphore_mem>>
      %dma_start3A_470 = arith.constant 0 : i32
      %dma_start3A_471 = tpu.memref_slice %arg14[%add3A_442, %dma_start3A_470] : memref<10240x64xf32, #tpu.memory_space<vmem_shared>> -> memref<80x64xf32, #tpu.memory_space<vmem_shared>>
      %dma_start3A_472 = arith.constant 0 : i32
      %dma_start3A_473 = tpu.memref_slice %arg14[%add3A_442, %dma_start3A_472] : memref<10240x64xf32, #tpu.memory_space<vmem_shared>> -> memref<80x64xf32, #tpu.memory_space<vmem_shared>>
      tpu.enqueue_dma source(%dma_start3A_473 : memref<80x64xf32, #tpu.memory_space<vmem_shared>>) target(%arg13 : memref<80x64xf32, #tpu.memory_space<vmem>>) target_semaphore(%run_scoped3A_469 : memref<!tpu.dma_semaphore, #tpu.memory_space<semaphore_mem>>)
      %dma_wait3A_474 = arith.constant 0 : i32
      %dma_wait3A_475 = tpu.memref_slice %arg14[%add3A_442, %dma_wait3A_474] : memref<10240x64xf32, #tpu.memory_space<vmem_shared>> -> memref<80x64xf32, #tpu.memory_space<vmem_shared>>
      %dma_wait3A_476 = arith.constant 0 : i32
      %dma_wait3A_477 = tpu.memref_slice %arg14[%add3A_442, %dma_wait3A_476] : memref<10240x64xf32, #tpu.memory_space<vmem_shared>> -> memref<80x64xf32, #tpu.memory_space<vmem_shared>>
      tpu.wait_dma2 semaphore(%run_scoped3A_469 : memref<!tpu.dma_semaphore, #tpu.memory_space<semaphore_mem>>) src(%dma_wait3A_477 : memref<80x64xf32, #tpu.memory_space<vmem_shared>>) dst(%arg13 : memref<80x64xf32, #tpu.memory_space<vmem>>)
      tpu.yield
    }) : () -> ()
    %mul3A_443 = arith.constant 64 : i32
    %mul3A_444 = arith.muli %arg0, %mul3A_443 : i32
    "tpu.region"() ({
      %run_scoped3A_469 = tpu.sem_alloc : memref<!tpu.dma_semaphore, #tpu.memory_space<semaphore_mem>>
      %dma_start3A_470 = tpu.memref_slice %arg4[%add3A_442, %mul3A_444] : memref<10240x128xf32, #tpu.memory_space<hbm>> -> memref<80x64xf32, #tpu.memory_space<hbm>>
      %dma_start3A_471 = tpu.memref_slice %arg4[%add3A_442, %mul3A_444] : memref<10240x128xf32, #tpu.memory_space<hbm>> -> memref<80x64xf32, #tpu.memory_space<hbm>>
      tpu.enqueue_dma source(%arg13 : memref<80x64xf32, #tpu.memory_space<vmem>>) target(%dma_start3A_471 : memref<80x64xf32, #tpu.memory_space<hbm>>) target_semaphore(%run_scoped3A_469 : memref<!tpu.dma_semaphore, #tpu.memory_space<semaphore_mem>>)
      %dma_wait3A_472 = tpu.memref_slice %arg4[%add3A_442, %mul3A_444] : memref<10240x128xf32, #tpu.memory_space<hbm>> -> memref<80x64xf32, #tpu.memory_space<hbm>>
      %dma_wait3A_473 = tpu.memref_slice %arg4[%add3A_442, %mul3A_444] : memref<10240x128xf32, #tpu.memory_space<hbm>> -> memref<80x64xf32, #tpu.memory_space<hbm>>
      tpu.wait_dma2 semaphore(%run_scoped3A_469 : memref<!tpu.dma_semaphore, #tpu.memory_space<semaphore_mem>>) src(%arg13 : memref<80x64xf32, #tpu.memory_space<vmem>>) dst(%dma_wait3A_473 : memref<80x64xf32, #tpu.memory_space<hbm>>)
      tpu.yield
    }) : () -> ()
    %add3A_445 = arith.constant 240 : i32
    %add3A_446 = arith.addi %mul3A_2, %add3A_445 : i32
    "tpu.region"() ({
      %run_scoped3A_469 = tpu.sem_alloc : memref<!tpu.dma_semaphore, #tpu.memory_space<semaphore_mem>>
      %dma_start3A_470 = arith.constant 0 : i32
      %dma_start3A_471 = tpu.memref_slice %arg14[%add3A_446, %dma_start3A_470] : memref<10240x64xf32, #tpu.memory_space<vmem_shared>> -> memref<80x64xf32, #tpu.memory_space<vmem_shared>>
      %dma_start3A_472 = arith.constant 0 : i32
      %dma_start3A_473 = tpu.memref_slice %arg14[%add3A_446, %dma_start3A_472] : memref<10240x64xf32, #tpu.memory_space<vmem_shared>> -> memref<80x64xf32, #tpu.memory_space<vmem_shared>>
      tpu.enqueue_dma source(%dma_start3A_473 : memref<80x64xf32, #tpu.memory_space<vmem_shared>>) target(%arg13 : memref<80x64xf32, #tpu.memory_space<vmem>>) target_semaphore(%run_scoped3A_469 : memref<!tpu.dma_semaphore, #tpu.memory_space<semaphore_mem>>)
      %dma_wait3A_474 = arith.constant 0 : i32
      %dma_wait3A_475 = tpu.memref_slice %arg14[%add3A_446, %dma_wait3A_474] : memref<10240x64xf32, #tpu.memory_space<vmem_shared>> -> memref<80x64xf32, #tpu.memory_space<vmem_shared>>
      %dma_wait3A_476 = arith.constant 0 : i32
      %dma_wait3A_477 = tpu.memref_slice %arg14[%add3A_446, %dma_wait3A_476] : memref<10240x64xf32, #tpu.memory_space<vmem_shared>> -> memref<80x64xf32, #tpu.memory_space<vmem_shared>>
      tpu.wait_dma2 semaphore(%run_scoped3A_469 : memref<!tpu.dma_semaphore, #tpu.memory_space<semaphore_mem>>) src(%dma_wait3A_477 : memref<80x64xf32, #tpu.memory_space<vmem_shared>>) dst(%arg13 : memref<80x64xf32, #tpu.memory_space<vmem>>)
      tpu.yield
    }) : () -> ()
    %mul3A_447 = arith.constant 64 : i32
    %mul3A_448 = arith.muli %arg0, %mul3A_447 : i32
    "tpu.region"() ({
      %run_scoped3A_469 = tpu.sem_alloc : memref<!tpu.dma_semaphore, #tpu.memory_space<semaphore_mem>>
      %dma_start3A_470 = tpu.memref_slice %arg4[%add3A_446, %mul3A_448] : memref<10240x128xf32, #tpu.memory_space<hbm>> -> memref<80x64xf32, #tpu.memory_space<hbm>>
      %dma_start3A_471 = tpu.memref_slice %arg4[%add3A_446, %mul3A_448] : memref<10240x128xf32, #tpu.memory_space<hbm>> -> memref<80x64xf32, #tpu.memory_space<hbm>>
      tpu.enqueue_dma source(%arg13 : memref<80x64xf32, #tpu.memory_space<vmem>>) target(%dma_start3A_471 : memref<80x64xf32, #tpu.memory_space<hbm>>) target_semaphore(%run_scoped3A_469 : memref<!tpu.dma_semaphore, #tpu.memory_space<semaphore_mem>>)
      %dma_wait3A_472 = tpu.memref_slice %arg4[%add3A_446, %mul3A_448] : memref<10240x128xf32, #tpu.memory_space<hbm>> -> memref<80x64xf32, #tpu.memory_space<hbm>>
      %dma_wait3A_473 = tpu.memref_slice %arg4[%add3A_446, %mul3A_448] : memref<10240x128xf32, #tpu.memory_space<hbm>> -> memref<80x64xf32, #tpu.memory_space<hbm>>
      tpu.wait_dma2 semaphore(%run_scoped3A_469 : memref<!tpu.dma_semaphore, #tpu.memory_space<semaphore_mem>>) src(%arg13 : memref<80x64xf32, #tpu.memory_space<vmem>>) dst(%dma_wait3A_473 : memref<80x64xf32, #tpu.memory_space<hbm>>)
      tpu.yield
    }) : () -> ()
    %add3A_449 = arith.constant 320 : i32
    %add3A_450 = arith.addi %mul3A_2, %add3A_449 : i32
    "tpu.region"() ({
      %run_scoped3A_469 = tpu.sem_alloc : memref<!tpu.dma_semaphore, #tpu.memory_space<semaphore_mem>>
      %dma_start3A_470 = arith.constant 0 : i32
      %dma_start3A_471 = tpu.memref_slice %arg14[%add3A_450, %dma_start3A_470] : memref<10240x64xf32, #tpu.memory_space<vmem_shared>> -> memref<80x64xf32, #tpu.memory_space<vmem_shared>>
      %dma_start3A_472 = arith.constant 0 : i32
      %dma_start3A_473 = tpu.memref_slice %arg14[%add3A_450, %dma_start3A_472] : memref<10240x64xf32, #tpu.memory_space<vmem_shared>> -> memref<80x64xf32, #tpu.memory_space<vmem_shared>>
      tpu.enqueue_dma source(%dma_start3A_473 : memref<80x64xf32, #tpu.memory_space<vmem_shared>>) target(%arg13 : memref<80x64xf32, #tpu.memory_space<vmem>>) target_semaphore(%run_scoped3A_469 : memref<!tpu.dma_semaphore, #tpu.memory_space<semaphore_mem>>)
      %dma_wait3A_474 = arith.constant 0 : i32
      %dma_wait3A_475 = tpu.memref_slice %arg14[%add3A_450, %dma_wait3A_474] : memref<10240x64xf32, #tpu.memory_space<vmem_shared>> -> memref<80x64xf32, #tpu.memory_space<vmem_shared>>
      %dma_wait3A_476 = arith.constant 0 : i32
      %dma_wait3A_477 = tpu.memref_slice %arg14[%add3A_450, %dma_wait3A_476] : memref<10240x64xf32, #tpu.memory_space<vmem_shared>> -> memref<80x64xf32, #tpu.memory_space<vmem_shared>>
      tpu.wait_dma2 semaphore(%run_scoped3A_469 : memref<!tpu.dma_semaphore, #tpu.memory_space<semaphore_mem>>) src(%dma_wait3A_477 : memref<80x64xf32, #tpu.memory_space<vmem_shared>>) dst(%arg13 : memref<80x64xf32, #tpu.memory_space<vmem>>)
      tpu.yield
    }) : () -> ()
    %mul3A_451 = arith.constant 64 : i32
    %mul3A_452 = arith.muli %arg0, %mul3A_451 : i32
    "tpu.region"() ({
      %run_scoped3A_469 = tpu.sem_alloc : memref<!tpu.dma_semaphore, #tpu.memory_space<semaphore_mem>>
      %dma_start3A_470 = tpu.memref_slice %arg4[%add3A_450, %mul3A_452] : memref<10240x128xf32, #tpu.memory_space<hbm>> -> memref<80x64xf32, #tpu.memory_space<hbm>>
      %dma_start3A_471 = tpu.memref_slice %arg4[%add3A_450, %mul3A_452] : memref<10240x128xf32, #tpu.memory_space<hbm>> -> memref<80x64xf32, #tpu.memory_space<hbm>>
      tpu.enqueue_dma source(%arg13 : memref<80x64xf32, #tpu.memory_space<vmem>>) target(%dma_start3A_471 : memref<80x64xf32, #tpu.memory_space<hbm>>) target_semaphore(%run_scoped3A_469 : memref<!tpu.dma_semaphore, #tpu.memory_space<semaphore_mem>>)
      %dma_wait3A_472 = tpu.memref_slice %arg4[%add3A_450, %mul3A_452] : memref<10240x128xf32, #tpu.memory_space<hbm>> -> memref<80x64xf32, #tpu.memory_space<hbm>>
      %dma_wait3A_473 = tpu.memref_slice %arg4[%add3A_450, %mul3A_452] : memref<10240x128xf32, #tpu.memory_space<hbm>> -> memref<80x64xf32, #tpu.memory_space<hbm>>
      tpu.wait_dma2 semaphore(%run_scoped3A_469 : memref<!tpu.dma_semaphore, #tpu.memory_space<semaphore_mem>>) src(%arg13 : memref<80x64xf32, #tpu.memory_space<vmem>>) dst(%dma_wait3A_473 : memref<80x64xf32, #tpu.memory_space<hbm>>)
      tpu.yield
    }) : () -> ()
    %add3A_453 = arith.constant 400 : i32
    %add3A_454 = arith.addi %mul3A_2, %add3A_453 : i32
    "tpu.region"() ({
      %run_scoped3A_469 = tpu.sem_alloc : memref<!tpu.dma_semaphore, #tpu.memory_space<semaphore_mem>>
      %dma_start3A_470 = arith.constant 0 : i32
      %dma_start3A_471 = tpu.memref_slice %arg14[%add3A_454, %dma_start3A_470] : memref<10240x64xf32, #tpu.memory_space<vmem_shared>> -> memref<80x64xf32, #tpu.memory_space<vmem_shared>>
      %dma_start3A_472 = arith.constant 0 : i32
      %dma_start3A_473 = tpu.memref_slice %arg14[%add3A_454, %dma_start3A_472] : memref<10240x64xf32, #tpu.memory_space<vmem_shared>> -> memref<80x64xf32, #tpu.memory_space<vmem_shared>>
      tpu.enqueue_dma source(%dma_start3A_473 : memref<80x64xf32, #tpu.memory_space<vmem_shared>>) target(%arg13 : memref<80x64xf32, #tpu.memory_space<vmem>>) target_semaphore(%run_scoped3A_469 : memref<!tpu.dma_semaphore, #tpu.memory_space<semaphore_mem>>)
      %dma_wait3A_474 = arith.constant 0 : i32
      %dma_wait3A_475 = tpu.memref_slice %arg14[%add3A_454, %dma_wait3A_474] : memref<10240x64xf32, #tpu.memory_space<vmem_shared>> -> memref<80x64xf32, #tpu.memory_space<vmem_shared>>
      %dma_wait3A_476 = arith.constant 0 : i32
      %dma_wait3A_477 = tpu.memref_slice %arg14[%add3A_454, %dma_wait3A_476] : memref<10240x64xf32, #tpu.memory_space<vmem_shared>> -> memref<80x64xf32, #tpu.memory_space<vmem_shared>>
      tpu.wait_dma2 semaphore(%run_scoped3A_469 : memref<!tpu.dma_semaphore, #tpu.memory_space<semaphore_mem>>) src(%dma_wait3A_477 : memref<80x64xf32, #tpu.memory_space<vmem_shared>>) dst(%arg13 : memref<80x64xf32, #tpu.memory_space<vmem>>)
      tpu.yield
    }) : () -> ()
    %mul3A_455 = arith.constant 64 : i32
    %mul3A_456 = arith.muli %arg0, %mul3A_455 : i32
    "tpu.region"() ({
      %run_scoped3A_469 = tpu.sem_alloc : memref<!tpu.dma_semaphore, #tpu.memory_space<semaphore_mem>>
      %dma_start3A_470 = tpu.memref_slice %arg4[%add3A_454, %mul3A_456] : memref<10240x128xf32, #tpu.memory_space<hbm>> -> memref<80x64xf32, #tpu.memory_space<hbm>>
      %dma_start3A_471 = tpu.memref_slice %arg4[%add3A_454, %mul3A_456] : memref<10240x128xf32, #tpu.memory_space<hbm>> -> memref<80x64xf32, #tpu.memory_space<hbm>>
      tpu.enqueue_dma source(%arg13 : memref<80x64xf32, #tpu.memory_space<vmem>>) target(%dma_start3A_471 : memref<80x64xf32, #tpu.memory_space<hbm>>) target_semaphore(%run_scoped3A_469 : memref<!tpu.dma_semaphore, #tpu.memory_space<semaphore_mem>>)
      %dma_wait3A_472 = tpu.memref_slice %arg4[%add3A_454, %mul3A_456] : memref<10240x128xf32, #tpu.memory_space<hbm>> -> memref<80x64xf32, #tpu.memory_space<hbm>>
      %dma_wait3A_473 = tpu.memref_slice %arg4[%add3A_454, %mul3A_456] : memref<10240x128xf32, #tpu.memory_space<hbm>> -> memref<80x64xf32, #tpu.memory_space<hbm>>
      tpu.wait_dma2 semaphore(%run_scoped3A_469 : memref<!tpu.dma_semaphore, #tpu.memory_space<semaphore_mem>>) src(%arg13 : memref<80x64xf32, #tpu.memory_space<vmem>>) dst(%dma_wait3A_473 : memref<80x64xf32, #tpu.memory_space<hbm>>)
      tpu.yield
    }) : () -> ()
    %add3A_457 = arith.constant 480 : i32
    %add3A_458 = arith.addi %mul3A_2, %add3A_457 : i32
    "tpu.region"() ({
      %run_scoped3A_469 = tpu.sem_alloc : memref<!tpu.dma_semaphore, #tpu.memory_space<semaphore_mem>>
      %dma_start3A_470 = arith.constant 0 : i32
      %dma_start3A_471 = tpu.memref_slice %arg14[%add3A_458, %dma_start3A_470] : memref<10240x64xf32, #tpu.memory_space<vmem_shared>> -> memref<80x64xf32, #tpu.memory_space<vmem_shared>>
      %dma_start3A_472 = arith.constant 0 : i32
      %dma_start3A_473 = tpu.memref_slice %arg14[%add3A_458, %dma_start3A_472] : memref<10240x64xf32, #tpu.memory_space<vmem_shared>> -> memref<80x64xf32, #tpu.memory_space<vmem_shared>>
      tpu.enqueue_dma source(%dma_start3A_473 : memref<80x64xf32, #tpu.memory_space<vmem_shared>>) target(%arg13 : memref<80x64xf32, #tpu.memory_space<vmem>>) target_semaphore(%run_scoped3A_469 : memref<!tpu.dma_semaphore, #tpu.memory_space<semaphore_mem>>)
      %dma_wait3A_474 = arith.constant 0 : i32
      %dma_wait3A_475 = tpu.memref_slice %arg14[%add3A_458, %dma_wait3A_474] : memref<10240x64xf32, #tpu.memory_space<vmem_shared>> -> memref<80x64xf32, #tpu.memory_space<vmem_shared>>
      %dma_wait3A_476 = arith.constant 0 : i32
      %dma_wait3A_477 = tpu.memref_slice %arg14[%add3A_458, %dma_wait3A_476] : memref<10240x64xf32, #tpu.memory_space<vmem_shared>> -> memref<80x64xf32, #tpu.memory_space<vmem_shared>>
      tpu.wait_dma2 semaphore(%run_scoped3A_469 : memref<!tpu.dma_semaphore, #tpu.memory_space<semaphore_mem>>) src(%dma_wait3A_477 : memref<80x64xf32, #tpu.memory_space<vmem_shared>>) dst(%arg13 : memref<80x64xf32, #tpu.memory_space<vmem>>)
      tpu.yield
    }) : () -> ()
    %mul3A_459 = arith.constant 64 : i32
    %mul3A_460 = arith.muli %arg0, %mul3A_459 : i32
    "tpu.region"() ({
      %run_scoped3A_469 = tpu.sem_alloc : memref<!tpu.dma_semaphore, #tpu.memory_space<semaphore_mem>>
      %dma_start3A_470 = tpu.memref_slice %arg4[%add3A_458, %mul3A_460] : memref<10240x128xf32, #tpu.memory_space<hbm>> -> memref<80x64xf32, #tpu.memory_space<hbm>>
      %dma_start3A_471 = tpu.memref_slice %arg4[%add3A_458, %mul3A_460] : memref<10240x128xf32, #tpu.memory_space<hbm>> -> memref<80x64xf32, #tpu.memory_space<hbm>>
      tpu.enqueue_dma source(%arg13 : memref<80x64xf32, #tpu.memory_space<vmem>>) target(%dma_start3A_471 : memref<80x64xf32, #tpu.memory_space<hbm>>) target_semaphore(%run_scoped3A_469 : memref<!tpu.dma_semaphore, #tpu.memory_space<semaphore_mem>>)
      %dma_wait3A_472 = tpu.memref_slice %arg4[%add3A_458, %mul3A_460] : memref<10240x128xf32, #tpu.memory_space<hbm>> -> memref<80x64xf32, #tpu.memory_space<hbm>>
      %dma_wait3A_473 = tpu.memref_slice %arg4[%add3A_458, %mul3A_460] : memref<10240x128xf32, #tpu.memory_space<hbm>> -> memref<80x64xf32, #tpu.memory_space<hbm>>
      tpu.wait_dma2 semaphore(%run_scoped3A_469 : memref<!tpu.dma_semaphore, #tpu.memory_space<semaphore_mem>>) src(%arg13 : memref<80x64xf32, #tpu.memory_space<vmem>>) dst(%dma_wait3A_473 : memref<80x64xf32, #tpu.memory_space<hbm>>)
      tpu.yield
    }) : () -> ()
    %add3A_461 = arith.constant 560 : i32
    %add3A_462 = arith.addi %mul3A_2, %add3A_461 : i32
    "tpu.region"() ({
      %run_scoped3A_469 = tpu.sem_alloc : memref<!tpu.dma_semaphore, #tpu.memory_space<semaphore_mem>>
      %dma_start3A_470 = arith.constant 0 : i32
      %dma_start3A_471 = tpu.memref_slice %arg14[%add3A_462, %dma_start3A_470] : memref<10240x64xf32, #tpu.memory_space<vmem_shared>> -> memref<80x64xf32, #tpu.memory_space<vmem_shared>>
      %dma_start3A_472 = arith.constant 0 : i32
      %dma_start3A_473 = tpu.memref_slice %arg14[%add3A_462, %dma_start3A_472] : memref<10240x64xf32, #tpu.memory_space<vmem_shared>> -> memref<80x64xf32, #tpu.memory_space<vmem_shared>>
      tpu.enqueue_dma source(%dma_start3A_473 : memref<80x64xf32, #tpu.memory_space<vmem_shared>>) target(%arg13 : memref<80x64xf32, #tpu.memory_space<vmem>>) target_semaphore(%run_scoped3A_469 : memref<!tpu.dma_semaphore, #tpu.memory_space<semaphore_mem>>)
      %dma_wait3A_474 = arith.constant 0 : i32
      %dma_wait3A_475 = tpu.memref_slice %arg14[%add3A_462, %dma_wait3A_474] : memref<10240x64xf32, #tpu.memory_space<vmem_shared>> -> memref<80x64xf32, #tpu.memory_space<vmem_shared>>
      %dma_wait3A_476 = arith.constant 0 : i32
      %dma_wait3A_477 = tpu.memref_slice %arg14[%add3A_462, %dma_wait3A_476] : memref<10240x64xf32, #tpu.memory_space<vmem_shared>> -> memref<80x64xf32, #tpu.memory_space<vmem_shared>>
      tpu.wait_dma2 semaphore(%run_scoped3A_469 : memref<!tpu.dma_semaphore, #tpu.memory_space<semaphore_mem>>) src(%dma_wait3A_477 : memref<80x64xf32, #tpu.memory_space<vmem_shared>>) dst(%arg13 : memref<80x64xf32, #tpu.memory_space<vmem>>)
      tpu.yield
    }) : () -> ()
    %mul3A_463 = arith.constant 64 : i32
    %mul3A_464 = arith.muli %arg0, %mul3A_463 : i32
    "tpu.region"() ({
      %run_scoped3A_469 = tpu.sem_alloc : memref<!tpu.dma_semaphore, #tpu.memory_space<semaphore_mem>>
      %dma_start3A_470 = tpu.memref_slice %arg4[%add3A_462, %mul3A_464] : memref<10240x128xf32, #tpu.memory_space<hbm>> -> memref<80x64xf32, #tpu.memory_space<hbm>>
      %dma_start3A_471 = tpu.memref_slice %arg4[%add3A_462, %mul3A_464] : memref<10240x128xf32, #tpu.memory_space<hbm>> -> memref<80x64xf32, #tpu.memory_space<hbm>>
      tpu.enqueue_dma source(%arg13 : memref<80x64xf32, #tpu.memory_space<vmem>>) target(%dma_start3A_471 : memref<80x64xf32, #tpu.memory_space<hbm>>) target_semaphore(%run_scoped3A_469 : memref<!tpu.dma_semaphore, #tpu.memory_space<semaphore_mem>>)
      %dma_wait3A_472 = tpu.memref_slice %arg4[%add3A_462, %mul3A_464] : memref<10240x128xf32, #tpu.memory_space<hbm>> -> memref<80x64xf32, #tpu.memory_space<hbm>>
      %dma_wait3A_473 = tpu.memref_slice %arg4[%add3A_462, %mul3A_464] : memref<10240x128xf32, #tpu.memory_space<hbm>> -> memref<80x64xf32, #tpu.memory_space<hbm>>
      tpu.wait_dma2 semaphore(%run_scoped3A_469 : memref<!tpu.dma_semaphore, #tpu.memory_space<semaphore_mem>>) src(%arg13 : memref<80x64xf32, #tpu.memory_space<vmem>>) dst(%dma_wait3A_473 : memref<80x64xf32, #tpu.memory_space<hbm>>)
      tpu.yield
    }) : () -> ()
    %mul3A_465 = arith.constant 5 : i32
    %mul3A_466 = arith.muli %arg1, %mul3A_465 : i32
    "tpu.region"() ({
      %run_scoped3A_469 = tpu.sem_alloc : memref<!tpu.dma_semaphore, #tpu.memory_space<semaphore_mem>>
      %dma_start3A_470 = arith.constant 0 : i32
      %dma_start3A_471 = tpu.memref_slice %arg28[%mul3A_466, %dma_start3A_470] : memref<80x128xf32, #tpu.memory_space<vmem_shared>> -> memref<5x128xf32, #tpu.memory_space<vmem_shared>>
      %dma_start3A_472 = arith.constant 0 : i32
      %dma_start3A_473 = tpu.memref_slice %arg28[%mul3A_466, %dma_start3A_472] : memref<80x128xf32, #tpu.memory_space<vmem_shared>> -> memref<5x128xf32, #tpu.memory_space<vmem_shared>>
      tpu.enqueue_dma source(%dma_start3A_473 : memref<5x128xf32, #tpu.memory_space<vmem_shared>>) target(%arg27 : memref<5x128xf32, #tpu.memory_space<vmem>>) target_semaphore(%run_scoped3A_469 : memref<!tpu.dma_semaphore, #tpu.memory_space<semaphore_mem>>)
      %dma_wait3A_474 = arith.constant 0 : i32
      %dma_wait3A_475 = tpu.memref_slice %arg28[%mul3A_466, %dma_wait3A_474] : memref<80x128xf32, #tpu.memory_space<vmem_shared>> -> memref<5x128xf32, #tpu.memory_space<vmem_shared>>
      %dma_wait3A_476 = arith.constant 0 : i32
      %dma_wait3A_477 = tpu.memref_slice %arg28[%mul3A_466, %dma_wait3A_476] : memref<80x128xf32, #tpu.memory_space<vmem_shared>> -> memref<5x128xf32, #tpu.memory_space<vmem_shared>>
      tpu.wait_dma2 semaphore(%run_scoped3A_469 : memref<!tpu.dma_semaphore, #tpu.memory_space<semaphore_mem>>) src(%dma_wait3A_477 : memref<5x128xf32, #tpu.memory_space<vmem_shared>>) dst(%arg27 : memref<5x128xf32, #tpu.memory_space<vmem>>)
      tpu.yield
    }) : () -> ()
    %mul3A_467 = arith.constant 5 : i32
    %mul3A_468 = arith.muli %arg1, %mul3A_467 : i32
    "tpu.region"() ({
      %run_scoped3A_469 = tpu.sem_alloc : memref<!tpu.dma_semaphore, #tpu.memory_space<semaphore_mem>>
      %dma_start3A_470 = arith.constant 0 : i32
      %dma_start3A_471 = tpu.memref_slice %arg5[%arg0, %mul3A_468, %dma_start3A_470] : memref<2x80x128xf32, #tpu.memory_space<hbm>> -> memref<1x5x128xf32, #tpu.memory_space<hbm>>
      %dma_start3A_472 = tpu.memref_squeeze %dma_start3A_471 : memref<1x5x128xf32, #tpu.memory_space<hbm>> -> memref<5x128xf32, #tpu.memory_space<hbm>>
      %dma_start3A_473 = arith.constant 0 : i32
      %dma_start3A_474 = tpu.memref_slice %arg5[%arg0, %mul3A_468, %dma_start3A_473] : memref<2x80x128xf32, #tpu.memory_space<hbm>> -> memref<1x5x128xf32, #tpu.memory_space<hbm>>
      %dma_start3A_475 = tpu.memref_squeeze %dma_start3A_474 : memref<1x5x128xf32, #tpu.memory_space<hbm>> -> memref<5x128xf32, #tpu.memory_space<hbm>>
      tpu.enqueue_dma source(%arg27 : memref<5x128xf32, #tpu.memory_space<vmem>>) target(%dma_start3A_475 : memref<5x128xf32, #tpu.memory_space<hbm>>) target_semaphore(%run_scoped3A_469 : memref<!tpu.dma_semaphore, #tpu.memory_space<semaphore_mem>>)
      %dma_wait3A_476 = arith.constant 0 : i32
      %dma_wait3A_477 = tpu.memref_slice %arg5[%arg0, %mul3A_468, %dma_wait3A_476] : memref<2x80x128xf32, #tpu.memory_space<hbm>> -> memref<1x5x128xf32, #tpu.memory_space<hbm>>
      %dma_wait3A_478 = tpu.memref_squeeze %dma_wait3A_477 : memref<1x5x128xf32, #tpu.memory_space<hbm>> -> memref<5x128xf32, #tpu.memory_space<hbm>>
      %dma_wait3A_479 = arith.constant 0 : i32
      %dma_wait3A_480 = tpu.memref_slice %arg5[%arg0, %mul3A_468, %dma_wait3A_479] : memref<2x80x128xf32, #tpu.memory_space<hbm>> -> memref<1x5x128xf32, #tpu.memory_space<hbm>>
      %dma_wait3A_481 = tpu.memref_squeeze %dma_wait3A_480 : memref<1x5x128xf32, #tpu.memory_space<hbm>> -> memref<5x128xf32, #tpu.memory_space<hbm>>
      tpu.wait_dma2 semaphore(%run_scoped3A_469 : memref<!tpu.dma_semaphore, #tpu.memory_space<semaphore_mem>>) src(%arg27 : memref<5x128xf32, #tpu.memory_space<vmem>>) dst(%dma_wait3A_481 : memref<5x128xf32, #tpu.memory_space<hbm>>)
      tpu.yield
    }) : () -> ()
    return
  }
}

#map = affine_map<(d0, d1) -> (0, 0)>
#map1 = affine_map<(d0, d1) -> (0, 0, 0, 0)>
module attributes {stable_mosaic.version = 14 : i64} {
  func.func @body(%arg0: i32, %arg1: i32, %arg2: memref<10000x64xf32, #tpu.memory_space<hbm>>, %arg3: memref<2x32x125x80xi32, #tpu.memory_space<hbm>>, %arg4: memref<10240x128xf32, #tpu.memory_space<hbm>>, %arg5: memref<125x80xi32, #tpu.memory_space<vmem>>, %arg6: memref<125x80xi32, #tpu.memory_space<vmem>>, %arg7: memref<80x64xf32, #tpu.memory_space<vmem>>, %arg8: memref<80x64xf32, #tpu.memory_space<vmem>>, %arg9: memref<80x64xf32, #tpu.memory_space<vmem>>, %arg10: memref<80x64xf32, #tpu.memory_space<vmem>>, %arg11: memref<80x64xf32, #tpu.memory_space<vmem>>, %arg12: memref<80x64xf32, #tpu.memory_space<vmem>>, %arg13: memref<10240x64xf32, #tpu.memory_space<vmem_shared>>, %arg14: memref<!tpu.dma_semaphore, #tpu.memory_space<semaphore_mem>>, %arg15: memref<!tpu.dma_semaphore, #tpu.memory_space<semaphore_mem>>, %arg16: memref<!tpu.dma_semaphore, #tpu.memory_space<semaphore_mem>>, %arg17: memref<!tpu.dma_semaphore, #tpu.memory_space<semaphore_mem>>, %arg18: memref<!tpu.dma_semaphore, #tpu.memory_space<semaphore_mem>>, %arg19: memref<!tpu.dma_semaphore, #tpu.memory_space<semaphore_mem>>, %arg20: memref<!tpu.dma_semaphore, #tpu.memory_space<semaphore_mem>>, %arg21: memref<!tpu.dma_semaphore, #tpu.memory_space<semaphore_mem>>, %arg22: memref<!tpu.dma_semaphore, #tpu.memory_space<semaphore_mem>>, %arg23: memref<!tpu.dma_semaphore, #tpu.memory_space<semaphore_mem>>) attributes {dimension_semantics = [#tpu.dimension_semantics<core_parallel>, #tpu.dimension_semantics<subcore_parallel>], iteration_bounds = array<i64: 2, 16>, scalar_prefetch = 0 : i64, scratch_operands = 19 : i64, tpu.core_type = #tpu.core_type<sc_vector_subcore>, window_params = [{transform_indices = #map}, {transform_indices = #map1}, {transform_indices = #map}]} {
    %mul3A = arith.constant 16 : i32
    %mul3A_0 = arith.muli %arg0, %mul3A : i32
    %add3A = arith.addi %mul3A_0, %arg1 : i32
    %mul3A_1 = arith.constant 640 : i32
    %mul3A_2 = arith.muli %arg1, %mul3A_1 : i32
    %broadcast_in_dim3A = arith.constant 0.000000e+00 : f32
    %broadcast_in_dim3A_3 = vector.broadcast %broadcast_in_dim3A : f32 to vector<16xf32>
    %scan3A = arith.constant 0 : i32
    %scan3A_4 = arith.constant 0 : i32
    %scan3A_5 = arith.constant 80 : i32
    %scan3A_6 = arith.addi %scan3A_4, %scan3A_5 : i32
    %scan3A_7 = arith.constant 1 : i32
    %scan3A_8 = scf.for %scan3A_345 = %scan3A_4 to %scan3A_6 step %scan3A_7 iter_args(%scan3A_346 = %scan3A) -> (i32)  : i32 {
      %swap3A = arith.index_cast %scan3A_345 : i32 to index
      %swap3A_347 = arith.constant 0 : index
      %swap3A_348 = tpu.vector_load %arg12[%swap3A, %swap3A_347] {strides = array<i32>} : memref<80x64xf32, #tpu.memory_space<vmem>>, vector<16xf32>,
      tpu.vector_store %arg12[%swap3A, %swap3A_347], %broadcast_in_dim3A_3 {strides = array<i32>} : memref<80x64xf32, #tpu.memory_space<vmem>>, vector<16xf32>,
      %swap3A_349 = arith.index_cast %scan3A_345 : i32 to index
      %swap3A_350 = arith.constant 16 : index
      %swap3A_351 = tpu.vector_load %arg12[%swap3A_349, %swap3A_350] {strides = array<i32>} : memref<80x64xf32, #tpu.memory_space<vmem>>, vector<16xf32>,
      tpu.vector_store %arg12[%swap3A_349, %swap3A_350], %broadcast_in_dim3A_3 {strides = array<i32>} : memref<80x64xf32, #tpu.memory_space<vmem>>, vector<16xf32>,
      %swap3A_352 = arith.index_cast %scan3A_345 : i32 to index
      %swap3A_353 = arith.constant 32 : index
      %swap3A_354 = tpu.vector_load %arg12[%swap3A_352, %swap3A_353] {strides = array<i32>} : memref<80x64xf32, #tpu.memory_space<vmem>>, vector<16xf32>,
      tpu.vector_store %arg12[%swap3A_352, %swap3A_353], %broadcast_in_dim3A_3 {strides = array<i32>} : memref<80x64xf32, #tpu.memory_space<vmem>>, vector<16xf32>,
      %swap3A_355 = arith.index_cast %scan3A_345 : i32 to index
      %swap3A_356 = arith.constant 48 : index
      %swap3A_357 = tpu.vector_load %arg12[%swap3A_355, %swap3A_356] {strides = array<i32>} : memref<80x64xf32, #tpu.memory_space<vmem>>, vector<16xf32>,
      tpu.vector_store %arg12[%swap3A_355, %swap3A_356], %broadcast_in_dim3A_3 {strides = array<i32>} : memref<80x64xf32, #tpu.memory_space<vmem>>, vector<16xf32>,
      %scan3A_358 = arith.constant 0 : i32
      scf.yield %scan3A_358 : i32
    }
    %scan3A_9 = arith.constant 80 : i32
    %add3A_10 = arith.constant 0 : i32
    %add3A_11 = arith.addi %mul3A_2, %add3A_10 : i32
    "tpu.region"() ({
      %run_scoped3A_345 = tpu.sem_alloc : memref<!tpu.dma_semaphore, #tpu.memory_space<semaphore_mem>>
      %dma_start3A_346 = arith.constant 0 : i32
      %dma_start3A_347 = tpu.memref_slice %arg13[%add3A_11, %dma_start3A_346] : memref<10240x64xf32, #tpu.memory_space<vmem_shared>> -> memref<80x64xf32, #tpu.memory_space<vmem_shared>>
      %dma_start3A_348 = arith.constant 0 : i32
      %dma_start3A_349 = tpu.memref_slice %arg13[%add3A_11, %dma_start3A_348] : memref<10240x64xf32, #tpu.memory_space<vmem_shared>> -> memref<80x64xf32, #tpu.memory_space<vmem_shared>>
      tpu.enqueue_dma source(%arg12 : memref<80x64xf32, #tpu.memory_space<vmem>>) target(%dma_start3A_349 : memref<80x64xf32, #tpu.memory_space<vmem_shared>>) target_semaphore(%run_scoped3A_345 : memref<!tpu.dma_semaphore, #tpu.memory_space<semaphore_mem>>)
      %dma_wait3A_350 = arith.constant 0 : i32
      %dma_wait3A_351 = tpu.memref_slice %arg13[%add3A_11, %dma_wait3A_350] : memref<10240x64xf32, #tpu.memory_space<vmem_shared>> -> memref<80x64xf32, #tpu.memory_space<vmem_shared>>
      %dma_wait3A_352 = arith.constant 0 : i32
      %dma_wait3A_353 = tpu.memref_slice %arg13[%add3A_11, %dma_wait3A_352] : memref<10240x64xf32, #tpu.memory_space<vmem_shared>> -> memref<80x64xf32, #tpu.memory_space<vmem_shared>>
      tpu.wait_dma2 semaphore(%run_scoped3A_345 : memref<!tpu.dma_semaphore, #tpu.memory_space<semaphore_mem>>) src(%arg12 : memref<80x64xf32, #tpu.memory_space<vmem>>) dst(%dma_wait3A_353 : memref<80x64xf32, #tpu.memory_space<vmem_shared>>)
      tpu.yield
    }) : () -> ()
    %add3A_12 = arith.constant 80 : i32
    %add3A_13 = arith.addi %mul3A_2, %add3A_12 : i32
    "tpu.region"() ({
      %run_scoped3A_345 = tpu.sem_alloc : memref<!tpu.dma_semaphore, #tpu.memory_space<semaphore_mem>>
      %dma_start3A_346 = arith.constant 0 : i32
      %dma_start3A_347 = tpu.memref_slice %arg13[%add3A_13, %dma_start3A_346] : memref<10240x64xf32, #tpu.memory_space<vmem_shared>> -> memref<80x64xf32, #tpu.memory_space<vmem_shared>>
      %dma_start3A_348 = arith.constant 0 : i32
      %dma_start3A_349 = tpu.memref_slice %arg13[%add3A_13, %dma_start3A_348] : memref<10240x64xf32, #tpu.memory_space<vmem_shared>> -> memref<80x64xf32, #tpu.memory_space<vmem_shared>>
      tpu.enqueue_dma source(%arg12 : memref<80x64xf32, #tpu.memory_space<vmem>>) target(%dma_start3A_349 : memref<80x64xf32, #tpu.memory_space<vmem_shared>>) target_semaphore(%run_scoped3A_345 : memref<!tpu.dma_semaphore, #tpu.memory_space<semaphore_mem>>)
      %dma_wait3A_350 = arith.constant 0 : i32
      %dma_wait3A_351 = tpu.memref_slice %arg13[%add3A_13, %dma_wait3A_350] : memref<10240x64xf32, #tpu.memory_space<vmem_shared>> -> memref<80x64xf32, #tpu.memory_space<vmem_shared>>
      %dma_wait3A_352 = arith.constant 0 : i32
      %dma_wait3A_353 = tpu.memref_slice %arg13[%add3A_13, %dma_wait3A_352] : memref<10240x64xf32, #tpu.memory_space<vmem_shared>> -> memref<80x64xf32, #tpu.memory_space<vmem_shared>>
      tpu.wait_dma2 semaphore(%run_scoped3A_345 : memref<!tpu.dma_semaphore, #tpu.memory_space<semaphore_mem>>) src(%arg12 : memref<80x64xf32, #tpu.memory_space<vmem>>) dst(%dma_wait3A_353 : memref<80x64xf32, #tpu.memory_space<vmem_shared>>)
      tpu.yield
    }) : () -> ()
    %add3A_14 = arith.constant 160 : i32
    %add3A_15 = arith.addi %mul3A_2, %add3A_14 : i32
    "tpu.region"() ({
      %run_scoped3A_345 = tpu.sem_alloc : memref<!tpu.dma_semaphore, #tpu.memory_space<semaphore_mem>>
      %dma_start3A_346 = arith.constant 0 : i32
      %dma_start3A_347 = tpu.memref_slice %arg13[%add3A_15, %dma_start3A_346] : memref<10240x64xf32, #tpu.memory_space<vmem_shared>> -> memref<80x64xf32, #tpu.memory_space<vmem_shared>>
      %dma_start3A_348 = arith.constant 0 : i32
      %dma_start3A_349 = tpu.memref_slice %arg13[%add3A_15, %dma_start3A_348] : memref<10240x64xf32, #tpu.memory_space<vmem_shared>> -> memref<80x64xf32, #tpu.memory_space<vmem_shared>>
      tpu.enqueue_dma source(%arg12 : memref<80x64xf32, #tpu.memory_space<vmem>>) target(%dma_start3A_349 : memref<80x64xf32, #tpu.memory_space<vmem_shared>>) target_semaphore(%run_scoped3A_345 : memref<!tpu.dma_semaphore, #tpu.memory_space<semaphore_mem>>)
      %dma_wait3A_350 = arith.constant 0 : i32
      %dma_wait3A_351 = tpu.memref_slice %arg13[%add3A_15, %dma_wait3A_350] : memref<10240x64xf32, #tpu.memory_space<vmem_shared>> -> memref<80x64xf32, #tpu.memory_space<vmem_shared>>
      %dma_wait3A_352 = arith.constant 0 : i32
      %dma_wait3A_353 = tpu.memref_slice %arg13[%add3A_15, %dma_wait3A_352] : memref<10240x64xf32, #tpu.memory_space<vmem_shared>> -> memref<80x64xf32, #tpu.memory_space<vmem_shared>>
      tpu.wait_dma2 semaphore(%run_scoped3A_345 : memref<!tpu.dma_semaphore, #tpu.memory_space<semaphore_mem>>) src(%arg12 : memref<80x64xf32, #tpu.memory_space<vmem>>) dst(%dma_wait3A_353 : memref<80x64xf32, #tpu.memory_space<vmem_shared>>)
      tpu.yield
    }) : () -> ()
    %add3A_16 = arith.constant 240 : i32
    %add3A_17 = arith.addi %mul3A_2, %add3A_16 : i32
    "tpu.region"() ({
      %run_scoped3A_345 = tpu.sem_alloc : memref<!tpu.dma_semaphore, #tpu.memory_space<semaphore_mem>>
      %dma_start3A_346 = arith.constant 0 : i32
      %dma_start3A_347 = tpu.memref_slice %arg13[%add3A_17, %dma_start3A_346] : memref<10240x64xf32, #tpu.memory_space<vmem_shared>> -> memref<80x64xf32, #tpu.memory_space<vmem_shared>>
      %dma_start3A_348 = arith.constant 0 : i32
      %dma_start3A_349 = tpu.memref_slice %arg13[%add3A_17, %dma_start3A_348] : memref<10240x64xf32, #tpu.memory_space<vmem_shared>> -> memref<80x64xf32, #tpu.memory_space<vmem_shared>>
      tpu.enqueue_dma source(%arg12 : memref<80x64xf32, #tpu.memory_space<vmem>>) target(%dma_start3A_349 : memref<80x64xf32, #tpu.memory_space<vmem_shared>>) target_semaphore(%run_scoped3A_345 : memref<!tpu.dma_semaphore, #tpu.memory_space<semaphore_mem>>)
      %dma_wait3A_350 = arith.constant 0 : i32
      %dma_wait3A_351 = tpu.memref_slice %arg13[%add3A_17, %dma_wait3A_350] : memref<10240x64xf32, #tpu.memory_space<vmem_shared>> -> memref<80x64xf32, #tpu.memory_space<vmem_shared>>
      %dma_wait3A_352 = arith.constant 0 : i32
      %dma_wait3A_353 = tpu.memref_slice %arg13[%add3A_17, %dma_wait3A_352] : memref<10240x64xf32, #tpu.memory_space<vmem_shared>> -> memref<80x64xf32, #tpu.memory_space<vmem_shared>>
      tpu.wait_dma2 semaphore(%run_scoped3A_345 : memref<!tpu.dma_semaphore, #tpu.memory_space<semaphore_mem>>) src(%arg12 : memref<80x64xf32, #tpu.memory_space<vmem>>) dst(%dma_wait3A_353 : memref<80x64xf32, #tpu.memory_space<vmem_shared>>)
      tpu.yield
    }) : () -> ()
    %add3A_18 = arith.constant 320 : i32
    %add3A_19 = arith.addi %mul3A_2, %add3A_18 : i32
    "tpu.region"() ({
      %run_scoped3A_345 = tpu.sem_alloc : memref<!tpu.dma_semaphore, #tpu.memory_space<semaphore_mem>>
      %dma_start3A_346 = arith.constant 0 : i32
      %dma_start3A_347 = tpu.memref_slice %arg13[%add3A_19, %dma_start3A_346] : memref<10240x64xf32, #tpu.memory_space<vmem_shared>> -> memref<80x64xf32, #tpu.memory_space<vmem_shared>>
      %dma_start3A_348 = arith.constant 0 : i32
      %dma_start3A_349 = tpu.memref_slice %arg13[%add3A_19, %dma_start3A_348] : memref<10240x64xf32, #tpu.memory_space<vmem_shared>> -> memref<80x64xf32, #tpu.memory_space<vmem_shared>>
      tpu.enqueue_dma source(%arg12 : memref<80x64xf32, #tpu.memory_space<vmem>>) target(%dma_start3A_349 : memref<80x64xf32, #tpu.memory_space<vmem_shared>>) target_semaphore(%run_scoped3A_345 : memref<!tpu.dma_semaphore, #tpu.memory_space<semaphore_mem>>)
      %dma_wait3A_350 = arith.constant 0 : i32
      %dma_wait3A_351 = tpu.memref_slice %arg13[%add3A_19, %dma_wait3A_350] : memref<10240x64xf32, #tpu.memory_space<vmem_shared>> -> memref<80x64xf32, #tpu.memory_space<vmem_shared>>
      %dma_wait3A_352 = arith.constant 0 : i32
      %dma_wait3A_353 = tpu.memref_slice %arg13[%add3A_19, %dma_wait3A_352] : memref<10240x64xf32, #tpu.memory_space<vmem_shared>> -> memref<80x64xf32, #tpu.memory_space<vmem_shared>>
      tpu.wait_dma2 semaphore(%run_scoped3A_345 : memref<!tpu.dma_semaphore, #tpu.memory_space<semaphore_mem>>) src(%arg12 : memref<80x64xf32, #tpu.memory_space<vmem>>) dst(%dma_wait3A_353 : memref<80x64xf32, #tpu.memory_space<vmem_shared>>)
      tpu.yield
    }) : () -> ()
    %add3A_20 = arith.constant 400 : i32
    %add3A_21 = arith.addi %mul3A_2, %add3A_20 : i32
    "tpu.region"() ({
      %run_scoped3A_345 = tpu.sem_alloc : memref<!tpu.dma_semaphore, #tpu.memory_space<semaphore_mem>>
      %dma_start3A_346 = arith.constant 0 : i32
      %dma_start3A_347 = tpu.memref_slice %arg13[%add3A_21, %dma_start3A_346] : memref<10240x64xf32, #tpu.memory_space<vmem_shared>> -> memref<80x64xf32, #tpu.memory_space<vmem_shared>>
      %dma_start3A_348 = arith.constant 0 : i32
      %dma_start3A_349 = tpu.memref_slice %arg13[%add3A_21, %dma_start3A_348] : memref<10240x64xf32, #tpu.memory_space<vmem_shared>> -> memref<80x64xf32, #tpu.memory_space<vmem_shared>>
      tpu.enqueue_dma source(%arg12 : memref<80x64xf32, #tpu.memory_space<vmem>>) target(%dma_start3A_349 : memref<80x64xf32, #tpu.memory_space<vmem_shared>>) target_semaphore(%run_scoped3A_345 : memref<!tpu.dma_semaphore, #tpu.memory_space<semaphore_mem>>)
      %dma_wait3A_350 = arith.constant 0 : i32
      %dma_wait3A_351 = tpu.memref_slice %arg13[%add3A_21, %dma_wait3A_350] : memref<10240x64xf32, #tpu.memory_space<vmem_shared>> -> memref<80x64xf32, #tpu.memory_space<vmem_shared>>
      %dma_wait3A_352 = arith.constant 0 : i32
      %dma_wait3A_353 = tpu.memref_slice %arg13[%add3A_21, %dma_wait3A_352] : memref<10240x64xf32, #tpu.memory_space<vmem_shared>> -> memref<80x64xf32, #tpu.memory_space<vmem_shared>>
      tpu.wait_dma2 semaphore(%run_scoped3A_345 : memref<!tpu.dma_semaphore, #tpu.memory_space<semaphore_mem>>) src(%arg12 : memref<80x64xf32, #tpu.memory_space<vmem>>) dst(%dma_wait3A_353 : memref<80x64xf32, #tpu.memory_space<vmem_shared>>)
      tpu.yield
    }) : () -> ()
    %add3A_22 = arith.constant 480 : i32
    %add3A_23 = arith.addi %mul3A_2, %add3A_22 : i32
    "tpu.region"() ({
      %run_scoped3A_345 = tpu.sem_alloc : memref<!tpu.dma_semaphore, #tpu.memory_space<semaphore_mem>>
      %dma_start3A_346 = arith.constant 0 : i32
      %dma_start3A_347 = tpu.memref_slice %arg13[%add3A_23, %dma_start3A_346] : memref<10240x64xf32, #tpu.memory_space<vmem_shared>> -> memref<80x64xf32, #tpu.memory_space<vmem_shared>>
      %dma_start3A_348 = arith.constant 0 : i32
      %dma_start3A_349 = tpu.memref_slice %arg13[%add3A_23, %dma_start3A_348] : memref<10240x64xf32, #tpu.memory_space<vmem_shared>> -> memref<80x64xf32, #tpu.memory_space<vmem_shared>>
      tpu.enqueue_dma source(%arg12 : memref<80x64xf32, #tpu.memory_space<vmem>>) target(%dma_start3A_349 : memref<80x64xf32, #tpu.memory_space<vmem_shared>>) target_semaphore(%run_scoped3A_345 : memref<!tpu.dma_semaphore, #tpu.memory_space<semaphore_mem>>)
      %dma_wait3A_350 = arith.constant 0 : i32
      %dma_wait3A_351 = tpu.memref_slice %arg13[%add3A_23, %dma_wait3A_350] : memref<10240x64xf32, #tpu.memory_space<vmem_shared>> -> memref<80x64xf32, #tpu.memory_space<vmem_shared>>
      %dma_wait3A_352 = arith.constant 0 : i32
      %dma_wait3A_353 = tpu.memref_slice %arg13[%add3A_23, %dma_wait3A_352] : memref<10240x64xf32, #tpu.memory_space<vmem_shared>> -> memref<80x64xf32, #tpu.memory_space<vmem_shared>>
      tpu.wait_dma2 semaphore(%run_scoped3A_345 : memref<!tpu.dma_semaphore, #tpu.memory_space<semaphore_mem>>) src(%arg12 : memref<80x64xf32, #tpu.memory_space<vmem>>) dst(%dma_wait3A_353 : memref<80x64xf32, #tpu.memory_space<vmem_shared>>)
      tpu.yield
    }) : () -> ()
    %add3A_24 = arith.constant 560 : i32
    %add3A_25 = arith.addi %mul3A_2, %add3A_24 : i32
    "tpu.region"() ({
      %run_scoped3A_345 = tpu.sem_alloc : memref<!tpu.dma_semaphore, #tpu.memory_space<semaphore_mem>>
      %dma_start3A_346 = arith.constant 0 : i32
      %dma_start3A_347 = tpu.memref_slice %arg13[%add3A_25, %dma_start3A_346] : memref<10240x64xf32, #tpu.memory_space<vmem_shared>> -> memref<80x64xf32, #tpu.memory_space<vmem_shared>>
      %dma_start3A_348 = arith.constant 0 : i32
      %dma_start3A_349 = tpu.memref_slice %arg13[%add3A_25, %dma_start3A_348] : memref<10240x64xf32, #tpu.memory_space<vmem_shared>> -> memref<80x64xf32, #tpu.memory_space<vmem_shared>>
      tpu.enqueue_dma source(%arg12 : memref<80x64xf32, #tpu.memory_space<vmem>>) target(%dma_start3A_349 : memref<80x64xf32, #tpu.memory_space<vmem_shared>>) target_semaphore(%run_scoped3A_345 : memref<!tpu.dma_semaphore, #tpu.memory_space<semaphore_mem>>)
      %dma_wait3A_350 = arith.constant 0 : i32
      %dma_wait3A_351 = tpu.memref_slice %arg13[%add3A_25, %dma_wait3A_350] : memref<10240x64xf32, #tpu.memory_space<vmem_shared>> -> memref<80x64xf32, #tpu.memory_space<vmem_shared>>
      %dma_wait3A_352 = arith.constant 0 : i32
      %dma_wait3A_353 = tpu.memref_slice %arg13[%add3A_25, %dma_wait3A_352] : memref<10240x64xf32, #tpu.memory_space<vmem_shared>> -> memref<80x64xf32, #tpu.memory_space<vmem_shared>>
      tpu.wait_dma2 semaphore(%run_scoped3A_345 : memref<!tpu.dma_semaphore, #tpu.memory_space<semaphore_mem>>) src(%arg12 : memref<80x64xf32, #tpu.memory_space<vmem>>) dst(%dma_wait3A_353 : memref<80x64xf32, #tpu.memory_space<vmem_shared>>)
      tpu.yield
    }) : () -> ()
    %barrier3A = arith.constant 0 : index
    tpu.barrier barrier_id(%barrier3A)
    %run_scoped3A = arith.constant 0 : i32
    "tpu.region"() ({
      %run_scoped3A_345 = tpu.sem_alloc : memref<!tpu.dma_semaphore, #tpu.memory_space<semaphore_mem>>
      %dma_start3A_346 = arith.constant 0 : i32
      %dma_start3A_347 = arith.constant 0 : i32
      %dma_start3A_348 = tpu.memref_slice %arg3[%run_scoped3A, %add3A, %dma_start3A_346, %dma_start3A_347] : memref<2x32x125x80xi32, #tpu.memory_space<hbm>> -> memref<1x1x125x80xi32, #tpu.memory_space<hbm>>
      %dma_start3A_349 = tpu.memref_squeeze %dma_start3A_348 : memref<1x1x125x80xi32, #tpu.memory_space<hbm>> -> memref<125x80xi32, #tpu.memory_space<hbm>>
      %dma_start3A_350 = arith.constant 0 : i32
      %dma_start3A_351 = arith.constant 0 : i32
      %dma_start3A_352 = tpu.memref_slice %arg3[%run_scoped3A, %add3A, %dma_start3A_350, %dma_start3A_351] : memref<2x32x125x80xi32, #tpu.memory_space<hbm>> -> memref<1x1x125x80xi32, #tpu.memory_space<hbm>>
      %dma_start3A_353 = tpu.memref_squeeze %dma_start3A_352 : memref<1x1x125x80xi32, #tpu.memory_space<hbm>> -> memref<125x80xi32, #tpu.memory_space<hbm>>
      tpu.enqueue_dma source(%dma_start3A_353 : memref<125x80xi32, #tpu.memory_space<hbm>>) target(%arg5 : memref<125x80xi32, #tpu.memory_space<vmem>>) target_semaphore(%run_scoped3A_345 : memref<!tpu.dma_semaphore, #tpu.memory_space<semaphore_mem>>)
      %dma_wait3A_354 = arith.constant 0 : i32
      %dma_wait3A_355 = arith.constant 0 : i32
      %dma_wait3A_356 = tpu.memref_slice %arg3[%run_scoped3A, %add3A, %dma_wait3A_354, %dma_wait3A_355] : memref<2x32x125x80xi32, #tpu.memory_space<hbm>> -> memref<1x1x125x80xi32, #tpu.memory_space<hbm>>
      %dma_wait3A_357 = tpu.memref_squeeze %dma_wait3A_356 : memref<1x1x125x80xi32, #tpu.memory_space<hbm>> -> memref<125x80xi32, #tpu.memory_space<hbm>>
      %dma_wait3A_358 = arith.constant 0 : i32
      %dma_wait3A_359 = arith.constant 0 : i32
      %dma_wait3A_360 = tpu.memref_slice %arg3[%run_scoped3A, %add3A, %dma_wait3A_358, %dma_wait3A_359] : memref<2x32x125x80xi32, #tpu.memory_space<hbm>> -> memref<1x1x125x80xi32, #tpu.memory_space<hbm>>
      %dma_wait3A_361 = tpu.memref_squeeze %dma_wait3A_360 : memref<1x1x125x80xi32, #tpu.memory_space<hbm>> -> memref<125x80xi32, #tpu.memory_space<hbm>>
      tpu.wait_dma2 semaphore(%run_scoped3A_345 : memref<!tpu.dma_semaphore, #tpu.memory_space<semaphore_mem>>) src(%dma_wait3A_361 : memref<125x80xi32, #tpu.memory_space<hbm>>) dst(%arg5 : memref<125x80xi32, #tpu.memory_space<vmem>>)
      tpu.yield
    }) : () -> ()
    %run_scoped3A_26 = arith.constant 1 : i32
    "tpu.region"() ({
      %run_scoped3A_345 = tpu.sem_alloc : memref<!tpu.dma_semaphore, #tpu.memory_space<semaphore_mem>>
      %dma_start3A_346 = arith.constant 0 : i32
      %dma_start3A_347 = arith.constant 0 : i32
      %dma_start3A_348 = tpu.memref_slice %arg3[%run_scoped3A_26, %add3A, %dma_start3A_346, %dma_start3A_347] : memref<2x32x125x80xi32, #tpu.memory_space<hbm>> -> memref<1x1x125x80xi32, #tpu.memory_space<hbm>>
      %dma_start3A_349 = tpu.memref_squeeze %dma_start3A_348 : memref<1x1x125x80xi32, #tpu.memory_space<hbm>> -> memref<125x80xi32, #tpu.memory_space<hbm>>
      %dma_start3A_350 = arith.constant 0 : i32
      %dma_start3A_351 = arith.constant 0 : i32
      %dma_start3A_352 = tpu.memref_slice %arg3[%run_scoped3A_26, %add3A, %dma_start3A_350, %dma_start3A_351] : memref<2x32x125x80xi32, #tpu.memory_space<hbm>> -> memref<1x1x125x80xi32, #tpu.memory_space<hbm>>
      %dma_start3A_353 = tpu.memref_squeeze %dma_start3A_352 : memref<1x1x125x80xi32, #tpu.memory_space<hbm>> -> memref<125x80xi32, #tpu.memory_space<hbm>>
      tpu.enqueue_dma source(%dma_start3A_353 : memref<125x80xi32, #tpu.memory_space<hbm>>) target(%arg6 : memref<125x80xi32, #tpu.memory_space<vmem>>) target_semaphore(%run_scoped3A_345 : memref<!tpu.dma_semaphore, #tpu.memory_space<semaphore_mem>>)
      %dma_wait3A_354 = arith.constant 0 : i32
      %dma_wait3A_355 = arith.constant 0 : i32
      %dma_wait3A_356 = tpu.memref_slice %arg3[%run_scoped3A_26, %add3A, %dma_wait3A_354, %dma_wait3A_355] : memref<2x32x125x80xi32, #tpu.memory_space<hbm>> -> memref<1x1x125x80xi32, #tpu.memory_space<hbm>>
      %dma_wait3A_357 = tpu.memref_squeeze %dma_wait3A_356 : memref<1x1x125x80xi32, #tpu.memory_space<hbm>> -> memref<125x80xi32, #tpu.memory_space<hbm>>
      %dma_wait3A_358 = arith.constant 0 : i32
      %dma_wait3A_359 = arith.constant 0 : i32
      %dma_wait3A_360 = tpu.memref_slice %arg3[%run_scoped3A_26, %add3A, %dma_wait3A_358, %dma_wait3A_359] : memref<2x32x125x80xi32, #tpu.memory_space<hbm>> -> memref<1x1x125x80xi32, #tpu.memory_space<hbm>>
      %dma_wait3A_361 = tpu.memref_squeeze %dma_wait3A_360 : memref<1x1x125x80xi32, #tpu.memory_space<hbm>> -> memref<125x80xi32, #tpu.memory_space<hbm>>
      tpu.wait_dma2 semaphore(%run_scoped3A_345 : memref<!tpu.dma_semaphore, #tpu.memory_space<semaphore_mem>>) src(%dma_wait3A_361 : memref<125x80xi32, #tpu.memory_space<hbm>>) dst(%arg6 : memref<125x80xi32, #tpu.memory_space<vmem>>)
      tpu.yield
    }) : () -> ()
    %dma_start3A = arith.constant 0 : i32
    %dma_start3A_27 = arith.constant 0 : i32
    %dma_start3A_28 = tpu.memref_slice %arg5[%dma_start3A, %dma_start3A_27] : memref<125x80xi32, #tpu.memory_space<vmem>> -> memref<1x80xi32, #tpu.memory_space<vmem>>
    %dma_start3A_29 = tpu.memref_squeeze %dma_start3A_28 : memref<1x80xi32, #tpu.memory_space<vmem>> -> memref<80xi32, #tpu.memory_space<vmem>>
    %dma_start3A_30 = arith.constant 0 : i32
    %dma_start3A_31 = arith.constant 0 : i32
    %dma_start3A_32 = tpu.memref_slice %arg2[%dma_start3A_30, %dma_start3A_31] : memref<10000x64xf32, #tpu.memory_space<hbm>> -> memref<10000x64xf32, #tpu.memory_space<hbm>>
    tpu.enqueue_indirect_dma source(%dma_start3A_32 : memref<10000x64xf32, #tpu.memory_space<hbm>>) target(%arg7 : memref<80x64xf32, #tpu.memory_space<vmem>>) offsets(%dma_start3A_29 : memref<80xi32, #tpu.memory_space<vmem>>) semaphore(%arg14 : memref<!tpu.dma_semaphore, #tpu.memory_space<semaphore_mem>>)
    %dma_start3A_33 = arith.constant 1 : i32
    %dma_start3A_34 = arith.constant 0 : i32
    %dma_start3A_35 = tpu.memref_slice %arg5[%dma_start3A_33, %dma_start3A_34] : memref<125x80xi32, #tpu.memory_space<vmem>> -> memref<1x80xi32, #tpu.memory_space<vmem>>
    %dma_start3A_36 = tpu.memref_squeeze %dma_start3A_35 : memref<1x80xi32, #tpu.memory_space<vmem>> -> memref<80xi32, #tpu.memory_space<vmem>>
    %dma_start3A_37 = arith.constant 0 : i32
    %dma_start3A_38 = arith.constant 0 : i32
    %dma_start3A_39 = tpu.memref_slice %arg2[%dma_start3A_37, %dma_start3A_38] : memref<10000x64xf32, #tpu.memory_space<hbm>> -> memref<10000x64xf32, #tpu.memory_space<hbm>>
    tpu.enqueue_indirect_dma source(%dma_start3A_39 : memref<10000x64xf32, #tpu.memory_space<hbm>>) target(%arg8 : memref<80x64xf32, #tpu.memory_space<vmem>>) offsets(%dma_start3A_36 : memref<80xi32, #tpu.memory_space<vmem>>) semaphore(%arg15 : memref<!tpu.dma_semaphore, #tpu.memory_space<semaphore_mem>>)
    %dma_start3A_40 = arith.constant 2 : i32
    %dma_start3A_41 = arith.constant 0 : i32
    %dma_start3A_42 = tpu.memref_slice %arg5[%dma_start3A_40, %dma_start3A_41] : memref<125x80xi32, #tpu.memory_space<vmem>> -> memref<1x80xi32, #tpu.memory_space<vmem>>
    %dma_start3A_43 = tpu.memref_squeeze %dma_start3A_42 : memref<1x80xi32, #tpu.memory_space<vmem>> -> memref<80xi32, #tpu.memory_space<vmem>>
    %dma_start3A_44 = arith.constant 0 : i32
    %dma_start3A_45 = arith.constant 0 : i32
    %dma_start3A_46 = tpu.memref_slice %arg2[%dma_start3A_44, %dma_start3A_45] : memref<10000x64xf32, #tpu.memory_space<hbm>> -> memref<10000x64xf32, #tpu.memory_space<hbm>>
    tpu.enqueue_indirect_dma source(%dma_start3A_46 : memref<10000x64xf32, #tpu.memory_space<hbm>>) target(%arg9 : memref<80x64xf32, #tpu.memory_space<vmem>>) offsets(%dma_start3A_43 : memref<80xi32, #tpu.memory_space<vmem>>) semaphore(%arg16 : memref<!tpu.dma_semaphore, #tpu.memory_space<semaphore_mem>>)
    %dma_start3A_47 = arith.constant 3 : i32
    %dma_start3A_48 = arith.constant 0 : i32
    %dma_start3A_49 = tpu.memref_slice %arg5[%dma_start3A_47, %dma_start3A_48] : memref<125x80xi32, #tpu.memory_space<vmem>> -> memref<1x80xi32, #tpu.memory_space<vmem>>
    %dma_start3A_50 = tpu.memref_squeeze %dma_start3A_49 : memref<1x80xi32, #tpu.memory_space<vmem>> -> memref<80xi32, #tpu.memory_space<vmem>>
    %dma_start3A_51 = arith.constant 0 : i32
    %dma_start3A_52 = arith.constant 0 : i32
    %dma_start3A_53 = tpu.memref_slice %arg2[%dma_start3A_51, %dma_start3A_52] : memref<10000x64xf32, #tpu.memory_space<hbm>> -> memref<10000x64xf32, #tpu.memory_space<hbm>>
    tpu.enqueue_indirect_dma source(%dma_start3A_53 : memref<10000x64xf32, #tpu.memory_space<hbm>>) target(%arg10 : memref<80x64xf32, #tpu.memory_space<vmem>>) offsets(%dma_start3A_50 : memref<80xi32, #tpu.memory_space<vmem>>) semaphore(%arg17 : memref<!tpu.dma_semaphore, #tpu.memory_space<semaphore_mem>>)
    %dma_wait3A = arith.constant 0 : i32
    %dma_wait3A_54 = arith.constant 0 : i32
    %dma_wait3A_55 = tpu.memref_slice %arg5[%dma_wait3A, %dma_wait3A_54] : memref<125x80xi32, #tpu.memory_space<vmem>> -> memref<1x80xi32, #tpu.memory_space<vmem>>
    %dma_wait3A_56 = tpu.memref_squeeze %dma_wait3A_55 : memref<1x80xi32, #tpu.memory_space<vmem>> -> memref<80xi32, #tpu.memory_space<vmem>>
    %dma_wait3A_57 = arith.constant 0 : i32
    %dma_wait3A_58 = arith.constant 0 : i32
    %dma_wait3A_59 = tpu.memref_slice %arg2[%dma_wait3A_57, %dma_wait3A_58] : memref<10000x64xf32, #tpu.memory_space<hbm>> -> memref<10000x64xf32, #tpu.memory_space<hbm>>
    tpu.wait_indirect_dma semaphore(%arg14 : memref<!tpu.dma_semaphore, #tpu.memory_space<semaphore_mem>>) src(%dma_wait3A_59 : memref<10000x64xf32, #tpu.memory_space<hbm>>) dst(%arg7 : memref<80x64xf32, #tpu.memory_space<vmem>>)
    %dma_start3A_60 = arith.constant 0 : i32
    %dma_start3A_61 = arith.constant 0 : i32
    %dma_start3A_62 = tpu.memref_slice %arg6[%dma_start3A_60, %dma_start3A_61] : memref<125x80xi32, #tpu.memory_space<vmem>> -> memref<1x80xi32, #tpu.memory_space<vmem>>
    %dma_start3A_63 = tpu.memref_squeeze %dma_start3A_62 : memref<1x80xi32, #tpu.memory_space<vmem>> -> memref<80xi32, #tpu.memory_space<vmem>>
    %dma_start3A_64 = arith.constant 0 : i32
    %dma_start3A_65 = arith.constant 0 : i32
    %dma_start3A_66 = tpu.memref_slice %arg13[%dma_start3A_64, %dma_start3A_65] : memref<10240x64xf32, #tpu.memory_space<vmem_shared>> -> memref<10240x64xf32, #tpu.memory_space<vmem_shared>>
    tpu.enqueue_indirect_dma source(%arg7 : memref<80x64xf32, #tpu.memory_space<vmem>>) target(%dma_start3A_66 : memref<10240x64xf32, #tpu.memory_space<vmem_shared>>) offsets(%dma_start3A_63 : memref<80xi32, #tpu.memory_space<vmem>>) semaphore(%arg19 : memref<!tpu.dma_semaphore, #tpu.memory_space<semaphore_mem>>) {add = true}
    %dma_start3A_67 = arith.constant 4 : i32
    %dma_start3A_68 = arith.constant 0 : i32
    %dma_start3A_69 = tpu.memref_slice %arg5[%dma_start3A_67, %dma_start3A_68] : memref<125x80xi32, #tpu.memory_space<vmem>> -> memref<1x80xi32, #tpu.memory_space<vmem>>
    %dma_start3A_70 = tpu.memref_squeeze %dma_start3A_69 : memref<1x80xi32, #tpu.memory_space<vmem>> -> memref<80xi32, #tpu.memory_space<vmem>>
    %dma_start3A_71 = arith.constant 0 : i32
    %dma_start3A_72 = arith.constant 0 : i32
    %dma_start3A_73 = tpu.memref_slice %arg2[%dma_start3A_71, %dma_start3A_72] : memref<10000x64xf32, #tpu.memory_space<hbm>> -> memref<10000x64xf32, #tpu.memory_space<hbm>>
    tpu.enqueue_indirect_dma source(%dma_start3A_73 : memref<10000x64xf32, #tpu.memory_space<hbm>>) target(%arg11 : memref<80x64xf32, #tpu.memory_space<vmem>>) offsets(%dma_start3A_70 : memref<80xi32, #tpu.memory_space<vmem>>) semaphore(%arg18 : memref<!tpu.dma_semaphore, #tpu.memory_space<semaphore_mem>>)
    %dma_wait3A_74 = arith.constant 1 : i32
    %dma_wait3A_75 = arith.constant 0 : i32
    %dma_wait3A_76 = tpu.memref_slice %arg5[%dma_wait3A_74, %dma_wait3A_75] : memref<125x80xi32, #tpu.memory_space<vmem>> -> memref<1x80xi32, #tpu.memory_space<vmem>>
    %dma_wait3A_77 = tpu.memref_squeeze %dma_wait3A_76 : memref<1x80xi32, #tpu.memory_space<vmem>> -> memref<80xi32, #tpu.memory_space<vmem>>
    %dma_wait3A_78 = arith.constant 0 : i32
    %dma_wait3A_79 = arith.constant 0 : i32
    %dma_wait3A_80 = tpu.memref_slice %arg2[%dma_wait3A_78, %dma_wait3A_79] : memref<10000x64xf32, #tpu.memory_space<hbm>> -> memref<10000x64xf32, #tpu.memory_space<hbm>>
    tpu.wait_indirect_dma semaphore(%arg15 : memref<!tpu.dma_semaphore, #tpu.memory_space<semaphore_mem>>) src(%dma_wait3A_80 : memref<10000x64xf32, #tpu.memory_space<hbm>>) dst(%arg8 : memref<80x64xf32, #tpu.memory_space<vmem>>)
    %dma_start3A_81 = arith.constant 1 : i32
    %dma_start3A_82 = arith.constant 0 : i32
    %dma_start3A_83 = tpu.memref_slice %arg6[%dma_start3A_81, %dma_start3A_82] : memref<125x80xi32, #tpu.memory_space<vmem>> -> memref<1x80xi32, #tpu.memory_space<vmem>>
    %dma_start3A_84 = tpu.memref_squeeze %dma_start3A_83 : memref<1x80xi32, #tpu.memory_space<vmem>> -> memref<80xi32, #tpu.memory_space<vmem>>
    %dma_start3A_85 = arith.constant 0 : i32
    %dma_start3A_86 = arith.constant 0 : i32
    %dma_start3A_87 = tpu.memref_slice %arg13[%dma_start3A_85, %dma_start3A_86] : memref<10240x64xf32, #tpu.memory_space<vmem_shared>> -> memref<10240x64xf32, #tpu.memory_space<vmem_shared>>
    tpu.enqueue_indirect_dma source(%arg8 : memref<80x64xf32, #tpu.memory_space<vmem>>) target(%dma_start3A_87 : memref<10240x64xf32, #tpu.memory_space<vmem_shared>>) offsets(%dma_start3A_84 : memref<80xi32, #tpu.memory_space<vmem>>) semaphore(%arg20 : memref<!tpu.dma_semaphore, #tpu.memory_space<semaphore_mem>>) {add = true}
    %dma_wait3A_88 = arith.constant 0 : i32
    %dma_wait3A_89 = arith.constant 0 : i32
    %dma_wait3A_90 = tpu.memref_slice %arg6[%dma_wait3A_88, %dma_wait3A_89] : memref<125x80xi32, #tpu.memory_space<vmem>> -> memref<1x80xi32, #tpu.memory_space<vmem>>
    %dma_wait3A_91 = tpu.memref_squeeze %dma_wait3A_90 : memref<1x80xi32, #tpu.memory_space<vmem>> -> memref<80xi32, #tpu.memory_space<vmem>>
    %dma_wait3A_92 = arith.constant 0 : i32
    %dma_wait3A_93 = arith.constant 0 : i32
    %dma_wait3A_94 = tpu.memref_slice %arg13[%dma_wait3A_92, %dma_wait3A_93] : memref<10240x64xf32, #tpu.memory_space<vmem_shared>> -> memref<10240x64xf32, #tpu.memory_space<vmem_shared>>
    tpu.wait_indirect_dma semaphore(%arg19 : memref<!tpu.dma_semaphore, #tpu.memory_space<semaphore_mem>>) src(%arg7 : memref<80x64xf32, #tpu.memory_space<vmem>>) dst(%dma_wait3A_94 : memref<10240x64xf32, #tpu.memory_space<vmem_shared>>)
    %dma_start3A_95 = arith.constant 5 : i32
    %dma_start3A_96 = arith.constant 0 : i32
    %dma_start3A_97 = tpu.memref_slice %arg5[%dma_start3A_95, %dma_start3A_96] : memref<125x80xi32, #tpu.memory_space<vmem>> -> memref<1x80xi32, #tpu.memory_space<vmem>>
    %dma_start3A_98 = tpu.memref_squeeze %dma_start3A_97 : memref<1x80xi32, #tpu.memory_space<vmem>> -> memref<80xi32, #tpu.memory_space<vmem>>
    %dma_start3A_99 = arith.constant 0 : i32
    %dma_start3A_100 = arith.constant 0 : i32
    %dma_start3A_101 = tpu.memref_slice %arg2[%dma_start3A_99, %dma_start3A_100] : memref<10000x64xf32, #tpu.memory_space<hbm>> -> memref<10000x64xf32, #tpu.memory_space<hbm>>
    tpu.enqueue_indirect_dma source(%dma_start3A_101 : memref<10000x64xf32, #tpu.memory_space<hbm>>) target(%arg7 : memref<80x64xf32, #tpu.memory_space<vmem>>) offsets(%dma_start3A_98 : memref<80xi32, #tpu.memory_space<vmem>>) semaphore(%arg14 : memref<!tpu.dma_semaphore, #tpu.memory_space<semaphore_mem>>)
    %dma_wait3A_102 = arith.constant 2 : i32
    %dma_wait3A_103 = arith.constant 0 : i32
    %dma_wait3A_104 = tpu.memref_slice %arg5[%dma_wait3A_102, %dma_wait3A_103] : memref<125x80xi32, #tpu.memory_space<vmem>> -> memref<1x80xi32, #tpu.memory_space<vmem>>
    %dma_wait3A_105 = tpu.memref_squeeze %dma_wait3A_104 : memref<1x80xi32, #tpu.memory_space<vmem>> -> memref<80xi32, #tpu.memory_space<vmem>>
    %dma_wait3A_106 = arith.constant 0 : i32
    %dma_wait3A_107 = arith.constant 0 : i32
    %dma_wait3A_108 = tpu.memref_slice %arg2[%dma_wait3A_106, %dma_wait3A_107] : memref<10000x64xf32, #tpu.memory_space<hbm>> -> memref<10000x64xf32, #tpu.memory_space<hbm>>
    tpu.wait_indirect_dma semaphore(%arg16 : memref<!tpu.dma_semaphore, #tpu.memory_space<semaphore_mem>>) src(%dma_wait3A_108 : memref<10000x64xf32, #tpu.memory_space<hbm>>) dst(%arg9 : memref<80x64xf32, #tpu.memory_space<vmem>>)
    %dma_start3A_109 = arith.constant 2 : i32
    %dma_start3A_110 = arith.constant 0 : i32
    %dma_start3A_111 = tpu.memref_slice %arg6[%dma_start3A_109, %dma_start3A_110] : memref<125x80xi32, #tpu.memory_space<vmem>> -> memref<1x80xi32, #tpu.memory_space<vmem>>
    %dma_start3A_112 = tpu.memref_squeeze %dma_start3A_111 : memref<1x80xi32, #tpu.memory_space<vmem>> -> memref<80xi32, #tpu.memory_space<vmem>>
    %dma_start3A_113 = arith.constant 0 : i32
    %dma_start3A_114 = arith.constant 0 : i32
    %dma_start3A_115 = tpu.memref_slice %arg13[%dma_start3A_113, %dma_start3A_114] : memref<10240x64xf32, #tpu.memory_space<vmem_shared>> -> memref<10240x64xf32, #tpu.memory_space<vmem_shared>>
    tpu.enqueue_indirect_dma source(%arg9 : memref<80x64xf32, #tpu.memory_space<vmem>>) target(%dma_start3A_115 : memref<10240x64xf32, #tpu.memory_space<vmem_shared>>) offsets(%dma_start3A_112 : memref<80xi32, #tpu.memory_space<vmem>>) semaphore(%arg21 : memref<!tpu.dma_semaphore, #tpu.memory_space<semaphore_mem>>) {add = true}
    %dma_wait3A_116 = arith.constant 0 : i32
    %dma_wait3A_117 = arith.constant 0 : i32
    %dma_wait3A_118 = tpu.memref_slice %arg6[%dma_wait3A_116, %dma_wait3A_117] : memref<125x80xi32, #tpu.memory_space<vmem>> -> memref<1x80xi32, #tpu.memory_space<vmem>>
    %dma_wait3A_119 = tpu.memref_squeeze %dma_wait3A_118 : memref<1x80xi32, #tpu.memory_space<vmem>> -> memref<80xi32, #tpu.memory_space<vmem>>
    %dma_wait3A_120 = arith.constant 0 : i32
    %dma_wait3A_121 = arith.constant 0 : i32
    %dma_wait3A_122 = tpu.memref_slice %arg13[%dma_wait3A_120, %dma_wait3A_121] : memref<10240x64xf32, #tpu.memory_space<vmem_shared>> -> memref<10240x64xf32, #tpu.memory_space<vmem_shared>>
    tpu.wait_indirect_dma semaphore(%arg20 : memref<!tpu.dma_semaphore, #tpu.memory_space<semaphore_mem>>) src(%arg8 : memref<80x64xf32, #tpu.memory_space<vmem>>) dst(%dma_wait3A_122 : memref<10240x64xf32, #tpu.memory_space<vmem_shared>>)
    %dma_start3A_123 = arith.constant 6 : i32
    %dma_start3A_124 = arith.constant 0 : i32
    %dma_start3A_125 = tpu.memref_slice %arg5[%dma_start3A_123, %dma_start3A_124] : memref<125x80xi32, #tpu.memory_space<vmem>> -> memref<1x80xi32, #tpu.memory_space<vmem>>
    %dma_start3A_126 = tpu.memref_squeeze %dma_start3A_125 : memref<1x80xi32, #tpu.memory_space<vmem>> -> memref<80xi32, #tpu.memory_space<vmem>>
    %dma_start3A_127 = arith.constant 0 : i32
    %dma_start3A_128 = arith.constant 0 : i32
    %dma_start3A_129 = tpu.memref_slice %arg2[%dma_start3A_127, %dma_start3A_128] : memref<10000x64xf32, #tpu.memory_space<hbm>> -> memref<10000x64xf32, #tpu.memory_space<hbm>>
    tpu.enqueue_indirect_dma source(%dma_start3A_129 : memref<10000x64xf32, #tpu.memory_space<hbm>>) target(%arg8 : memref<80x64xf32, #tpu.memory_space<vmem>>) offsets(%dma_start3A_126 : memref<80xi32, #tpu.memory_space<vmem>>) semaphore(%arg15 : memref<!tpu.dma_semaphore, #tpu.memory_space<semaphore_mem>>)
    %dma_wait3A_130 = arith.constant 3 : i32
    %dma_wait3A_131 = arith.constant 0 : i32
    %dma_wait3A_132 = tpu.memref_slice %arg5[%dma_wait3A_130, %dma_wait3A_131] : memref<125x80xi32, #tpu.memory_space<vmem>> -> memref<1x80xi32, #tpu.memory_space<vmem>>
    %dma_wait3A_133 = tpu.memref_squeeze %dma_wait3A_132 : memref<1x80xi32, #tpu.memory_space<vmem>> -> memref<80xi32, #tpu.memory_space<vmem>>
    %dma_wait3A_134 = arith.constant 0 : i32
    %dma_wait3A_135 = arith.constant 0 : i32
    %dma_wait3A_136 = tpu.memref_slice %arg2[%dma_wait3A_134, %dma_wait3A_135] : memref<10000x64xf32, #tpu.memory_space<hbm>> -> memref<10000x64xf32, #tpu.memory_space<hbm>>
    tpu.wait_indirect_dma semaphore(%arg17 : memref<!tpu.dma_semaphore, #tpu.memory_space<semaphore_mem>>) src(%dma_wait3A_136 : memref<10000x64xf32, #tpu.memory_space<hbm>>) dst(%arg10 : memref<80x64xf32, #tpu.memory_space<vmem>>)
    %dma_start3A_137 = arith.constant 3 : i32
    %dma_start3A_138 = arith.constant 0 : i32
    %dma_start3A_139 = tpu.memref_slice %arg6[%dma_start3A_137, %dma_start3A_138] : memref<125x80xi32, #tpu.memory_space<vmem>> -> memref<1x80xi32, #tpu.memory_space<vmem>>
    %dma_start3A_140 = tpu.memref_squeeze %dma_start3A_139 : memref<1x80xi32, #tpu.memory_space<vmem>> -> memref<80xi32, #tpu.memory_space<vmem>>
    %dma_start3A_141 = arith.constant 0 : i32
    %dma_start3A_142 = arith.constant 0 : i32
    %dma_start3A_143 = tpu.memref_slice %arg13[%dma_start3A_141, %dma_start3A_142] : memref<10240x64xf32, #tpu.memory_space<vmem_shared>> -> memref<10240x64xf32, #tpu.memory_space<vmem_shared>>
    tpu.enqueue_indirect_dma source(%arg10 : memref<80x64xf32, #tpu.memory_space<vmem>>) target(%dma_start3A_143 : memref<10240x64xf32, #tpu.memory_space<vmem_shared>>) offsets(%dma_start3A_140 : memref<80xi32, #tpu.memory_space<vmem>>) semaphore(%arg22 : memref<!tpu.dma_semaphore, #tpu.memory_space<semaphore_mem>>) {add = true}
    %dma_wait3A_144 = arith.constant 0 : i32
    %dma_wait3A_145 = arith.constant 0 : i32
    %dma_wait3A_146 = tpu.memref_slice %arg6[%dma_wait3A_144, %dma_wait3A_145] : memref<125x80xi32, #tpu.memory_space<vmem>> -> memref<1x80xi32, #tpu.memory_space<vmem>>
    %dma_wait3A_147 = tpu.memref_squeeze %dma_wait3A_146 : memref<1x80xi32, #tpu.memory_space<vmem>> -> memref<80xi32, #tpu.memory_space<vmem>>
    %dma_wait3A_148 = arith.constant 0 : i32
    %dma_wait3A_149 = arith.constant 0 : i32
    %dma_wait3A_150 = tpu.memref_slice %arg13[%dma_wait3A_148, %dma_wait3A_149] : memref<10240x64xf32, #tpu.memory_space<vmem_shared>> -> memref<10240x64xf32, #tpu.memory_space<vmem_shared>>
    tpu.wait_indirect_dma semaphore(%arg21 : memref<!tpu.dma_semaphore, #tpu.memory_space<semaphore_mem>>) src(%arg9 : memref<80x64xf32, #tpu.memory_space<vmem>>) dst(%dma_wait3A_150 : memref<10240x64xf32, #tpu.memory_space<vmem_shared>>)
    %dma_start3A_151 = arith.constant 7 : i32
    %dma_start3A_152 = arith.constant 0 : i32
    %dma_start3A_153 = tpu.memref_slice %arg5[%dma_start3A_151, %dma_start3A_152] : memref<125x80xi32, #tpu.memory_space<vmem>> -> memref<1x80xi32, #tpu.memory_space<vmem>>
    %dma_start3A_154 = tpu.memref_squeeze %dma_start3A_153 : memref<1x80xi32, #tpu.memory_space<vmem>> -> memref<80xi32, #tpu.memory_space<vmem>>
    %dma_start3A_155 = arith.constant 0 : i32
    %dma_start3A_156 = arith.constant 0 : i32
    %dma_start3A_157 = tpu.memref_slice %arg2[%dma_start3A_155, %dma_start3A_156] : memref<10000x64xf32, #tpu.memory_space<hbm>> -> memref<10000x64xf32, #tpu.memory_space<hbm>>
    tpu.enqueue_indirect_dma source(%dma_start3A_157 : memref<10000x64xf32, #tpu.memory_space<hbm>>) target(%arg9 : memref<80x64xf32, #tpu.memory_space<vmem>>) offsets(%dma_start3A_154 : memref<80xi32, #tpu.memory_space<vmem>>) semaphore(%arg16 : memref<!tpu.dma_semaphore, #tpu.memory_space<semaphore_mem>>)
    %dma_wait3A_158 = arith.constant 4 : i32
    %dma_wait3A_159 = arith.constant 0 : i32
    %dma_wait3A_160 = tpu.memref_slice %arg5[%dma_wait3A_158, %dma_wait3A_159] : memref<125x80xi32, #tpu.memory_space<vmem>> -> memref<1x80xi32, #tpu.memory_space<vmem>>
    %dma_wait3A_161 = tpu.memref_squeeze %dma_wait3A_160 : memref<1x80xi32, #tpu.memory_space<vmem>> -> memref<80xi32, #tpu.memory_space<vmem>>
    %dma_wait3A_162 = arith.constant 0 : i32
    %dma_wait3A_163 = arith.constant 0 : i32
    %dma_wait3A_164 = tpu.memref_slice %arg2[%dma_wait3A_162, %dma_wait3A_163] : memref<10000x64xf32, #tpu.memory_space<hbm>> -> memref<10000x64xf32, #tpu.memory_space<hbm>>
    tpu.wait_indirect_dma semaphore(%arg18 : memref<!tpu.dma_semaphore, #tpu.memory_space<semaphore_mem>>) src(%dma_wait3A_164 : memref<10000x64xf32, #tpu.memory_space<hbm>>) dst(%arg11 : memref<80x64xf32, #tpu.memory_space<vmem>>)
    %dma_start3A_165 = arith.constant 4 : i32
    %dma_start3A_166 = arith.constant 0 : i32
    %dma_start3A_167 = tpu.memref_slice %arg6[%dma_start3A_165, %dma_start3A_166] : memref<125x80xi32, #tpu.memory_space<vmem>> -> memref<1x80xi32, #tpu.memory_space<vmem>>
    %dma_start3A_168 = tpu.memref_squeeze %dma_start3A_167 : memref<1x80xi32, #tpu.memory_space<vmem>> -> memref<80xi32, #tpu.memory_space<vmem>>
    %dma_start3A_169 = arith.constant 0 : i32
    %dma_start3A_170 = arith.constant 0 : i32
    %dma_start3A_171 = tpu.memref_slice %arg13[%dma_start3A_169, %dma_start3A_170] : memref<10240x64xf32, #tpu.memory_space<vmem_shared>> -> memref<10240x64xf32, #tpu.memory_space<vmem_shared>>
    tpu.enqueue_indirect_dma source(%arg11 : memref<80x64xf32, #tpu.memory_space<vmem>>) target(%dma_start3A_171 : memref<10240x64xf32, #tpu.memory_space<vmem_shared>>) offsets(%dma_start3A_168 : memref<80xi32, #tpu.memory_space<vmem>>) semaphore(%arg23 : memref<!tpu.dma_semaphore, #tpu.memory_space<semaphore_mem>>) {add = true}
    %scan3A_172 = arith.constant 0 : i32
    %scan3A_173 = arith.constant 1 : i32
    %scan3A_174 = arith.constant 23 : i32
    %scan3A_175 = arith.addi %scan3A_173, %scan3A_174 : i32
    %scan3A_176 = arith.constant 1 : i32
    %scan3A_177 = scf.for %scan3A_345 = %scan3A_173 to %scan3A_175 step %scan3A_176 iter_args(%scan3A_346 = %scan3A_172) -> (i32)  : i32 {
      %mul3A_347 = arith.constant 5 : i32
      %mul3A_348 = arith.muli %mul3A_347, %scan3A_345 : i32
      %add3A_349 = arith.constant 0 : i32
      %add3A_350 = arith.addi %mul3A_348, %add3A_349 : i32
      %dma_wait3A_351 = arith.constant 0 : i32
      %dma_wait3A_352 = arith.constant 0 : i32
      %dma_wait3A_353 = tpu.memref_slice %arg6[%dma_wait3A_351, %dma_wait3A_352] : memref<125x80xi32, #tpu.memory_space<vmem>> -> memref<1x80xi32, #tpu.memory_space<vmem>>
      %dma_wait3A_354 = tpu.memref_squeeze %dma_wait3A_353 : memref<1x80xi32, #tpu.memory_space<vmem>> -> memref<80xi32, #tpu.memory_space<vmem>>
      %dma_wait3A_355 = arith.constant 0 : i32
      %dma_wait3A_356 = arith.constant 0 : i32
      %dma_wait3A_357 = tpu.memref_slice %arg13[%dma_wait3A_355, %dma_wait3A_356] : memref<10240x64xf32, #tpu.memory_space<vmem_shared>> -> memref<10240x64xf32, #tpu.memory_space<vmem_shared>>
      tpu.wait_indirect_dma semaphore(%arg22 : memref<!tpu.dma_semaphore, #tpu.memory_space<semaphore_mem>>) src(%arg10 : memref<80x64xf32, #tpu.memory_space<vmem>>) dst(%dma_wait3A_357 : memref<10240x64xf32, #tpu.memory_space<vmem_shared>>)
      %add3A_358 = arith.constant 3 : i32
      %add3A_359 = arith.addi %add3A_350, %add3A_358 : i32
      %dma_start3A_360 = arith.constant 0 : i32
      %dma_start3A_361 = tpu.memref_slice %arg5[%add3A_359, %dma_start3A_360] : memref<125x80xi32, #tpu.memory_space<vmem>> -> memref<1x80xi32, #tpu.memory_space<vmem>>
      %dma_start3A_362 = tpu.memref_squeeze %dma_start3A_361 : memref<1x80xi32, #tpu.memory_space<vmem>> -> memref<80xi32, #tpu.memory_space<vmem>>
      %dma_start3A_363 = arith.constant 0 : i32
      %dma_start3A_364 = arith.constant 0 : i32
      %dma_start3A_365 = tpu.memref_slice %arg2[%dma_start3A_363, %dma_start3A_364] : memref<10000x64xf32, #tpu.memory_space<hbm>> -> memref<10000x64xf32, #tpu.memory_space<hbm>>
      tpu.enqueue_indirect_dma source(%dma_start3A_365 : memref<10000x64xf32, #tpu.memory_space<hbm>>) target(%arg10 : memref<80x64xf32, #tpu.memory_space<vmem>>) offsets(%dma_start3A_362 : memref<80xi32, #tpu.memory_space<vmem>>) semaphore(%arg17 : memref<!tpu.dma_semaphore, #tpu.memory_space<semaphore_mem>>)
      %dma_wait3A_366 = arith.constant 0 : i32
      %dma_wait3A_367 = tpu.memref_slice %arg5[%add3A_350, %dma_wait3A_366] : memref<125x80xi32, #tpu.memory_space<vmem>> -> memref<1x80xi32, #tpu.memory_space<vmem>>
      %dma_wait3A_368 = tpu.memref_squeeze %dma_wait3A_367 : memref<1x80xi32, #tpu.memory_space<vmem>> -> memref<80xi32, #tpu.memory_space<vmem>>
      %dma_wait3A_369 = arith.constant 0 : i32
      %dma_wait3A_370 = arith.constant 0 : i32
      %dma_wait3A_371 = tpu.memref_slice %arg2[%dma_wait3A_369, %dma_wait3A_370] : memref<10000x64xf32, #tpu.memory_space<hbm>> -> memref<10000x64xf32, #tpu.memory_space<hbm>>
      tpu.wait_indirect_dma semaphore(%arg14 : memref<!tpu.dma_semaphore, #tpu.memory_space<semaphore_mem>>) src(%dma_wait3A_371 : memref<10000x64xf32, #tpu.memory_space<hbm>>) dst(%arg7 : memref<80x64xf32, #tpu.memory_space<vmem>>)
      %dma_start3A_372 = arith.constant 0 : i32
      %dma_start3A_373 = tpu.memref_slice %arg6[%add3A_350, %dma_start3A_372] : memref<125x80xi32, #tpu.memory_space<vmem>> -> memref<1x80xi32, #tpu.memory_space<vmem>>
      %dma_start3A_374 = tpu.memref_squeeze %dma_start3A_373 : memref<1x80xi32, #tpu.memory_space<vmem>> -> memref<80xi32, #tpu.memory_space<vmem>>
      %dma_start3A_375 = arith.constant 0 : i32
      %dma_start3A_376 = arith.constant 0 : i32
      %dma_start3A_377 = tpu.memref_slice %arg13[%dma_start3A_375, %dma_start3A_376] : memref<10240x64xf32, #tpu.memory_space<vmem_shared>> -> memref<10240x64xf32, #tpu.memory_space<vmem_shared>>
      tpu.enqueue_indirect_dma source(%arg7 : memref<80x64xf32, #tpu.memory_space<vmem>>) target(%dma_start3A_377 : memref<10240x64xf32, #tpu.memory_space<vmem_shared>>) offsets(%dma_start3A_374 : memref<80xi32, #tpu.memory_space<vmem>>) semaphore(%arg19 : memref<!tpu.dma_semaphore, #tpu.memory_space<semaphore_mem>>) {add = true}
      %mul3A_378 = arith.constant 5 : i32
      %mul3A_379 = arith.muli %mul3A_378, %scan3A_345 : i32
      %add3A_380 = arith.constant 1 : i32
      %add3A_381 = arith.addi %mul3A_379, %add3A_380 : i32
      %dma_wait3A_382 = arith.constant 0 : i32
      %dma_wait3A_383 = arith.constant 0 : i32
      %dma_wait3A_384 = tpu.memref_slice %arg6[%dma_wait3A_382, %dma_wait3A_383] : memref<125x80xi32, #tpu.memory_space<vmem>> -> memref<1x80xi32, #tpu.memory_space<vmem>>
      %dma_wait3A_385 = tpu.memref_squeeze %dma_wait3A_384 : memref<1x80xi32, #tpu.memory_space<vmem>> -> memref<80xi32, #tpu.memory_space<vmem>>
      %dma_wait3A_386 = arith.constant 0 : i32
      %dma_wait3A_387 = arith.constant 0 : i32
      %dma_wait3A_388 = tpu.memref_slice %arg13[%dma_wait3A_386, %dma_wait3A_387] : memref<10240x64xf32, #tpu.memory_space<vmem_shared>> -> memref<10240x64xf32, #tpu.memory_space<vmem_shared>>
      tpu.wait_indirect_dma semaphore(%arg23 : memref<!tpu.dma_semaphore, #tpu.memory_space<semaphore_mem>>) src(%arg11 : memref<80x64xf32, #tpu.memory_space<vmem>>) dst(%dma_wait3A_388 : memref<10240x64xf32, #tpu.memory_space<vmem_shared>>)
      %add3A_389 = arith.constant 3 : i32
      %add3A_390 = arith.addi %add3A_381, %add3A_389 : i32
      %dma_start3A_391 = arith.constant 0 : i32
      %dma_start3A_392 = tpu.memref_slice %arg5[%add3A_390, %dma_start3A_391] : memref<125x80xi32, #tpu.memory_space<vmem>> -> memref<1x80xi32, #tpu.memory_space<vmem>>
      %dma_start3A_393 = tpu.memref_squeeze %dma_start3A_392 : memref<1x80xi32, #tpu.memory_space<vmem>> -> memref<80xi32, #tpu.memory_space<vmem>>
      %dma_start3A_394 = arith.constant 0 : i32
      %dma_start3A_395 = arith.constant 0 : i32
      %dma_start3A_396 = tpu.memref_slice %arg2[%dma_start3A_394, %dma_start3A_395] : memref<10000x64xf32, #tpu.memory_space<hbm>> -> memref<10000x64xf32, #tpu.memory_space<hbm>>
      tpu.enqueue_indirect_dma source(%dma_start3A_396 : memref<10000x64xf32, #tpu.memory_space<hbm>>) target(%arg11 : memref<80x64xf32, #tpu.memory_space<vmem>>) offsets(%dma_start3A_393 : memref<80xi32, #tpu.memory_space<vmem>>) semaphore(%arg18 : memref<!tpu.dma_semaphore, #tpu.memory_space<semaphore_mem>>)
      %dma_wait3A_397 = arith.constant 0 : i32
      %dma_wait3A_398 = tpu.memref_slice %arg5[%add3A_381, %dma_wait3A_397] : memref<125x80xi32, #tpu.memory_space<vmem>> -> memref<1x80xi32, #tpu.memory_space<vmem>>
      %dma_wait3A_399 = tpu.memref_squeeze %dma_wait3A_398 : memref<1x80xi32, #tpu.memory_space<vmem>> -> memref<80xi32, #tpu.memory_space<vmem>>
      %dma_wait3A_400 = arith.constant 0 : i32
      %dma_wait3A_401 = arith.constant 0 : i32
      %dma_wait3A_402 = tpu.memref_slice %arg2[%dma_wait3A_400, %dma_wait3A_401] : memref<10000x64xf32, #tpu.memory_space<hbm>> -> memref<10000x64xf32, #tpu.memory_space<hbm>>
      tpu.wait_indirect_dma semaphore(%arg15 : memref<!tpu.dma_semaphore, #tpu.memory_space<semaphore_mem>>) src(%dma_wait3A_402 : memref<10000x64xf32, #tpu.memory_space<hbm>>) dst(%arg8 : memref<80x64xf32, #tpu.memory_space<vmem>>)
      %dma_start3A_403 = arith.constant 0 : i32
      %dma_start3A_404 = tpu.memref_slice %arg6[%add3A_381, %dma_start3A_403] : memref<125x80xi32, #tpu.memory_space<vmem>> -> memref<1x80xi32, #tpu.memory_space<vmem>>
      %dma_start3A_405 = tpu.memref_squeeze %dma_start3A_404 : memref<1x80xi32, #tpu.memory_space<vmem>> -> memref<80xi32, #tpu.memory_space<vmem>>
      %dma_start3A_406 = arith.constant 0 : i32
      %dma_start3A_407 = arith.constant 0 : i32
      %dma_start3A_408 = tpu.memref_slice %arg13[%dma_start3A_406, %dma_start3A_407] : memref<10240x64xf32, #tpu.memory_space<vmem_shared>> -> memref<10240x64xf32, #tpu.memory_space<vmem_shared>>
      tpu.enqueue_indirect_dma source(%arg8 : memref<80x64xf32, #tpu.memory_space<vmem>>) target(%dma_start3A_408 : memref<10240x64xf32, #tpu.memory_space<vmem_shared>>) offsets(%dma_start3A_405 : memref<80xi32, #tpu.memory_space<vmem>>) semaphore(%arg20 : memref<!tpu.dma_semaphore, #tpu.memory_space<semaphore_mem>>) {add = true}
      %mul3A_409 = arith.constant 5 : i32
      %mul3A_410 = arith.muli %mul3A_409, %scan3A_345 : i32
      %add3A_411 = arith.constant 2 : i32
      %add3A_412 = arith.addi %mul3A_410, %add3A_411 : i32
      %dma_wait3A_413 = arith.constant 0 : i32
      %dma_wait3A_414 = arith.constant 0 : i32
      %dma_wait3A_415 = tpu.memref_slice %arg6[%dma_wait3A_413, %dma_wait3A_414] : memref<125x80xi32, #tpu.memory_space<vmem>> -> memref<1x80xi32, #tpu.memory_space<vmem>>
      %dma_wait3A_416 = tpu.memref_squeeze %dma_wait3A_415 : memref<1x80xi32, #tpu.memory_space<vmem>> -> memref<80xi32, #tpu.memory_space<vmem>>
      %dma_wait3A_417 = arith.constant 0 : i32
      %dma_wait3A_418 = arith.constant 0 : i32
      %dma_wait3A_419 = tpu.memref_slice %arg13[%dma_wait3A_417, %dma_wait3A_418] : memref<10240x64xf32, #tpu.memory_space<vmem_shared>> -> memref<10240x64xf32, #tpu.memory_space<vmem_shared>>
      tpu.wait_indirect_dma semaphore(%arg19 : memref<!tpu.dma_semaphore, #tpu.memory_space<semaphore_mem>>) src(%arg7 : memref<80x64xf32, #tpu.memory_space<vmem>>) dst(%dma_wait3A_419 : memref<10240x64xf32, #tpu.memory_space<vmem_shared>>)
      %add3A_420 = arith.constant 3 : i32
      %add3A_421 = arith.addi %add3A_412, %add3A_420 : i32
      %dma_start3A_422 = arith.constant 0 : i32
      %dma_start3A_423 = tpu.memref_slice %arg5[%add3A_421, %dma_start3A_422] : memref<125x80xi32, #tpu.memory_space<vmem>> -> memref<1x80xi32, #tpu.memory_space<vmem>>
      %dma_start3A_424 = tpu.memref_squeeze %dma_start3A_423 : memref<1x80xi32, #tpu.memory_space<vmem>> -> memref<80xi32, #tpu.memory_space<vmem>>
      %dma_start3A_425 = arith.constant 0 : i32
      %dma_start3A_426 = arith.constant 0 : i32
      %dma_start3A_427 = tpu.memref_slice %arg2[%dma_start3A_425, %dma_start3A_426] : memref<10000x64xf32, #tpu.memory_space<hbm>> -> memref<10000x64xf32, #tpu.memory_space<hbm>>
      tpu.enqueue_indirect_dma source(%dma_start3A_427 : memref<10000x64xf32, #tpu.memory_space<hbm>>) target(%arg7 : memref<80x64xf32, #tpu.memory_space<vmem>>) offsets(%dma_start3A_424 : memref<80xi32, #tpu.memory_space<vmem>>) semaphore(%arg14 : memref<!tpu.dma_semaphore, #tpu.memory_space<semaphore_mem>>)
      %dma_wait3A_428 = arith.constant 0 : i32
      %dma_wait3A_429 = tpu.memref_slice %arg5[%add3A_412, %dma_wait3A_428] : memref<125x80xi32, #tpu.memory_space<vmem>> -> memref<1x80xi32, #tpu.memory_space<vmem>>
      %dma_wait3A_430 = tpu.memref_squeeze %dma_wait3A_429 : memref<1x80xi32, #tpu.memory_space<vmem>> -> memref<80xi32, #tpu.memory_space<vmem>>
      %dma_wait3A_431 = arith.constant 0 : i32
      %dma_wait3A_432 = arith.constant 0 : i32
      %dma_wait3A_433 = tpu.memref_slice %arg2[%dma_wait3A_431, %dma_wait3A_432] : memref<10000x64xf32, #tpu.memory_space<hbm>> -> memref<10000x64xf32, #tpu.memory_space<hbm>>
      tpu.wait_indirect_dma semaphore(%arg16 : memref<!tpu.dma_semaphore, #tpu.memory_space<semaphore_mem>>) src(%dma_wait3A_433 : memref<10000x64xf32, #tpu.memory_space<hbm>>) dst(%arg9 : memref<80x64xf32, #tpu.memory_space<vmem>>)
      %dma_start3A_434 = arith.constant 0 : i32
      %dma_start3A_435 = tpu.memref_slice %arg6[%add3A_412, %dma_start3A_434] : memref<125x80xi32, #tpu.memory_space<vmem>> -> memref<1x80xi32, #tpu.memory_space<vmem>>
      %dma_start3A_436 = tpu.memref_squeeze %dma_start3A_435 : memref<1x80xi32, #tpu.memory_space<vmem>> -> memref<80xi32, #tpu.memory_space<vmem>>
      %dma_start3A_437 = arith.constant 0 : i32
      %dma_start3A_438 = arith.constant 0 : i32
      %dma_start3A_439 = tpu.memref_slice %arg13[%dma_start3A_437, %dma_start3A_438] : memref<10240x64xf32, #tpu.memory_space<vmem_shared>> -> memref<10240x64xf32, #tpu.memory_space<vmem_shared>>
      tpu.enqueue_indirect_dma source(%arg9 : memref<80x64xf32, #tpu.memory_space<vmem>>) target(%dma_start3A_439 : memref<10240x64xf32, #tpu.memory_space<vmem_shared>>) offsets(%dma_start3A_436 : memref<80xi32, #tpu.memory_space<vmem>>) semaphore(%arg21 : memref<!tpu.dma_semaphore, #tpu.memory_space<semaphore_mem>>) {add = true}
      %mul3A_440 = arith.constant 5 : i32
      %mul3A_441 = arith.muli %mul3A_440, %scan3A_345 : i32
      %add3A_442 = arith.constant 3 : i32
      %add3A_443 = arith.addi %mul3A_441, %add3A_442 : i32
      %dma_wait3A_444 = arith.constant 0 : i32
      %dma_wait3A_445 = arith.constant 0 : i32
      %dma_wait3A_446 = tpu.memref_slice %arg6[%dma_wait3A_444, %dma_wait3A_445] : memref<125x80xi32, #tpu.memory_space<vmem>> -> memref<1x80xi32, #tpu.memory_space<vmem>>
      %dma_wait3A_447 = tpu.memref_squeeze %dma_wait3A_446 : memref<1x80xi32, #tpu.memory_space<vmem>> -> memref<80xi32, #tpu.memory_space<vmem>>
      %dma_wait3A_448 = arith.constant 0 : i32
      %dma_wait3A_449 = arith.constant 0 : i32
      %dma_wait3A_450 = tpu.memref_slice %arg13[%dma_wait3A_448, %dma_wait3A_449] : memref<10240x64xf32, #tpu.memory_space<vmem_shared>> -> memref<10240x64xf32, #tpu.memory_space<vmem_shared>>
      tpu.wait_indirect_dma semaphore(%arg20 : memref<!tpu.dma_semaphore, #tpu.memory_space<semaphore_mem>>) src(%arg8 : memref<80x64xf32, #tpu.memory_space<vmem>>) dst(%dma_wait3A_450 : memref<10240x64xf32, #tpu.memory_space<vmem_shared>>)
      %add3A_451 = arith.constant 3 : i32
      %add3A_452 = arith.addi %add3A_443, %add3A_451 : i32
      %dma_start3A_453 = arith.constant 0 : i32
      %dma_start3A_454 = tpu.memref_slice %arg5[%add3A_452, %dma_start3A_453] : memref<125x80xi32, #tpu.memory_space<vmem>> -> memref<1x80xi32, #tpu.memory_space<vmem>>
      %dma_start3A_455 = tpu.memref_squeeze %dma_start3A_454 : memref<1x80xi32, #tpu.memory_space<vmem>> -> memref<80xi32, #tpu.memory_space<vmem>>
      %dma_start3A_456 = arith.constant 0 : i32
      %dma_start3A_457 = arith.constant 0 : i32
      %dma_start3A_458 = tpu.memref_slice %arg2[%dma_start3A_456, %dma_start3A_457] : memref<10000x64xf32, #tpu.memory_space<hbm>> -> memref<10000x64xf32, #tpu.memory_space<hbm>>
      tpu.enqueue_indirect_dma source(%dma_start3A_458 : memref<10000x64xf32, #tpu.memory_space<hbm>>) target(%arg8 : memref<80x64xf32, #tpu.memory_space<vmem>>) offsets(%dma_start3A_455 : memref<80xi32, #tpu.memory_space<vmem>>) semaphore(%arg15 : memref<!tpu.dma_semaphore, #tpu.memory_space<semaphore_mem>>)
      %dma_wait3A_459 = arith.constant 0 : i32
      %dma_wait3A_460 = tpu.memref_slice %arg5[%add3A_443, %dma_wait3A_459] : memref<125x80xi32, #tpu.memory_space<vmem>> -> memref<1x80xi32, #tpu.memory_space<vmem>>
      %dma_wait3A_461 = tpu.memref_squeeze %dma_wait3A_460 : memref<1x80xi32, #tpu.memory_space<vmem>> -> memref<80xi32, #tpu.memory_space<vmem>>
      %dma_wait3A_462 = arith.constant 0 : i32
      %dma_wait3A_463 = arith.constant 0 : i32
      %dma_wait3A_464 = tpu.memref_slice %arg2[%dma_wait3A_462, %dma_wait3A_463] : memref<10000x64xf32, #tpu.memory_space<hbm>> -> memref<10000x64xf32, #tpu.memory_space<hbm>>
      tpu.wait_indirect_dma semaphore(%arg17 : memref<!tpu.dma_semaphore, #tpu.memory_space<semaphore_mem>>) src(%dma_wait3A_464 : memref<10000x64xf32, #tpu.memory_space<hbm>>) dst(%arg10 : memref<80x64xf32, #tpu.memory_space<vmem>>)
      %dma_start3A_465 = arith.constant 0 : i32
      %dma_start3A_466 = tpu.memref_slice %arg6[%add3A_443, %dma_start3A_465] : memref<125x80xi32, #tpu.memory_space<vmem>> -> memref<1x80xi32, #tpu.memory_space<vmem>>
      %dma_start3A_467 = tpu.memref_squeeze %dma_start3A_466 : memref<1x80xi32, #tpu.memory_space<vmem>> -> memref<80xi32, #tpu.memory_space<vmem>>
      %dma_start3A_468 = arith.constant 0 : i32
      %dma_start3A_469 = arith.constant 0 : i32
      %dma_start3A_470 = tpu.memref_slice %arg13[%dma_start3A_468, %dma_start3A_469] : memref<10240x64xf32, #tpu.memory_space<vmem_shared>> -> memref<10240x64xf32, #tpu.memory_space<vmem_shared>>
      tpu.enqueue_indirect_dma source(%arg10 : memref<80x64xf32, #tpu.memory_space<vmem>>) target(%dma_start3A_470 : memref<10240x64xf32, #tpu.memory_space<vmem_shared>>) offsets(%dma_start3A_467 : memref<80xi32, #tpu.memory_space<vmem>>) semaphore(%arg22 : memref<!tpu.dma_semaphore, #tpu.memory_space<semaphore_mem>>) {add = true}
      %mul3A_471 = arith.constant 5 : i32
      %mul3A_472 = arith.muli %mul3A_471, %scan3A_345 : i32
      %add3A_473 = arith.constant 4 : i32
      %add3A_474 = arith.addi %mul3A_472, %add3A_473 : i32
      %dma_wait3A_475 = arith.constant 0 : i32
      %dma_wait3A_476 = arith.constant 0 : i32
      %dma_wait3A_477 = tpu.memref_slice %arg6[%dma_wait3A_475, %dma_wait3A_476] : memref<125x80xi32, #tpu.memory_space<vmem>> -> memref<1x80xi32, #tpu.memory_space<vmem>>
      %dma_wait3A_478 = tpu.memref_squeeze %dma_wait3A_477 : memref<1x80xi32, #tpu.memory_space<vmem>> -> memref<80xi32, #tpu.memory_space<vmem>>
      %dma_wait3A_479 = arith.constant 0 : i32
      %dma_wait3A_480 = arith.constant 0 : i32
      %dma_wait3A_481 = tpu.memref_slice %arg13[%dma_wait3A_479, %dma_wait3A_480] : memref<10240x64xf32, #tpu.memory_space<vmem_shared>> -> memref<10240x64xf32, #tpu.memory_space<vmem_shared>>
      tpu.wait_indirect_dma semaphore(%arg21 : memref<!tpu.dma_semaphore, #tpu.memory_space<semaphore_mem>>) src(%arg9 : memref<80x64xf32, #tpu.memory_space<vmem>>) dst(%dma_wait3A_481 : memref<10240x64xf32, #tpu.memory_space<vmem_shared>>)
      %add3A_482 = arith.constant 3 : i32
      %add3A_483 = arith.addi %add3A_474, %add3A_482 : i32
      %dma_start3A_484 = arith.constant 0 : i32
      %dma_start3A_485 = tpu.memref_slice %arg5[%add3A_483, %dma_start3A_484] : memref<125x80xi32, #tpu.memory_space<vmem>> -> memref<1x80xi32, #tpu.memory_space<vmem>>
      %dma_start3A_486 = tpu.memref_squeeze %dma_start3A_485 : memref<1x80xi32, #tpu.memory_space<vmem>> -> memref<80xi32, #tpu.memory_space<vmem>>
      %dma_start3A_487 = arith.constant 0 : i32
      %dma_start3A_488 = arith.constant 0 : i32
      %dma_start3A_489 = tpu.memref_slice %arg2[%dma_start3A_487, %dma_start3A_488] : memref<10000x64xf32, #tpu.memory_space<hbm>> -> memref<10000x64xf32, #tpu.memory_space<hbm>>
      tpu.enqueue_indirect_dma source(%dma_start3A_489 : memref<10000x64xf32, #tpu.memory_space<hbm>>) target(%arg9 : memref<80x64xf32, #tpu.memory_space<vmem>>) offsets(%dma_start3A_486 : memref<80xi32, #tpu.memory_space<vmem>>) semaphore(%arg16 : memref<!tpu.dma_semaphore, #tpu.memory_space<semaphore_mem>>)
      %dma_wait3A_490 = arith.constant 0 : i32
      %dma_wait3A_491 = tpu.memref_slice %arg5[%add3A_474, %dma_wait3A_490] : memref<125x80xi32, #tpu.memory_space<vmem>> -> memref<1x80xi32, #tpu.memory_space<vmem>>
      %dma_wait3A_492 = tpu.memref_squeeze %dma_wait3A_491 : memref<1x80xi32, #tpu.memory_space<vmem>> -> memref<80xi32, #tpu.memory_space<vmem>>
      %dma_wait3A_493 = arith.constant 0 : i32
      %dma_wait3A_494 = arith.constant 0 : i32
      %dma_wait3A_495 = tpu.memref_slice %arg2[%dma_wait3A_493, %dma_wait3A_494] : memref<10000x64xf32, #tpu.memory_space<hbm>> -> memref<10000x64xf32, #tpu.memory_space<hbm>>
      tpu.wait_indirect_dma semaphore(%arg18 : memref<!tpu.dma_semaphore, #tpu.memory_space<semaphore_mem>>) src(%dma_wait3A_495 : memref<10000x64xf32, #tpu.memory_space<hbm>>) dst(%arg11 : memref<80x64xf32, #tpu.memory_space<vmem>>)
      %dma_start3A_496 = arith.constant 0 : i32
      %dma_start3A_497 = tpu.memref_slice %arg6[%add3A_474, %dma_start3A_496] : memref<125x80xi32, #tpu.memory_space<vmem>> -> memref<1x80xi32, #tpu.memory_space<vmem>>
      %dma_start3A_498 = tpu.memref_squeeze %dma_start3A_497 : memref<1x80xi32, #tpu.memory_space<vmem>> -> memref<80xi32, #tpu.memory_space<vmem>>
      %dma_start3A_499 = arith.constant 0 : i32
      %dma_start3A_500 = arith.constant 0 : i32
      %dma_start3A_501 = tpu.memref_slice %arg13[%dma_start3A_499, %dma_start3A_500] : memref<10240x64xf32, #tpu.memory_space<vmem_shared>> -> memref<10240x64xf32, #tpu.memory_space<vmem_shared>>
      tpu.enqueue_indirect_dma source(%arg11 : memref<80x64xf32, #tpu.memory_space<vmem>>) target(%dma_start3A_501 : memref<10240x64xf32, #tpu.memory_space<vmem_shared>>) offsets(%dma_start3A_498 : memref<80xi32, #tpu.memory_space<vmem>>) semaphore(%arg23 : memref<!tpu.dma_semaphore, #tpu.memory_space<semaphore_mem>>) {add = true}
      %scan3A_502 = arith.constant 0 : i32
      scf.yield %scan3A_502 : i32
    }
    %scan3A_178 = arith.constant 23 : i32
    %dma_wait3A_179 = arith.constant 0 : i32
    %dma_wait3A_180 = arith.constant 0 : i32
    %dma_wait3A_181 = tpu.memref_slice %arg6[%dma_wait3A_179, %dma_wait3A_180] : memref<125x80xi32, #tpu.memory_space<vmem>> -> memref<1x80xi32, #tpu.memory_space<vmem>>
    %dma_wait3A_182 = tpu.memref_squeeze %dma_wait3A_181 : memref<1x80xi32, #tpu.memory_space<vmem>> -> memref<80xi32, #tpu.memory_space<vmem>>
    %dma_wait3A_183 = arith.constant 0 : i32
    %dma_wait3A_184 = arith.constant 0 : i32
    %dma_wait3A_185 = tpu.memref_slice %arg13[%dma_wait3A_183, %dma_wait3A_184] : memref<10240x64xf32, #tpu.memory_space<vmem_shared>> -> memref<10240x64xf32, #tpu.memory_space<vmem_shared>>
    tpu.wait_indirect_dma semaphore(%arg22 : memref<!tpu.dma_semaphore, #tpu.memory_space<semaphore_mem>>) src(%arg10 : memref<80x64xf32, #tpu.memory_space<vmem>>) dst(%dma_wait3A_185 : memref<10240x64xf32, #tpu.memory_space<vmem_shared>>)
    %dma_start3A_186 = arith.constant 123 : i32
    %dma_start3A_187 = arith.constant 0 : i32
    %dma_start3A_188 = tpu.memref_slice %arg5[%dma_start3A_186, %dma_start3A_187] : memref<125x80xi32, #tpu.memory_space<vmem>> -> memref<1x80xi32, #tpu.memory_space<vmem>>
    %dma_start3A_189 = tpu.memref_squeeze %dma_start3A_188 : memref<1x80xi32, #tpu.memory_space<vmem>> -> memref<80xi32, #tpu.memory_space<vmem>>
    %dma_start3A_190 = arith.constant 0 : i32
    %dma_start3A_191 = arith.constant 0 : i32
    %dma_start3A_192 = tpu.memref_slice %arg2[%dma_start3A_190, %dma_start3A_191] : memref<10000x64xf32, #tpu.memory_space<hbm>> -> memref<10000x64xf32, #tpu.memory_space<hbm>>
    tpu.enqueue_indirect_dma source(%dma_start3A_192 : memref<10000x64xf32, #tpu.memory_space<hbm>>) target(%arg10 : memref<80x64xf32, #tpu.memory_space<vmem>>) offsets(%dma_start3A_189 : memref<80xi32, #tpu.memory_space<vmem>>) semaphore(%arg17 : memref<!tpu.dma_semaphore, #tpu.memory_space<semaphore_mem>>)
    %dma_wait3A_193 = arith.constant 120 : i32
    %dma_wait3A_194 = arith.constant 0 : i32
    %dma_wait3A_195 = tpu.memref_slice %arg5[%dma_wait3A_193, %dma_wait3A_194] : memref<125x80xi32, #tpu.memory_space<vmem>> -> memref<1x80xi32, #tpu.memory_space<vmem>>
    %dma_wait3A_196 = tpu.memref_squeeze %dma_wait3A_195 : memref<1x80xi32, #tpu.memory_space<vmem>> -> memref<80xi32, #tpu.memory_space<vmem>>
    %dma_wait3A_197 = arith.constant 0 : i32
    %dma_wait3A_198 = arith.constant 0 : i32
    %dma_wait3A_199 = tpu.memref_slice %arg2[%dma_wait3A_197, %dma_wait3A_198] : memref<10000x64xf32, #tpu.memory_space<hbm>> -> memref<10000x64xf32, #tpu.memory_space<hbm>>
    tpu.wait_indirect_dma semaphore(%arg14 : memref<!tpu.dma_semaphore, #tpu.memory_space<semaphore_mem>>) src(%dma_wait3A_199 : memref<10000x64xf32, #tpu.memory_space<hbm>>) dst(%arg7 : memref<80x64xf32, #tpu.memory_space<vmem>>)
    %dma_start3A_200 = arith.constant 120 : i32
    %dma_start3A_201 = arith.constant 0 : i32
    %dma_start3A_202 = tpu.memref_slice %arg6[%dma_start3A_200, %dma_start3A_201] : memref<125x80xi32, #tpu.memory_space<vmem>> -> memref<1x80xi32, #tpu.memory_space<vmem>>
    %dma_start3A_203 = tpu.memref_squeeze %dma_start3A_202 : memref<1x80xi32, #tpu.memory_space<vmem>> -> memref<80xi32, #tpu.memory_space<vmem>>
    %dma_start3A_204 = arith.constant 0 : i32
    %dma_start3A_205 = arith.constant 0 : i32
    %dma_start3A_206 = tpu.memref_slice %arg13[%dma_start3A_204, %dma_start3A_205] : memref<10240x64xf32, #tpu.memory_space<vmem_shared>> -> memref<10240x64xf32, #tpu.memory_space<vmem_shared>>
    tpu.enqueue_indirect_dma source(%arg7 : memref<80x64xf32, #tpu.memory_space<vmem>>) target(%dma_start3A_206 : memref<10240x64xf32, #tpu.memory_space<vmem_shared>>) offsets(%dma_start3A_203 : memref<80xi32, #tpu.memory_space<vmem>>) semaphore(%arg19 : memref<!tpu.dma_semaphore, #tpu.memory_space<semaphore_mem>>) {add = true}
    %dma_wait3A_207 = arith.constant 0 : i32
    %dma_wait3A_208 = arith.constant 0 : i32
    %dma_wait3A_209 = tpu.memref_slice %arg6[%dma_wait3A_207, %dma_wait3A_208] : memref<125x80xi32, #tpu.memory_space<vmem>> -> memref<1x80xi32, #tpu.memory_space<vmem>>
    %dma_wait3A_210 = tpu.memref_squeeze %dma_wait3A_209 : memref<1x80xi32, #tpu.memory_space<vmem>> -> memref<80xi32, #tpu.memory_space<vmem>>
    %dma_wait3A_211 = arith.constant 0 : i32
    %dma_wait3A_212 = arith.constant 0 : i32
    %dma_wait3A_213 = tpu.memref_slice %arg13[%dma_wait3A_211, %dma_wait3A_212] : memref<10240x64xf32, #tpu.memory_space<vmem_shared>> -> memref<10240x64xf32, #tpu.memory_space<vmem_shared>>
    tpu.wait_indirect_dma semaphore(%arg23 : memref<!tpu.dma_semaphore, #tpu.memory_space<semaphore_mem>>) src(%arg11 : memref<80x64xf32, #tpu.memory_space<vmem>>) dst(%dma_wait3A_213 : memref<10240x64xf32, #tpu.memory_space<vmem_shared>>)
    %dma_start3A_214 = arith.constant 124 : i32
    %dma_start3A_215 = arith.constant 0 : i32
    %dma_start3A_216 = tpu.memref_slice %arg5[%dma_start3A_214, %dma_start3A_215] : memref<125x80xi32, #tpu.memory_space<vmem>> -> memref<1x80xi32, #tpu.memory_space<vmem>>
    %dma_start3A_217 = tpu.memref_squeeze %dma_start3A_216 : memref<1x80xi32, #tpu.memory_space<vmem>> -> memref<80xi32, #tpu.memory_space<vmem>>
    %dma_start3A_218 = arith.constant 0 : i32
    %dma_start3A_219 = arith.constant 0 : i32
    %dma_start3A_220 = tpu.memref_slice %arg2[%dma_start3A_218, %dma_start3A_219] : memref<10000x64xf32, #tpu.memory_space<hbm>> -> memref<10000x64xf32, #tpu.memory_space<hbm>>
    tpu.enqueue_indirect_dma source(%dma_start3A_220 : memref<10000x64xf32, #tpu.memory_space<hbm>>) target(%arg11 : memref<80x64xf32, #tpu.memory_space<vmem>>) offsets(%dma_start3A_217 : memref<80xi32, #tpu.memory_space<vmem>>) semaphore(%arg18 : memref<!tpu.dma_semaphore, #tpu.memory_space<semaphore_mem>>)
    %dma_wait3A_221 = arith.constant 121 : i32
    %dma_wait3A_222 = arith.constant 0 : i32
    %dma_wait3A_223 = tpu.memref_slice %arg5[%dma_wait3A_221, %dma_wait3A_222] : memref<125x80xi32, #tpu.memory_space<vmem>> -> memref<1x80xi32, #tpu.memory_space<vmem>>
    %dma_wait3A_224 = tpu.memref_squeeze %dma_wait3A_223 : memref<1x80xi32, #tpu.memory_space<vmem>> -> memref<80xi32, #tpu.memory_space<vmem>>
    %dma_wait3A_225 = arith.constant 0 : i32
    %dma_wait3A_226 = arith.constant 0 : i32
    %dma_wait3A_227 = tpu.memref_slice %arg2[%dma_wait3A_225, %dma_wait3A_226] : memref<10000x64xf32, #tpu.memory_space<hbm>> -> memref<10000x64xf32, #tpu.memory_space<hbm>>
    tpu.wait_indirect_dma semaphore(%arg15 : memref<!tpu.dma_semaphore, #tpu.memory_space<semaphore_mem>>) src(%dma_wait3A_227 : memref<10000x64xf32, #tpu.memory_space<hbm>>) dst(%arg8 : memref<80x64xf32, #tpu.memory_space<vmem>>)
    %dma_start3A_228 = arith.constant 121 : i32
    %dma_start3A_229 = arith.constant 0 : i32
    %dma_start3A_230 = tpu.memref_slice %arg6[%dma_start3A_228, %dma_start3A_229] : memref<125x80xi32, #tpu.memory_space<vmem>> -> memref<1x80xi32, #tpu.memory_space<vmem>>
    %dma_start3A_231 = tpu.memref_squeeze %dma_start3A_230 : memref<1x80xi32, #tpu.memory_space<vmem>> -> memref<80xi32, #tpu.memory_space<vmem>>
    %dma_start3A_232 = arith.constant 0 : i32
    %dma_start3A_233 = arith.constant 0 : i32
    %dma_start3A_234 = tpu.memref_slice %arg13[%dma_start3A_232, %dma_start3A_233] : memref<10240x64xf32, #tpu.memory_space<vmem_shared>> -> memref<10240x64xf32, #tpu.memory_space<vmem_shared>>
    tpu.enqueue_indirect_dma source(%arg8 : memref<80x64xf32, #tpu.memory_space<vmem>>) target(%dma_start3A_234 : memref<10240x64xf32, #tpu.memory_space<vmem_shared>>) offsets(%dma_start3A_231 : memref<80xi32, #tpu.memory_space<vmem>>) semaphore(%arg20 : memref<!tpu.dma_semaphore, #tpu.memory_space<semaphore_mem>>) {add = true}
    %dma_wait3A_235 = arith.constant 0 : i32
    %dma_wait3A_236 = arith.constant 0 : i32
    %dma_wait3A_237 = tpu.memref_slice %arg6[%dma_wait3A_235, %dma_wait3A_236] : memref<125x80xi32, #tpu.memory_space<vmem>> -> memref<1x80xi32, #tpu.memory_space<vmem>>
    %dma_wait3A_238 = tpu.memref_squeeze %dma_wait3A_237 : memref<1x80xi32, #tpu.memory_space<vmem>> -> memref<80xi32, #tpu.memory_space<vmem>>
    %dma_wait3A_239 = arith.constant 0 : i32
    %dma_wait3A_240 = arith.constant 0 : i32
    %dma_wait3A_241 = tpu.memref_slice %arg13[%dma_wait3A_239, %dma_wait3A_240] : memref<10240x64xf32, #tpu.memory_space<vmem_shared>> -> memref<10240x64xf32, #tpu.memory_space<vmem_shared>>
    tpu.wait_indirect_dma semaphore(%arg19 : memref<!tpu.dma_semaphore, #tpu.memory_space<semaphore_mem>>) src(%arg7 : memref<80x64xf32, #tpu.memory_space<vmem>>) dst(%dma_wait3A_241 : memref<10240x64xf32, #tpu.memory_space<vmem_shared>>)
    %dma_wait3A_242 = arith.constant 122 : i32
    %dma_wait3A_243 = arith.constant 0 : i32
    %dma_wait3A_244 = tpu.memref_slice %arg5[%dma_wait3A_242, %dma_wait3A_243] : memref<125x80xi32, #tpu.memory_space<vmem>> -> memref<1x80xi32, #tpu.memory_space<vmem>>
    %dma_wait3A_245 = tpu.memref_squeeze %dma_wait3A_244 : memref<1x80xi32, #tpu.memory_space<vmem>> -> memref<80xi32, #tpu.memory_space<vmem>>
    %dma_wait3A_246 = arith.constant 0 : i32
    %dma_wait3A_247 = arith.constant 0 : i32
    %dma_wait3A_248 = tpu.memref_slice %arg2[%dma_wait3A_246, %dma_wait3A_247] : memref<10000x64xf32, #tpu.memory_space<hbm>> -> memref<10000x64xf32, #tpu.memory_space<hbm>>
    tpu.wait_indirect_dma semaphore(%arg16 : memref<!tpu.dma_semaphore, #tpu.memory_space<semaphore_mem>>) src(%dma_wait3A_248 : memref<10000x64xf32, #tpu.memory_space<hbm>>) dst(%arg9 : memref<80x64xf32, #tpu.memory_space<vmem>>)
    %dma_start3A_249 = arith.constant 122 : i32
    %dma_start3A_250 = arith.constant 0 : i32
    %dma_start3A_251 = tpu.memref_slice %arg6[%dma_start3A_249, %dma_start3A_250] : memref<125x80xi32, #tpu.memory_space<vmem>> -> memref<1x80xi32, #tpu.memory_space<vmem>>
    %dma_start3A_252 = tpu.memref_squeeze %dma_start3A_251 : memref<1x80xi32, #tpu.memory_space<vmem>> -> memref<80xi32, #tpu.memory_space<vmem>>
    %dma_start3A_253 = arith.constant 0 : i32
    %dma_start3A_254 = arith.constant 0 : i32
    %dma_start3A_255 = tpu.memref_slice %arg13[%dma_start3A_253, %dma_start3A_254] : memref<10240x64xf32, #tpu.memory_space<vmem_shared>> -> memref<10240x64xf32, #tpu.memory_space<vmem_shared>>
    tpu.enqueue_indirect_dma source(%arg9 : memref<80x64xf32, #tpu.memory_space<vmem>>) target(%dma_start3A_255 : memref<10240x64xf32, #tpu.memory_space<vmem_shared>>) offsets(%dma_start3A_252 : memref<80xi32, #tpu.memory_space<vmem>>) semaphore(%arg21 : memref<!tpu.dma_semaphore, #tpu.memory_space<semaphore_mem>>) {add = true}
    %dma_wait3A_256 = arith.constant 0 : i32
    %dma_wait3A_257 = arith.constant 0 : i32
    %dma_wait3A_258 = tpu.memref_slice %arg6[%dma_wait3A_256, %dma_wait3A_257] : memref<125x80xi32, #tpu.memory_space<vmem>> -> memref<1x80xi32, #tpu.memory_space<vmem>>
    %dma_wait3A_259 = tpu.memref_squeeze %dma_wait3A_258 : memref<1x80xi32, #tpu.memory_space<vmem>> -> memref<80xi32, #tpu.memory_space<vmem>>
    %dma_wait3A_260 = arith.constant 0 : i32
    %dma_wait3A_261 = arith.constant 0 : i32
    %dma_wait3A_262 = tpu.memref_slice %arg13[%dma_wait3A_260, %dma_wait3A_261] : memref<10240x64xf32, #tpu.memory_space<vmem_shared>> -> memref<10240x64xf32, #tpu.memory_space<vmem_shared>>
    tpu.wait_indirect_dma semaphore(%arg20 : memref<!tpu.dma_semaphore, #tpu.memory_space<semaphore_mem>>) src(%arg8 : memref<80x64xf32, #tpu.memory_space<vmem>>) dst(%dma_wait3A_262 : memref<10240x64xf32, #tpu.memory_space<vmem_shared>>)
    %dma_wait3A_263 = arith.constant 123 : i32
    %dma_wait3A_264 = arith.constant 0 : i32
    %dma_wait3A_265 = tpu.memref_slice %arg5[%dma_wait3A_263, %dma_wait3A_264] : memref<125x80xi32, #tpu.memory_space<vmem>> -> memref<1x80xi32, #tpu.memory_space<vmem>>
    %dma_wait3A_266 = tpu.memref_squeeze %dma_wait3A_265 : memref<1x80xi32, #tpu.memory_space<vmem>> -> memref<80xi32, #tpu.memory_space<vmem>>
    %dma_wait3A_267 = arith.constant 0 : i32
    %dma_wait3A_268 = arith.constant 0 : i32
    %dma_wait3A_269 = tpu.memref_slice %arg2[%dma_wait3A_267, %dma_wait3A_268] : memref<10000x64xf32, #tpu.memory_space<hbm>> -> memref<10000x64xf32, #tpu.memory_space<hbm>>
    tpu.wait_indirect_dma semaphore(%arg17 : memref<!tpu.dma_semaphore, #tpu.memory_space<semaphore_mem>>) src(%dma_wait3A_269 : memref<10000x64xf32, #tpu.memory_space<hbm>>) dst(%arg10 : memref<80x64xf32, #tpu.memory_space<vmem>>)
    %dma_start3A_270 = arith.constant 123 : i32
    %dma_start3A_271 = arith.constant 0 : i32
    %dma_start3A_272 = tpu.memref_slice %arg6[%dma_start3A_270, %dma_start3A_271] : memref<125x80xi32, #tpu.memory_space<vmem>> -> memref<1x80xi32, #tpu.memory_space<vmem>>
    %dma_start3A_273 = tpu.memref_squeeze %dma_start3A_272 : memref<1x80xi32, #tpu.memory_space<vmem>> -> memref<80xi32, #tpu.memory_space<vmem>>
    %dma_start3A_274 = arith.constant 0 : i32
    %dma_start3A_275 = arith.constant 0 : i32
    %dma_start3A_276 = tpu.memref_slice %arg13[%dma_start3A_274, %dma_start3A_275] : memref<10240x64xf32, #tpu.memory_space<vmem_shared>> -> memref<10240x64xf32, #tpu.memory_space<vmem_shared>>
    tpu.enqueue_indirect_dma source(%arg10 : memref<80x64xf32, #tpu.memory_space<vmem>>) target(%dma_start3A_276 : memref<10240x64xf32, #tpu.memory_space<vmem_shared>>) offsets(%dma_start3A_273 : memref<80xi32, #tpu.memory_space<vmem>>) semaphore(%arg22 : memref<!tpu.dma_semaphore, #tpu.memory_space<semaphore_mem>>) {add = true}
    %dma_wait3A_277 = arith.constant 0 : i32
    %dma_wait3A_278 = arith.constant 0 : i32
    %dma_wait3A_279 = tpu.memref_slice %arg6[%dma_wait3A_277, %dma_wait3A_278] : memref<125x80xi32, #tpu.memory_space<vmem>> -> memref<1x80xi32, #tpu.memory_space<vmem>>
    %dma_wait3A_280 = tpu.memref_squeeze %dma_wait3A_279 : memref<1x80xi32, #tpu.memory_space<vmem>> -> memref<80xi32, #tpu.memory_space<vmem>>
    %dma_wait3A_281 = arith.constant 0 : i32
    %dma_wait3A_282 = arith.constant 0 : i32
    %dma_wait3A_283 = tpu.memref_slice %arg13[%dma_wait3A_281, %dma_wait3A_282] : memref<10240x64xf32, #tpu.memory_space<vmem_shared>> -> memref<10240x64xf32, #tpu.memory_space<vmem_shared>>
    tpu.wait_indirect_dma semaphore(%arg21 : memref<!tpu.dma_semaphore, #tpu.memory_space<semaphore_mem>>) src(%arg9 : memref<80x64xf32, #tpu.memory_space<vmem>>) dst(%dma_wait3A_283 : memref<10240x64xf32, #tpu.memory_space<vmem_shared>>)
    %dma_wait3A_284 = arith.constant 124 : i32
    %dma_wait3A_285 = arith.constant 0 : i32
    %dma_wait3A_286 = tpu.memref_slice %arg5[%dma_wait3A_284, %dma_wait3A_285] : memref<125x80xi32, #tpu.memory_space<vmem>> -> memref<1x80xi32, #tpu.memory_space<vmem>>
    %dma_wait3A_287 = tpu.memref_squeeze %dma_wait3A_286 : memref<1x80xi32, #tpu.memory_space<vmem>> -> memref<80xi32, #tpu.memory_space<vmem>>
    %dma_wait3A_288 = arith.constant 0 : i32
    %dma_wait3A_289 = arith.constant 0 : i32
    %dma_wait3A_290 = tpu.memref_slice %arg2[%dma_wait3A_288, %dma_wait3A_289] : memref<10000x64xf32, #tpu.memory_space<hbm>> -> memref<10000x64xf32, #tpu.memory_space<hbm>>
    tpu.wait_indirect_dma semaphore(%arg18 : memref<!tpu.dma_semaphore, #tpu.memory_space<semaphore_mem>>) src(%dma_wait3A_290 : memref<10000x64xf32, #tpu.memory_space<hbm>>) dst(%arg11 : memref<80x64xf32, #tpu.memory_space<vmem>>)
    %dma_start3A_291 = arith.constant 124 : i32
    %dma_start3A_292 = arith.constant 0 : i32
    %dma_start3A_293 = tpu.memref_slice %arg6[%dma_start3A_291, %dma_start3A_292] : memref<125x80xi32, #tpu.memory_space<vmem>> -> memref<1x80xi32, #tpu.memory_space<vmem>>
    %dma_start3A_294 = tpu.memref_squeeze %dma_start3A_293 : memref<1x80xi32, #tpu.memory_space<vmem>> -> memref<80xi32, #tpu.memory_space<vmem>>
    %dma_start3A_295 = arith.constant 0 : i32
    %dma_start3A_296 = arith.constant 0 : i32
    %dma_start3A_297 = tpu.memref_slice %arg13[%dma_start3A_295, %dma_start3A_296] : memref<10240x64xf32, #tpu.memory_space<vmem_shared>> -> memref<10240x64xf32, #tpu.memory_space<vmem_shared>>
    tpu.enqueue_indirect_dma source(%arg11 : memref<80x64xf32, #tpu.memory_space<vmem>>) target(%dma_start3A_297 : memref<10240x64xf32, #tpu.memory_space<vmem_shared>>) offsets(%dma_start3A_294 : memref<80xi32, #tpu.memory_space<vmem>>) semaphore(%arg23 : memref<!tpu.dma_semaphore, #tpu.memory_space<semaphore_mem>>) {add = true}
    %dma_wait3A_298 = arith.constant 0 : i32
    %dma_wait3A_299 = arith.constant 0 : i32
    %dma_wait3A_300 = tpu.memref_slice %arg6[%dma_wait3A_298, %dma_wait3A_299] : memref<125x80xi32, #tpu.memory_space<vmem>> -> memref<1x80xi32, #tpu.memory_space<vmem>>
    %dma_wait3A_301 = tpu.memref_squeeze %dma_wait3A_300 : memref<1x80xi32, #tpu.memory_space<vmem>> -> memref<80xi32, #tpu.memory_space<vmem>>
    %dma_wait3A_302 = arith.constant 0 : i32
    %dma_wait3A_303 = arith.constant 0 : i32
    %dma_wait3A_304 = tpu.memref_slice %arg13[%dma_wait3A_302, %dma_wait3A_303] : memref<10240x64xf32, #tpu.memory_space<vmem_shared>> -> memref<10240x64xf32, #tpu.memory_space<vmem_shared>>
    tpu.wait_indirect_dma semaphore(%arg22 : memref<!tpu.dma_semaphore, #tpu.memory_space<semaphore_mem>>) src(%arg10 : memref<80x64xf32, #tpu.memory_space<vmem>>) dst(%dma_wait3A_304 : memref<10240x64xf32, #tpu.memory_space<vmem_shared>>)
    %dma_wait3A_305 = arith.constant 0 : i32
    %dma_wait3A_306 = arith.constant 0 : i32
    %dma_wait3A_307 = tpu.memref_slice %arg6[%dma_wait3A_305, %dma_wait3A_306] : memref<125x80xi32, #tpu.memory_space<vmem>> -> memref<1x80xi32, #tpu.memory_space<vmem>>
    %dma_wait3A_308 = tpu.memref_squeeze %dma_wait3A_307 : memref<1x80xi32, #tpu.memory_space<vmem>> -> memref<80xi32, #tpu.memory_space<vmem>>
    %dma_wait3A_309 = arith.constant 0 : i32
    %dma_wait3A_310 = arith.constant 0 : i32
    %dma_wait3A_311 = tpu.memref_slice %arg13[%dma_wait3A_309, %dma_wait3A_310] : memref<10240x64xf32, #tpu.memory_space<vmem_shared>> -> memref<10240x64xf32, #tpu.memory_space<vmem_shared>>
    tpu.wait_indirect_dma semaphore(%arg23 : memref<!tpu.dma_semaphore, #tpu.memory_space<semaphore_mem>>) src(%arg11 : memref<80x64xf32, #tpu.memory_space<vmem>>) dst(%dma_wait3A_311 : memref<10240x64xf32, #tpu.memory_space<vmem_shared>>)
    %barrier3A_312 = arith.constant 0 : index
    tpu.barrier barrier_id(%barrier3A_312)
    %add3A_313 = arith.constant 0 : i32
    %add3A_314 = arith.addi %mul3A_2, %add3A_313 : i32
    "tpu.region"() ({
      %run_scoped3A_345 = tpu.sem_alloc : memref<!tpu.dma_semaphore, #tpu.memory_space<semaphore_mem>>
      %dma_start3A_346 = arith.constant 0 : i32
      %dma_start3A_347 = tpu.memref_slice %arg13[%add3A_314, %dma_start3A_346] : memref<10240x64xf32, #tpu.memory_space<vmem_shared>> -> memref<80x64xf32, #tpu.memory_space<vmem_shared>>
      %dma_start3A_348 = arith.constant 0 : i32
      %dma_start3A_349 = tpu.memref_slice %arg13[%add3A_314, %dma_start3A_348] : memref<10240x64xf32, #tpu.memory_space<vmem_shared>> -> memref<80x64xf32, #tpu.memory_space<vmem_shared>>
      tpu.enqueue_dma source(%dma_start3A_349 : memref<80x64xf32, #tpu.memory_space<vmem_shared>>) target(%arg12 : memref<80x64xf32, #tpu.memory_space<vmem>>) target_semaphore(%run_scoped3A_345 : memref<!tpu.dma_semaphore, #tpu.memory_space<semaphore_mem>>)
      %dma_wait3A_350 = arith.constant 0 : i32
      %dma_wait3A_351 = tpu.memref_slice %arg13[%add3A_314, %dma_wait3A_350] : memref<10240x64xf32, #tpu.memory_space<vmem_shared>> -> memref<80x64xf32, #tpu.memory_space<vmem_shared>>
      %dma_wait3A_352 = arith.constant 0 : i32
      %dma_wait3A_353 = tpu.memref_slice %arg13[%add3A_314, %dma_wait3A_352] : memref<10240x64xf32, #tpu.memory_space<vmem_shared>> -> memref<80x64xf32, #tpu.memory_space<vmem_shared>>
      tpu.wait_dma2 semaphore(%run_scoped3A_345 : memref<!tpu.dma_semaphore, #tpu.memory_space<semaphore_mem>>) src(%dma_wait3A_353 : memref<80x64xf32, #tpu.memory_space<vmem_shared>>) dst(%arg12 : memref<80x64xf32, #tpu.memory_space<vmem>>)
      tpu.yield
    }) : () -> ()
    %mul3A_315 = arith.constant 64 : i32
    %mul3A_316 = arith.muli %arg0, %mul3A_315 : i32
    "tpu.region"() ({
      %run_scoped3A_345 = tpu.sem_alloc : memref<!tpu.dma_semaphore, #tpu.memory_space<semaphore_mem>>
      %dma_start3A_346 = tpu.memref_slice %arg4[%add3A_314, %mul3A_316] : memref<10240x128xf32, #tpu.memory_space<hbm>> -> memref<80x64xf32, #tpu.memory_space<hbm>>
      %dma_start3A_347 = tpu.memref_slice %arg4[%add3A_314, %mul3A_316] : memref<10240x128xf32, #tpu.memory_space<hbm>> -> memref<80x64xf32, #tpu.memory_space<hbm>>
      tpu.enqueue_dma source(%arg12 : memref<80x64xf32, #tpu.memory_space<vmem>>) target(%dma_start3A_347 : memref<80x64xf32, #tpu.memory_space<hbm>>) target_semaphore(%run_scoped3A_345 : memref<!tpu.dma_semaphore, #tpu.memory_space<semaphore_mem>>)
      %dma_wait3A_348 = tpu.memref_slice %arg4[%add3A_314, %mul3A_316] : memref<10240x128xf32, #tpu.memory_space<hbm>> -> memref<80x64xf32, #tpu.memory_space<hbm>>
      %dma_wait3A_349 = tpu.memref_slice %arg4[%add3A_314, %mul3A_316] : memref<10240x128xf32, #tpu.memory_space<hbm>> -> memref<80x64xf32, #tpu.memory_space<hbm>>
      tpu.wait_dma2 semaphore(%run_scoped3A_345 : memref<!tpu.dma_semaphore, #tpu.memory_space<semaphore_mem>>) src(%arg12 : memref<80x64xf32, #tpu.memory_space<vmem>>) dst(%dma_wait3A_349 : memref<80x64xf32, #tpu.memory_space<hbm>>)
      tpu.yield
    }) : () -> ()
    %add3A_317 = arith.constant 80 : i32
    %add3A_318 = arith.addi %mul3A_2, %add3A_317 : i32
    "tpu.region"() ({
      %run_scoped3A_345 = tpu.sem_alloc : memref<!tpu.dma_semaphore, #tpu.memory_space<semaphore_mem>>
      %dma_start3A_346 = arith.constant 0 : i32
      %dma_start3A_347 = tpu.memref_slice %arg13[%add3A_318, %dma_start3A_346] : memref<10240x64xf32, #tpu.memory_space<vmem_shared>> -> memref<80x64xf32, #tpu.memory_space<vmem_shared>>
      %dma_start3A_348 = arith.constant 0 : i32
      %dma_start3A_349 = tpu.memref_slice %arg13[%add3A_318, %dma_start3A_348] : memref<10240x64xf32, #tpu.memory_space<vmem_shared>> -> memref<80x64xf32, #tpu.memory_space<vmem_shared>>
      tpu.enqueue_dma source(%dma_start3A_349 : memref<80x64xf32, #tpu.memory_space<vmem_shared>>) target(%arg12 : memref<80x64xf32, #tpu.memory_space<vmem>>) target_semaphore(%run_scoped3A_345 : memref<!tpu.dma_semaphore, #tpu.memory_space<semaphore_mem>>)
      %dma_wait3A_350 = arith.constant 0 : i32
      %dma_wait3A_351 = tpu.memref_slice %arg13[%add3A_318, %dma_wait3A_350] : memref<10240x64xf32, #tpu.memory_space<vmem_shared>> -> memref<80x64xf32, #tpu.memory_space<vmem_shared>>
      %dma_wait3A_352 = arith.constant 0 : i32
      %dma_wait3A_353 = tpu.memref_slice %arg13[%add3A_318, %dma_wait3A_352] : memref<10240x64xf32, #tpu.memory_space<vmem_shared>> -> memref<80x64xf32, #tpu.memory_space<vmem_shared>>
      tpu.wait_dma2 semaphore(%run_scoped3A_345 : memref<!tpu.dma_semaphore, #tpu.memory_space<semaphore_mem>>) src(%dma_wait3A_353 : memref<80x64xf32, #tpu.memory_space<vmem_shared>>) dst(%arg12 : memref<80x64xf32, #tpu.memory_space<vmem>>)
      tpu.yield
    }) : () -> ()
    %mul3A_319 = arith.constant 64 : i32
    %mul3A_320 = arith.muli %arg0, %mul3A_319 : i32
    "tpu.region"() ({
      %run_scoped3A_345 = tpu.sem_alloc : memref<!tpu.dma_semaphore, #tpu.memory_space<semaphore_mem>>
      %dma_start3A_346 = tpu.memref_slice %arg4[%add3A_318, %mul3A_320] : memref<10240x128xf32, #tpu.memory_space<hbm>> -> memref<80x64xf32, #tpu.memory_space<hbm>>
      %dma_start3A_347 = tpu.memref_slice %arg4[%add3A_318, %mul3A_320] : memref<10240x128xf32, #tpu.memory_space<hbm>> -> memref<80x64xf32, #tpu.memory_space<hbm>>
      tpu.enqueue_dma source(%arg12 : memref<80x64xf32, #tpu.memory_space<vmem>>) target(%dma_start3A_347 : memref<80x64xf32, #tpu.memory_space<hbm>>) target_semaphore(%run_scoped3A_345 : memref<!tpu.dma_semaphore, #tpu.memory_space<semaphore_mem>>)
      %dma_wait3A_348 = tpu.memref_slice %arg4[%add3A_318, %mul3A_320] : memref<10240x128xf32, #tpu.memory_space<hbm>> -> memref<80x64xf32, #tpu.memory_space<hbm>>
      %dma_wait3A_349 = tpu.memref_slice %arg4[%add3A_318, %mul3A_320] : memref<10240x128xf32, #tpu.memory_space<hbm>> -> memref<80x64xf32, #tpu.memory_space<hbm>>
      tpu.wait_dma2 semaphore(%run_scoped3A_345 : memref<!tpu.dma_semaphore, #tpu.memory_space<semaphore_mem>>) src(%arg12 : memref<80x64xf32, #tpu.memory_space<vmem>>) dst(%dma_wait3A_349 : memref<80x64xf32, #tpu.memory_space<hbm>>)
      tpu.yield
    }) : () -> ()
    %add3A_321 = arith.constant 160 : i32
    %add3A_322 = arith.addi %mul3A_2, %add3A_321 : i32
    "tpu.region"() ({
      %run_scoped3A_345 = tpu.sem_alloc : memref<!tpu.dma_semaphore, #tpu.memory_space<semaphore_mem>>
      %dma_start3A_346 = arith.constant 0 : i32
      %dma_start3A_347 = tpu.memref_slice %arg13[%add3A_322, %dma_start3A_346] : memref<10240x64xf32, #tpu.memory_space<vmem_shared>> -> memref<80x64xf32, #tpu.memory_space<vmem_shared>>
      %dma_start3A_348 = arith.constant 0 : i32
      %dma_start3A_349 = tpu.memref_slice %arg13[%add3A_322, %dma_start3A_348] : memref<10240x64xf32, #tpu.memory_space<vmem_shared>> -> memref<80x64xf32, #tpu.memory_space<vmem_shared>>
      tpu.enqueue_dma source(%dma_start3A_349 : memref<80x64xf32, #tpu.memory_space<vmem_shared>>) target(%arg12 : memref<80x64xf32, #tpu.memory_space<vmem>>) target_semaphore(%run_scoped3A_345 : memref<!tpu.dma_semaphore, #tpu.memory_space<semaphore_mem>>)
      %dma_wait3A_350 = arith.constant 0 : i32
      %dma_wait3A_351 = tpu.memref_slice %arg13[%add3A_322, %dma_wait3A_350] : memref<10240x64xf32, #tpu.memory_space<vmem_shared>> -> memref<80x64xf32, #tpu.memory_space<vmem_shared>>
      %dma_wait3A_352 = arith.constant 0 : i32
      %dma_wait3A_353 = tpu.memref_slice %arg13[%add3A_322, %dma_wait3A_352] : memref<10240x64xf32, #tpu.memory_space<vmem_shared>> -> memref<80x64xf32, #tpu.memory_space<vmem_shared>>
      tpu.wait_dma2 semaphore(%run_scoped3A_345 : memref<!tpu.dma_semaphore, #tpu.memory_space<semaphore_mem>>) src(%dma_wait3A_353 : memref<80x64xf32, #tpu.memory_space<vmem_shared>>) dst(%arg12 : memref<80x64xf32, #tpu.memory_space<vmem>>)
      tpu.yield
    }) : () -> ()
    %mul3A_323 = arith.constant 64 : i32
    %mul3A_324 = arith.muli %arg0, %mul3A_323 : i32
    "tpu.region"() ({
      %run_scoped3A_345 = tpu.sem_alloc : memref<!tpu.dma_semaphore, #tpu.memory_space<semaphore_mem>>
      %dma_start3A_346 = tpu.memref_slice %arg4[%add3A_322, %mul3A_324] : memref<10240x128xf32, #tpu.memory_space<hbm>> -> memref<80x64xf32, #tpu.memory_space<hbm>>
      %dma_start3A_347 = tpu.memref_slice %arg4[%add3A_322, %mul3A_324] : memref<10240x128xf32, #tpu.memory_space<hbm>> -> memref<80x64xf32, #tpu.memory_space<hbm>>
      tpu.enqueue_dma source(%arg12 : memref<80x64xf32, #tpu.memory_space<vmem>>) target(%dma_start3A_347 : memref<80x64xf32, #tpu.memory_space<hbm>>) target_semaphore(%run_scoped3A_345 : memref<!tpu.dma_semaphore, #tpu.memory_space<semaphore_mem>>)
      %dma_wait3A_348 = tpu.memref_slice %arg4[%add3A_322, %mul3A_324] : memref<10240x128xf32, #tpu.memory_space<hbm>> -> memref<80x64xf32, #tpu.memory_space<hbm>>
      %dma_wait3A_349 = tpu.memref_slice %arg4[%add3A_322, %mul3A_324] : memref<10240x128xf32, #tpu.memory_space<hbm>> -> memref<80x64xf32, #tpu.memory_space<hbm>>
      tpu.wait_dma2 semaphore(%run_scoped3A_345 : memref<!tpu.dma_semaphore, #tpu.memory_space<semaphore_mem>>) src(%arg12 : memref<80x64xf32, #tpu.memory_space<vmem>>) dst(%dma_wait3A_349 : memref<80x64xf32, #tpu.memory_space<hbm>>)
      tpu.yield
    }) : () -> ()
    %add3A_325 = arith.constant 240 : i32
    %add3A_326 = arith.addi %mul3A_2, %add3A_325 : i32
    "tpu.region"() ({
      %run_scoped3A_345 = tpu.sem_alloc : memref<!tpu.dma_semaphore, #tpu.memory_space<semaphore_mem>>
      %dma_start3A_346 = arith.constant 0 : i32
      %dma_start3A_347 = tpu.memref_slice %arg13[%add3A_326, %dma_start3A_346] : memref<10240x64xf32, #tpu.memory_space<vmem_shared>> -> memref<80x64xf32, #tpu.memory_space<vmem_shared>>
      %dma_start3A_348 = arith.constant 0 : i32
      %dma_start3A_349 = tpu.memref_slice %arg13[%add3A_326, %dma_start3A_348] : memref<10240x64xf32, #tpu.memory_space<vmem_shared>> -> memref<80x64xf32, #tpu.memory_space<vmem_shared>>
      tpu.enqueue_dma source(%dma_start3A_349 : memref<80x64xf32, #tpu.memory_space<vmem_shared>>) target(%arg12 : memref<80x64xf32, #tpu.memory_space<vmem>>) target_semaphore(%run_scoped3A_345 : memref<!tpu.dma_semaphore, #tpu.memory_space<semaphore_mem>>)
      %dma_wait3A_350 = arith.constant 0 : i32
      %dma_wait3A_351 = tpu.memref_slice %arg13[%add3A_326, %dma_wait3A_350] : memref<10240x64xf32, #tpu.memory_space<vmem_shared>> -> memref<80x64xf32, #tpu.memory_space<vmem_shared>>
      %dma_wait3A_352 = arith.constant 0 : i32
      %dma_wait3A_353 = tpu.memref_slice %arg13[%add3A_326, %dma_wait3A_352] : memref<10240x64xf32, #tpu.memory_space<vmem_shared>> -> memref<80x64xf32, #tpu.memory_space<vmem_shared>>
      tpu.wait_dma2 semaphore(%run_scoped3A_345 : memref<!tpu.dma_semaphore, #tpu.memory_space<semaphore_mem>>) src(%dma_wait3A_353 : memref<80x64xf32, #tpu.memory_space<vmem_shared>>) dst(%arg12 : memref<80x64xf32, #tpu.memory_space<vmem>>)
      tpu.yield
    }) : () -> ()
    %mul3A_327 = arith.constant 64 : i32
    %mul3A_328 = arith.muli %arg0, %mul3A_327 : i32
    "tpu.region"() ({
      %run_scoped3A_345 = tpu.sem_alloc : memref<!tpu.dma_semaphore, #tpu.memory_space<semaphore_mem>>
      %dma_start3A_346 = tpu.memref_slice %arg4[%add3A_326, %mul3A_328] : memref<10240x128xf32, #tpu.memory_space<hbm>> -> memref<80x64xf32, #tpu.memory_space<hbm>>
      %dma_start3A_347 = tpu.memref_slice %arg4[%add3A_326, %mul3A_328] : memref<10240x128xf32, #tpu.memory_space<hbm>> -> memref<80x64xf32, #tpu.memory_space<hbm>>
      tpu.enqueue_dma source(%arg12 : memref<80x64xf32, #tpu.memory_space<vmem>>) target(%dma_start3A_347 : memref<80x64xf32, #tpu.memory_space<hbm>>) target_semaphore(%run_scoped3A_345 : memref<!tpu.dma_semaphore, #tpu.memory_space<semaphore_mem>>)
      %dma_wait3A_348 = tpu.memref_slice %arg4[%add3A_326, %mul3A_328] : memref<10240x128xf32, #tpu.memory_space<hbm>> -> memref<80x64xf32, #tpu.memory_space<hbm>>
      %dma_wait3A_349 = tpu.memref_slice %arg4[%add3A_326, %mul3A_328] : memref<10240x128xf32, #tpu.memory_space<hbm>> -> memref<80x64xf32, #tpu.memory_space<hbm>>
      tpu.wait_dma2 semaphore(%run_scoped3A_345 : memref<!tpu.dma_semaphore, #tpu.memory_space<semaphore_mem>>) src(%arg12 : memref<80x64xf32, #tpu.memory_space<vmem>>) dst(%dma_wait3A_349 : memref<80x64xf32, #tpu.memory_space<hbm>>)
      tpu.yield
    }) : () -> ()
    %add3A_329 = arith.constant 320 : i32
    %add3A_330 = arith.addi %mul3A_2, %add3A_329 : i32
    "tpu.region"() ({
      %run_scoped3A_345 = tpu.sem_alloc : memref<!tpu.dma_semaphore, #tpu.memory_space<semaphore_mem>>
      %dma_start3A_346 = arith.constant 0 : i32
      %dma_start3A_347 = tpu.memref_slice %arg13[%add3A_330, %dma_start3A_346] : memref<10240x64xf32, #tpu.memory_space<vmem_shared>> -> memref<80x64xf32, #tpu.memory_space<vmem_shared>>
      %dma_start3A_348 = arith.constant 0 : i32
      %dma_start3A_349 = tpu.memref_slice %arg13[%add3A_330, %dma_start3A_348] : memref<10240x64xf32, #tpu.memory_space<vmem_shared>> -> memref<80x64xf32, #tpu.memory_space<vmem_shared>>
      tpu.enqueue_dma source(%dma_start3A_349 : memref<80x64xf32, #tpu.memory_space<vmem_shared>>) target(%arg12 : memref<80x64xf32, #tpu.memory_space<vmem>>) target_semaphore(%run_scoped3A_345 : memref<!tpu.dma_semaphore, #tpu.memory_space<semaphore_mem>>)
      %dma_wait3A_350 = arith.constant 0 : i32
      %dma_wait3A_351 = tpu.memref_slice %arg13[%add3A_330, %dma_wait3A_350] : memref<10240x64xf32, #tpu.memory_space<vmem_shared>> -> memref<80x64xf32, #tpu.memory_space<vmem_shared>>
      %dma_wait3A_352 = arith.constant 0 : i32
      %dma_wait3A_353 = tpu.memref_slice %arg13[%add3A_330, %dma_wait3A_352] : memref<10240x64xf32, #tpu.memory_space<vmem_shared>> -> memref<80x64xf32, #tpu.memory_space<vmem_shared>>
      tpu.wait_dma2 semaphore(%run_scoped3A_345 : memref<!tpu.dma_semaphore, #tpu.memory_space<semaphore_mem>>) src(%dma_wait3A_353 : memref<80x64xf32, #tpu.memory_space<vmem_shared>>) dst(%arg12 : memref<80x64xf32, #tpu.memory_space<vmem>>)
      tpu.yield
    }) : () -> ()
    %mul3A_331 = arith.constant 64 : i32
    %mul3A_332 = arith.muli %arg0, %mul3A_331 : i32
    "tpu.region"() ({
      %run_scoped3A_345 = tpu.sem_alloc : memref<!tpu.dma_semaphore, #tpu.memory_space<semaphore_mem>>
      %dma_start3A_346 = tpu.memref_slice %arg4[%add3A_330, %mul3A_332] : memref<10240x128xf32, #tpu.memory_space<hbm>> -> memref<80x64xf32, #tpu.memory_space<hbm>>
      %dma_start3A_347 = tpu.memref_slice %arg4[%add3A_330, %mul3A_332] : memref<10240x128xf32, #tpu.memory_space<hbm>> -> memref<80x64xf32, #tpu.memory_space<hbm>>
      tpu.enqueue_dma source(%arg12 : memref<80x64xf32, #tpu.memory_space<vmem>>) target(%dma_start3A_347 : memref<80x64xf32, #tpu.memory_space<hbm>>) target_semaphore(%run_scoped3A_345 : memref<!tpu.dma_semaphore, #tpu.memory_space<semaphore_mem>>)
      %dma_wait3A_348 = tpu.memref_slice %arg4[%add3A_330, %mul3A_332] : memref<10240x128xf32, #tpu.memory_space<hbm>> -> memref<80x64xf32, #tpu.memory_space<hbm>>
      %dma_wait3A_349 = tpu.memref_slice %arg4[%add3A_330, %mul3A_332] : memref<10240x128xf32, #tpu.memory_space<hbm>> -> memref<80x64xf32, #tpu.memory_space<hbm>>
      tpu.wait_dma2 semaphore(%run_scoped3A_345 : memref<!tpu.dma_semaphore, #tpu.memory_space<semaphore_mem>>) src(%arg12 : memref<80x64xf32, #tpu.memory_space<vmem>>) dst(%dma_wait3A_349 : memref<80x64xf32, #tpu.memory_space<hbm>>)
      tpu.yield
    }) : () -> ()
    %add3A_333 = arith.constant 400 : i32
    %add3A_334 = arith.addi %mul3A_2, %add3A_333 : i32
    "tpu.region"() ({
      %run_scoped3A_345 = tpu.sem_alloc : memref<!tpu.dma_semaphore, #tpu.memory_space<semaphore_mem>>
      %dma_start3A_346 = arith.constant 0 : i32
      %dma_start3A_347 = tpu.memref_slice %arg13[%add3A_334, %dma_start3A_346] : memref<10240x64xf32, #tpu.memory_space<vmem_shared>> -> memref<80x64xf32, #tpu.memory_space<vmem_shared>>
      %dma_start3A_348 = arith.constant 0 : i32
      %dma_start3A_349 = tpu.memref_slice %arg13[%add3A_334, %dma_start3A_348] : memref<10240x64xf32, #tpu.memory_space<vmem_shared>> -> memref<80x64xf32, #tpu.memory_space<vmem_shared>>
      tpu.enqueue_dma source(%dma_start3A_349 : memref<80x64xf32, #tpu.memory_space<vmem_shared>>) target(%arg12 : memref<80x64xf32, #tpu.memory_space<vmem>>) target_semaphore(%run_scoped3A_345 : memref<!tpu.dma_semaphore, #tpu.memory_space<semaphore_mem>>)
      %dma_wait3A_350 = arith.constant 0 : i32
      %dma_wait3A_351 = tpu.memref_slice %arg13[%add3A_334, %dma_wait3A_350] : memref<10240x64xf32, #tpu.memory_space<vmem_shared>> -> memref<80x64xf32, #tpu.memory_space<vmem_shared>>
      %dma_wait3A_352 = arith.constant 0 : i32
      %dma_wait3A_353 = tpu.memref_slice %arg13[%add3A_334, %dma_wait3A_352] : memref<10240x64xf32, #tpu.memory_space<vmem_shared>> -> memref<80x64xf32, #tpu.memory_space<vmem_shared>>
      tpu.wait_dma2 semaphore(%run_scoped3A_345 : memref<!tpu.dma_semaphore, #tpu.memory_space<semaphore_mem>>) src(%dma_wait3A_353 : memref<80x64xf32, #tpu.memory_space<vmem_shared>>) dst(%arg12 : memref<80x64xf32, #tpu.memory_space<vmem>>)
      tpu.yield
    }) : () -> ()
    %mul3A_335 = arith.constant 64 : i32
    %mul3A_336 = arith.muli %arg0, %mul3A_335 : i32
    "tpu.region"() ({
      %run_scoped3A_345 = tpu.sem_alloc : memref<!tpu.dma_semaphore, #tpu.memory_space<semaphore_mem>>
      %dma_start3A_346 = tpu.memref_slice %arg4[%add3A_334, %mul3A_336] : memref<10240x128xf32, #tpu.memory_space<hbm>> -> memref<80x64xf32, #tpu.memory_space<hbm>>
      %dma_start3A_347 = tpu.memref_slice %arg4[%add3A_334, %mul3A_336] : memref<10240x128xf32, #tpu.memory_space<hbm>> -> memref<80x64xf32, #tpu.memory_space<hbm>>
      tpu.enqueue_dma source(%arg12 : memref<80x64xf32, #tpu.memory_space<vmem>>) target(%dma_start3A_347 : memref<80x64xf32, #tpu.memory_space<hbm>>) target_semaphore(%run_scoped3A_345 : memref<!tpu.dma_semaphore, #tpu.memory_space<semaphore_mem>>)
      %dma_wait3A_348 = tpu.memref_slice %arg4[%add3A_334, %mul3A_336] : memref<10240x128xf32, #tpu.memory_space<hbm>> -> memref<80x64xf32, #tpu.memory_space<hbm>>
      %dma_wait3A_349 = tpu.memref_slice %arg4[%add3A_334, %mul3A_336] : memref<10240x128xf32, #tpu.memory_space<hbm>> -> memref<80x64xf32, #tpu.memory_space<hbm>>
      tpu.wait_dma2 semaphore(%run_scoped3A_345 : memref<!tpu.dma_semaphore, #tpu.memory_space<semaphore_mem>>) src(%arg12 : memref<80x64xf32, #tpu.memory_space<vmem>>) dst(%dma_wait3A_349 : memref<80x64xf32, #tpu.memory_space<hbm>>)
      tpu.yield
    }) : () -> ()
    %add3A_337 = arith.constant 480 : i32
    %add3A_338 = arith.addi %mul3A_2, %add3A_337 : i32
    "tpu.region"() ({
      %run_scoped3A_345 = tpu.sem_alloc : memref<!tpu.dma_semaphore, #tpu.memory_space<semaphore_mem>>
      %dma_start3A_346 = arith.constant 0 : i32
      %dma_start3A_347 = tpu.memref_slice %arg13[%add3A_338, %dma_start3A_346] : memref<10240x64xf32, #tpu.memory_space<vmem_shared>> -> memref<80x64xf32, #tpu.memory_space<vmem_shared>>
      %dma_start3A_348 = arith.constant 0 : i32
      %dma_start3A_349 = tpu.memref_slice %arg13[%add3A_338, %dma_start3A_348] : memref<10240x64xf32, #tpu.memory_space<vmem_shared>> -> memref<80x64xf32, #tpu.memory_space<vmem_shared>>
      tpu.enqueue_dma source(%dma_start3A_349 : memref<80x64xf32, #tpu.memory_space<vmem_shared>>) target(%arg12 : memref<80x64xf32, #tpu.memory_space<vmem>>) target_semaphore(%run_scoped3A_345 : memref<!tpu.dma_semaphore, #tpu.memory_space<semaphore_mem>>)
      %dma_wait3A_350 = arith.constant 0 : i32
      %dma_wait3A_351 = tpu.memref_slice %arg13[%add3A_338, %dma_wait3A_350] : memref<10240x64xf32, #tpu.memory_space<vmem_shared>> -> memref<80x64xf32, #tpu.memory_space<vmem_shared>>
      %dma_wait3A_352 = arith.constant 0 : i32
      %dma_wait3A_353 = tpu.memref_slice %arg13[%add3A_338, %dma_wait3A_352] : memref<10240x64xf32, #tpu.memory_space<vmem_shared>> -> memref<80x64xf32, #tpu.memory_space<vmem_shared>>
      tpu.wait_dma2 semaphore(%run_scoped3A_345 : memref<!tpu.dma_semaphore, #tpu.memory_space<semaphore_mem>>) src(%dma_wait3A_353 : memref<80x64xf32, #tpu.memory_space<vmem_shared>>) dst(%arg12 : memref<80x64xf32, #tpu.memory_space<vmem>>)
      tpu.yield
    }) : () -> ()
    %mul3A_339 = arith.constant 64 : i32
    %mul3A_340 = arith.muli %arg0, %mul3A_339 : i32
    "tpu.region"() ({
      %run_scoped3A_345 = tpu.sem_alloc : memref<!tpu.dma_semaphore, #tpu.memory_space<semaphore_mem>>
      %dma_start3A_346 = tpu.memref_slice %arg4[%add3A_338, %mul3A_340] : memref<10240x128xf32, #tpu.memory_space<hbm>> -> memref<80x64xf32, #tpu.memory_space<hbm>>
      %dma_start3A_347 = tpu.memref_slice %arg4[%add3A_338, %mul3A_340] : memref<10240x128xf32, #tpu.memory_space<hbm>> -> memref<80x64xf32, #tpu.memory_space<hbm>>
      tpu.enqueue_dma source(%arg12 : memref<80x64xf32, #tpu.memory_space<vmem>>) target(%dma_start3A_347 : memref<80x64xf32, #tpu.memory_space<hbm>>) target_semaphore(%run_scoped3A_345 : memref<!tpu.dma_semaphore, #tpu.memory_space<semaphore_mem>>)
      %dma_wait3A_348 = tpu.memref_slice %arg4[%add3A_338, %mul3A_340] : memref<10240x128xf32, #tpu.memory_space<hbm>> -> memref<80x64xf32, #tpu.memory_space<hbm>>
      %dma_wait3A_349 = tpu.memref_slice %arg4[%add3A_338, %mul3A_340] : memref<10240x128xf32, #tpu.memory_space<hbm>> -> memref<80x64xf32, #tpu.memory_space<hbm>>
      tpu.wait_dma2 semaphore(%run_scoped3A_345 : memref<!tpu.dma_semaphore, #tpu.memory_space<semaphore_mem>>) src(%arg12 : memref<80x64xf32, #tpu.memory_space<vmem>>) dst(%dma_wait3A_349 : memref<80x64xf32, #tpu.memory_space<hbm>>)
      tpu.yield
    }) : () -> ()
    %add3A_341 = arith.constant 560 : i32
    %add3A_342 = arith.addi %mul3A_2, %add3A_341 : i32
    "tpu.region"() ({
      %run_scoped3A_345 = tpu.sem_alloc : memref<!tpu.dma_semaphore, #tpu.memory_space<semaphore_mem>>
      %dma_start3A_346 = arith.constant 0 : i32
      %dma_start3A_347 = tpu.memref_slice %arg13[%add3A_342, %dma_start3A_346] : memref<10240x64xf32, #tpu.memory_space<vmem_shared>> -> memref<80x64xf32, #tpu.memory_space<vmem_shared>>
      %dma_start3A_348 = arith.constant 0 : i32
      %dma_start3A_349 = tpu.memref_slice %arg13[%add3A_342, %dma_start3A_348] : memref<10240x64xf32, #tpu.memory_space<vmem_shared>> -> memref<80x64xf32, #tpu.memory_space<vmem_shared>>
      tpu.enqueue_dma source(%dma_start3A_349 : memref<80x64xf32, #tpu.memory_space<vmem_shared>>) target(%arg12 : memref<80x64xf32, #tpu.memory_space<vmem>>) target_semaphore(%run_scoped3A_345 : memref<!tpu.dma_semaphore, #tpu.memory_space<semaphore_mem>>)
      %dma_wait3A_350 = arith.constant 0 : i32
      %dma_wait3A_351 = tpu.memref_slice %arg13[%add3A_342, %dma_wait3A_350] : memref<10240x64xf32, #tpu.memory_space<vmem_shared>> -> memref<80x64xf32, #tpu.memory_space<vmem_shared>>
      %dma_wait3A_352 = arith.constant 0 : i32
      %dma_wait3A_353 = tpu.memref_slice %arg13[%add3A_342, %dma_wait3A_352] : memref<10240x64xf32, #tpu.memory_space<vmem_shared>> -> memref<80x64xf32, #tpu.memory_space<vmem_shared>>
      tpu.wait_dma2 semaphore(%run_scoped3A_345 : memref<!tpu.dma_semaphore, #tpu.memory_space<semaphore_mem>>) src(%dma_wait3A_353 : memref<80x64xf32, #tpu.memory_space<vmem_shared>>) dst(%arg12 : memref<80x64xf32, #tpu.memory_space<vmem>>)
      tpu.yield
    }) : () -> ()
    %mul3A_343 = arith.constant 64 : i32
    %mul3A_344 = arith.muli %arg0, %mul3A_343 : i32
    "tpu.region"() ({
      %run_scoped3A_345 = tpu.sem_alloc : memref<!tpu.dma_semaphore, #tpu.memory_space<semaphore_mem>>
      %dma_start3A_346 = tpu.memref_slice %arg4[%add3A_342, %mul3A_344] : memref<10240x128xf32, #tpu.memory_space<hbm>> -> memref<80x64xf32, #tpu.memory_space<hbm>>
      %dma_start3A_347 = tpu.memref_slice %arg4[%add3A_342, %mul3A_344] : memref<10240x128xf32, #tpu.memory_space<hbm>> -> memref<80x64xf32, #tpu.memory_space<hbm>>
      tpu.enqueue_dma source(%arg12 : memref<80x64xf32, #tpu.memory_space<vmem>>) target(%dma_start3A_347 : memref<80x64xf32, #tpu.memory_space<hbm>>) target_semaphore(%run_scoped3A_345 : memref<!tpu.dma_semaphore, #tpu.memory_space<semaphore_mem>>)
      %dma_wait3A_348 = tpu.memref_slice %arg4[%add3A_342, %mul3A_344] : memref<10240x128xf32, #tpu.memory_space<hbm>> -> memref<80x64xf32, #tpu.memory_space<hbm>>
      %dma_wait3A_349 = tpu.memref_slice %arg4[%add3A_342, %mul3A_344] : memref<10240x128xf32, #tpu.memory_space<hbm>> -> memref<80x64xf32, #tpu.memory_space<hbm>>
      tpu.wait_dma2 semaphore(%run_scoped3A_345 : memref<!tpu.dma_semaphore, #tpu.memory_space<semaphore_mem>>) src(%arg12 : memref<80x64xf32, #tpu.memory_space<vmem>>) dst(%dma_wait3A_349 : memref<80x64xf32, #tpu.memory_space<hbm>>)
      tpu.yield
    }) : () -> ()
    return
  }
}

module attributes {stable_mosaic.version = 14 : i64} {
  func.func @_pre_body(%arg0: i32, %arg1: memref<2048x128xf32, #tpu.memory_space<vmem>>, %arg2: memref<128x64xf32, #tpu.memory_space<vmem>>, %arg3: memref<128x64xf32, #tpu.memory_space<vmem>>, %arg4: memref<1x64xf32, #tpu.memory_space<vmem>>, %arg5: memref<2048x64xf32, #tpu.memory_space<vmem>>, %arg6: memref<2048x64xf32, #tpu.memory_space<vmem>>) attributes {dimension_semantics = [#tpu.dimension_semantics<arbitrary>], iteration_bounds = array<i64: 5>, scalar_prefetch = 0 : i64, scratch_operands = 0 : i64, tpu.core_type = #tpu.core_type<tc>, window_params = [{transform_indices = @transform_0, window_bounds = array<i64: 2048, 128>}, {pipeline_mode = #tpu.pipeline_mode<synchronous>, transform_indices = @transform_1, window_bounds = array<i64: 128, 64>}, {pipeline_mode = #tpu.pipeline_mode<synchronous>, transform_indices = @transform_2, window_bounds = array<i64: 128, 64>}, {pipeline_mode = #tpu.pipeline_mode<synchronous>, transform_indices = @transform_3, window_bounds = array<i64: 1, 64>}, {transform_indices = @transform_4, window_bounds = array<i64: 2048, 64>}, {transform_indices = @transform_5, window_bounds = array<i64: 2048, 64>}]} {
    %get3A = arith.constant 0 : index
    %get3A_0 = arith.constant 0 : index
    %get3A_1 = vector.load %arg1[%get3A, %get3A_0] : memref<2048x128xf32, #tpu.memory_space<vmem>>, vector<2048x128xf32>
    %get3A_2 = arith.constant 0 : index
    %get3A_3 = arith.constant 0 : index
    %get3A_4 = vector.load %arg2[%get3A_2, %get3A_3] : memref<128x64xf32, #tpu.memory_space<vmem>>, vector<128x64xf32>
    %dot_general3A = arith.constant dense<0.000000e+00> : vector<2048x64xf32>
    %dot_general3A_5 = tpu.matmul %get3A_1, %get3A_4, %dot_general3A {dimension_numbers = #tpu.dot_dimension_numbers<[1], [0], [0], [1], [0, 0, 1, 1], [], []>, transpose_lhs_hint = false} : vector<2048x128xf32>, vector<128x64xf32>, vector<2048x64xf32> -> vector<2048x64xf32>
    %swap3A = arith.constant 0 : index
    %swap3A_6 = arith.constant 0 : index
    %swap3A_7 = vector.load %arg5[%swap3A, %swap3A_6] : memref<2048x64xf32, #tpu.memory_space<vmem>>, vector<2048x64xf32>
    tpu.vector_store %arg5[%swap3A, %swap3A_6], %dot_general3A_5 {strides = array<i32>} : memref<2048x64xf32, #tpu.memory_space<vmem>>, vector<2048x64xf32>,
    %get3A_8 = arith.constant 0 : index
    %get3A_9 = arith.constant 0 : index
    %get3A_10 = vector.load %arg3[%get3A_8, %get3A_9] : memref<128x64xf32, #tpu.memory_space<vmem>>, vector<128x64xf32>
    %dot_general3A_11 = arith.constant dense<0.000000e+00> : vector<2048x64xf32>
    %dot_general3A_12 = tpu.matmul %get3A_1, %get3A_10, %dot_general3A_11 {dimension_numbers = #tpu.dot_dimension_numbers<[1], [0], [0], [1], [0, 0, 1, 1], [], []>, transpose_lhs_hint = false} : vector<2048x128xf32>, vector<128x64xf32>, vector<2048x64xf32> -> vector<2048x64xf32>
    %get3A_13 = arith.constant 0 : index
    %get3A_14 = arith.constant 0 : index
    %get3A_15 = vector.load %arg4[%get3A_13, %get3A_14] : memref<1x64xf32, #tpu.memory_space<vmem>>, vector<1x64xf32>
    %add3A = vector.broadcast %get3A_15 : vector<1x64xf32> to vector<2048x64xf32>
    %add3A_16 = arith.addf %dot_general3A_12, %add3A : vector<2048x64xf32>
    %swap3A_17 = arith.constant 0 : index
    %swap3A_18 = arith.constant 0 : index
    %swap3A_19 = vector.load %arg6[%swap3A_17, %swap3A_18] : memref<2048x64xf32, #tpu.memory_space<vmem>>, vector<2048x64xf32>
    tpu.vector_store %arg6[%swap3A_17, %swap3A_18], %add3A_16 {strides = array<i32>} : memref<2048x64xf32, #tpu.memory_space<vmem>>, vector<2048x64xf32>,
    return
  }
  func.func @transform_0(%arg0: i32) -> (i32, i32) {
    %c0_i32 = arith.constant 0 : i32
    %c0_i32_0 = arith.constant 0 : i32
    return %arg0, %c0_i32 : i32, i32
  }
  func.func @transform_1(%arg0: i32) -> (i32, i32) {
    %c0_i32 = arith.constant 0 : i32
    %c0_i32_0 = arith.constant 0 : i32
    %c0_i32_1 = arith.constant 0 : i32
    return %c0_i32, %c0_i32_0 : i32, i32
  }
  func.func @transform_2(%arg0: i32) -> (i32, i32) {
    %c0_i32 = arith.constant 0 : i32
    %c0_i32_0 = arith.constant 0 : i32
    %c0_i32_1 = arith.constant 0 : i32
    return %c0_i32, %c0_i32_0 : i32, i32
  }
  func.func @transform_3(%arg0: i32) -> (i32, i32) {
    %c0_i32 = arith.constant 0 : i32
    %c0_i32_0 = arith.constant 0 : i32
    %c0_i32_1 = arith.constant 0 : i32
    return %c0_i32, %c0_i32_0 : i32, i32
  }
  func.func @transform_4(%arg0: i32) -> (i32, i32) {
    %c0_i32 = arith.constant 0 : i32
    %c0_i32_0 = arith.constant 0 : i32
    return %arg0, %c0_i32 : i32, i32
  }
  func.func @transform_5(%arg0: i32) -> (i32, i32) {
    %c0_i32 = arith.constant 0 : i32
    %c0_i32_0 = arith.constant 0 : i32
    return %arg0, %c0_i32 : i32, i32
  }
}

module attributes {stable_mosaic.version = 14 : i64} {
  func.func @_mid_body(%arg0: i32, %arg1: memref<2048x128xf32, #tpu.memory_space<vmem>>, %arg2: memref<2x2048xf32, #tpu.memory_space<vmem>>, %arg3: memref<2048x64xf32, #tpu.memory_space<vmem>>, %arg4: memref<64x64xf32, #tpu.memory_space<vmem>>, %arg5: memref<64x64xf32, #tpu.memory_space<vmem>>, %arg6: memref<1x64xf32, #tpu.memory_space<vmem>>, %arg7: memref<2048x64xf32, #tpu.memory_space<vmem>>, %arg8: memref<2048x64xf32, #tpu.memory_space<vmem>>) attributes {dimension_semantics = [#tpu.dimension_semantics<arbitrary>], iteration_bounds = array<i64: 5>, scalar_prefetch = 0 : i64, scratch_operands = 0 : i64, tpu.core_type = #tpu.core_type<tc>, window_params = [{transform_indices = @transform_0, window_bounds = array<i64: 2048, 128>}, {transform_indices = @transform_1, window_bounds = array<i64: 2, 2048>}, {transform_indices = @transform_2, window_bounds = array<i64: 2048, 64>}, {pipeline_mode = #tpu.pipeline_mode<synchronous>, transform_indices = @transform_3, window_bounds = array<i64: 64, 64>}, {pipeline_mode = #tpu.pipeline_mode<synchronous>, transform_indices = @transform_4, window_bounds = array<i64: 64, 64>}, {pipeline_mode = #tpu.pipeline_mode<synchronous>, transform_indices = @transform_5, window_bounds = array<i64: 1, 64>}, {transform_indices = @transform_6, window_bounds = array<i64: 2048, 64>}, {transform_indices = @transform_7, window_bounds = array<i64: 2048, 64>}]} {
    %get3A = arith.constant 0 : index
    %get3A_0 = arith.constant 0 : index
    %get3A_1 = vector.load %arg1[%get3A, %get3A_0] : memref<2048x128xf32, #tpu.memory_space<vmem>>, vector<2048x64xf32>
    %get3A_2 = arith.constant 0 : index
    %get3A_3 = arith.constant 64 : index
    %get3A_4 = vector.load %arg1[%get3A_2, %get3A_3] : memref<2048x128xf32, #tpu.memory_space<vmem>>, vector<2048x64xf32>
    %add3A = arith.addf %get3A_1, %get3A_4 : vector<2048x64xf32>
    %get3A_5 = arith.constant 0 : index
    %get3A_6 = arith.constant 0 : index
    %get3A_7 = vector.load %arg2[%get3A_5, %get3A_6] : memref<2x2048xf32, #tpu.memory_space<vmem>>, vector<1x2048xf32>
    %get3A_8 = arith.constant 1 : index
    %get3A_9 = arith.constant 0 : index
    %get3A_10 = vector.load %arg2[%get3A_8, %get3A_9] : memref<2x2048xf32, #tpu.memory_space<vmem>>, vector<1x2048xf32>
    %add3A_11 = arith.addf %get3A_7, %get3A_10 : vector<1x2048xf32>
    %max3A = arith.constant 1.000000e+00 : f32
    %max3A_12 = vector.broadcast %max3A : f32 to vector<1x2048xf32>
    %max3A_13 = arith.maximumf %add3A_11, %max3A_12 : vector<1x2048xf32>
    %transpose3A = tpu.transpose %max3A_13, [1, 0] : vector<1x2048xf32> -> vector<2048x1xf32>
    %div3A = vector.broadcast %transpose3A : vector<2048x1xf32> to vector<2048x64xf32>
    %div3A_14 = arith.divf %add3A, %div3A : vector<2048x64xf32>
    %get3A_15 = arith.constant 0 : index
    %get3A_16 = arith.constant 0 : index
    %get3A_17 = vector.load %arg3[%get3A_15, %get3A_16] : memref<2048x64xf32, #tpu.memory_space<vmem>>, vector<2048x64xf32>
    %add3A_18 = arith.addf %div3A_14, %get3A_17 : vector<2048x64xf32>
    %logistic3A = arith.negf %add3A_18 : vector<2048x64xf32>
    %logistic3A_19 = math.exp %logistic3A : vector<2048x64xf32>
    %logistic3A_20 = arith.constant 1.000000e+00 : f32
    %logistic3A_21 = vector.broadcast %logistic3A_20 : f32 to vector<2048x64xf32>
    %logistic3A_22 = arith.addf %logistic3A_21, %logistic3A_19 : vector<2048x64xf32>
    %logistic3A_23 = arith.divf %logistic3A_21, %logistic3A_22 : vector<2048x64xf32>
    %get3A_24 = arith.constant 0 : index
    %get3A_25 = arith.constant 0 : index
    %get3A_26 = vector.load %arg4[%get3A_24, %get3A_25] : memref<64x64xf32, #tpu.memory_space<vmem>>, vector<64x64xf32>
    %dot_general3A = arith.constant dense<0.000000e+00> : vector<2048x64xf32>
    %dot_general3A_27 = tpu.matmul %logistic3A_23, %get3A_26, %dot_general3A {dimension_numbers = #tpu.dot_dimension_numbers<[1], [0], [0], [1], [0, 0, 1, 1], [], []>, transpose_lhs_hint = false} : vector<2048x64xf32>, vector<64x64xf32>, vector<2048x64xf32> -> vector<2048x64xf32>
    %swap3A = arith.constant 0 : index
    %swap3A_28 = arith.constant 0 : index
    %swap3A_29 = vector.load %arg7[%swap3A, %swap3A_28] : memref<2048x64xf32, #tpu.memory_space<vmem>>, vector<2048x64xf32>
    tpu.vector_store %arg7[%swap3A, %swap3A_28], %dot_general3A_27 {strides = array<i32>} : memref<2048x64xf32, #tpu.memory_space<vmem>>, vector<2048x64xf32>,
    %get3A_30 = arith.constant 0 : index
    %get3A_31 = arith.constant 0 : index
    %get3A_32 = vector.load %arg5[%get3A_30, %get3A_31] : memref<64x64xf32, #tpu.memory_space<vmem>>, vector<64x64xf32>
    %dot_general3A_33 = arith.constant dense<0.000000e+00> : vector<2048x64xf32>
    %dot_general3A_34 = tpu.matmul %logistic3A_23, %get3A_32, %dot_general3A_33 {dimension_numbers = #tpu.dot_dimension_numbers<[1], [0], [0], [1], [0, 0, 1, 1], [], []>, transpose_lhs_hint = false} : vector<2048x64xf32>, vector<64x64xf32>, vector<2048x64xf32> -> vector<2048x64xf32>
    %get3A_35 = arith.constant 0 : index
    %get3A_36 = arith.constant 0 : index
    %get3A_37 = vector.load %arg6[%get3A_35, %get3A_36] : memref<1x64xf32, #tpu.memory_space<vmem>>, vector<1x64xf32>
    %add3A_38 = vector.broadcast %get3A_37 : vector<1x64xf32> to vector<2048x64xf32>
    %add3A_39 = arith.addf %dot_general3A_34, %add3A_38 : vector<2048x64xf32>
    %swap3A_40 = arith.constant 0 : index
    %swap3A_41 = arith.constant 0 : index
    %swap3A_42 = vector.load %arg8[%swap3A_40, %swap3A_41] : memref<2048x64xf32, #tpu.memory_space<vmem>>, vector<2048x64xf32>
    tpu.vector_store %arg8[%swap3A_40, %swap3A_41], %add3A_39 {strides = array<i32>} : memref<2048x64xf32, #tpu.memory_space<vmem>>, vector<2048x64xf32>,
    return
  }
  func.func @transform_0(%arg0: i32) -> (i32, i32) {
    %c0_i32 = arith.constant 0 : i32
    %c0_i32_0 = arith.constant 0 : i32
    return %arg0, %c0_i32 : i32, i32
  }
  func.func @transform_1(%arg0: i32) -> (i32, i32) {
    %c0_i32 = arith.constant 0 : i32
    %c0_i32_0 = arith.constant 0 : i32
    return %c0_i32, %arg0 : i32, i32
  }
  func.func @transform_2(%arg0: i32) -> (i32, i32) {
    %c0_i32 = arith.constant 0 : i32
    %c0_i32_0 = arith.constant 0 : i32
    return %arg0, %c0_i32 : i32, i32
  }
  func.func @transform_3(%arg0: i32) -> (i32, i32) {
    %c0_i32 = arith.constant 0 : i32
    %c0_i32_0 = arith.constant 0 : i32
    %c0_i32_1 = arith.constant 0 : i32
    return %c0_i32, %c0_i32_0 : i32, i32
  }
  func.func @transform_4(%arg0: i32) -> (i32, i32) {
    %c0_i32 = arith.constant 0 : i32
    %c0_i32_0 = arith.constant 0 : i32
    %c0_i32_1 = arith.constant 0 : i32
    return %c0_i32, %c0_i32_0 : i32, i32
  }
  func.func @transform_5(%arg0: i32) -> (i32, i32) {
    %c0_i32 = arith.constant 0 : i32
    %c0_i32_0 = arith.constant 0 : i32
    %c0_i32_1 = arith.constant 0 : i32
    return %c0_i32, %c0_i32_0 : i32, i32
  }
  func.func @transform_6(%arg0: i32) -> (i32, i32) {
    %c0_i32 = arith.constant 0 : i32
    %c0_i32_0 = arith.constant 0 : i32
    return %arg0, %c0_i32 : i32, i32
  }
  func.func @transform_7(%arg0: i32) -> (i32, i32) {
    %c0_i32 = arith.constant 0 : i32
    %c0_i32_0 = arith.constant 0 : i32
    return %arg0, %c0_i32 : i32, i32
  }
}

module attributes {stable_mosaic.version = 14 : i64} {
  func.func @_post_body(%arg0: i32, %arg1: memref<2048x128xf32, #tpu.memory_space<vmem>>, %arg2: memref<2x2048xf32, #tpu.memory_space<vmem>>, %arg3: memref<2048x64xf32, #tpu.memory_space<vmem>>, %arg4: memref<2048x64xf32, #tpu.memory_space<vmem>>) attributes {dimension_semantics = [#tpu.dimension_semantics<arbitrary>], iteration_bounds = array<i64: 5>, scalar_prefetch = 0 : i64, scratch_operands = 0 : i64, tpu.core_type = #tpu.core_type<tc>, window_params = [{transform_indices = @transform_0, window_bounds = array<i64: 2048, 128>}, {transform_indices = @transform_1, window_bounds = array<i64: 2, 2048>}, {transform_indices = @transform_2, window_bounds = array<i64: 2048, 64>}, {transform_indices = @transform_3, window_bounds = array<i64: 2048, 64>}]} {
    %get3A = arith.constant 0 : index
    %get3A_0 = arith.constant 0 : index
    %get3A_1 = vector.load %arg1[%get3A, %get3A_0] : memref<2048x128xf32, #tpu.memory_space<vmem>>, vector<2048x64xf32>
    %get3A_2 = arith.constant 0 : index
    %get3A_3 = arith.constant 64 : index
    %get3A_4 = vector.load %arg1[%get3A_2, %get3A_3] : memref<2048x128xf32, #tpu.memory_space<vmem>>, vector<2048x64xf32>
    %add3A = arith.addf %get3A_1, %get3A_4 : vector<2048x64xf32>
    %get3A_5 = arith.constant 0 : index
    %get3A_6 = arith.constant 0 : index
    %get3A_7 = vector.load %arg2[%get3A_5, %get3A_6] : memref<2x2048xf32, #tpu.memory_space<vmem>>, vector<1x2048xf32>
    %get3A_8 = arith.constant 1 : index
    %get3A_9 = arith.constant 0 : index
    %get3A_10 = vector.load %arg2[%get3A_8, %get3A_9] : memref<2x2048xf32, #tpu.memory_space<vmem>>, vector<1x2048xf32>
    %add3A_11 = arith.addf %get3A_7, %get3A_10 : vector<1x2048xf32>
    %max3A = arith.constant 1.000000e+00 : f32
    %max3A_12 = vector.broadcast %max3A : f32 to vector<1x2048xf32>
    %max3A_13 = arith.maximumf %add3A_11, %max3A_12 : vector<1x2048xf32>
    %transpose3A = tpu.transpose %max3A_13, [1, 0] : vector<1x2048xf32> -> vector<2048x1xf32>
    %div3A = vector.broadcast %transpose3A : vector<2048x1xf32> to vector<2048x64xf32>
    %div3A_14 = arith.divf %add3A, %div3A : vector<2048x64xf32>
    %get3A_15 = arith.constant 0 : index
    %get3A_16 = arith.constant 0 : index
    %get3A_17 = vector.load %arg3[%get3A_15, %get3A_16] : memref<2048x64xf32, #tpu.memory_space<vmem>>, vector<2048x64xf32>
    %add3A_18 = arith.addf %div3A_14, %get3A_17 : vector<2048x64xf32>
    %swap3A = arith.constant 0 : index
    %swap3A_19 = arith.constant 0 : index
    %swap3A_20 = vector.load %arg4[%swap3A, %swap3A_19] : memref<2048x64xf32, #tpu.memory_space<vmem>>, vector<2048x64xf32>
    tpu.vector_store %arg4[%swap3A, %swap3A_19], %add3A_18 {strides = array<i32>} : memref<2048x64xf32, #tpu.memory_space<vmem>>, vector<2048x64xf32>,
    return
  }
  func.func @transform_0(%arg0: i32) -> (i32, i32) {
    %c0_i32 = arith.constant 0 : i32
    %c0_i32_0 = arith.constant 0 : i32
    return %arg0, %c0_i32 : i32, i32
  }
  func.func @transform_1(%arg0: i32) -> (i32, i32) {
    %c0_i32 = arith.constant 0 : i32
    %c0_i32_0 = arith.constant 0 : i32
    return %c0_i32, %arg0 : i32, i32
  }
  func.func @transform_2(%arg0: i32) -> (i32, i32) {
    %c0_i32 = arith.constant 0 : i32
    %c0_i32_0 = arith.constant 0 : i32
    return %arg0, %c0_i32 : i32, i32
  }
  func.func @transform_3(%arg0: i32) -> (i32, i32) {
    %c0_i32 = arith.constant 0 : i32
    %c0_i32_0 = arith.constant 0 : i32
    return %arg0, %c0_i32 : i32, i32
  }
}

</mosaic_0001>

<sc_bundles>
// kernel: kernel.10.cloned.1.call-start
scs
__scs_entry_jumppad:
0x0: {  	(pc) =	sbr.rel $0x88, $3  }
0x1: {  	(tag) =	ssettag $0x0;
	lr =	simm.s32 $0x1  }
0x2: {  	[smem:$0x3F99] =	sst lr;
	_ =	strace $0xD0000000  }
0x3: {  	_ = 	snop  }
0x4: {  	_ = 	snop  }
0x5: {  	_ = 	snop  }
0x6: {  	_ = 	snop  }
0x7: {  	_ = 	snop  }
__scs_overlays_trampoline_lowered:
0x8: {  	[smem:$0x3FA8] =	sst s0  }
0x9: {  	[smem:$0x3FA9] =	sst s1  }
0xa: {  	[smem:$0x3FAA] =	sst s2  }
0xb: {  	[smem:$0x3FAB] =	sst s3  }
0xc: {  	[smem:$0x3FAC] =	sst s4  }
0xd: {  	[smem:$0x3FAD] =	sst s5  }
0xe: {  	[smem:$0x3FAE] =	sst s6  }
0xf: {  	[smem:$0x3FAF] =	sst s7  }
0x10: {  	[smem:$0x3FB0] =	sst s8  }
0x11: {  	[smem:$0x3FB1] =	sst s9;
	s0 =	simm.s32 @!p0 $0x0  }
0x12: {  	s1 =	sld [smem:$0x3F97];
	s0 =	simm.s32 @p0 $0x1  }
0x13: {  	[smem:$0x3FB2] =	sst s0;
	s0 =	simm.s32 @!p1 $0x0  }
0x14: {  	s2 =	sld [smem:$0x3F96];
	s0 =	simm.s32 @p1 $0x1  }
0x15: {  	[smem:$0x3FB3] =	sst s0;
	s0 =	simm.s32 @!p2 $0x0  }
0x16: {  	s3 =	sld [smem:$0x3FDB];
	s0 =	simm.s32 @p2 $0x1  }
0x17: {  	s4 =	simm.s32 $0x1BF5;
	[smem:$0x3FB5] =	sst s0  }
0x18: {  	s0 =	sld [smem:$0x3F98];
	_ =	swait.ge [sflag:s4], $0x0  }
0x19: {  	s7 =	sld [smem:$0x3F99]  }
0x1a: {  	s8 =	sadd.s32 $0xFFFFE003, lr  }
0x1b: {  	s9 =	sadd.s32 $0xFFFFFEF7, lr;
	s5 =	simm.s32 $0xFFFFFFFF;
	p2 =	slt.u32 s8, $0xFFFFF086  }
0x1c: {  	p1 =	slt.u32 s9, $0xF7A;
	s5 =	simm.s32 @!p2 $0x0  }
0x1d: {  	s5 =	simm.s32 @p1 $0x1;
	p0 =	seq.s32 s7, s2  }
0x1e: {  	s7 =	smul.u32 @!p0 $0xF7A, s2;
	p2 =	seq.s32 @!p0 s5, $0x0  }
0x1f: {  	s9 =	smul.u32 $0xF7A, s1;
	s8 =	simm.s32 @!p0 $0x1BF5;
	p2 =	por !p2, p0  }
0x20: {  	[sflag:s8] =	ssyncset.s32 @!p0 $0xFFFFF086;
	s6 =	sadd.s32 @!p0 s3, s7;
	s7 =	simm.s32 @!p0 $0x108  }
0x21: {  	s3 =	sadd.s32 s3, s9;
	s6 =	sadd.s32 @!p0 $0x88, s6;
	s7 =	simm.s32 @p2 $0x1082  }
0x22: {  	[simem:s7], [sflag:s8] =	dma.local @!p0 [hbm:s6], $0xF7A  }
0x23: {  	s9 =	sor.u32 $0xD0000000, s2;
	s6 =	simm.s32 $0x108;
	_ =	swait.ge @!p0 [sflag:s8], $0x0  }
0x24: {  	s3 =	sadd.s32 $0x88, s3;
	s6 =	simm.s32 @!p1 $0x1082;
	[sflag:s4] =	ssyncset.s32 $0xFFFFF086  }
0x25: {  	[simem:s6], [sflag:s4] =	dma.local [hbm:s3], $0xF7A  }
0x26: {  	[smem:$0x3F99] =	sst s1;
	(tag) =	ssettag s2;
	_ =	strace s9  }
0x27: {  	s1 =	sld [smem:$0x3FA9]  }
0x28: {  	s2 =	sld [smem:$0x3FAA]  }
0x29: {  	s4 =	sld [smem:$0x3FAC]  }
0x2a: {  	p0 =	seq.s32 s5, $0x0;
	s5 =	sld [smem:$0x3FAD]  }
0x2b: {  	s6 =	sld [smem:$0x3FAE]  }
0x2c: {  	s7 =	sld [smem:$0x3FAF]  }
0x2d: {  	s3 =	simm.s32 $0x108;
	s8 =	sld [smem:$0x3FB0]  }
0x2e: {  	s3 =	simm.s32 @!p0 $0x1082;
	s9 =	sld [smem:$0x3FB1]  }
0x2f: {  	lr =	sadd.s32 s0, s3;
	s0 =	sld [smem:$0x3FA8]  }
0x30: {  	s3 =	sld [smem:$0x3FAB]  }
0x31: {  	[smem:$0x3FB4] =	sst s10  }
0x32: {  	s10 =	sld [smem:$0x3FB2];
	_ =	sdelay $0x3  }
0x33: {  	p0 =	seq.s32 s10, $0x1;
	s10 =	sld [smem:$0x3FB4];
	_ =	sdelay $0x3  }
0x34: {  	[smem:$0x3FB4] =	sst s10  }
0x35: {  	s10 =	sld [smem:$0x3FB3];
	_ =	sdelay $0x3  }
0x36: {  	p1 =	seq.s32 s10, $0x1;
	s10 =	sld [smem:$0x3FB4];
	_ =	sdelay $0x3  }
0x37: {  	[smem:$0x3FB4] =	sst s10  }
0x38: {  	s10 =	sld [smem:$0x3FB5]  }
0x39: {  	_ = 	snop;
	(pc) =	sbr.ind lr, $3  }
0x3a: {  	_ = 	snop  }
0x3b: {  	_ = 	snop  }
0x3c: {  	p2 =	seq.s32 s10, $0x1;
	s10 =	sld [smem:$0x3FB4]  }
0x3d: {  	_ =	shalt  }
0x3e: {  	_ =	shalt  }
0x3f: {  	_ =	shalt  }
0x40: {  	_ =	shalt  }
0x41: {  	_ =	shalt  }
0x42: {  	_ =	shalt  }
0x43: {  	_ =	shalt  }
0x44: {  	_ =	shalt  }
0x45: {  	_ =	shalt  }
0x46: {  	_ =	shalt  }
0x47: {  	_ =	shalt  }
0x48: {  	_ =	shalt  }
0x49: {  	_ =	shalt  }
0x4a: {  	_ =	shalt  }
0x4b: {  	_ =	shalt  }
0x4c: {  	_ =	shalt  }
0x4d: {  	_ =	shalt  }
0x4e: {  	_ =	shalt  }
0x4f: {  	_ =	shalt  }
0x50: {  	_ =	shalt  }
0x51: {  	_ =	shalt  }
0x52: {  	_ =	shalt  }
0x53: {  	_ =	shalt  }
0x54: {  	_ =	shalt  }
0x55: {  	_ =	shalt  }
0x56: {  	_ =	shalt  }
0x57: {  	_ =	shalt  }
0x58: {  	_ =	shalt  }
0x59: {  	_ =	shalt  }
0x5a: {  	_ =	shalt  }
0x5b: {  	_ =	shalt  }
0x5c: {  	_ =	shalt  }
0x5d: {  	_ =	shalt  }
0x5e: {  	_ =	shalt  }
0x5f: {  	_ =	shalt  }
0x60: {  	_ =	shalt  }
0x61: {  	_ =	shalt  }
0x62: {  	_ =	shalt  }
0x63: {  	_ =	shalt  }
0x64: {  	_ =	shalt  }
0x65: {  	_ =	shalt  }
0x66: {  	_ =	shalt  }
0x67: {  	_ =	shalt  }
0x68: {  	_ =	shalt  }
0x69: {  	_ =	shalt  }
0x6a: {  	_ =	shalt  }
0x6b: {  	_ =	shalt  }
0x6c: {  	_ =	shalt  }
0x6d: {  	_ =	shalt  }
0x6e: {  	_ =	shalt  }
0x6f: {  	_ =	shalt  }
0x70: {  	_ =	shalt  }
0x71: {  	_ =	shalt  }
0x72: {  	_ =	shalt  }
0x73: {  	_ =	shalt  }
0x74: {  	_ =	shalt  }
0x75: {  	_ =	shalt  }
0x76: {  	_ =	shalt  }
0x77: {  	_ =	shalt  }
0x78: {  	_ =	shalt  }
0x79: {  	_ =	shalt  }
0x7a: {  	_ =	shalt  }
0x7b: {  	_ =	shalt  }
0x7c: {  	_ =	shalt  }
0x7d: {  	_ =	shalt  }
0x7e: {  	_ =	shalt  }
0x7f: {  	_ =	shalt  }
0x80: {  	_ =	shalt  }
0x81: {  	_ =	shalt  }
0x82: {  	_ =	shalt  }
0x83: {  	_ =	shalt  }
0x84: {  	_ =	shalt  }
0x85: {  	_ =	shalt  }
0x86: {  	_ =	shalt  }
0x87: {  	_ =	shalt  }
.Lfunc_end0:
.L_simem_size_0:
called_computation.1_lowered:
.L_overlay_start_0:
0x88: {  	s2 =	sld [smem:$0x3FD9]  }
0x89: {  	s3 =	sld [smem:$0x3FFE];
	_ =	sdelay $0x1  }
0x8a: {  	s1 =	srdreg.scid  }
0x8b: {  	s0 =	sand.u32 $0x1, s1  }
0x8c: {  	s17 =	sshll.u32 s0, $0xA;
	s2 =	sadd.s32 s3, s2  }
0x8d: {  	s2 =	sadd.s32 s2, s17  }
0x8e: {  	[smem:$0x3FC0] =	sst s2  }
0x8f: {  	_ = 	snop  }
0x90: {  	s2 =	sld [smem:$0x3FD0];
	(tm) =	ssettm $0x1  }
0x91: {  	s18 =	sld [smem:$0x3FFB];
	_ =	sdelay $0x3  }
0x92: {  	_ =	strace s18  }
0x93: {  	s3 =	sld [smem:$0x3FFC];
	_ =	sdelay $0x3  }
0x94: {  	_ =	strace s3  }
0x95: {  	s3 =	sld [smem:$0x3FFD];
	_ =	sdelay $0x3  }
0x96: {  	_ =	strace s3  }
0x97: {  	_ =	strace $0x8FFFFFFF  }
0x98: {  	s19 =	sld [smem:$0x3FDB];
	_ =	sdelay $0x1  }
0x99: {  	s4 =	simm.s32 $_scs_section_size  }
0x9a: {  	s5 =	simm.s32 $_size__tile_overlayer_lowered;
	s6 =	simm.s32 $_tile_overlayer_lowered  }
0x9b: {  	s22 =	simm.s32 $0x1BFF;
	s21 =	sshll.u32 s6, $0x1;
	s3 =	sadd.s32 s4, s19  }
0x9c: {  	s7 =	simm.s32 $0x0;
	s20 =	sshll.u32 s5, $0x1;
	s5 =	sadd.s32 s21, s3  }
0x9d: {  	[timem:s7], [sflag:s22] =	dma.local [hbm:s5], s20  }
0x9e: {  	_ =	swait.ge [sflag:s22], s20  }
0x9f: {  	s4 =	ssub.s32 $0x0, s20;
	[sflag:s22] =	ssyncset.done $0x0  }
0xa0: {  	[sflag:s22] =	ssyncadd.s32 s4;
	_ =	sdelay $0x1  }
0xa1: {  	s23 =	simm.s32 $0x1B8B  }
0xa2: {  	_ =	swait.ge [sflag:s23], $0x1  }
0xa3: {  	[sflag:s23] =	ssyncset.done $0x0  }
0xa4: {  	s25 =	simm.s32 $0x1B8E;
	s24 =	sld [smem:$0x3FFE];
	[sflag:s23] =	ssyncadd.s32 $0xFFFFFFFF  }
0xa5: {  	s26 =	simm.s32 $execute0_lowered;
	[smem:$0x3FD2] =	sst s25  }
0xa6: {  	s5 =	sshll.u32 s26, $0x1;
	_ =	strace $0x80000049;
	[dreg:$0x1] =	wrdreg $0xFFFFFFFF  }
0xa7: {  	s28 =	simm.s32 $_size_execute0_lowered;
	s3 =	sadd.s32 s3, s5;
	[dreg:$0x0] =	wrdreg $0x0  }
0xa8: {  	s5 =	sshll.u32 s28, $0x1;
	[dreg:$0x2] =	wrdreg s3  }
0xa9: {  	[dreg:$0x3] =	wrdreg s5  }
0xaa: {  	[dreg:$0x4] =	wrdreg $0xC0  }
0xab: {  	_ =	task [dreg:s7], $0x5FFFF  }
0xac: {  	[dreg:$0x1] =	wrdreg $0xFFFFFFFF  }
0xad: {  	[dreg:$0x0] =	wrdreg $0x60  }
0xae: {  	[dreg:$0x2] =	wrdreg s2  }
0xaf: {  	[dreg:$0x3] =	wrdreg s24  }
0xb0: {  	[dreg:$0x4] =	wrdreg $0xC6200  }
0xb1: {  	[dreg:$0x5] =	wrdreg $0x9  }
0xb2: {  	_ =	task.clear_ibuf [dreg:s7], $0x6FFFF;
	_ =	strace $0x90000049  }
0xb3: {  	s29 =	simm.s32 $0x9;
	_ =	strace $0x8000004B  }
0xb4: {  	_ =	swait.ge [sflag:s29], $0x1  }
0xb5: {  	[sflag:s29] =	ssyncadd.s32 $0xFFFFFFFF  }
0xb6: {  	_ =	strace $0x9000004B  }
0xb7: {  	_ =	sfence  }
0xb8: {  	s30 =	sld [smem:$0x0];
	_ =	sdelay $0x2  }
0xb9: {  	s31 =	sshll.u32 s1, $0xD;
	s1 =	sshrl.u32 s1, $0x2  }
0xba: {  	s3 =	sand.u32 $0x4000, s31;
	s1 =	sadd.s32 s1, s30  }
0xbb: {  	s0 =	sor.u32 s3, s0;
	s1 =	sshll.u32 s1, $0x11  }
0xbc: {  	s0 =	sor.u32 s1, s0  }
0xbd: {  	s0 =	sadd.s32 $0x8F2B, s0  }
0xbe: {  	[sflag:s0] =	ssyncadd.remote.s32 $0x1  }
0xbf: {  	_ =	sfence.sel $0xFFFF  }
0xc0: {  	[dreg:$0x0] =	wrdreg $0xFFFFFFFF;
	(pc) =	sbr.abs _section_cstart, $3  }
0xc1: {  	[dreg:$0x1] =	wrdreg $0xFFFFFFFF  }
0xc2: {  	_ =	task.clear_ibuf [dreg:s7], $0x2FFFF;
	_ =	strace $0x9FFFFFFF  }
0xc3: {  	(tm) =	ssettm $0x7FFFFFFF  }
tec
execute0_lowered:
.L_overlay_start_1:
0x0: {  	(tag) =	ssettag $0x1  }
0x1: {  	s0 =	rddreg [dreg:$0x0]  }
0x2: {  	s1 =	srdreg.scid;
	s2 =	rddreg [dreg:$0x1]  }
0x3: {  	s3 =	rddreg [dreg:$0x2];
	s20 =	stileid.u32  }
0x4: {  	s4 =	simm.s32 $0x0;
	s28 =	simm.s32 $0x50;
	s29 =	simm.s32 $0x4E20  }
0x5: {  	s30 =	simm.s32 $0x6220;
	s31 =	simm.s32 $0x8A20;
	s7 =	smul.u32 $0x28000, s20  }
0x6: {  	s1 =	sand.u32 $0x1, s1;
	[smem:$0x7FF] =	sst s4;
	s12 =	smul.u32 $0x280, s20  }
0x7: {  	s5 =	sshll.u32 s1, $0x4;
	_ =	strace $0x8000004A;
	s6 =	ssub.s32 $0x2, s1  }
0x8: {  	s1 =	sshll.u32 s1, $0x6;
	s5 =	sor.u32 s20, s5;
	s8 =	sshrl.u32 s6, $0x1  }
0x9: {  	s7 =	sshrl.u32 s7, $0x2;
	s13 =	sor.u32 $0x50, s12;
	s14 =	sadd.s32 $0xA0, s12  }
0xa: {  	s15 =	sadd.s32 $0xF0, s12;
	s16 =	sadd.s32 $0x140, s12;
	s17 =	sadd.s32 $0x190, s12  }
0xb: {  	s18 =	sadd.s32 $0x1E0, s12;
	s19 =	sadd.s32 $0x230, s12;
	s20 =	smul.u32 $0x14000, s20  }
0xc: {  	s5 =	smul.u32 $0x2710, s5;
	s6 =	ssub.s32 s6, s8;
	s7 =	sadd.s32 s7, s3  }
0xd: {  	s22 =	sshll.u32 s13, $0x6;
	s23 =	sshll.u32 s14, $0x6;
	s25 =	sshll.u32 s15, $0x6  }
0xe: {  	s9 =	sshll.u32 s16, $0x6;
	s10 =	sshll.u32 s17, $0x6;
	s11 =	sshll.u32 s18, $0x6  }
0xf: {  	s12 =	sshll.u32 s19, $0x6;
	s13 =	sshll.u32 s13, $0x7;
	s14 =	sshll.u32 s14, $0x7  }
0x10: {  	s15 =	sshll.u32 s15, $0x7;
	s16 =	sshll.u32 s16, $0x7;
	[dreg:$0x4] =	wrdreg s7  }
0x11: {  	s7 =	sadd.s32 s22, s3;
	s24 =	sadd.s32 s23, s3;
	s8 =	sadd.s32 s25, s3  }
0x12: {  	s9 =	sadd.s32 s9, s3;
	s10 =	sadd.s32 s10, s3;
	s11 =	sadd.s32 s11, s3  }
0x13: {  	s12 =	sadd.s32 s12, s3;
	s20 =	sor.u32 s1, s20;
	s13 =	sor.u32 s1, s13  }
0x14: {  	s22 =	sshll.u32 s17, $0x7;
	s23 =	sshll.u32 s18, $0x7;
	s5 =	sshrl.u32 s5, $0x3  }
0x15: {  	s17 =	simm.s32 $0x7;
	[dreg:$0x5] =	wrdreg s7;
	s5 =	sadd.s32 s5, s2  }
0x16: {  	[dreg:$0x6] =	wrdreg s24;
	s20 =	sshrl.u32 s20, $0x3;
	s26 =	sadd.s32 $0x1E00, s5  }
0x17: {  	s2 =	sadd.s32 $0x15800, s2;
	s5 =	sadd.s32 $0xBA40, s5;
	[dreg:$0x7] =	wrdreg s26  }
0x18: {  	s13 =	sshrl.u32 s13, $0x3;
	s7 =	sadd.s32 s2, s20;
	[dreg:$0x8] =	wrdreg s5  }
0x19: {  	s18 =	simm.s32 $0x4;
	s13 =	sadd.s32 s2, s13;
	[dreg:$0x9] =	wrdreg s7  }
0x1a: {  	s24 =	sshll.u32 s19, $0x7;
	s19 =	simm.s32 $0x8;
	[dreg:$0xa] =	wrdreg s13  }
0x1b: {  	s5 =	sor.u32 s1, s14;
	s13 =	sor.u32 s1, s15;
	s14 =	sor.u32 s1, s16  }
0x1c: {  	s26 =	smax.u32 s6, $0x1;
	s15 =	simm.s32 $0x6;
	s16 =	simm.s32 $0x3  }
0x1d: {  	s5 =	sshrl.u32 s5, $0x3;
	s13 =	sshrl.u32 s13, $0x3;
	s14 =	sshrl.u32 s14, $0x3  }
0x1e: {  	[dreg:$0x11] =	wrdreg s26;
	s26 =	simm.s32 $0x5;
	s5 =	sadd.s32 s2, s5  }
0x1f: {  	s20 =	sadd.s32 s2, s13;
	s21 =	sadd.s32 s2, s14;
	[dreg:$0xb] =	wrdreg s5  }
0x20: {  	s13 =	sor.u32 s1, s23;
	s14 =	simm.s32 $0x2;
	[dreg:$0xc] =	wrdreg s20  }
0x21: {  	s23 =	simm.s32 $0x80;
	[dreg:$0xd] =	wrdreg s21;
	s5 =	sor.u32 s1, s22  }
0x22: {  	s1 =	sor.u32 s1, s24;
	s13 =	sshrl.u32 s13, $0x3;
	s24 =	simm.s32 $0xB220  }
0x23: {  	s20 =	simm.s32 $0x9;
	s21 =	simm.s32 $0xA;
	s22 =	simm.s32 $0x40  }
0x24: {  	s5 =	sshrl.u32 s5, $0x3;
	s1 =	sshrl.u32 s1, $0x3;
	s25 =	sadd.s32 s2, s13  }
0x25: {  	s13 =	simm.s32 $0x9E20;
	s5 =	sadd.s32 s2, s5;
	[dreg:$0xf] =	wrdreg s25  }
0x26: {  	s1 =	sadd.s32 s2, s1;
	s25 =	simm.s32 $0xB;
	[dreg:$0xe] =	wrdreg s5  }
0x27: {  	v0 =	vimm.f32 $0.0e+00;
	s2 =	simm.s32 $0x1;
	[dreg:$0x10] =	wrdreg s1;
	s1 =	simm.s32 $0x7620  }
.LBB2_1:
0x28: {  	s6 =	simm.s32 $0x100;
	s5 =	simm.s32 $0x0  }
.LBB2_2:
0x29: {  	p0 =	sne.s32 s6, $0x4F00;
	[tilespmem:s5+$0xB250] =	vst v0;
	s7 =	smov.u32 s6;
	s6 =	sadd.s32 $0x100, s6  }
.Ltmp0:
0x2a: {  	[tilespmem:s5+$0xB240] =	vst v0;
	(pc) =	sbr.rel @p0 .LBB2_2-.Ltmp0, $3  }
0x2b: {  	[tilespmem:s5+$0xB220] =	vst v0  }
0x2c: {  	[tilespmem:s5+$0xB230] =	vst v0;
	_ =	sdelay $0x1  }
0x2d: {  	s5 =	sshra.s32 s7, $0x2  }
0x2e: {  	[tilespmem:s5+$0xB250] =	vst v0  }
0x2f: {  	[tilespmem:s5+$0xB240] =	vst v0  }
0x30: {  	[tilespmem:s5+$0xB220] =	vst v0  }
0x31: {  	[tilespmem:s5+$0xB230] =	vst v0;
	s7 =	rddreg [dreg:$0x4]  }
0x32: {  	[spmem:s7] =	stream.linear.scatter [tilespmem:s24], [sflag:$0xB], $0x1400, $0x38;
	[tilespmem:$0x16620] =	vst v63  }
0x33: {  	_ =	swait.ge [sflag:s25], $0x1400  }
0x34: {  	[sflag:s25] =	ssyncset.done $0x0  }
0x35: {  	s6 =	rddreg [dreg:$0x5];
	[sflag:s25] =	ssyncadd.s32 $0xFFFFEC00  }
0x36: {  	[spmem:s6] =	stream.linear.scatter [tilespmem:s24], [sflag:$0xB], $0x1400, $0x38;
	[tilespmem:$0x16620] =	vst v63  }
0x37: {  	_ =	swait.ge [sflag:s25], $0x1400  }
0x38: {  	[sflag:s25] =	ssyncset.done $0x0  }
0x39: {  	s7 =	rddreg [dreg:$0x6];
	[sflag:s25] =	ssyncadd.s32 $0xFFFFEC00  }
0x3a: {  	[spmem:s7] =	stream.linear.scatter [tilespmem:s24], [sflag:$0xB], $0x1400, $0x38;
	[tilespmem:$0x16620] =	vst v63  }
0x3b: {  	_ =	swait.ge [sflag:s25], $0x1400  }
0x3c: {  	[sflag:s25] =	ssyncset.done $0x0  }
0x3d: {  	[sflag:s25] =	ssyncadd.s32 $0xFFFFEC00  }
0x3e: {  	[spmem:s8] =	stream.linear.scatter [tilespmem:s24], [sflag:$0xB], $0x1400, $0x38;
	[tilespmem:$0x16620] =	vst v63  }
0x3f: {  	_ =	swait.ge [sflag:s25], $0x1400  }
0x40: {  	[sflag:s25] =	ssyncset.done $0x0  }
0x41: {  	[sflag:s25] =	ssyncadd.s32 $0xFFFFEC00  }
0x42: {  	[spmem:s9] =	stream.linear.scatter [tilespmem:s24], [sflag:$0xB], $0x1400, $0x38;
	[tilespmem:$0x16620] =	vst v63  }
0x43: {  	_ =	swait.ge [sflag:s25], $0x1400  }
0x44: {  	[sflag:s25] =	ssyncset.done $0x0  }
0x45: {  	[sflag:s25] =	ssyncadd.s32 $0xFFFFEC00  }
0x46: {  	[spmem:s10] =	stream.linear.scatter [tilespmem:s24], [sflag:$0xB], $0x1400, $0x38;
	[tilespmem:$0x16620] =	vst v63  }
0x47: {  	_ =	swait.ge [sflag:s25], $0x1400  }
0x48: {  	[sflag:s25] =	ssyncset.done $0x0  }
0x49: {  	[sflag:s25] =	ssyncadd.s32 $0xFFFFEC00  }
0x4a: {  	[spmem:s11] =	stream.linear.scatter [tilespmem:s24], [sflag:$0xB], $0x1400, $0x38;
	[tilespmem:$0x16620] =	vst v63  }
0x4b: {  	_ =	swait.ge [sflag:s25], $0x1400  }
0x4c: {  	[sflag:s25] =	ssyncset.done $0x0  }
0x4d: {  	[sflag:s25] =	ssyncadd.s32 $0xFFFFEC00  }
0x4e: {  	[spmem:s12] =	stream.linear.scatter [tilespmem:s24], [sflag:$0xB], $0x1400, $0x38;
	[tilespmem:$0x16620] =	vst v63  }
0x4f: {  	_ =	swait.ge [sflag:s25], $0x1400  }
0x50: {  	[sflag:s25] =	ssyncset.done $0x0  }
0x51: {  	[sflag:s25] =	ssyncadd.s32 $0xFFFFEC00  }
0x52: {  	[bflag:$0x0] =	sbarrier.arrive $0xFFFF  }
0x53: {  	s5 =	simm.s32 $0x0;
	s6 =	rddreg [dreg:$0x7]  }
0x54: {  	[tilespmem:s5], [sflag:$0xB] =	stream.linear.gather [hbm4b:s6+s5], $0x2710, $0x38;
	[tilespmem:$0x16620] =	vst v63  }
0x55: {  	_ =	swait.ge [sflag:s25], $0x2710  }
0x56: {  	[sflag:s25] =	ssyncset.done $0x0  }
0x57: {  	s7 =	simm.s32 $0x2710;
	s6 =	rddreg [dreg:$0x8];
	[sflag:s25] =	ssyncadd.s32 $0xFFFFD8F0  }
0x58: {  	[tilespmem:s7], [sflag:$0xB] =	stream.linear.gather [hbm4b:s6+s5], $0x2710, $0x38;
	[tilespmem:$0x16620] =	vst v63  }
0x59: {  	_ =	swait.ge [sflag:s25], $0x2710  }
0x5a: {  	[sflag:s25] =	ssyncset.done $0x0  }
0x5b: {  	[sflag:s25] =	ssyncadd.s32 $0xFFFFD8F0  }
0x5c: {  	[tilespmem:s29], [sflag:$0x1] =	stream.indirect.gather [hbm4b:s0+s28], $0x40, s5, s28, $0xb8;
	[tilespmem:$0x16620] =	vst v63  }
0x5d: {  	_ = 	snop  }
0x5e: {  	[tilespmem:s30], [sflag:$0x2] =	stream.indirect.gather [hbm4b:s0+s28], $0x40, s28, s28, $0xb8;
	[tilespmem:$0x16620] =	vst v63  }
0x5f: {  	s6 =	simm.s32 $0xA0  }
0x60: {  	[tilespmem:s1], [sflag:$0x3] =	stream.indirect.gather [hbm4b:s0+s28], $0x40, s6, s28, $0xb8;
	[tilespmem:$0x16620] =	vst v63  }
0x61: {  	s6 =	simm.s32 $0xF0  }
0x62: {  	[tilespmem:s31], [sflag:$0x4] =	stream.indirect.gather [hbm4b:s0+s28], $0x40, s6, s28, $0xb8;
	[tilespmem:$0x16620] =	vst v63  }
0x63: {  	_ =	swait.ge [sflag:s2], $0x1400  }
0x64: {  	[sflag:s2] =	ssyncset.done $0x0  }
0x65: {  	[sflag:s2] =	ssyncadd.s32 $0xFFFFEC00  }
0x66: {  	[spmem:s3] =	stream.indirect.scatter.add.f32 [tilespmem:s29], [sflag:$0x6], $0x40, s7, s28, $0xb8;
	[tilespmem:$0x16620] =	vst v63  }
0x67: {  	s7 =	simm.s32 $0x140  }
0x68: {  	[tilespmem:s13], [sflag:$0x5] =	stream.indirect.gather [hbm4b:s0+s28], $0x40, s7, s28, $0xb8;
	[tilespmem:$0x16620] =	vst v63  }
0x69: {  	_ =	swait.ge [sflag:s14], $0x1400  }
0x6a: {  	[sflag:s14] =	ssyncset.done $0x0  }
0x6b: {  	s6 =	simm.s32 $0x2760;
	[sflag:s14] =	ssyncadd.s32 $0xFFFFEC00  }
0x6c: {  	[spmem:s3] =	stream.indirect.scatter.add.f32 [tilespmem:s30], [sflag:$0x7], $0x40, s6, s28, $0xb8;
	[tilespmem:$0x16620] =	vst v63  }
0x6d: {  	_ =	swait.ge [sflag:s15], $0x1400  }
0x6e: {  	[sflag:s15] =	ssyncset.done $0x0  }
0x6f: {  	s7 =	simm.s32 $0x190;
	[sflag:s15] =	ssyncadd.s32 $0xFFFFEC00  }
0x70: {  	[tilespmem:s29], [sflag:$0x1] =	stream.indirect.gather [hbm4b:s0+s28], $0x40, s7, s28, $0xb8;
	[tilespmem:$0x16620] =	vst v63  }
0x71: {  	_ =	swait.ge [sflag:s16], $0x1400  }
0x72: {  	[sflag:s16] =	ssyncset.done $0x0  }
0x73: {  	s6 =	simm.s32 $0x27B0;
	[sflag:s16] =	ssyncadd.s32 $0xFFFFEC00  }
0x74: {  	[spmem:s3] =	stream.indirect.scatter.add.f32 [tilespmem:s1], [sflag:$0x8], $0x40, s6, s28, $0xb8;
	[tilespmem:$0x16620] =	vst v63  }
0x75: {  	_ =	swait.ge [sflag:s17], $0x1400  }
0x76: {  	[sflag:s17] =	ssyncset.done $0x0  }
0x77: {  	s7 =	simm.s32 $0x1E0;
	[sflag:s17] =	ssyncadd.s32 $0xFFFFEC00  }
0x78: {  	[tilespmem:s30], [sflag:$0x2] =	stream.indirect.gather [hbm4b:s0+s28], $0x40, s7, s28, $0xb8;
	[tilespmem:$0x16620] =	vst v63  }
0x79: {  	_ =	swait.ge [sflag:s18], $0x1400  }
0x7a: {  	[sflag:s18] =	ssyncset.done $0x0  }
0x7b: {  	s6 =	simm.s32 $0x2800;
	[sflag:s18] =	ssyncadd.s32 $0xFFFFEC00  }
0x7c: {  	[spmem:s3] =	stream.indirect.scatter.add.f32 [tilespmem:s31], [sflag:$0x9], $0x40, s6, s28, $0xb8;
	[tilespmem:$0x16620] =	vst v63  }
0x7d: {  	_ =	swait.ge [sflag:s19], $0x1400  }
0x7e: {  	[sflag:s19] =	ssyncset.done $0x0  }
0x7f: {  	s7 =	simm.s32 $0x230;
	[sflag:s19] =	ssyncadd.s32 $0xFFFFEC00  }
0x80: {  	[tilespmem:s1], [sflag:$0x3] =	stream.indirect.gather [hbm4b:s0+s28], $0x40, s7, s28, $0xb8;
	[tilespmem:$0x16620] =	vst v63  }
0x81: {  	_ =	swait.ge [sflag:s26], $0x1400  }
0x82: {  	[sflag:s26] =	ssyncset.done $0x0  }
0x83: {  	s6 =	simm.s32 $0x2850;
	[sflag:s26] =	ssyncadd.s32 $0xFFFFEC00  }
0x84: {  	[spmem:s3] =	stream.indirect.scatter.add.f32 [tilespmem:s13], [sflag:$0xA], $0x40, s6, s28, $0xb8;
	[tilespmem:$0x16620] =	vst v63  }
0x85: {  	_ =	swait.ge [sflag:s20], $0x1400  }
0x86: {  	[sflag:s20] =	ssyncset.done $0x0  }
0x87: {  	s7 =	simm.s32 $0x280;
	[sflag:s20] =	ssyncadd.s32 $0xFFFFEC00  }
0x88: {  	[tilespmem:s31], [sflag:$0x4] =	stream.indirect.gather [hbm4b:s0+s28], $0x40, s7, s28, $0xb8;
	[tilespmem:$0x16620] =	vst v63  }
0x89: {  	_ =	swait.ge [sflag:s2], $0x1400  }
0x8a: {  	[sflag:s2] =	ssyncset.done $0x0  }
0x8b: {  	s6 =	simm.s32 $0x28A0;
	[sflag:s2] =	ssyncadd.s32 $0xFFFFEC00  }
0x8c: {  	[spmem:s3] =	stream.indirect.scatter.add.f32 [tilespmem:s29], [sflag:$0x6], $0x40, s6, s28, $0xb8;
	[tilespmem:$0x16620] =	vst v63  }
0x8d: {  	_ =	swait.ge [sflag:s21], $0x1400  }
0x8e: {  	[sflag:s21] =	ssyncset.done $0x0  }
0x8f: {  	s7 =	simm.s32 $0x2D0;
	[sflag:s21] =	ssyncadd.s32 $0xFFFFEC00  }
0x90: {  	[tilespmem:s13], [sflag:$0x5] =	stream.indirect.gather [hbm4b:s0+s28], $0x40, s7, s28, $0xb8;
	[tilespmem:$0x16620] =	vst v63  }
0x91: {  	_ =	swait.ge [sflag:s14], $0x1400  }
0x92: {  	[sflag:s14] =	ssyncset.done $0x0  }
0x93: {  	s6 =	simm.s32 $0x28F0;
	[sflag:s14] =	ssyncadd.s32 $0xFFFFEC00  }
0x94: {  	[spmem:s3] =	stream.indirect.scatter.add.f32 [tilespmem:s30], [sflag:$0x7], $0x40, s6, s28, $0xb8;
	[tilespmem:$0x16620] =	vst v63  }
0x95: {  	_ =	swait.ge [sflag:s15], $0x1400  }
0x96: {  	[sflag:s15] =	ssyncset.done $0x0  }
0x97: {  	s7 =	simm.s32 $0x320;
	[sflag:s15] =	ssyncadd.s32 $0xFFFFEC00  }
0x98: {  	[tilespmem:s29], [sflag:$0x1] =	stream.indirect.gather [hbm4b:s0+s28], $0x40, s7, s28, $0xb8;
	[tilespmem:$0x16620] =	vst v63  }
0x99: {  	_ =	swait.ge [sflag:s16], $0x1400  }
0x9a: {  	[sflag:s16] =	ssyncset.done $0x0  }
0x9b: {  	s6 =	simm.s32 $0x2940;
	[sflag:s16] =	ssyncadd.s32 $0xFFFFEC00  }
0x9c: {  	[spmem:s3] =	stream.indirect.scatter.add.f32 [tilespmem:s1], [sflag:$0x8], $0x40, s6, s28, $0xb8;
	[tilespmem:$0x16620] =	vst v63  }
0x9d: {  	_ =	swait.ge [sflag:s17], $0x1400  }
0x9e: {  	[sflag:s17] =	ssyncset.done $0x0  }
0x9f: {  	s7 =	simm.s32 $0x370;
	[sflag:s17] =	ssyncadd.s32 $0xFFFFEC00  }
0xa0: {  	[tilespmem:s30], [sflag:$0x2] =	stream.indirect.gather [hbm4b:s0+s28], $0x40, s7, s28, $0xb8;
	[tilespmem:$0x16620] =	vst v63  }
0xa1: {  	_ =	swait.ge [sflag:s18], $0x1400  }
0xa2: {  	[sflag:s18] =	ssyncset.done $0x0  }
0xa3: {  	s6 =	simm.s32 $0x2990;
	[sflag:s18] =	ssyncadd.s32 $0xFFFFEC00  }
0xa4: {  	[spmem:s3] =	stream.indirect.scatter.add.f32 [tilespmem:s31], [sflag:$0x9], $0x40, s6, s28, $0xb8;
	[tilespmem:$0x16620] =	vst v63  }
0xa5: {  	_ =	swait.ge [sflag:s19], $0x1400  }
0xa6: {  	[sflag:s19] =	ssyncset.done $0x0  }
0xa7: {  	s7 =	simm.s32 $0x3C0;
	[sflag:s19] =	ssyncadd.s32 $0xFFFFEC00  }
0xa8: {  	[tilespmem:s1], [sflag:$0x3] =	stream.indirect.gather [hbm4b:s0+s28], $0x40, s7, s28, $0xb8;
	[tilespmem:$0x16620] =	vst v63  }
0xa9: {  	_ =	swait.ge [sflag:s26], $0x1400  }
0xaa: {  	[sflag:s26] =	ssyncset.done $0x0  }
0xab: {  	s5 =	simm.s32 $0x640;
	s6 =	simm.s32 $0x29E0;
	[sflag:s26] =	ssyncadd.s32 $0xFFFFEC00  }
.LBB2_4:
0xac: {  	[spmem:s3] =	stream.indirect.scatter.add.f32 [tilespmem:s13], [sflag:$0xA], $0x40, s6, s28, $0xb8;
	[tilespmem:$0x16620] =	vst v63  }
0xad: {  	s6 =	smov.u32 s5  }
0xae: {  	p0 =	sne.s32 s5, $0x8980;
	s5 =	sadd.s32 $0x640, s5;
	_ =	swait.ge [sflag:s20], $0x1400  }
0xaf: {  	s6 =	sshra.s32 s6, $0x2;
	[sflag:s20] =	ssyncset.done $0x0  }
0xb0: {  	s7 =	sadd.s32 $0x280, s6;
	[sflag:s20] =	ssyncadd.s32 $0xFFFFEC00  }
0xb1: {  	[tilespmem:s31], [sflag:$0x4] =	stream.indirect.gather [hbm4b:s0+s28], $0x40, s7, s28, $0xb8;
	[tilespmem:$0x16620] =	vst v63  }
0xb2: {  	_ =	swait.ge [sflag:s2], $0x1400  }
0xb3: {  	[sflag:s2] =	ssyncset.done $0x0  }
0xb4: {  	s7 =	sadd.s32 $0x28A0, s6;
	[sflag:s2] =	ssyncadd.s32 $0xFFFFEC00  }
0xb5: {  	[spmem:s3] =	stream.indirect.scatter.add.f32 [tilespmem:s29], [sflag:$0x6], $0x40, s7, s28, $0xb8;
	[tilespmem:$0x16620] =	vst v63  }
0xb6: {  	_ =	swait.ge [sflag:s21], $0x1400  }
0xb7: {  	[sflag:s21] =	ssyncset.done $0x0  }
0xb8: {  	s7 =	sadd.s32 $0x2D0, s6;
	[sflag:s21] =	ssyncadd.s32 $0xFFFFEC00  }
0xb9: {  	[tilespmem:s13], [sflag:$0x5] =	stream.indirect.gather [hbm4b:s0+s28], $0x40, s7, s28, $0xb8;
	[tilespmem:$0x16620] =	vst v63  }
0xba: {  	_ =	swait.ge [sflag:s14], $0x1400  }
0xbb: {  	[sflag:s14] =	ssyncset.done $0x0  }
0xbc: {  	s7 =	sadd.s32 $0x28F0, s6;
	[sflag:s14] =	ssyncadd.s32 $0xFFFFEC00  }
0xbd: {  	[spmem:s3] =	stream.indirect.scatter.add.f32 [tilespmem:s30], [sflag:$0x7], $0x40, s7, s28, $0xb8;
	[tilespmem:$0x16620] =	vst v63  }
0xbe: {  	_ =	swait.ge [sflag:s15], $0x1400  }
0xbf: {  	[sflag:s15] =	ssyncset.done $0x0  }
0xc0: {  	s7 =	sadd.s32 $0x320, s6;
	[sflag:s15] =	ssyncadd.s32 $0xFFFFEC00  }
0xc1: {  	[tilespmem:s29], [sflag:$0x1] =	stream.indirect.gather [hbm4b:s0+s28], $0x40, s7, s28, $0xb8;
	[tilespmem:$0x16620] =	vst v63  }
0xc2: {  	_ =	swait.ge [sflag:s16], $0x1400  }
0xc3: {  	[sflag:s16] =	ssyncset.done $0x0  }
0xc4: {  	s7 =	sadd.s32 $0x2940, s6;
	[sflag:s16] =	ssyncadd.s32 $0xFFFFEC00  }
0xc5: {  	[spmem:s3] =	stream.indirect.scatter.add.f32 [tilespmem:s1], [sflag:$0x8], $0x40, s7, s28, $0xb8;
	[tilespmem:$0x16620] =	vst v63  }
0xc6: {  	_ =	swait.ge [sflag:s17], $0x1400  }
0xc7: {  	[sflag:s17] =	ssyncset.done $0x0  }
0xc8: {  	s7 =	sadd.s32 $0x370, s6;
	[sflag:s17] =	ssyncadd.s32 $0xFFFFEC00  }
0xc9: {  	[tilespmem:s30], [sflag:$0x2] =	stream.indirect.gather [hbm4b:s0+s28], $0x40, s7, s28, $0xb8;
	[tilespmem:$0x16620] =	vst v63  }
0xca: {  	_ =	swait.ge [sflag:s18], $0x1400  }
0xcb: {  	[sflag:s18] =	ssyncset.done $0x0  }
0xcc: {  	s7 =	sadd.s32 $0x2990, s6;
	[sflag:s18] =	ssyncadd.s32 $0xFFFFEC00  }
0xcd: {  	[spmem:s3] =	stream.indirect.scatter.add.f32 [tilespmem:s31], [sflag:$0x9], $0x40, s7, s28, $0xb8;
	[tilespmem:$0x16620] =	vst v63  }
0xce: {  	_ =	swait.ge [sflag:s19], $0x1400  }
0xcf: {  	[sflag:s19] =	ssyncset.done $0x0  }
.Ltmp1:
0xd0: {  	s7 =	sadd.s32 $0x3C0, s6;
	[sflag:s19] =	ssyncadd.s32 $0xFFFFEC00;
	(pc) =	sbr.rel @p0 .LBB2_4-.Ltmp1, $4  }
0xd1: {  	[tilespmem:s1], [sflag:$0x3] =	stream.indirect.gather [hbm4b:s0+s28], $0x40, s7, s28, $0xb8;
	[tilespmem:$0x16620] =	vst v63  }
0xd2: {  	_ =	swait.ge [sflag:s26], $0x1400  }
0xd3: {  	[sflag:s26] =	ssyncset.done $0x0  }
0xd4: {  	s6 =	sadd.s32 $0x29E0, s6;
	[sflag:s26] =	ssyncadd.s32 $0xFFFFEC00  }
0xd5: {  	[spmem:s3] =	stream.indirect.scatter.add.f32 [tilespmem:s13], [sflag:$0xA], $0x40, s6, s28, $0xb8;
	[tilespmem:$0x16620] =	vst v63  }
0xd6: {  	_ =	swait.ge [sflag:s20], $0x1400  }
0xd7: {  	[sflag:s20] =	ssyncset.done $0x0  }
0xd8: {  	s5 =	simm.s32 $0x2670;
	[sflag:s20] =	ssyncadd.s32 $0xFFFFEC00  }
0xd9: {  	[tilespmem:s31], [sflag:$0x4] =	stream.indirect.gather [hbm4b:s0+s28], $0x40, s5, s28, $0xb8;
	[tilespmem:$0x16620] =	vst v63  }
0xda: {  	_ =	swait.ge [sflag:s2], $0x1400  }
0xdb: {  	[sflag:s2] =	ssyncset.done $0x0  }
0xdc: {  	s6 =	simm.s32 $0x4C90;
	[sflag:s2] =	ssyncadd.s32 $0xFFFFEC00  }
0xdd: {  	[spmem:s3] =	stream.indirect.scatter.add.f32 [tilespmem:s29], [sflag:$0x6], $0x40, s6, s28, $0xb8;
	[tilespmem:$0x16620] =	vst v63  }
0xde: {  	_ =	swait.ge [sflag:s21], $0x1400  }
0xdf: {  	[sflag:s21] =	ssyncset.done $0x0  }
0xe0: {  	s7 =	simm.s32 $0x26C0;
	[sflag:s21] =	ssyncadd.s32 $0xFFFFEC00  }
0xe1: {  	[tilespmem:s13], [sflag:$0x5] =	stream.indirect.gather [hbm4b:s0+s28], $0x40, s7, s28, $0xb8;
	[tilespmem:$0x16620] =	vst v63  }
0xe2: {  	_ =	swait.ge [sflag:s14], $0x1400  }
0xe3: {  	[sflag:s14] =	ssyncset.done $0x0  }
0xe4: {  	s6 =	simm.s32 $0x4CE0;
	[sflag:s14] =	ssyncadd.s32 $0xFFFFEC00  }
0xe5: {  	[spmem:s3] =	stream.indirect.scatter.add.f32 [tilespmem:s30], [sflag:$0x7], $0x40, s6, s28, $0xb8;
	[tilespmem:$0x16620] =	vst v63  }
0xe6: {  	_ =	swait.ge [sflag:s15], $0x1400  }
0xe7: {  	[sflag:s15] =	ssyncset.done $0x0  }
0xe8: {  	[sflag:s15] =	ssyncadd.s32 $0xFFFFEC00  }
0xe9: {  	_ =	swait.ge [sflag:s16], $0x1400  }
0xea: {  	[sflag:s16] =	ssyncset.done $0x0  }
0xeb: {  	s7 =	simm.s32 $0x4D30;
	[sflag:s16] =	ssyncadd.s32 $0xFFFFEC00  }
0xec: {  	[spmem:s3] =	stream.indirect.scatter.add.f32 [tilespmem:s1], [sflag:$0x8], $0x40, s7, s28, $0xb8;
	[tilespmem:$0x16620] =	vst v63  }
0xed: {  	_ =	swait.ge [sflag:s17], $0x1400  }
0xee: {  	[sflag:s17] =	ssyncset.done $0x0  }
0xef: {  	[sflag:s17] =	ssyncadd.s32 $0xFFFFEC00  }
0xf0: {  	_ =	swait.ge [sflag:s18], $0x1400  }
0xf1: {  	[sflag:s18] =	ssyncset.done $0x0  }
0xf2: {  	s6 =	simm.s32 $0x4D80;
	[sflag:s18] =	ssyncadd.s32 $0xFFFFEC00  }
0xf3: {  	[spmem:s3] =	stream.indirect.scatter.add.f32 [tilespmem:s31], [sflag:$0x9], $0x40, s6, s28, $0xb8;
	[tilespmem:$0x16620] =	vst v63  }
0xf4: {  	_ =	swait.ge [sflag:s19], $0x1400  }
0xf5: {  	[sflag:s19] =	ssyncset.done $0x0  }
0xf6: {  	[sflag:s19] =	ssyncadd.s32 $0xFFFFEC00  }
0xf7: {  	_ =	swait.ge [sflag:s26], $0x1400  }
0xf8: {  	[sflag:s26] =	ssyncset.done $0x0  }
0xf9: {  	s7 =	simm.s32 $0x4DD0;
	[sflag:s26] =	ssyncadd.s32 $0xFFFFEC00  }
0xfa: {  	[spmem:s3] =	stream.indirect.scatter.add.f32 [tilespmem:s13], [sflag:$0xA], $0x40, s7, s28, $0xb8;
	[tilespmem:$0x16620] =	vst v63  }
0xfb: {  	_ =	swait.ge [sflag:s20], $0x1400  }
0xfc: {  	[sflag:s20] =	ssyncset.done $0x0  }
0xfd: {  	[sflag:s20] =	ssyncadd.s32 $0xFFFFEC00  }
0xfe: {  	_ =	swait.ge [sflag:s21], $0x1400  }
0xff: {  	[sflag:s21] =	ssyncset.done $0x0  }
0x100: {  	[sflag:s21] =	ssyncadd.s32 $0xFFFFEC00  }
0x101: {  	[bflag:$0x0] =	sbarrier.arrive $0xFFFF  }
0x102: {  	s6 =	rddreg [dreg:$0x4]  }
0x103: {  	[tilespmem:s24], [sflag:$0xB] =	stream.linear.gather [spmem:s6], $0x1400, $0x38;
	[tilespmem:$0x16620] =	vst v63  }
0x104: {  	_ =	swait.ge [sflag:s25], $0x1400  }
0x105: {  	[sflag:s25] =	ssyncset.done $0x0  }
0x106: {  	s7 =	rddreg [dreg:$0x9];
	[sflag:s25] =	ssyncadd.s32 $0xFFFFEC00  }
0x107: {  	[hbm4b:s7+s22] =	stream.strided.scatter [tilespmem:s24], [sflag:$0xB], $0x1400, s23, s22, $0x38;
	[tilespmem:$0x16620] =	vst v63  }
0x108: {  	_ =	swait.ge [sflag:s25], $0x1400  }
0x109: {  	[sflag:s25] =	ssyncset.done $0x0  }
0x10a: {  	s6 =	rddreg [dreg:$0x5];
	[sflag:s25] =	ssyncadd.s32 $0xFFFFEC00  }
0x10b: {  	[tilespmem:s24], [sflag:$0xB] =	stream.linear.gather [spmem:s6], $0x1400, $0x38;
	[tilespmem:$0x16620] =	vst v63  }
0x10c: {  	_ =	swait.ge [sflag:s25], $0x1400  }
0x10d: {  	[sflag:s25] =	ssyncset.done $0x0  }
0x10e: {  	s7 =	rddreg [dreg:$0xa];
	[sflag:s25] =	ssyncadd.s32 $0xFFFFEC00  }
0x10f: {  	[hbm4b:s7+s22] =	stream.strided.scatter [tilespmem:s24], [sflag:$0xB], $0x1400, s23, s22, $0x38;
	[tilespmem:$0x16620] =	vst v63  }
0x110: {  	_ =	swait.ge [sflag:s25], $0x1400  }
0x111: {  	[sflag:s25] =	ssyncset.done $0x0  }
0x112: {  	s6 =	rddreg [dreg:$0x6];
	[sflag:s25] =	ssyncadd.s32 $0xFFFFEC00  }
0x113: {  	[tilespmem:s24], [sflag:$0xB] =	stream.linear.gather [spmem:s6], $0x1400, $0x38;
	[tilespmem:$0x16620] =	vst v63  }
0x114: {  	_ =	swait.ge [sflag:s25], $0x1400  }
0x115: {  	[sflag:s25] =	ssyncset.done $0x0  }
0x116: {  	s7 =	rddreg [dreg:$0xb];
	[sflag:s25] =	ssyncadd.s32 $0xFFFFEC00  }
0x117: {  	[hbm4b:s7+s22] =	stream.strided.scatter [tilespmem:s24], [sflag:$0xB], $0x1400, s23, s22, $0x38;
	[tilespmem:$0x16620] =	vst v63  }
0x118: {  	_ =	swait.ge [sflag:s25], $0x1400  }
0x119: {  	[sflag:s25] =	ssyncset.done $0x0  }
0x11a: {  	[sflag:s25] =	ssyncadd.s32 $0xFFFFEC00  }
0x11b: {  	[tilespmem:s24], [sflag:$0xB] =	stream.linear.gather [spmem:s8], $0x1400, $0x38;
	[tilespmem:$0x16620] =	vst v63  }
0x11c: {  	_ =	swait.ge [sflag:s25], $0x1400  }
0x11d: {  	[sflag:s25] =	ssyncset.done $0x0  }
0x11e: {  	s6 =	rddreg [dreg:$0xc];
	[sflag:s25] =	ssyncadd.s32 $0xFFFFEC00  }
0x11f: {  	[hbm4b:s6+s22] =	stream.strided.scatter [tilespmem:s24], [sflag:$0xB], $0x1400, s23, s22, $0x38;
	[tilespmem:$0x16620] =	vst v63  }
0x120: {  	_ =	swait.ge [sflag:s25], $0x1400  }
0x121: {  	[sflag:s25] =	ssyncset.done $0x0  }
0x122: {  	[sflag:s25] =	ssyncadd.s32 $0xFFFFEC00  }
0x123: {  	[tilespmem:s24], [sflag:$0xB] =	stream.linear.gather [spmem:s9], $0x1400, $0x38;
	[tilespmem:$0x16620] =	vst v63  }
0x124: {  	_ =	swait.ge [sflag:s25], $0x1400  }
0x125: {  	[sflag:s25] =	ssyncset.done $0x0  }
0x126: {  	s7 =	rddreg [dreg:$0xd];
	[sflag:s25] =	ssyncadd.s32 $0xFFFFEC00  }
0x127: {  	[hbm4b:s7+s22] =	stream.strided.scatter [tilespmem:s24], [sflag:$0xB], $0x1400, s23, s22, $0x38;
	[tilespmem:$0x16620] =	vst v63  }
0x128: {  	_ =	swait.ge [sflag:s25], $0x1400  }
0x129: {  	[sflag:s25] =	ssyncset.done $0x0  }
0x12a: {  	[sflag:s25] =	ssyncadd.s32 $0xFFFFEC00  }
0x12b: {  	[tilespmem:s24], [sflag:$0xB] =	stream.linear.gather [spmem:s10], $0x1400, $0x38;
	[tilespmem:$0x16620] =	vst v63  }
0x12c: {  	_ =	swait.ge [sflag:s25], $0x1400  }
0x12d: {  	[sflag:s25] =	ssyncset.done $0x0  }
0x12e: {  	s6 =	rddreg [dreg:$0xe];
	[sflag:s25] =	ssyncadd.s32 $0xFFFFEC00  }
0x12f: {  	[hbm4b:s6+s22] =	stream.strided.scatter [tilespmem:s24], [sflag:$0xB], $0x1400, s23, s22, $0x38;
	[tilespmem:$0x16620] =	vst v63  }
0x130: {  	_ =	swait.ge [sflag:s25], $0x1400  }
0x131: {  	[sflag:s25] =	ssyncset.done $0x0  }
0x132: {  	[sflag:s25] =	ssyncadd.s32 $0xFFFFEC00  }
0x133: {  	[tilespmem:s24], [sflag:$0xB] =	stream.linear.gather [spmem:s11], $0x1400, $0x38;
	[tilespmem:$0x16620] =	vst v63  }
0x134: {  	_ =	swait.ge [sflag:s25], $0x1400  }
0x135: {  	[sflag:s25] =	ssyncset.done $0x0  }
0x136: {  	s7 =	rddreg [dreg:$0xf];
	[sflag:s25] =	ssyncadd.s32 $0xFFFFEC00  }
0x137: {  	[hbm4b:s7+s22] =	stream.strided.scatter [tilespmem:s24], [sflag:$0xB], $0x1400, s23, s22, $0x38;
	[tilespmem:$0x16620] =	vst v63  }
0x138: {  	_ =	swait.ge [sflag:s25], $0x1400  }
0x139: {  	[sflag:s25] =	ssyncset.done $0x0  }
0x13a: {  	[sflag:s25] =	ssyncadd.s32 $0xFFFFEC00  }
0x13b: {  	[tilespmem:s24], [sflag:$0xB] =	stream.linear.gather [spmem:s12], $0x1400, $0x38;
	[tilespmem:$0x16620] =	vst v63  }
0x13c: {  	_ =	swait.ge [sflag:s25], $0x1400  }
0x13d: {  	[sflag:s25] =	ssyncset.done $0x0  }
0x13e: {  	s6 =	rddreg [dreg:$0x10];
	[sflag:s25] =	ssyncadd.s32 $0xFFFFEC00  }
0x13f: {  	[hbm4b:s6+s22] =	stream.strided.scatter [tilespmem:s24], [sflag:$0xB], $0x1400, s23, s22, $0x38;
	[tilespmem:$0x16620] =	vst v63  }
0x140: {  	_ =	swait.ge [sflag:s25], $0x1400  }
0x141: {  	s4 =	sadd.s32 $0x1, s4;
	s7 =	rddreg [dreg:$0x11]  }
0x142: {  	p0 =	sne.s32 s4, s7  }
.Ltmp2:
0x143: {  	_ = 	snop;
	(pc) =	sbr.rel @p0 .LBB2_1-.Ltmp2, $3  }
0x144: {  	_ =	sdelay $0x1  }
0x145: {  	[sflag:s25] =	ssyncset.done $0x0  }
0x146: {  	[sflag:s25] =	ssyncadd.s32 $0xFFFFEC00  }
0x147: {  	_ =	sfence.sel $0x180000  }
0x148: {  	[bflag:$0x0] =	sbarrier.arrive $0xFFFF  }
0x149: {  	_ =	strace $0x9000004A  }
0x14a: {  	s0 =	stileid.u32;
	[bflag:$0x2] =	sbarrier.arrive $0xFFFF  }
0x14b: {  	p0 =	sne.s32 s0, $0x0;
	s0 =	rddreg [dreg:$0x3]  }
0x14c: {  	s0 =	sadd.s32 @!p0 $0x100000, s0  }
0x14d: {  	[sflag:s0] =	ssyncadd.tile.s32 @!p0 $0x1;
	_ =	shalt  }
.Lfunc_end2:
_tile_overlayer_lowered:
.L_overlay_start_2:
0x14e: {  	(tag) =	ssettag $0x2  }
0x14f: {  	s0 =	rddreg [dreg:$0x0];
	s2 =	stileid.u32  }
0x150: {  	s1 =	rddreg [dreg:$0x1];
	p0 =	sne.s32 s2, $0x0  }
0x151: {  	s3 =	rddreg [dreg:$0x2];
	[bflag:$0x3] =	sbarrier.arrive $0xFFFF;
	s2 =	simm.s32 @!p0 $0x1C0B  }
0x152: {  	[timem:s3], [sflag:s2] =	dma.local @!p0 [hbm:s0], s1  }
0x153: {  	s0 =	simm.s32 @!p0 $0xB  }
0x154: {  	_ =	swait.ge @!p0 [sflag:s0], s1  }
0x155: {  	s1 =	ssub.s32 @!p0 $0x0, s1;
	[sflag:s0] =	ssyncset.done @!p0 $0x0  }
0x156: {  	[sflag:s0] =	ssyncadd.s32 @!p0 s1  }
0x157: {  	[bflag:$0x3] =	sbarrier.arrive $0xFFFF  }
0x158: {  	_ =	shalt  }

// kernel: kernel.7.cloned.1.call-start
scs
__scs_entry_jumppad:
0x0: {  	(pc) =	sbr.rel $0x88, $3  }
0x1: {  	(tag) =	ssettag $0x0;
	lr =	simm.s32 $0x1  }
0x2: {  	[smem:$0x3F99] =	sst lr;
	_ =	strace $0xD0000000  }
0x3: {  	_ = 	snop  }
0x4: {  	_ = 	snop  }
0x5: {  	_ = 	snop  }
0x6: {  	_ = 	snop  }
0x7: {  	_ = 	snop  }
__scs_overlays_trampoline_lowered:
0x8: {  	[smem:$0x3FA8] =	sst s0  }
0x9: {  	[smem:$0x3FA9] =	sst s1  }
0xa: {  	[smem:$0x3FAA] =	sst s2  }
0xb: {  	[smem:$0x3FAB] =	sst s3  }
0xc: {  	[smem:$0x3FAC] =	sst s4  }
0xd: {  	[smem:$0x3FAD] =	sst s5  }
0xe: {  	[smem:$0x3FAE] =	sst s6  }
0xf: {  	[smem:$0x3FAF] =	sst s7  }
0x10: {  	[smem:$0x3FB0] =	sst s8  }
0x11: {  	[smem:$0x3FB1] =	sst s9;
	s0 =	simm.s32 @!p0 $0x0  }
0x12: {  	s1 =	sld [smem:$0x3F97];
	s0 =	simm.s32 @p0 $0x1  }
0x13: {  	[smem:$0x3FB2] =	sst s0;
	s0 =	simm.s32 @!p1 $0x0  }
0x14: {  	s2 =	sld [smem:$0x3F96];
	s0 =	simm.s32 @p1 $0x1  }
0x15: {  	[smem:$0x3FB3] =	sst s0;
	s0 =	simm.s32 @!p2 $0x0  }
0x16: {  	s3 =	sld [smem:$0x3FDB];
	s0 =	simm.s32 @p2 $0x1  }
0x17: {  	s4 =	simm.s32 $0x1BF5;
	[smem:$0x3FB5] =	sst s0  }
0x18: {  	s0 =	sld [smem:$0x3F98];
	_ =	swait.ge [sflag:s4], $0x0  }
0x19: {  	s7 =	sld [smem:$0x3F99]  }
0x1a: {  	s8 =	sadd.s32 $0xFFFFE003, lr  }
0x1b: {  	s9 =	sadd.s32 $0xFFFFFEF7, lr;
	s5 =	simm.s32 $0xFFFFFFFF;
	p2 =	slt.u32 s8, $0xFFFFF086  }
0x1c: {  	p1 =	slt.u32 s9, $0xF7A;
	s5 =	simm.s32 @!p2 $0x0  }
0x1d: {  	s5 =	simm.s32 @p1 $0x1;
	p0 =	seq.s32 s7, s2  }
0x1e: {  	s7 =	smul.u32 @!p0 $0xF7A, s2;
	p2 =	seq.s32 @!p0 s5, $0x0  }
0x1f: {  	s9 =	smul.u32 $0xF7A, s1;
	s8 =	simm.s32 @!p0 $0x1BF5;
	p2 =	por !p2, p0  }
0x20: {  	[sflag:s8] =	ssyncset.s32 @!p0 $0xFFFFF086;
	s6 =	sadd.s32 @!p0 s3, s7;
	s7 =	simm.s32 @!p0 $0x108  }
0x21: {  	s3 =	sadd.s32 s3, s9;
	s6 =	sadd.s32 @!p0 $0x88, s6;
	s7 =	simm.s32 @p2 $0x1082  }
0x22: {  	[simem:s7], [sflag:s8] =	dma.local @!p0 [hbm:s6], $0xF7A  }
0x23: {  	s9 =	sor.u32 $0xD0000000, s2;
	s6 =	simm.s32 $0x108;
	_ =	swait.ge @!p0 [sflag:s8], $0x0  }
0x24: {  	s3 =	sadd.s32 $0x88, s3;
	s6 =	simm.s32 @!p1 $0x1082;
	[sflag:s4] =	ssyncset.s32 $0xFFFFF086  }
0x25: {  	[simem:s6], [sflag:s4] =	dma.local [hbm:s3], $0xF7A  }
0x26: {  	[smem:$0x3F99] =	sst s1;
	(tag) =	ssettag s2;
	_ =	strace s9  }
0x27: {  	s1 =	sld [smem:$0x3FA9]  }
0x28: {  	s2 =	sld [smem:$0x3FAA]  }
0x29: {  	s4 =	sld [smem:$0x3FAC]  }
0x2a: {  	p0 =	seq.s32 s5, $0x0;
	s5 =	sld [smem:$0x3FAD]  }
0x2b: {  	s6 =	sld [smem:$0x3FAE]  }
0x2c: {  	s7 =	sld [smem:$0x3FAF]  }
0x2d: {  	s3 =	simm.s32 $0x108;
	s8 =	sld [smem:$0x3FB0]  }
0x2e: {  	s3 =	simm.s32 @!p0 $0x1082;
	s9 =	sld [smem:$0x3FB1]  }
0x2f: {  	lr =	sadd.s32 s0, s3;
	s0 =	sld [smem:$0x3FA8]  }
0x30: {  	s3 =	sld [smem:$0x3FAB]  }
0x31: {  	[smem:$0x3FB4] =	sst s10  }
0x32: {  	s10 =	sld [smem:$0x3FB2];
	_ =	sdelay $0x3  }
0x33: {  	p0 =	seq.s32 s10, $0x1;
	s10 =	sld [smem:$0x3FB4];
	_ =	sdelay $0x3  }
0x34: {  	[smem:$0x3FB4] =	sst s10  }
0x35: {  	s10 =	sld [smem:$0x3FB3];
	_ =	sdelay $0x3  }
0x36: {  	p1 =	seq.s32 s10, $0x1;
	s10 =	sld [smem:$0x3FB4];
	_ =	sdelay $0x3  }
0x37: {  	[smem:$0x3FB4] =	sst s10  }
0x38: {  	s10 =	sld [smem:$0x3FB5]  }
0x39: {  	_ = 	snop;
	(pc) =	sbr.ind lr, $3  }
0x3a: {  	_ = 	snop  }
0x3b: {  	_ = 	snop  }
0x3c: {  	p2 =	seq.s32 s10, $0x1;
	s10 =	sld [smem:$0x3FB4]  }
0x3d: {  	_ =	shalt  }
0x3e: {  	_ =	shalt  }
0x3f: {  	_ =	shalt  }
0x40: {  	_ =	shalt  }
0x41: {  	_ =	shalt  }
0x42: {  	_ =	shalt  }
0x43: {  	_ =	shalt  }
0x44: {  	_ =	shalt  }
0x45: {  	_ =	shalt  }
0x46: {  	_ =	shalt  }
0x47: {  	_ =	shalt  }
0x48: {  	_ =	shalt  }
0x49: {  	_ =	shalt  }
0x4a: {  	_ =	shalt  }
0x4b: {  	_ =	shalt  }
0x4c: {  	_ =	shalt  }
0x4d: {  	_ =	shalt  }
0x4e: {  	_ =	shalt  }
0x4f: {  	_ =	shalt  }
0x50: {  	_ =	shalt  }
0x51: {  	_ =	shalt  }
0x52: {  	_ =	shalt  }
0x53: {  	_ =	shalt  }
0x54: {  	_ =	shalt  }
0x55: {  	_ =	shalt  }
0x56: {  	_ =	shalt  }
0x57: {  	_ =	shalt  }
0x58: {  	_ =	shalt  }
0x59: {  	_ =	shalt  }
0x5a: {  	_ =	shalt  }
0x5b: {  	_ =	shalt  }
0x5c: {  	_ =	shalt  }
0x5d: {  	_ =	shalt  }
0x5e: {  	_ =	shalt  }
0x5f: {  	_ =	shalt  }
0x60: {  	_ =	shalt  }
0x61: {  	_ =	shalt  }
0x62: {  	_ =	shalt  }
0x63: {  	_ =	shalt  }
0x64: {  	_ =	shalt  }
0x65: {  	_ =	shalt  }
0x66: {  	_ =	shalt  }
0x67: {  	_ =	shalt  }
0x68: {  	_ =	shalt  }
0x69: {  	_ =	shalt  }
0x6a: {  	_ =	shalt  }
0x6b: {  	_ =	shalt  }
0x6c: {  	_ =	shalt  }
0x6d: {  	_ =	shalt  }
0x6e: {  	_ =	shalt  }
0x6f: {  	_ =	shalt  }
0x70: {  	_ =	shalt  }
0x71: {  	_ =	shalt  }
0x72: {  	_ =	shalt  }
0x73: {  	_ =	shalt  }
0x74: {  	_ =	shalt  }
0x75: {  	_ =	shalt  }
0x76: {  	_ =	shalt  }
0x77: {  	_ =	shalt  }
0x78: {  	_ =	shalt  }
0x79: {  	_ =	shalt  }
0x7a: {  	_ =	shalt  }
0x7b: {  	_ =	shalt  }
0x7c: {  	_ =	shalt  }
0x7d: {  	_ =	shalt  }
0x7e: {  	_ =	shalt  }
0x7f: {  	_ =	shalt  }
0x80: {  	_ =	shalt  }
0x81: {  	_ =	shalt  }
0x82: {  	_ =	shalt  }
0x83: {  	_ =	shalt  }
0x84: {  	_ =	shalt  }
0x85: {  	_ =	shalt  }
0x86: {  	_ =	shalt  }
0x87: {  	_ =	shalt  }
.Lfunc_end0:
.L_simem_size_0:
called_computation_lowered:
.L_overlay_start_0:
0x88: {  	s2 =	sld [smem:$0x3FD9]  }
0x89: {  	s3 =	sld [smem:$0x3FFE];
	_ =	sdelay $0x1  }
0x8a: {  	s1 =	srdreg.scid  }
0x8b: {  	s0 =	sand.u32 $0x1, s1  }
0x8c: {  	s17 =	sshll.u32 s0, $0xA;
	s2 =	sadd.s32 s3, s2  }
0x8d: {  	s2 =	sadd.s32 s2, s17  }
0x8e: {  	[smem:$0x3FC0] =	sst s2  }
0x8f: {  	_ = 	snop  }
0x90: {  	s2 =	sld [smem:$0x3FD0];
	(tm) =	ssettm $0x1  }
0x91: {  	s18 =	sld [smem:$0x3FFB];
	_ =	sdelay $0x3  }
0x92: {  	_ =	strace s18  }
0x93: {  	s3 =	sld [smem:$0x3FFC];
	_ =	sdelay $0x3  }
0x94: {  	_ =	strace s3  }
0x95: {  	s3 =	sld [smem:$0x3FFD];
	_ =	sdelay $0x3  }
0x96: {  	_ =	strace s3  }
0x97: {  	_ =	strace $0x8FFFFFFF  }
0x98: {  	s19 =	sld [smem:$0x3FDB];
	_ =	sdelay $0x1  }
0x99: {  	s4 =	simm.s32 $_scs_section_size  }
0x9a: {  	s5 =	simm.s32 $_size__tile_overlayer_lowered;
	s6 =	simm.s32 $_tile_overlayer_lowered  }
0x9b: {  	s22 =	simm.s32 $0x1BFF;
	s21 =	sshll.u32 s6, $0x1;
	s3 =	sadd.s32 s4, s19  }
0x9c: {  	s7 =	simm.s32 $0x0;
	s20 =	sshll.u32 s5, $0x1;
	s5 =	sadd.s32 s21, s3  }
0x9d: {  	[timem:s7], [sflag:s22] =	dma.local [hbm:s5], s20  }
0x9e: {  	_ =	swait.ge [sflag:s22], s20  }
0x9f: {  	s4 =	ssub.s32 $0x0, s20;
	[sflag:s22] =	ssyncset.done $0x0  }
0xa0: {  	[sflag:s22] =	ssyncadd.s32 s4;
	_ =	sdelay $0x1  }
0xa1: {  	s23 =	simm.s32 $0x1B8B  }
0xa2: {  	_ =	swait.ge [sflag:s23], $0x1  }
0xa3: {  	[sflag:s23] =	ssyncset.done $0x0  }
0xa4: {  	s25 =	simm.s32 $0x1B8E;
	s24 =	sld [smem:$0x3FFE];
	[sflag:s23] =	ssyncadd.s32 $0xFFFFFFFF  }
0xa5: {  	s26 =	simm.s32 $execute0_lowered;
	[smem:$0x3FD2] =	sst s25  }
0xa6: {  	s5 =	sshll.u32 s26, $0x1;
	_ =	strace $0x80000046;
	[dreg:$0x1] =	wrdreg $0xFFFFFFFF  }
0xa7: {  	s28 =	simm.s32 $_size_execute0_lowered;
	s3 =	sadd.s32 s3, s5;
	[dreg:$0x0] =	wrdreg $0x0  }
0xa8: {  	s5 =	sshll.u32 s28, $0x1;
	[dreg:$0x2] =	wrdreg s3  }
0xa9: {  	[dreg:$0x3] =	wrdreg s5  }
0xaa: {  	[dreg:$0x4] =	wrdreg $0xC0  }
0xab: {  	_ =	task [dreg:s7], $0x5FFFF  }
0xac: {  	[dreg:$0x1] =	wrdreg $0xFFFFFFFF  }
0xad: {  	[dreg:$0x0] =	wrdreg $0x60  }
0xae: {  	[dreg:$0x2] =	wrdreg s2  }
0xaf: {  	[dreg:$0x3] =	wrdreg s24  }
0xb0: {  	[dreg:$0x4] =	wrdreg $0x190F00  }
0xb1: {  	[dreg:$0x5] =	wrdreg $0xC6200  }
0xb2: {  	[dreg:$0x6] =	wrdreg $0x9  }
0xb3: {  	_ =	task.clear_ibuf [dreg:s7], $0x7FFFF;
	_ =	strace $0x90000046  }
0xb4: {  	s29 =	simm.s32 $0x9;
	_ =	strace $0x80000048  }
0xb5: {  	_ =	swait.ge [sflag:s29], $0x1  }
0xb6: {  	[sflag:s29] =	ssyncadd.s32 $0xFFFFFFFF  }
0xb7: {  	_ =	strace $0x90000048  }
0xb8: {  	_ =	sfence  }
0xb9: {  	s30 =	sld [smem:$0x0];
	_ =	sdelay $0x2  }
0xba: {  	s31 =	sshll.u32 s1, $0xD;
	s1 =	sshrl.u32 s1, $0x2  }
0xbb: {  	s3 =	sand.u32 $0x4000, s31;
	s1 =	sadd.s32 s1, s30  }
0xbc: {  	s0 =	sor.u32 s3, s0;
	s1 =	sshll.u32 s1, $0x11  }
0xbd: {  	s0 =	sor.u32 s1, s0  }
0xbe: {  	s0 =	sadd.s32 $0x8F2B, s0  }
0xbf: {  	[sflag:s0] =	ssyncadd.remote.s32 $0x1  }
0xc0: {  	_ =	sfence.sel $0xFFFF  }
0xc1: {  	[dreg:$0x0] =	wrdreg $0xFFFFFFFF;
	(pc) =	sbr.abs _section_cstart, $3  }
0xc2: {  	[dreg:$0x1] =	wrdreg $0xFFFFFFFF  }
0xc3: {  	_ =	task.clear_ibuf [dreg:s7], $0x2FFFF;
	_ =	strace $0x9FFFFFFF  }
0xc4: {  	(tm) =	ssettm $0x7FFFFFFF  }
0xc5: {  	_ =	shalt  }
tec
execute0_lowered:
.L_overlay_start_1:
0x0: {  	(tag) =	ssettag $0x1  }
0x1: {  	s5 =	rddreg [dreg:$0x1]  }
0x2: {  	s0 =	srdreg.scid;
	s24 =	rddreg [dreg:$0x2]  }
0x3: {  	s1 =	stileid.u32;
	s3 =	rddreg [dreg:$0x3];
	s25 =	simm.s32 $0x0  }
0x4: {  	s28 =	simm.s32 $0xB;
	s30 =	simm.s32 $0x50;
	s31 =	simm.s32 $0x4E20  }
0x5: {  	s29 =	simm.s32 $0x8;
	s7 =	sand.u32 $0x1, s0;
	s14 =	smul.u32 $0x14000, s1  }
0x6: {  	s0 =	rddreg [dreg:$0x0];
	s2 =	sshll.u32 s7, $0x4;
	s6 =	smul.u32 $0x2800, s7  }
0x7: {  	s8 =	ssub.s32 $0x2, s7;
	s7 =	sshll.u32 s7, $0x6;
	s2 =	sor.u32 s1, s2  }
0x8: {  	s10 =	sadd.s32 $0x16200, s5;
	s14 =	sor.u32 s7, s14;
	s4 =	smul.u32 $0x2710, s2  }
0x9: {  	[smem:$0x7FF] =	sst s25;
	s2 =	smul.u32 $0x280, s1;
	s14 =	sshrl.u32 s14, $0x3  }
0xa: {  	p0 =	sne.s32 s1, $0x0;
	s9 =	sshrl.u32 s8, $0x1;
	s14 =	sadd.s32 s10, s14  }
0xb: {  	s4 =	sshrl.u32 s4, $0x3;
	s6 =	sadd.s32 s2, s6;
	s11 =	sadd.s32 $0xF0, s2  }
0xc: {  	s12 =	sadd.s32 $0x140, s2;
	s13 =	sadd.s32 $0x190, s2;
	s15 =	sadd.s32 $0x1E0, s2  }
0xd: {  	s18 =	sadd.s32 $0x230, s2;
	[dreg:$0x5] =	wrdreg s14;
	s24 =	sadd.s32 s2, s24  }
0xe: {  	s4 =	sadd.s32 s4, s5;
	s6 =	sshrl.u32 s6, $0x3;
	s19 =	sshll.u32 s11, $0x7  }
0xf: {  	s20 =	sshll.u32 s12, $0x7;
	s21 =	sshll.u32 s13, $0x7;
	s22 =	sshll.u32 s15, $0x7  }
0x10: {  	s23 =	sshll.u32 s18, $0x7;
	s11 =	sshll.u32 s11, $0x6;
	s12 =	sshll.u32 s12, $0x6  }
0x11: {  	s5 =	sadd.s32 s6, s5;
	s6 =	ssub.s32 s8, s9;
	s8 =	sor.u32 $0x50, s2  }
0x12: {  	s9 =	sadd.s32 $0xA0, s2;
	s19 =	sor.u32 s7, s19;
	s20 =	sor.u32 s7, s20  }
0x13: {  	s21 =	sor.u32 s7, s21;
	s22 =	sor.u32 s7, s22;
	s2 =	simm.s32 $0x8A20  }
0x14: {  	s16 =	sshll.u32 s8, $0x7;
	s17 =	sshll.u32 s9, $0x7;
	s21 =	sshrl.u32 s21, $0x3  }
0x15: {  	s22 =	sshrl.u32 s22, $0x3;
	s8 =	sshll.u32 s8, $0x6;
	s25 =	sadd.s32 $0x15800, s5  }
0x16: {  	s5 =	simm.s32 $0x16620;
	s16 =	sor.u32 s7, s16;
	s17 =	sor.u32 s7, s17  }
0x17: {  	s7 =	sor.u32 s7, s23;
	s23 =	smul.u32 $0x28000, s1;
	s8 =	sadd.s32 s8, s3  }
0x18: {  	s1 =	simm.s32 $0x6220;
	s16 =	sshrl.u32 s16, $0x3;
	s7 =	sshrl.u32 s7, $0x3  }
0x19: {  	s26 =	sadd.s32 s10, s16;
	s16 =	sshrl.u32 s17, $0x3;
	s17 =	sshrl.u32 s19, $0x3  }
0x1a: {  	s19 =	sshrl.u32 s20, $0x3;
	s7 =	sadd.s32 s10, s7;
	[dreg:$0x6] =	wrdreg s26  }
0x1b: {  	s14 =	sadd.s32 s10, s16;
	s20 =	sadd.s32 s10, s19;
	[dreg:$0xc] =	wrdreg s7  }
0x1c: {  	s26 =	sshrl.u32 s23, $0x2;
	s19 =	sshll.u32 s13, $0x6;
	[dreg:$0x7] =	wrdreg s14  }
0x1d: {  	s23 =	sadd.s32 $0xBA40, s4;
	s14 =	sadd.s32 s10, s17;
	[dreg:$0x9] =	wrdreg s20  }
0x1e: {  	s13 =	simm.s32 $0x0;
	[dreg:$0x8] =	wrdreg s14;
	s14 =	sadd.s32 s10, s21  }
0x1f: {  	s16 =	sadd.s32 s26, s3;
	[dreg:$0xa] =	wrdreg s14;
	s14 =	sadd.s32 s10, s22  }
0x20: {  	s17 =	sadd.s32 s12, s3;
	s10 =	sshll.u32 s9, $0x6;
	[dreg:$0xb] =	wrdreg s14  }
0x21: {  	s7 =	sadd.s32 s10, s3;
	_ =	strace $0x80000047;
	[dreg:$0xd] =	wrdreg s8  }
0x22: {  	s20 =	sshll.u32 s15, $0x6;
	s14 =	sadd.s32 s11, s3;
	[dreg:$0xe] =	wrdreg s7  }
0x23: {  	s26 =	smax.u32 s6, $0x1;
	s12 =	simm.s32 $0x7620;
	[dreg:$0xf] =	wrdreg s14  }
0x24: {  	s6 =	simm.s32 $0x9E20;
	s22 =	sadd.s32 $0x1E00, s4;
	[dreg:$0x10] =	wrdreg s17  }
0x25: {  	s21 =	sshll.u32 s18, $0x6;
	s18 =	sadd.s32 s19, s3;
	[dreg:$0x11] =	wrdreg s22  }
0x26: {  	s19 =	sadd.s32 s20, s3;
	s20 =	sadd.s32 s21, s3;
	[dreg:$0x12] =	wrdreg s23  }
0x27: {  	s4 =	simm.s32 $0x1;
	s9 =	simm.s32 $0x3;
	[dreg:$0x13] =	wrdreg s24  }
0x28: {  	s21 =	simm.s32 $0x5;
	s10 =	simm.s32 $0x7;
	[dreg:$0x14] =	wrdreg s25  }
0x29: {  	v0 =	vlaneseq.u32;
	s11 =	simm.s32 $0x4;
	[dreg:$0x15] =	wrdreg s26;
	s26 =	simm.s32 $0xB220  }
0x2a: {  	v1 =	vimm.f32 $0.0e+00;
	v2 =	vor.u32 $0x10, v0;
	s7 =	simm.s32 $0x2;
	s8 =	simm.s32 $0x6;
	s22 =	simm.s32 $0x9  }
0x2b: {  	v3 =	vor.u32 $0x20, v0;
	v4 =	vor.u32 $0x30, v0;
	v5 =	vor.u32 $0x40, v0;
	s23 =	simm.s32 $0xA;
	s24 =	simm.s32 $0x40;
	s25 =	simm.s32 $0x80  }
.LBB2_1:
0x2c: {  	s14 =	simm.s32 $0x0  }
.LBB2_2:
0x2d: {  	p1 =	sne.s32 s14, $0x4F00  }
.Ltmp0:
0x2e: {  	s15 =	sshra.s32 s14, $0x2;
	(pc) =	sbr.rel @p1 .LBB2_2-.Ltmp0, $4  }
0x2f: {  	[tilespmem:s15+$0xB220] =	vst v1  }
0x30: {  	[tilespmem:s15+$0xB230] =	vst v1  }
0x31: {  	[tilespmem:s15+$0xB240] =	vst v1  }
0x32: {  	s14 =	sadd.s32 $0x100, s14;
	[tilespmem:s15+$0xB250] =	vst v1  }
0x33: {  	s14 =	simm.s32 $0x0;
	s15 =	simm.s32 $0x200  }
.LBB2_4:
0x34: {  	p1 =	sne.s32 s15, $0x9E00;
	[tilespmem:s14+$0x16690] =	vst v1  }
0x35: {  	[tilespmem:s14+$0x16620] =	vst v1  }
0x36: {  	[tilespmem:s14+$0x16630] =	vst v1  }
.Ltmp1:
0x37: {  	[tilespmem:s14+$0x16640] =	vst v1;
	(pc) =	sbr.rel @p1 .LBB2_4-.Ltmp1, $4  }
0x38: {  	[tilespmem:s14+$0x16650] =	vst v1  }
0x39: {  	[tilespmem:s14+$0x16660] =	vst v1  }
0x3a: {  	[tilespmem:s14+$0x16670] =	vst v1  }
0x3b: {  	[tilespmem:s14+$0x16680] =	vst v1;
	s14 =	sshra.s32 s15, $0x2;
	s15 =	sadd.s32 $0x200, s15  }
0x3c: {  	[tilespmem:s14+$0x16690] =	vst v1  }
0x3d: {  	[tilespmem:s14+$0x16620] =	vst v1  }
0x3e: {  	[tilespmem:s14+$0x16630] =	vst v1  }
0x3f: {  	[tilespmem:s14+$0x16640] =	vst v1  }
0x40: {  	[tilespmem:s14+$0x16650] =	vst v1  }
0x41: {  	[tilespmem:s14+$0x16660] =	vst v1  }
0x42: {  	[tilespmem:s14+$0x16670] =	vst v1  }
0x43: {  	[tilespmem:s14+$0x16680] =	vst v1  }
0x44: {  	[tilespmem:$0x18E20] =	vst v0  }
0x45: {  	[tilespmem:$0x18E30] =	vst v2  }
0x46: {  	[tilespmem:$0x18E40] =	vst v3  }
0x47: {  	[tilespmem:$0x18E50] =	vst v4  }
0x48: {  	s14 =	simm.s32 @!p0 $0x16620;
	s15 =	rddreg [dreg:$0x2];
	[tilespmem:$0x18E60] =	vst v5  }
0x49: {  	[spmem:s15] =	stream.linear.scatter @!p0 [tilespmem:s14], [sflag:$0xB], $0x2800, $0x38;
	[tilespmem:$0x19370] =	vst v63  }
0x4a: {  	s14 =	simm.s32 @!p0 $0xB  }
0x4b: {  	_ =	swait.ge @!p0 [sflag:s14], $0x2800  }
0x4c: {  	[sflag:s14] =	ssyncset.done @!p0 $0x0  }
0x4d: {  	[sflag:s14] =	ssyncadd.s32 @!p0 $0xFFFFD800  }
0x4e: {  	[spmem:s16] =	stream.linear.scatter [tilespmem:s26], [sflag:$0xB], $0x1400, $0x38;
	[tilespmem:$0x19370] =	vst v63  }
0x4f: {  	_ =	swait.ge [sflag:s28], $0x1400  }
0x50: {  	[sflag:s28] =	ssyncset.done $0x0  }
0x51: {  	s17 =	smov.u32 s16;
	s16 =	rddreg [dreg:$0xd];
	[sflag:s28] =	ssyncadd.s32 $0xFFFFEC00  }
0x52: {  	[spmem:s16] =	stream.linear.scatter [tilespmem:s26], [sflag:$0xB], $0x1400, $0x38;
	[tilespmem:$0x19370] =	vst v63  }
0x53: {  	_ =	swait.ge [sflag:s28], $0x1400  }
0x54: {  	[sflag:s28] =	ssyncset.done $0x0  }
0x55: {  	s15 =	rddreg [dreg:$0xe];
	[sflag:s28] =	ssyncadd.s32 $0xFFFFEC00  }
0x56: {  	[spmem:s15] =	stream.linear.scatter [tilespmem:s26], [sflag:$0xB], $0x1400, $0x38;
	[tilespmem:$0x19370] =	vst v63  }
0x57: {  	_ =	swait.ge [sflag:s28], $0x1400  }
0x58: {  	[sflag:s28] =	ssyncset.done $0x0  }
0x59: {  	s16 =	rddreg [dreg:$0xf];
	[sflag:s28] =	ssyncadd.s32 $0xFFFFEC00  }
0x5a: {  	[spmem:s16] =	stream.linear.scatter [tilespmem:s26], [sflag:$0xB], $0x1400, $0x38;
	[tilespmem:$0x19370] =	vst v63  }
0x5b: {  	_ =	swait.ge [sflag:s28], $0x1400  }
0x5c: {  	[sflag:s28] =	ssyncset.done $0x0  }
0x5d: {  	s15 =	rddreg [dreg:$0x10];
	[sflag:s28] =	ssyncadd.s32 $0xFFFFEC00  }
0x5e: {  	[spmem:s15] =	stream.linear.scatter [tilespmem:s26], [sflag:$0xB], $0x1400, $0x38;
	[tilespmem:$0x19370] =	vst v63  }
0x5f: {  	_ =	swait.ge [sflag:s28], $0x1400  }
0x60: {  	[sflag:s28] =	ssyncset.done $0x0  }
0x61: {  	[sflag:s28] =	ssyncadd.s32 $0xFFFFEC00  }
0x62: {  	[spmem:s18] =	stream.linear.scatter [tilespmem:s26], [sflag:$0xB], $0x1400, $0x38;
	[tilespmem:$0x19370] =	vst v63  }
0x63: {  	_ =	swait.ge [sflag:s28], $0x1400  }
0x64: {  	[sflag:s28] =	ssyncset.done $0x0  }
0x65: {  	[sflag:s28] =	ssyncadd.s32 $0xFFFFEC00  }
0x66: {  	[spmem:s19] =	stream.linear.scatter [tilespmem:s26], [sflag:$0xB], $0x1400, $0x38;
	[tilespmem:$0x19370] =	vst v63  }
0x67: {  	_ =	swait.ge [sflag:s28], $0x1400  }
0x68: {  	[sflag:s28] =	ssyncset.done $0x0  }
0x69: {  	[sflag:s28] =	ssyncadd.s32 $0xFFFFEC00  }
0x6a: {  	[spmem:s20] =	stream.linear.scatter [tilespmem:s26], [sflag:$0xB], $0x1400, $0x38;
	[tilespmem:$0x19370] =	vst v63  }
0x6b: {  	_ =	swait.ge [sflag:s28], $0x1400  }
0x6c: {  	[sflag:s28] =	ssyncset.done $0x0  }
0x6d: {  	[sflag:s28] =	ssyncadd.s32 $0xFFFFEC00  }
0x6e: {  	[bflag:$0x0] =	sbarrier.arrive $0xFFFF  }
0x6f: {  	s14 =	simm.s32 $0x0;
	s16 =	rddreg [dreg:$0x11]  }
0x70: {  	[tilespmem:s14], [sflag:$0xB] =	stream.linear.gather [hbm4b:s16+s14], $0x2710, $0x38;
	[tilespmem:$0x19370] =	vst v63  }
0x71: {  	_ =	swait.ge [sflag:s28], $0x2710  }
0x72: {  	[sflag:s28] =	ssyncset.done $0x0  }
0x73: {  	s16 =	simm.s32 $0x2710;
	s15 =	rddreg [dreg:$0x12];
	[sflag:s28] =	ssyncadd.s32 $0xFFFFD8F0  }
0x74: {  	[tilespmem:s16], [sflag:$0xB] =	stream.linear.gather [hbm4b:s15+s14], $0x2710, $0x38;
	[tilespmem:$0x19370] =	vst v63  }
0x75: {  	_ =	swait.ge [sflag:s28], $0x2710  }
0x76: {  	[sflag:s28] =	ssyncset.done $0x0  }
0x77: {  	[sflag:s28] =	ssyncadd.s32 $0xFFFFD8F0  }
0x78: {  	[tilespmem:s31], [sflag:$0x1] =	stream.indirect.gather [hbm4b:s0+s30], $0x40, s14, s30, $0xb8;
	[tilespmem:$0x19370] =	vst v63  }
0x79: {  	_ = 	snop  }
0x7a: {  	[tilespmem:s1], [sflag:$0x2] =	stream.indirect.gather [hbm4b:s0+s30], $0x40, s30, s30, $0xb8;
	[tilespmem:$0x19370] =	vst v63  }
0x7b: {  	s15 =	simm.s32 $0xA0  }
0x7c: {  	[tilespmem:s12], [sflag:$0x3] =	stream.indirect.gather [hbm4b:s0+s30], $0x40, s15, s30, $0xb8;
	[tilespmem:$0x19370] =	vst v63  }
0x7d: {  	s15 =	simm.s32 $0xF0  }
0x7e: {  	[tilespmem:s2], [sflag:$0x4] =	stream.indirect.gather [hbm4b:s0+s30], $0x40, s15, s30, $0xb8;
	[tilespmem:$0x19370] =	vst v63  }
0x7f: {  	_ =	swait.ge [sflag:s4], $0x1400  }
0x80: {  	[sflag:s4] =	ssyncset.done $0x0  }
0x81: {  	[sflag:s4] =	ssyncadd.s32 $0xFFFFEC00  }
0x82: {  	[spmem:s3] =	stream.indirect.scatter.add.f32 [tilespmem:s31], [sflag:$0x6], $0x40, s16, s30, $0xb8;
	[tilespmem:$0x19370] =	vst v63  }
0x83: {  	v6 =	vld [tilespmem:$0x2710];
	_ =	sdelay $0x4  }
0x84: {  	(xrf1) =	vunique.msk.u32 $0xffff, v6;
	_ =	sdelay $0xd  }
0x85: {  	_, v7, vm0 =	vpop (xrf1);
	_ =	sdelay $0x3  }
0x86: {  	v7 =	vcvt.s32.f32 v7;
	_ =	sdelay $0x1  }
0x87: {  	[tilespmem:v6+s5+$0x0] =	vst.idx.add.f32.msk vm0, v7  }
0x88: {  	v6 =	vld [tilespmem:$0x2720];
	_ =	sdelay $0x4  }
0x89: {  	(xrf1) =	vunique.msk.u32 $0xffff, v6;
	_ =	sdelay $0xd  }
0x8a: {  	_, v7, vm0 =	vpop (xrf1);
	_ =	sdelay $0x3  }
0x8b: {  	v7 =	vcvt.s32.f32 v7;
	_ =	sdelay $0x1  }
0x8c: {  	[tilespmem:v6+s5+$0x0] =	vst.idx.add.f32.msk vm0, v7  }
0x8d: {  	v6 =	vld [tilespmem:$0x2730];
	_ =	sdelay $0x4  }
0x8e: {  	(xrf1) =	vunique.msk.u32 $0xffff, v6;
	_ =	sdelay $0xd  }
0x8f: {  	_, v7, vm0 =	vpop (xrf1);
	_ =	sdelay $0x3  }
0x90: {  	v7 =	vcvt.s32.f32 v7;
	_ =	sdelay $0x1  }
0x91: {  	[tilespmem:v6+s5+$0x0] =	vst.idx.add.f32.msk vm0, v7  }
0x92: {  	v6 =	vld [tilespmem:$0x2740];
	_ =	sdelay $0x4  }
0x93: {  	(xrf1) =	vunique.msk.u32 $0xffff, v6;
	_ =	sdelay $0xd  }
0x94: {  	_, v7, vm0 =	vpop (xrf1);
	_ =	sdelay $0x3  }
0x95: {  	v7 =	vcvt.s32.f32 v7;
	_ =	sdelay $0x1  }
0x96: {  	[tilespmem:v6+s5+$0x0] =	vst.idx.add.f32.msk vm0, v7  }
0x97: {  	v6 =	vld [tilespmem:$0x2750];
	_ =	sdelay $0x4  }
0x98: {  	(xrf1) =	vunique.msk.u32 $0xffff, v6;
	_ =	sdelay $0xd  }
0x99: {  	_, v7, vm0 =	vpop (xrf1);
	_ =	sdelay $0x3  }
0x9a: {  	v7 =	vcvt.s32.f32 v7;
	_ =	sdelay $0x1  }
0x9b: {  	s16 =	simm.s32 $0x140;
	[tilespmem:v6+s5+$0x0] =	vst.idx.add.f32.msk vm0, v7  }
0x9c: {  	[tilespmem:s6], [sflag:$0x5] =	stream.indirect.gather [hbm4b:s0+s30], $0x40, s16, s30, $0xb8;
	[tilespmem:$0x19370] =	vst v63  }
0x9d: {  	_ =	swait.ge [sflag:s7], $0x1400  }
0x9e: {  	[sflag:s7] =	ssyncset.done $0x0  }
0x9f: {  	s16 =	simm.s32 $0x2760;
	[sflag:s7] =	ssyncadd.s32 $0xFFFFEC00  }
0xa0: {  	[spmem:s3] =	stream.indirect.scatter.add.f32 [tilespmem:s1], [sflag:$0x7], $0x40, s16, s30, $0xb8;
	[tilespmem:$0x19370] =	vst v63  }
0xa1: {  	v6 =	vld [tilespmem:$0x2760];
	_ =	sdelay $0x4  }
0xa2: {  	(xrf1) =	vunique.msk.u32 $0xffff, v6;
	_ =	sdelay $0xd  }
0xa3: {  	_, v7, vm0 =	vpop (xrf1);
	_ =	sdelay $0x3  }
0xa4: {  	v7 =	vcvt.s32.f32 v7;
	_ =	sdelay $0x1  }
0xa5: {  	[tilespmem:v6+s5+$0x0] =	vst.idx.add.f32.msk vm0, v7  }
0xa6: {  	v6 =	vld [tilespmem:$0x2770];
	_ =	sdelay $0x4  }
0xa7: {  	(xrf1) =	vunique.msk.u32 $0xffff, v6;
	_ =	sdelay $0xd  }
0xa8: {  	_, v7, vm0 =	vpop (xrf1);
	_ =	sdelay $0x3  }
0xa9: {  	v7 =	vcvt.s32.f32 v7;
	_ =	sdelay $0x1  }
0xaa: {  	[tilespmem:v6+s5+$0x0] =	vst.idx.add.f32.msk vm0, v7  }
0xab: {  	v6 =	vld [tilespmem:$0x2780];
	_ =	sdelay $0x4  }
0xac: {  	(xrf1) =	vunique.msk.u32 $0xffff, v6;
	_ =	sdelay $0xd  }
0xad: {  	_, v7, vm0 =	vpop (xrf1);
	_ =	sdelay $0x3  }
0xae: {  	v7 =	vcvt.s32.f32 v7;
	_ =	sdelay $0x1  }
0xaf: {  	[tilespmem:v6+s5+$0x0] =	vst.idx.add.f32.msk vm0, v7  }
0xb0: {  	v6 =	vld [tilespmem:$0x2790];
	_ =	sdelay $0x4  }
0xb1: {  	(xrf1) =	vunique.msk.u32 $0xffff, v6;
	_ =	sdelay $0xd  }
0xb2: {  	_, v7, vm0 =	vpop (xrf1);
	_ =	sdelay $0x3  }
0xb3: {  	v7 =	vcvt.s32.f32 v7;
	_ =	sdelay $0x1  }
0xb4: {  	[tilespmem:v6+s5+$0x0] =	vst.idx.add.f32.msk vm0, v7  }
0xb5: {  	v6 =	vld [tilespmem:$0x27A0];
	_ =	sdelay $0x4  }
0xb6: {  	(xrf1) =	vunique.msk.u32 $0xffff, v6;
	_ =	sdelay $0xd  }
0xb7: {  	_, v7, vm0 =	vpop (xrf1);
	_ =	sdelay $0x3  }
0xb8: {  	v7 =	vcvt.s32.f32 v7;
	_ =	sdelay $0x1  }
0xb9: {  	[tilespmem:v6+s5+$0x0] =	vst.idx.add.f32.msk vm0, v7  }
0xba: {  	_ =	swait.ge [sflag:s8], $0x1400  }
0xbb: {  	[sflag:s8] =	ssyncset.done $0x0  }
0xbc: {  	s16 =	simm.s32 $0x190;
	[sflag:s8] =	ssyncadd.s32 $0xFFFFEC00  }
0xbd: {  	[tilespmem:s31], [sflag:$0x1] =	stream.indirect.gather [hbm4b:s0+s30], $0x40, s16, s30, $0xb8;
	[tilespmem:$0x19370] =	vst v63  }
0xbe: {  	_ =	swait.ge [sflag:s9], $0x1400  }
0xbf: {  	[sflag:s9] =	ssyncset.done $0x0  }
0xc0: {  	s16 =	simm.s32 $0x27B0;
	[sflag:s9] =	ssyncadd.s32 $0xFFFFEC00  }
0xc1: {  	[spmem:s3] =	stream.indirect.scatter.add.f32 [tilespmem:s12], [sflag:$0x8], $0x40, s16, s30, $0xb8;
	[tilespmem:$0x19370] =	vst v63  }
0xc2: {  	v6 =	vld [tilespmem:$0x27B0];
	_ =	sdelay $0x4  }
0xc3: {  	(xrf1) =	vunique.msk.u32 $0xffff, v6;
	_ =	sdelay $0xd  }
0xc4: {  	_, v7, vm0 =	vpop (xrf1);
	_ =	sdelay $0x3  }
0xc5: {  	v7 =	vcvt.s32.f32 v7;
	_ =	sdelay $0x1  }
0xc6: {  	[tilespmem:v6+s5+$0x0] =	vst.idx.add.f32.msk vm0, v7  }
0xc7: {  	v6 =	vld [tilespmem:$0x27C0];
	_ =	sdelay $0x4  }
0xc8: {  	(xrf1) =	vunique.msk.u32 $0xffff, v6;
	_ =	sdelay $0xd  }
0xc9: {  	_, v7, vm0 =	vpop (xrf1);
	_ =	sdelay $0x3  }
0xca: {  	v7 =	vcvt.s32.f32 v7;
	_ =	sdelay $0x1  }
0xcb: {  	[tilespmem:v6+s5+$0x0] =	vst.idx.add.f32.msk vm0, v7  }
0xcc: {  	v6 =	vld [tilespmem:$0x27D0];
	_ =	sdelay $0x4  }
0xcd: {  	(xrf1) =	vunique.msk.u32 $0xffff, v6;
	_ =	sdelay $0xd  }
0xce: {  	_, v7, vm0 =	vpop (xrf1);
	_ =	sdelay $0x3  }
0xcf: {  	v7 =	vcvt.s32.f32 v7;
	_ =	sdelay $0x1  }
0xd0: {  	[tilespmem:v6+s5+$0x0] =	vst.idx.add.f32.msk vm0, v7  }
0xd1: {  	v6 =	vld [tilespmem:$0x27E0];
	_ =	sdelay $0x4  }
0xd2: {  	(xrf1) =	vunique.msk.u32 $0xffff, v6;
	_ =	sdelay $0xd  }
0xd3: {  	_, v7, vm0 =	vpop (xrf1);
	_ =	sdelay $0x3  }
0xd4: {  	v7 =	vcvt.s32.f32 v7;
	_ =	sdelay $0x1  }
0xd5: {  	[tilespmem:v6+s5+$0x0] =	vst.idx.add.f32.msk vm0, v7  }
0xd6: {  	v6 =	vld [tilespmem:$0x27F0];
	_ =	sdelay $0x4  }
0xd7: {  	(xrf1) =	vunique.msk.u32 $0xffff, v6;
	_ =	sdelay $0xd  }
0xd8: {  	_, v7, vm0 =	vpop (xrf1);
	_ =	sdelay $0x3  }
0xd9: {  	v7 =	vcvt.s32.f32 v7;
	_ =	sdelay $0x1  }
0xda: {  	[tilespmem:v6+s5+$0x0] =	vst.idx.add.f32.msk vm0, v7  }
0xdb: {  	_ =	swait.ge [sflag:s10], $0x1400  }
0xdc: {  	[sflag:s10] =	ssyncset.done $0x0  }
0xdd: {  	s16 =	simm.s32 $0x1E0;
	[sflag:s10] =	ssyncadd.s32 $0xFFFFEC00  }
0xde: {  	[tilespmem:s1], [sflag:$0x2] =	stream.indirect.gather [hbm4b:s0+s30], $0x40, s16, s30, $0xb8;
	[tilespmem:$0x19370] =	vst v63  }
0xdf: {  	_ =	swait.ge [sflag:s11], $0x1400  }
0xe0: {  	[sflag:s11] =	ssyncset.done $0x0  }
0xe1: {  	s16 =	simm.s32 $0x2800;
	[sflag:s11] =	ssyncadd.s32 $0xFFFFEC00  }
0xe2: {  	[spmem:s3] =	stream.indirect.scatter.add.f32 [tilespmem:s2], [sflag:$0x9], $0x40, s16, s30, $0xb8;
	[tilespmem:$0x19370] =	vst v63  }
0xe3: {  	v6 =	vld [tilespmem:$0x2800];
	_ =	sdelay $0x4  }
0xe4: {  	(xrf1) =	vunique.msk.u32 $0xffff, v6;
	_ =	sdelay $0xd  }
0xe5: {  	_, v7, vm0 =	vpop (xrf1);
	_ =	sdelay $0x3  }
0xe6: {  	v7 =	vcvt.s32.f32 v7;
	_ =	sdelay $0x1  }
0xe7: {  	[tilespmem:v6+s5+$0x0] =	vst.idx.add.f32.msk vm0, v7  }
0xe8: {  	v6 =	vld [tilespmem:$0x2810];
	_ =	sdelay $0x4  }
0xe9: {  	(xrf1) =	vunique.msk.u32 $0xffff, v6;
	_ =	sdelay $0xd  }
0xea: {  	_, v7, vm0 =	vpop (xrf1);
	_ =	sdelay $0x3  }
0xeb: {  	v7 =	vcvt.s32.f32 v7;
	_ =	sdelay $0x1  }
0xec: {  	[tilespmem:v6+s5+$0x0] =	vst.idx.add.f32.msk vm0, v7  }
0xed: {  	v6 =	vld [tilespmem:$0x2820];
	_ =	sdelay $0x4  }
0xee: {  	(xrf1) =	vunique.msk.u32 $0xffff, v6;
	_ =	sdelay $0xd  }
0xef: {  	_, v7, vm0 =	vpop (xrf1);
	_ =	sdelay $0x3  }
0xf0: {  	v7 =	vcvt.s32.f32 v7;
	_ =	sdelay $0x1  }
0xf1: {  	[tilespmem:v6+s5+$0x0] =	vst.idx.add.f32.msk vm0, v7  }
0xf2: {  	v6 =	vld [tilespmem:$0x2830];
	_ =	sdelay $0x4  }
0xf3: {  	(xrf1) =	vunique.msk.u32 $0xffff, v6;
	_ =	sdelay $0xd  }
0xf4: {  	_, v7, vm0 =	vpop (xrf1);
	_ =	sdelay $0x3  }
0xf5: {  	v7 =	vcvt.s32.f32 v7;
	_ =	sdelay $0x1  }
0xf6: {  	[tilespmem:v6+s5+$0x0] =	vst.idx.add.f32.msk vm0, v7  }
0xf7: {  	v6 =	vld [tilespmem:$0x2840];
	_ =	sdelay $0x4  }
0xf8: {  	(xrf1) =	vunique.msk.u32 $0xffff, v6;
	_ =	sdelay $0xd  }
0xf9: {  	_, v7, vm0 =	vpop (xrf1);
	_ =	sdelay $0x3  }
0xfa: {  	v7 =	vcvt.s32.f32 v7;
	_ =	sdelay $0x1  }
0xfb: {  	[tilespmem:v6+s5+$0x0] =	vst.idx.add.f32.msk vm0, v7  }
0xfc: {  	_ =	swait.ge [sflag:s29], $0x1400  }
0xfd: {  	[sflag:s29] =	ssyncset.done $0x0  }
0xfe: {  	s16 =	simm.s32 $0x230;
	[sflag:s29] =	ssyncadd.s32 $0xFFFFEC00  }
0xff: {  	[tilespmem:s12], [sflag:$0x3] =	stream.indirect.gather [hbm4b:s0+s30], $0x40, s16, s30, $0xb8;
	[tilespmem:$0x19370] =	vst v63  }
0x100: {  	_ =	swait.ge [sflag:s21], $0x1400  }
0x101: {  	[sflag:s21] =	ssyncset.done $0x0  }
0x102: {  	s16 =	simm.s32 $0x2850;
	[sflag:s21] =	ssyncadd.s32 $0xFFFFEC00  }
0x103: {  	[spmem:s3] =	stream.indirect.scatter.add.f32 [tilespmem:s6], [sflag:$0xA], $0x40, s16, s30, $0xb8;
	[tilespmem:$0x19370] =	vst v63  }
0x104: {  	v6 =	vld [tilespmem:$0x2850];
	_ =	sdelay $0x4  }
0x105: {  	(xrf1) =	vunique.msk.u32 $0xffff, v6;
	_ =	sdelay $0xd  }
0x106: {  	_, v7, vm0 =	vpop (xrf1);
	_ =	sdelay $0x3  }
0x107: {  	v7 =	vcvt.s32.f32 v7;
	_ =	sdelay $0x1  }
0x108: {  	[tilespmem:v6+s5+$0x0] =	vst.idx.add.f32.msk vm0, v7  }
0x109: {  	v6 =	vld [tilespmem:$0x2860];
	_ =	sdelay $0x4  }
0x10a: {  	(xrf1) =	vunique.msk.u32 $0xffff, v6;
	_ =	sdelay $0xd  }
0x10b: {  	_, v7, vm0 =	vpop (xrf1);
	_ =	sdelay $0x3  }
0x10c: {  	v7 =	vcvt.s32.f32 v7;
	_ =	sdelay $0x1  }
0x10d: {  	[tilespmem:v6+s5+$0x0] =	vst.idx.add.f32.msk vm0, v7  }
0x10e: {  	v6 =	vld [tilespmem:$0x2870];
	_ =	sdelay $0x4  }
0x10f: {  	(xrf1) =	vunique.msk.u32 $0xffff, v6;
	_ =	sdelay $0xd  }
0x110: {  	_, v7, vm0 =	vpop (xrf1);
	_ =	sdelay $0x3  }
0x111: {  	v7 =	vcvt.s32.f32 v7;
	_ =	sdelay $0x1  }
0x112: {  	[tilespmem:v6+s5+$0x0] =	vst.idx.add.f32.msk vm0, v7  }
0x113: {  	v6 =	vld [tilespmem:$0x2880];
	_ =	sdelay $0x4  }
0x114: {  	(xrf1) =	vunique.msk.u32 $0xffff, v6;
	_ =	sdelay $0xd  }
0x115: {  	_, v7, vm0 =	vpop (xrf1);
	_ =	sdelay $0x3  }
0x116: {  	v7 =	vcvt.s32.f32 v7;
	_ =	sdelay $0x1  }
0x117: {  	[tilespmem:v6+s5+$0x0] =	vst.idx.add.f32.msk vm0, v7  }
0x118: {  	v6 =	vld [tilespmem:$0x2890];
	_ =	sdelay $0x4  }
0x119: {  	(xrf1) =	vunique.msk.u32 $0xffff, v6;
	_ =	sdelay $0xd  }
0x11a: {  	_, v7, vm0 =	vpop (xrf1);
	_ =	sdelay $0x3  }
0x11b: {  	v7 =	vcvt.s32.f32 v7;
	_ =	sdelay $0x1  }
0x11c: {  	[tilespmem:v6+s5+$0x0] =	vst.idx.add.f32.msk vm0, v7  }
.LBB2_6:
0x11d: {  	_ =	swait.ge [sflag:s22], $0x1400  }
0x11e: {  	s15 =	sshra.s32 s14, $0x2;
	[sflag:s22] =	ssyncset.done $0x0  }
0x11f: {  	s16 =	sadd.s32 $0x280, s15;
	[sflag:s22] =	ssyncadd.s32 $0xFFFFEC00  }
0x120: {  	[tilespmem:s2], [sflag:$0x4] =	stream.indirect.gather [hbm4b:s0+s30], $0x40, s16, s30, $0xb8;
	[tilespmem:$0x19370] =	vst v63  }
0x121: {  	_ =	swait.ge [sflag:s4], $0x1400  }
0x122: {  	[sflag:s4] =	ssyncset.done $0x0  }
0x123: {  	s16 =	sadd.s32 $0x28A0, s15;
	[sflag:s4] =	ssyncadd.s32 $0xFFFFEC00  }
0x124: {  	[spmem:s3] =	stream.indirect.scatter.add.f32 [tilespmem:s31], [sflag:$0x6], $0x40, s16, s30, $0xb8;
	[tilespmem:$0x19370] =	vst v63  }
0x125: {  	v6 =	vld [tilespmem:s15+$0x28A0];
	_ =	sdelay $0x4  }
0x126: {  	(xrf1) =	vunique.msk.u32 $0xffff, v6;
	_ =	sdelay $0xd  }
0x127: {  	_, v7, vm0 =	vpop (xrf1);
	_ =	sdelay $0x3  }
0x128: {  	v7 =	vcvt.s32.f32 v7;
	_ =	sdelay $0x1  }
0x129: {  	[tilespmem:v6+s5+$0x0] =	vst.idx.add.f32.msk vm0, v7  }
0x12a: {  	v6 =	vld [tilespmem:s15+$0x28B0];
	_ =	sdelay $0x4  }
0x12b: {  	(xrf1) =	vunique.msk.u32 $0xffff, v6;
	_ =	sdelay $0xd  }
0x12c: {  	_, v7, vm0 =	vpop (xrf1);
	_ =	sdelay $0x3  }
0x12d: {  	v7 =	vcvt.s32.f32 v7;
	_ =	sdelay $0x1  }
0x12e: {  	[tilespmem:v6+s5+$0x0] =	vst.idx.add.f32.msk vm0, v7  }
0x12f: {  	v6 =	vld [tilespmem:s15+$0x28C0];
	_ =	sdelay $0x4  }
0x130: {  	(xrf1) =	vunique.msk.u32 $0xffff, v6;
	_ =	sdelay $0xd  }
0x131: {  	_, v7, vm0 =	vpop (xrf1);
	_ =	sdelay $0x3  }
0x132: {  	v7 =	vcvt.s32.f32 v7;
	_ =	sdelay $0x1  }
0x133: {  	[tilespmem:v6+s5+$0x0] =	vst.idx.add.f32.msk vm0, v7  }
0x134: {  	v6 =	vld [tilespmem:s15+$0x28D0];
	_ =	sdelay $0x4  }
0x135: {  	(xrf1) =	vunique.msk.u32 $0xffff, v6;
	_ =	sdelay $0xd  }
0x136: {  	_, v7, vm0 =	vpop (xrf1);
	_ =	sdelay $0x3  }
0x137: {  	v7 =	vcvt.s32.f32 v7;
	_ =	sdelay $0x1  }
0x138: {  	[tilespmem:v6+s5+$0x0] =	vst.idx.add.f32.msk vm0, v7  }
0x139: {  	v6 =	vld [tilespmem:s15+$0x28E0];
	_ =	sdelay $0x4  }
0x13a: {  	(xrf1) =	vunique.msk.u32 $0xffff, v6;
	_ =	sdelay $0xd  }
0x13b: {  	_, v7, vm0 =	vpop (xrf1);
	_ =	sdelay $0x3  }
0x13c: {  	v7 =	vcvt.s32.f32 v7;
	_ =	sdelay $0x1  }
0x13d: {  	[tilespmem:v6+s5+$0x0] =	vst.idx.add.f32.msk vm0, v7  }
0x13e: {  	_ =	swait.ge [sflag:s23], $0x1400  }
0x13f: {  	[sflag:s23] =	ssyncset.done $0x0  }
0x140: {  	s16 =	sadd.s32 $0x2D0, s15;
	[sflag:s23] =	ssyncadd.s32 $0xFFFFEC00  }
0x141: {  	[tilespmem:s6], [sflag:$0x5] =	stream.indirect.gather [hbm4b:s0+s30], $0x40, s16, s30, $0xb8;
	[tilespmem:$0x19370] =	vst v63  }
0x142: {  	_ =	swait.ge [sflag:s7], $0x1400  }
0x143: {  	[sflag:s7] =	ssyncset.done $0x0  }
0x144: {  	s16 =	sadd.s32 $0x28F0, s15;
	[sflag:s7] =	ssyncadd.s32 $0xFFFFEC00  }
0x145: {  	[spmem:s3] =	stream.indirect.scatter.add.f32 [tilespmem:s1], [sflag:$0x7], $0x40, s16, s30, $0xb8;
	[tilespmem:$0x19370] =	vst v63  }
0x146: {  	v6 =	vld [tilespmem:s15+$0x28F0];
	_ =	sdelay $0x4  }
0x147: {  	(xrf1) =	vunique.msk.u32 $0xffff, v6;
	_ =	sdelay $0xd  }
0x148: {  	_, v7, vm0 =	vpop (xrf1);
	_ =	sdelay $0x3  }
0x149: {  	v7 =	vcvt.s32.f32 v7;
	_ =	sdelay $0x1  }
0x14a: {  	[tilespmem:v6+s5+$0x0] =	vst.idx.add.f32.msk vm0, v7  }
0x14b: {  	v6 =	vld [tilespmem:s15+$0x2900];
	_ =	sdelay $0x4  }
0x14c: {  	(xrf1) =	vunique.msk.u32 $0xffff, v6;
	_ =	sdelay $0xd  }
0x14d: {  	_, v7, vm0 =	vpop (xrf1);
	_ =	sdelay $0x3  }
0x14e: {  	v7 =	vcvt.s32.f32 v7;
	_ =	sdelay $0x1  }
0x14f: {  	[tilespmem:v6+s5+$0x0] =	vst.idx.add.f32.msk vm0, v7  }
0x150: {  	v6 =	vld [tilespmem:s15+$0x2910];
	_ =	sdelay $0x4  }
0x151: {  	(xrf1) =	vunique.msk.u32 $0xffff, v6;
	_ =	sdelay $0xd  }
0x152: {  	_, v7, vm0 =	vpop (xrf1);
	_ =	sdelay $0x3  }
0x153: {  	v7 =	vcvt.s32.f32 v7;
	_ =	sdelay $0x1  }
0x154: {  	[tilespmem:v6+s5+$0x0] =	vst.idx.add.f32.msk vm0, v7  }
0x155: {  	v6 =	vld [tilespmem:s15+$0x2920];
	_ =	sdelay $0x4  }
0x156: {  	(xrf1) =	vunique.msk.u32 $0xffff, v6;
	_ =	sdelay $0xd  }
0x157: {  	_, v7, vm0 =	vpop (xrf1);
	_ =	sdelay $0x3  }
0x158: {  	v7 =	vcvt.s32.f32 v7;
	_ =	sdelay $0x1  }
0x159: {  	[tilespmem:v6+s5+$0x0] =	vst.idx.add.f32.msk vm0, v7  }
0x15a: {  	v6 =	vld [tilespmem:s15+$0x2930];
	_ =	sdelay $0x4  }
0x15b: {  	(xrf1) =	vunique.msk.u32 $0xffff, v6;
	_ =	sdelay $0xd  }
0x15c: {  	_, v7, vm0 =	vpop (xrf1);
	_ =	sdelay $0x3  }
0x15d: {  	v7 =	vcvt.s32.f32 v7;
	_ =	sdelay $0x1  }
0x15e: {  	[tilespmem:v6+s5+$0x0] =	vst.idx.add.f32.msk vm0, v7  }
0x15f: {  	_ =	swait.ge [sflag:s8], $0x1400  }
0x160: {  	[sflag:s8] =	ssyncset.done $0x0  }
0x161: {  	s16 =	sadd.s32 $0x320, s15;
	[sflag:s8] =	ssyncadd.s32 $0xFFFFEC00  }
0x162: {  	[tilespmem:s31], [sflag:$0x1] =	stream.indirect.gather [hbm4b:s0+s30], $0x40, s16, s30, $0xb8;
	[tilespmem:$0x19370] =	vst v63  }
0x163: {  	_ =	swait.ge [sflag:s9], $0x1400  }
0x164: {  	[sflag:s9] =	ssyncset.done $0x0  }
0x165: {  	s16 =	sadd.s32 $0x2940, s15;
	[sflag:s9] =	ssyncadd.s32 $0xFFFFEC00  }
0x166: {  	[spmem:s3] =	stream.indirect.scatter.add.f32 [tilespmem:s12], [sflag:$0x8], $0x40, s16, s30, $0xb8;
	[tilespmem:$0x19370] =	vst v63  }
0x167: {  	v6 =	vld [tilespmem:s15+$0x2940];
	_ =	sdelay $0x4  }
0x168: {  	(xrf1) =	vunique.msk.u32 $0xffff, v6;
	_ =	sdelay $0xd  }
0x169: {  	_, v7, vm0 =	vpop (xrf1);
	_ =	sdelay $0x3  }
0x16a: {  	v7 =	vcvt.s32.f32 v7;
	_ =	sdelay $0x1  }
0x16b: {  	[tilespmem:v6+s5+$0x0] =	vst.idx.add.f32.msk vm0, v7  }
0x16c: {  	v6 =	vld [tilespmem:s15+$0x2950];
	_ =	sdelay $0x4  }
0x16d: {  	(xrf1) =	vunique.msk.u32 $0xffff, v6;
	_ =	sdelay $0xd  }
0x16e: {  	_, v7, vm0 =	vpop (xrf1);
	_ =	sdelay $0x3  }
0x16f: {  	v7 =	vcvt.s32.f32 v7;
	_ =	sdelay $0x1  }
0x170: {  	[tilespmem:v6+s5+$0x0] =	vst.idx.add.f32.msk vm0, v7  }
0x171: {  	v6 =	vld [tilespmem:s15+$0x2960];
	_ =	sdelay $0x4  }
0x172: {  	(xrf1) =	vunique.msk.u32 $0xffff, v6;
	_ =	sdelay $0xd  }
0x173: {  	_, v7, vm0 =	vpop (xrf1);
	_ =	sdelay $0x3  }
0x174: {  	v7 =	vcvt.s32.f32 v7;
	_ =	sdelay $0x1  }
0x175: {  	[tilespmem:v6+s5+$0x0] =	vst.idx.add.f32.msk vm0, v7  }
0x176: {  	v6 =	vld [tilespmem:s15+$0x2970];
	_ =	sdelay $0x4  }
0x177: {  	(xrf1) =	vunique.msk.u32 $0xffff, v6;
	_ =	sdelay $0xd  }
0x178: {  	_, v7, vm0 =	vpop (xrf1);
	_ =	sdelay $0x3  }
0x179: {  	v7 =	vcvt.s32.f32 v7;
	_ =	sdelay $0x1  }
0x17a: {  	[tilespmem:v6+s5+$0x0] =	vst.idx.add.f32.msk vm0, v7  }
0x17b: {  	v6 =	vld [tilespmem:s15+$0x2980];
	_ =	sdelay $0x4  }
0x17c: {  	(xrf1) =	vunique.msk.u32 $0xffff, v6;
	_ =	sdelay $0xd  }
0x17d: {  	_, v7, vm0 =	vpop (xrf1);
	_ =	sdelay $0x3  }
0x17e: {  	v7 =	vcvt.s32.f32 v7;
	_ =	sdelay $0x1  }
0x17f: {  	[tilespmem:v6+s5+$0x0] =	vst.idx.add.f32.msk vm0, v7  }
0x180: {  	_ =	swait.ge [sflag:s10], $0x1400  }
0x181: {  	[sflag:s10] =	ssyncset.done $0x0  }
0x182: {  	s16 =	sadd.s32 $0x370, s15;
	[sflag:s10] =	ssyncadd.s32 $0xFFFFEC00  }
0x183: {  	[tilespmem:s1], [sflag:$0x2] =	stream.indirect.gather [hbm4b:s0+s30], $0x40, s16, s30, $0xb8;
	[tilespmem:$0x19370] =	vst v63  }
0x184: {  	_ =	swait.ge [sflag:s11], $0x1400  }
0x185: {  	[sflag:s11] =	ssyncset.done $0x0  }
0x186: {  	s16 =	sadd.s32 $0x2990, s15;
	[sflag:s11] =	ssyncadd.s32 $0xFFFFEC00  }
0x187: {  	[spmem:s3] =	stream.indirect.scatter.add.f32 [tilespmem:s2], [sflag:$0x9], $0x40, s16, s30, $0xb8;
	[tilespmem:$0x19370] =	vst v63  }
0x188: {  	v6 =	vld [tilespmem:s15+$0x2990];
	_ =	sdelay $0x4  }
0x189: {  	(xrf1) =	vunique.msk.u32 $0xffff, v6;
	_ =	sdelay $0xd  }
0x18a: {  	_, v7, vm0 =	vpop (xrf1);
	_ =	sdelay $0x3  }
0x18b: {  	v7 =	vcvt.s32.f32 v7;
	_ =	sdelay $0x1  }
0x18c: {  	[tilespmem:v6+s5+$0x0] =	vst.idx.add.f32.msk vm0, v7  }
0x18d: {  	v6 =	vld [tilespmem:s15+$0x29A0];
	_ =	sdelay $0x4  }
0x18e: {  	(xrf1) =	vunique.msk.u32 $0xffff, v6;
	_ =	sdelay $0xd  }
0x18f: {  	_, v7, vm0 =	vpop (xrf1);
	_ =	sdelay $0x3  }
0x190: {  	v7 =	vcvt.s32.f32 v7;
	_ =	sdelay $0x1  }
0x191: {  	[tilespmem:v6+s5+$0x0] =	vst.idx.add.f32.msk vm0, v7  }
0x192: {  	v6 =	vld [tilespmem:s15+$0x29B0];
	_ =	sdelay $0x4  }
0x193: {  	(xrf1) =	vunique.msk.u32 $0xffff, v6;
	_ =	sdelay $0xd  }
0x194: {  	_, v7, vm0 =	vpop (xrf1);
	_ =	sdelay $0x3  }
0x195: {  	v7 =	vcvt.s32.f32 v7;
	_ =	sdelay $0x1  }
0x196: {  	[tilespmem:v6+s5+$0x0] =	vst.idx.add.f32.msk vm0, v7  }
0x197: {  	v6 =	vld [tilespmem:s15+$0x29C0];
	_ =	sdelay $0x4  }
0x198: {  	(xrf1) =	vunique.msk.u32 $0xffff, v6;
	_ =	sdelay $0xd  }
0x199: {  	_, v7, vm0 =	vpop (xrf1);
	_ =	sdelay $0x3  }
0x19a: {  	v7 =	vcvt.s32.f32 v7;
	_ =	sdelay $0x1  }
0x19b: {  	[tilespmem:v6+s5+$0x0] =	vst.idx.add.f32.msk vm0, v7  }
0x19c: {  	v6 =	vld [tilespmem:s15+$0x29D0];
	_ =	sdelay $0x4  }
0x19d: {  	(xrf1) =	vunique.msk.u32 $0xffff, v6;
	_ =	sdelay $0xd  }
0x19e: {  	_, v7, vm0 =	vpop (xrf1);
	_ =	sdelay $0x3  }
0x19f: {  	v7 =	vcvt.s32.f32 v7;
	_ =	sdelay $0x1  }
0x1a0: {  	[tilespmem:v6+s5+$0x0] =	vst.idx.add.f32.msk vm0, v7  }
0x1a1: {  	_ =	swait.ge [sflag:s29], $0x1400  }
0x1a2: {  	[sflag:s29] =	ssyncset.done $0x0  }
0x1a3: {  	s16 =	sadd.s32 $0x3C0, s15;
	[sflag:s29] =	ssyncadd.s32 $0xFFFFEC00  }
0x1a4: {  	[tilespmem:s12], [sflag:$0x3] =	stream.indirect.gather [hbm4b:s0+s30], $0x40, s16, s30, $0xb8;
	[tilespmem:$0x19370] =	vst v63  }
0x1a5: {  	_ =	swait.ge [sflag:s21], $0x1400  }
0x1a6: {  	[sflag:s21] =	ssyncset.done $0x0  }
0x1a7: {  	s16 =	sadd.s32 $0x29E0, s15;
	[sflag:s21] =	ssyncadd.s32 $0xFFFFEC00  }
0x1a8: {  	[spmem:s3] =	stream.indirect.scatter.add.f32 [tilespmem:s6], [sflag:$0xA], $0x40, s16, s30, $0xb8;
	[tilespmem:$0x19370] =	vst v63  }
0x1a9: {  	v6 =	vld [tilespmem:s15+$0x29E0];
	_ =	sdelay $0x4  }
0x1aa: {  	(xrf1) =	vunique.msk.u32 $0xffff, v6;
	_ =	sdelay $0xd  }
0x1ab: {  	_, v7, vm0 =	vpop (xrf1);
	_ =	sdelay $0x3  }
0x1ac: {  	v7 =	vcvt.s32.f32 v7;
	_ =	sdelay $0x1  }
0x1ad: {  	[tilespmem:v6+s5+$0x0] =	vst.idx.add.f32.msk vm0, v7  }
0x1ae: {  	v6 =	vld [tilespmem:s15+$0x29F0];
	_ =	sdelay $0x4  }
0x1af: {  	(xrf1) =	vunique.msk.u32 $0xffff, v6;
	_ =	sdelay $0xd  }
0x1b0: {  	_, v7, vm0 =	vpop (xrf1);
	_ =	sdelay $0x3  }
0x1b1: {  	v7 =	vcvt.s32.f32 v7;
	_ =	sdelay $0x1  }
0x1b2: {  	[tilespmem:v6+s5+$0x0] =	vst.idx.add.f32.msk vm0, v7  }
0x1b3: {  	v6 =	vld [tilespmem:s15+$0x2A00];
	_ =	sdelay $0x4  }
0x1b4: {  	(xrf1) =	vunique.msk.u32 $0xffff, v6;
	_ =	sdelay $0xd  }
0x1b5: {  	_, v7, vm0 =	vpop (xrf1);
	_ =	sdelay $0x3  }
0x1b6: {  	v7 =	vcvt.s32.f32 v7;
	_ =	sdelay $0x1  }
0x1b7: {  	[tilespmem:v6+s5+$0x0] =	vst.idx.add.f32.msk vm0, v7  }
0x1b8: {  	v6 =	vld [tilespmem:s15+$0x2A10];
	_ =	sdelay $0x4  }
0x1b9: {  	(xrf1) =	vunique.msk.u32 $0xffff, v6;
	_ =	sdelay $0xd  }
0x1ba: {  	_, v7, vm0 =	vpop (xrf1);
	_ =	sdelay $0x3  }
0x1bb: {  	v7 =	vcvt.s32.f32 v7;
	_ =	sdelay $0x1  }
0x1bc: {  	[tilespmem:v6+s5+$0x0] =	vst.idx.add.f32.msk vm0, v7  }
0x1bd: {  	v6 =	vld [tilespmem:s15+$0x2A20];
	_ =	sdelay $0x4  }
0x1be: {  	(xrf1) =	vunique.msk.u32 $0xffff, v6;
	_ =	sdelay $0xd  }
0x1bf: {  	_, v7, vm0 =	vpop (xrf1)  }
0x1c0: {  	p1 =	sne.s32 s14, $0x8980  }
.Ltmp2:
0x1c1: {  	_ = 	snop;
	(pc) =	sbr.rel @p1 .LBB2_6-.Ltmp2, $3  }
0x1c2: {  	_ = 	snop  }
0x1c3: {  	v7 =	vcvt.s32.f32 v7;
	_ =	sdelay $0x1  }
0x1c4: {  	s14 =	sadd.s32 $0x640, s14;
	[tilespmem:v6+s5+$0x0] =	vst.idx.add.f32.msk vm0, v7  }
0x1c5: {  	_ =	swait.ge [sflag:s22], $0x1400  }
0x1c6: {  	[sflag:s22] =	ssyncset.done $0x0  }
0x1c7: {  	s14 =	simm.s32 $0x2670;
	[sflag:s22] =	ssyncadd.s32 $0xFFFFEC00  }
0x1c8: {  	[tilespmem:s2], [sflag:$0x4] =	stream.indirect.gather [hbm4b:s0+s30], $0x40, s14, s30, $0xb8;
	[tilespmem:$0x19370] =	vst v63  }
0x1c9: {  	_ =	swait.ge [sflag:s4], $0x1400  }
0x1ca: {  	[sflag:s4] =	ssyncset.done $0x0  }
0x1cb: {  	s16 =	simm.s32 $0x4C90;
	[sflag:s4] =	ssyncadd.s32 $0xFFFFEC00  }
0x1cc: {  	[spmem:s3] =	stream.indirect.scatter.add.f32 [tilespmem:s31], [sflag:$0x6], $0x40, s16, s30, $0xb8;
	[tilespmem:$0x19370] =	vst v63  }
0x1cd: {  	v6 =	vld [tilespmem:$0x4C90];
	_ =	sdelay $0x4  }
0x1ce: {  	(xrf1) =	vunique.msk.u32 $0xffff, v6;
	_ =	sdelay $0xd  }
0x1cf: {  	_, v7, vm0 =	vpop (xrf1);
	_ =	sdelay $0x3  }
0x1d0: {  	v7 =	vcvt.s32.f32 v7;
	_ =	sdelay $0x1  }
0x1d1: {  	[tilespmem:v6+s5+$0x0] =	vst.idx.add.f32.msk vm0, v7  }
0x1d2: {  	v6 =	vld [tilespmem:$0x4CA0];
	_ =	sdelay $0x4  }
0x1d3: {  	(xrf1) =	vunique.msk.u32 $0xffff, v6;
	_ =	sdelay $0xd  }
0x1d4: {  	_, v7, vm0 =	vpop (xrf1);
	_ =	sdelay $0x3  }
0x1d5: {  	v7 =	vcvt.s32.f32 v7;
	_ =	sdelay $0x1  }
0x1d6: {  	[tilespmem:v6+s5+$0x0] =	vst.idx.add.f32.msk vm0, v7  }
0x1d7: {  	v6 =	vld [tilespmem:$0x4CB0];
	_ =	sdelay $0x4  }
0x1d8: {  	(xrf1) =	vunique.msk.u32 $0xffff, v6;
	_ =	sdelay $0xd  }
0x1d9: {  	_, v7, vm0 =	vpop (xrf1);
	_ =	sdelay $0x3  }
0x1da: {  	v7 =	vcvt.s32.f32 v7;
	_ =	sdelay $0x1  }
0x1db: {  	[tilespmem:v6+s5+$0x0] =	vst.idx.add.f32.msk vm0, v7  }
0x1dc: {  	v6 =	vld [tilespmem:$0x4CC0];
	_ =	sdelay $0x4  }
0x1dd: {  	(xrf1) =	vunique.msk.u32 $0xffff, v6;
	_ =	sdelay $0xd  }
0x1de: {  	_, v7, vm0 =	vpop (xrf1);
	_ =	sdelay $0x3  }
0x1df: {  	v7 =	vcvt.s32.f32 v7;
	_ =	sdelay $0x1  }
0x1e0: {  	[tilespmem:v6+s5+$0x0] =	vst.idx.add.f32.msk vm0, v7  }
0x1e1: {  	v6 =	vld [tilespmem:$0x4CD0];
	_ =	sdelay $0x4  }
0x1e2: {  	(xrf1) =	vunique.msk.u32 $0xffff, v6;
	_ =	sdelay $0xd  }
0x1e3: {  	_, v7, vm0 =	vpop (xrf1);
	_ =	sdelay $0x3  }
0x1e4: {  	v7 =	vcvt.s32.f32 v7;
	_ =	sdelay $0x1  }
0x1e5: {  	[tilespmem:v6+s5+$0x0] =	vst.idx.add.f32.msk vm0, v7  }
0x1e6: {  	_ =	swait.ge [sflag:s23], $0x1400  }
0x1e7: {  	[sflag:s23] =	ssyncset.done $0x0  }
0x1e8: {  	s15 =	simm.s32 $0x26C0;
	[sflag:s23] =	ssyncadd.s32 $0xFFFFEC00  }
0x1e9: {  	[tilespmem:s6], [sflag:$0x5] =	stream.indirect.gather [hbm4b:s0+s30], $0x40, s15, s30, $0xb8;
	[tilespmem:$0x19370] =	vst v63  }
0x1ea: {  	_ =	swait.ge [sflag:s7], $0x1400  }
0x1eb: {  	[sflag:s7] =	ssyncset.done $0x0  }
0x1ec: {  	s16 =	simm.s32 $0x4CE0;
	[sflag:s7] =	ssyncadd.s32 $0xFFFFEC00  }
0x1ed: {  	[spmem:s3] =	stream.indirect.scatter.add.f32 [tilespmem:s1], [sflag:$0x7], $0x40, s16, s30, $0xb8;
	[tilespmem:$0x19370] =	vst v63  }
0x1ee: {  	v6 =	vld [tilespmem:$0x4CE0];
	_ =	sdelay $0x4  }
0x1ef: {  	(xrf1) =	vunique.msk.u32 $0xffff, v6;
	_ =	sdelay $0xd  }
0x1f0: {  	_, v7, vm0 =	vpop (xrf1);
	_ =	sdelay $0x3  }
0x1f1: {  	v7 =	vcvt.s32.f32 v7;
	_ =	sdelay $0x1  }
0x1f2: {  	[tilespmem:v6+s5+$0x0] =	vst.idx.add.f32.msk vm0, v7  }
0x1f3: {  	v6 =	vld [tilespmem:$0x4CF0];
	_ =	sdelay $0x4  }
0x1f4: {  	(xrf1) =	vunique.msk.u32 $0xffff, v6;
	_ =	sdelay $0xd  }
0x1f5: {  	_, v7, vm0 =	vpop (xrf1);
	_ =	sdelay $0x3  }
0x1f6: {  	v7 =	vcvt.s32.f32 v7;
	_ =	sdelay $0x1  }
0x1f7: {  	[tilespmem:v6+s5+$0x0] =	vst.idx.add.f32.msk vm0, v7  }
0x1f8: {  	v6 =	vld [tilespmem:$0x4D00];
	_ =	sdelay $0x4  }
0x1f9: {  	(xrf1) =	vunique.msk.u32 $0xffff, v6;
	_ =	sdelay $0xd  }
0x1fa: {  	_, v7, vm0 =	vpop (xrf1);
	_ =	sdelay $0x3  }
0x1fb: {  	v7 =	vcvt.s32.f32 v7;
	_ =	sdelay $0x1  }
0x1fc: {  	[tilespmem:v6+s5+$0x0] =	vst.idx.add.f32.msk vm0, v7  }
0x1fd: {  	v6 =	vld [tilespmem:$0x4D10];
	_ =	sdelay $0x4  }
0x1fe: {  	(xrf1) =	vunique.msk.u32 $0xffff, v6;
	_ =	sdelay $0xd  }
0x1ff: {  	_, v7, vm0 =	vpop (xrf1);
	_ =	sdelay $0x3  }
0x200: {  	v7 =	vcvt.s32.f32 v7;
	_ =	sdelay $0x1  }
0x201: {  	[tilespmem:v6+s5+$0x0] =	vst.idx.add.f32.msk vm0, v7  }
0x202: {  	v6 =	vld [tilespmem:$0x4D20];
	_ =	sdelay $0x4  }
0x203: {  	(xrf1) =	vunique.msk.u32 $0xffff, v6;
	_ =	sdelay $0xd  }
0x204: {  	_, v7, vm0 =	vpop (xrf1);
	_ =	sdelay $0x3  }
0x205: {  	v7 =	vcvt.s32.f32 v7;
	_ =	sdelay $0x1  }
0x206: {  	[tilespmem:v6+s5+$0x0] =	vst.idx.add.f32.msk vm0, v7  }
0x207: {  	_ =	swait.ge [sflag:s8], $0x1400  }
0x208: {  	[sflag:s8] =	ssyncset.done $0x0  }
0x209: {  	[sflag:s8] =	ssyncadd.s32 $0xFFFFEC00  }
0x20a: {  	_ =	swait.ge [sflag:s9], $0x1400  }
0x20b: {  	[sflag:s9] =	ssyncset.done $0x0  }
0x20c: {  	s15 =	simm.s32 $0x4D30;
	[sflag:s9] =	ssyncadd.s32 $0xFFFFEC00  }
0x20d: {  	[spmem:s3] =	stream.indirect.scatter.add.f32 [tilespmem:s12], [sflag:$0x8], $0x40, s15, s30, $0xb8;
	[tilespmem:$0x19370] =	vst v63  }
0x20e: {  	v6 =	vld [tilespmem:$0x4D30];
	_ =	sdelay $0x4  }
0x20f: {  	(xrf1) =	vunique.msk.u32 $0xffff, v6;
	_ =	sdelay $0xd  }
0x210: {  	_, v7, vm0 =	vpop (xrf1);
	_ =	sdelay $0x3  }
0x211: {  	v7 =	vcvt.s32.f32 v7;
	_ =	sdelay $0x1  }
0x212: {  	[tilespmem:v6+s5+$0x0] =	vst.idx.add.f32.msk vm0, v7  }
0x213: {  	v6 =	vld [tilespmem:$0x4D40];
	_ =	sdelay $0x4  }
0x214: {  	(xrf1) =	vunique.msk.u32 $0xffff, v6;
	_ =	sdelay $0xd  }
0x215: {  	_, v7, vm0 =	vpop (xrf1);
	_ =	sdelay $0x3  }
0x216: {  	v7 =	vcvt.s32.f32 v7;
	_ =	sdelay $0x1  }
0x217: {  	[tilespmem:v6+s5+$0x0] =	vst.idx.add.f32.msk vm0, v7  }
0x218: {  	v6 =	vld [tilespmem:$0x4D50];
	_ =	sdelay $0x4  }
0x219: {  	(xrf1) =	vunique.msk.u32 $0xffff, v6;
	_ =	sdelay $0xd  }
0x21a: {  	_, v7, vm0 =	vpop (xrf1);
	_ =	sdelay $0x3  }
0x21b: {  	v7 =	vcvt.s32.f32 v7;
	_ =	sdelay $0x1  }
0x21c: {  	[tilespmem:v6+s5+$0x0] =	vst.idx.add.f32.msk vm0, v7  }
0x21d: {  	v6 =	vld [tilespmem:$0x4D60];
	_ =	sdelay $0x4  }
0x21e: {  	(xrf1) =	vunique.msk.u32 $0xffff, v6;
	_ =	sdelay $0xd  }
0x21f: {  	_, v7, vm0 =	vpop (xrf1);
	_ =	sdelay $0x3  }
0x220: {  	v7 =	vcvt.s32.f32 v7;
	_ =	sdelay $0x1  }
0x221: {  	[tilespmem:v6+s5+$0x0] =	vst.idx.add.f32.msk vm0, v7  }
0x222: {  	v6 =	vld [tilespmem:$0x4D70];
	_ =	sdelay $0x4  }
0x223: {  	(xrf1) =	vunique.msk.u32 $0xffff, v6;
	_ =	sdelay $0xd  }
0x224: {  	_, v7, vm0 =	vpop (xrf1);
	_ =	sdelay $0x3  }
0x225: {  	v7 =	vcvt.s32.f32 v7;
	_ =	sdelay $0x1  }
0x226: {  	[tilespmem:v6+s5+$0x0] =	vst.idx.add.f32.msk vm0, v7  }
0x227: {  	_ =	swait.ge [sflag:s10], $0x1400  }
0x228: {  	[sflag:s10] =	ssyncset.done $0x0  }
0x229: {  	[sflag:s10] =	ssyncadd.s32 $0xFFFFEC00  }
0x22a: {  	_ =	swait.ge [sflag:s11], $0x1400  }
0x22b: {  	[sflag:s11] =	ssyncset.done $0x0  }
0x22c: {  	s16 =	simm.s32 $0x4D80;
	[sflag:s11] =	ssyncadd.s32 $0xFFFFEC00  }
0x22d: {  	[spmem:s3] =	stream.indirect.scatter.add.f32 [tilespmem:s2], [sflag:$0x9], $0x40, s16, s30, $0xb8;
	[tilespmem:$0x19370] =	vst v63  }
0x22e: {  	v6 =	vld [tilespmem:$0x4D80];
	_ =	sdelay $0x4  }
0x22f: {  	(xrf1) =	vunique.msk.u32 $0xffff, v6;
	_ =	sdelay $0xd  }
0x230: {  	_, v7, vm0 =	vpop (xrf1);
	_ =	sdelay $0x3  }
0x231: {  	v7 =	vcvt.s32.f32 v7;
	_ =	sdelay $0x1  }
0x232: {  	[tilespmem:v6+s5+$0x0] =	vst.idx.add.f32.msk vm0, v7  }
0x233: {  	v6 =	vld [tilespmem:$0x4D90];
	_ =	sdelay $0x4  }
0x234: {  	(xrf1) =	vunique.msk.u32 $0xffff, v6;
	_ =	sdelay $0xd  }
0x235: {  	_, v7, vm0 =	vpop (xrf1);
	_ =	sdelay $0x3  }
0x236: {  	v7 =	vcvt.s32.f32 v7;
	_ =	sdelay $0x1  }
0x237: {  	[tilespmem:v6+s5+$0x0] =	vst.idx.add.f32.msk vm0, v7  }
0x238: {  	v6 =	vld [tilespmem:$0x4DA0];
	_ =	sdelay $0x4  }
0x239: {  	(xrf1) =	vunique.msk.u32 $0xffff, v6;
	_ =	sdelay $0xd  }
0x23a: {  	_, v7, vm0 =	vpop (xrf1);
	_ =	sdelay $0x3  }
0x23b: {  	v7 =	vcvt.s32.f32 v7;
	_ =	sdelay $0x1  }
0x23c: {  	[tilespmem:v6+s5+$0x0] =	vst.idx.add.f32.msk vm0, v7  }
0x23d: {  	v6 =	vld [tilespmem:$0x4DB0];
	_ =	sdelay $0x4  }
0x23e: {  	(xrf1) =	vunique.msk.u32 $0xffff, v6;
	_ =	sdelay $0xd  }
0x23f: {  	_, v7, vm0 =	vpop (xrf1);
	_ =	sdelay $0x3  }
0x240: {  	v7 =	vcvt.s32.f32 v7;
	_ =	sdelay $0x1  }
0x241: {  	[tilespmem:v6+s5+$0x0] =	vst.idx.add.f32.msk vm0, v7  }
0x242: {  	v6 =	vld [tilespmem:$0x4DC0];
	_ =	sdelay $0x4  }
0x243: {  	(xrf1) =	vunique.msk.u32 $0xffff, v6;
	_ =	sdelay $0xd  }
0x244: {  	_, v7, vm0 =	vpop (xrf1);
	_ =	sdelay $0x3  }
0x245: {  	v7 =	vcvt.s32.f32 v7;
	_ =	sdelay $0x1  }
0x246: {  	[tilespmem:v6+s5+$0x0] =	vst.idx.add.f32.msk vm0, v7  }
0x247: {  	_ =	swait.ge [sflag:s29], $0x1400  }
0x248: {  	[sflag:s29] =	ssyncset.done $0x0  }
0x249: {  	[sflag:s29] =	ssyncadd.s32 $0xFFFFEC00  }
0x24a: {  	_ =	swait.ge [sflag:s21], $0x1400  }
0x24b: {  	[sflag:s21] =	ssyncset.done $0x0  }
0x24c: {  	s15 =	simm.s32 $0x4DD0;
	[sflag:s21] =	ssyncadd.s32 $0xFFFFEC00  }
0x24d: {  	[spmem:s3] =	stream.indirect.scatter.add.f32 [tilespmem:s6], [sflag:$0xA], $0x40, s15, s30, $0xb8;
	[tilespmem:$0x19370] =	vst v63  }
0x24e: {  	v6 =	vld [tilespmem:$0x4DD0];
	_ =	sdelay $0x4  }
0x24f: {  	(xrf1) =	vunique.msk.u32 $0xffff, v6;
	_ =	sdelay $0xd  }
0x250: {  	_, v7, vm0 =	vpop (xrf1);
	_ =	sdelay $0x3  }
0x251: {  	v7 =	vcvt.s32.f32 v7;
	_ =	sdelay $0x1  }
0x252: {  	[tilespmem:v6+s5+$0x0] =	vst.idx.add.f32.msk vm0, v7  }
0x253: {  	v6 =	vld [tilespmem:$0x4DE0];
	_ =	sdelay $0x4  }
0x254: {  	(xrf1) =	vunique.msk.u32 $0xffff, v6;
	_ =	sdelay $0xd  }
0x255: {  	_, v7, vm0 =	vpop (xrf1);
	_ =	sdelay $0x3  }
0x256: {  	v7 =	vcvt.s32.f32 v7;
	_ =	sdelay $0x1  }
0x257: {  	[tilespmem:v6+s5+$0x0] =	vst.idx.add.f32.msk vm0, v7  }
0x258: {  	v6 =	vld [tilespmem:$0x4DF0];
	_ =	sdelay $0x4  }
0x259: {  	(xrf1) =	vunique.msk.u32 $0xffff, v6;
	_ =	sdelay $0xd  }
0x25a: {  	_, v7, vm0 =	vpop (xrf1);
	_ =	sdelay $0x3  }
0x25b: {  	v7 =	vcvt.s32.f32 v7;
	_ =	sdelay $0x1  }
0x25c: {  	[tilespmem:v6+s5+$0x0] =	vst.idx.add.f32.msk vm0, v7  }
0x25d: {  	v6 =	vld [tilespmem:$0x4E00];
	_ =	sdelay $0x4  }
0x25e: {  	(xrf1) =	vunique.msk.u32 $0xffff, v6;
	_ =	sdelay $0xd  }
0x25f: {  	_, v7, vm0 =	vpop (xrf1);
	_ =	sdelay $0x3  }
0x260: {  	v7 =	vcvt.s32.f32 v7;
	_ =	sdelay $0x1  }
0x261: {  	[tilespmem:v6+s5+$0x0] =	vst.idx.add.f32.msk vm0, v7  }
0x262: {  	v6 =	vld [tilespmem:$0x4E10];
	_ =	sdelay $0x4  }
0x263: {  	(xrf1) =	vunique.msk.u32 $0xffff, v6;
	_ =	sdelay $0xd  }
0x264: {  	_, v7, vm0 =	vpop (xrf1);
	_ =	sdelay $0x3  }
0x265: {  	v7 =	vcvt.s32.f32 v7;
	_ =	sdelay $0x1  }
0x266: {  	[tilespmem:v6+s5+$0x0] =	vst.idx.add.f32.msk vm0, v7  }
0x267: {  	_ =	swait.ge [sflag:s22], $0x1400  }
0x268: {  	[sflag:s22] =	ssyncset.done $0x0  }
0x269: {  	[sflag:s22] =	ssyncadd.s32 $0xFFFFEC00  }
0x26a: {  	_ =	swait.ge [sflag:s23], $0x1400  }
0x26b: {  	[sflag:s23] =	ssyncset.done $0x0  }
0x26c: {  	[sflag:s23] =	ssyncadd.s32 $0xFFFFEC00  }
0x26d: {  	s15 =	simm.s32 $0x18E20;
	s16 =	rddreg [dreg:$0x2]  }
0x26e: {  	[spmem:s16] =	stream.indirect.scatter.add.f32 [tilespmem:s5], [sflag:$0xB], $0x80, s15, s30, $0xb8;
	[tilespmem:$0x19370] =	vst v63  }
0x26f: {  	_ =	swait.ge [sflag:s28], $0x2800  }
0x270: {  	[sflag:s28] =	ssyncset.done $0x0  }
0x271: {  	[sflag:s28] =	ssyncadd.s32 $0xFFFFD800  }
0x272: {  	[bflag:$0x0] =	sbarrier.arrive $0xFFFF  }
0x273: {  	[tilespmem:s26], [sflag:$0xB] =	stream.linear.gather [spmem:s17], $0x1400, $0x38;
	[tilespmem:$0x19370] =	vst v63  }
0x274: {  	_ =	swait.ge [sflag:s28], $0x1400  }
0x275: {  	[sflag:s28] =	ssyncset.done $0x0  }
0x276: {  	s15 =	rddreg [dreg:$0x5];
	[sflag:s28] =	ssyncadd.s32 $0xFFFFEC00  }
0x277: {  	[hbm4b:s15+s24] =	stream.strided.scatter [tilespmem:s26], [sflag:$0xB], $0x1400, s25, s24, $0x38;
	[tilespmem:$0x19370] =	vst v63  }
0x278: {  	_ =	swait.ge [sflag:s28], $0x1400  }
0x279: {  	[sflag:s28] =	ssyncset.done $0x0  }
0x27a: {  	s16 =	smov.u32 s17;
	s17 =	rddreg [dreg:$0xd];
	[sflag:s28] =	ssyncadd.s32 $0xFFFFEC00  }
0x27b: {  	[tilespmem:s26], [sflag:$0xB] =	stream.linear.gather [spmem:s17], $0x1400, $0x38;
	[tilespmem:$0x19370] =	vst v63  }
0x27c: {  	_ =	swait.ge [sflag:s28], $0x1400  }
0x27d: {  	[sflag:s28] =	ssyncset.done $0x0  }
0x27e: {  	s15 =	rddreg [dreg:$0x6];
	[sflag:s28] =	ssyncadd.s32 $0xFFFFEC00  }
0x27f: {  	[hbm4b:s15+s24] =	stream.strided.scatter [tilespmem:s26], [sflag:$0xB], $0x1400, s25, s24, $0x38;
	[tilespmem:$0x19370] =	vst v63  }
0x280: {  	_ =	swait.ge [sflag:s28], $0x1400  }
0x281: {  	[sflag:s28] =	ssyncset.done $0x0  }
0x282: {  	s17 =	rddreg [dreg:$0xe];
	[sflag:s28] =	ssyncadd.s32 $0xFFFFEC00  }
0x283: {  	[tilespmem:s26], [sflag:$0xB] =	stream.linear.gather [spmem:s17], $0x1400, $0x38;
	[tilespmem:$0x19370] =	vst v63  }
0x284: {  	_ =	swait.ge [sflag:s28], $0x1400  }
0x285: {  	[sflag:s28] =	ssyncset.done $0x0  }
0x286: {  	s15 =	rddreg [dreg:$0x7];
	[sflag:s28] =	ssyncadd.s32 $0xFFFFEC00  }
0x287: {  	[hbm4b:s15+s24] =	stream.strided.scatter [tilespmem:s26], [sflag:$0xB], $0x1400, s25, s24, $0x38;
	[tilespmem:$0x19370] =	vst v63  }
0x288: {  	_ =	swait.ge [sflag:s28], $0x1400  }
0x289: {  	[sflag:s28] =	ssyncset.done $0x0  }
0x28a: {  	s17 =	rddreg [dreg:$0xf];
	[sflag:s28] =	ssyncadd.s32 $0xFFFFEC00  }
0x28b: {  	[tilespmem:s26], [sflag:$0xB] =	stream.linear.gather [spmem:s17], $0x1400, $0x38;
	[tilespmem:$0x19370] =	vst v63  }
0x28c: {  	_ =	swait.ge [sflag:s28], $0x1400  }
0x28d: {  	[sflag:s28] =	ssyncset.done $0x0  }
0x28e: {  	s15 =	rddreg [dreg:$0x8];
	[sflag:s28] =	ssyncadd.s32 $0xFFFFEC00  }
0x28f: {  	[hbm4b:s15+s24] =	stream.strided.scatter [tilespmem:s26], [sflag:$0xB], $0x1400, s25, s24, $0x38;
	[tilespmem:$0x19370] =	vst v63  }
0x290: {  	_ =	swait.ge [sflag:s28], $0x1400  }
0x291: {  	[sflag:s28] =	ssyncset.done $0x0  }
0x292: {  	s17 =	rddreg [dreg:$0x10];
	[sflag:s28] =	ssyncadd.s32 $0xFFFFEC00  }
0x293: {  	[tilespmem:s26], [sflag:$0xB] =	stream.linear.gather [spmem:s17], $0x1400, $0x38;
	[tilespmem:$0x19370] =	vst v63  }
0x294: {  	_ =	swait.ge [sflag:s28], $0x1400  }
0x295: {  	[sflag:s28] =	ssyncset.done $0x0  }
0x296: {  	s15 =	rddreg [dreg:$0x9];
	[sflag:s28] =	ssyncadd.s32 $0xFFFFEC00  }
0x297: {  	[hbm4b:s15+s24] =	stream.strided.scatter [tilespmem:s26], [sflag:$0xB], $0x1400, s25, s24, $0x38;
	[tilespmem:$0x19370] =	vst v63  }
0x298: {  	_ =	swait.ge [sflag:s28], $0x1400  }
0x299: {  	[sflag:s28] =	ssyncset.done $0x0  }
0x29a: {  	[sflag:s28] =	ssyncadd.s32 $0xFFFFEC00  }
0x29b: {  	[tilespmem:s26], [sflag:$0xB] =	stream.linear.gather [spmem:s18], $0x1400, $0x38;
	[tilespmem:$0x19370] =	vst v63  }
0x29c: {  	_ =	swait.ge [sflag:s28], $0x1400  }
0x29d: {  	[sflag:s28] =	ssyncset.done $0x0  }
0x29e: {  	s17 =	rddreg [dreg:$0xa];
	[sflag:s28] =	ssyncadd.s32 $0xFFFFEC00  }
0x29f: {  	[hbm4b:s17+s24] =	stream.strided.scatter [tilespmem:s26], [sflag:$0xB], $0x1400, s25, s24, $0x38;
	[tilespmem:$0x19370] =	vst v63  }
0x2a0: {  	_ =	swait.ge [sflag:s28], $0x1400  }
0x2a1: {  	[sflag:s28] =	ssyncset.done $0x0  }
0x2a2: {  	[sflag:s28] =	ssyncadd.s32 $0xFFFFEC00  }
0x2a3: {  	[tilespmem:s26], [sflag:$0xB] =	stream.linear.gather [spmem:s19], $0x1400, $0x38;
	[tilespmem:$0x19370] =	vst v63  }
0x2a4: {  	_ =	swait.ge [sflag:s28], $0x1400  }
0x2a5: {  	[sflag:s28] =	ssyncset.done $0x0  }
0x2a6: {  	s15 =	rddreg [dreg:$0xb];
	[sflag:s28] =	ssyncadd.s32 $0xFFFFEC00  }
0x2a7: {  	[hbm4b:s15+s24] =	stream.strided.scatter [tilespmem:s26], [sflag:$0xB], $0x1400, s25, s24, $0x38;
	[tilespmem:$0x19370] =	vst v63  }
0x2a8: {  	_ =	swait.ge [sflag:s28], $0x1400  }
0x2a9: {  	[sflag:s28] =	ssyncset.done $0x0  }
0x2aa: {  	[sflag:s28] =	ssyncadd.s32 $0xFFFFEC00  }
0x2ab: {  	[tilespmem:s26], [sflag:$0xB] =	stream.linear.gather [spmem:s20], $0x1400, $0x38;
	[tilespmem:$0x19370] =	vst v63  }
0x2ac: {  	_ =	swait.ge [sflag:s28], $0x1400  }
0x2ad: {  	[sflag:s28] =	ssyncset.done $0x0  }
0x2ae: {  	s17 =	rddreg [dreg:$0xc];
	[sflag:s28] =	ssyncadd.s32 $0xFFFFEC00  }
0x2af: {  	[hbm4b:s17+s24] =	stream.strided.scatter [tilespmem:s26], [sflag:$0xB], $0x1400, s25, s24, $0x38;
	[tilespmem:$0x19370] =	vst v63  }
0x2b0: {  	_ =	swait.ge [sflag:s28], $0x1400  }
0x2b1: {  	[sflag:s28] =	ssyncset.done $0x0  }
0x2b2: {  	s17 =	simm.s32 $0x18E70;
	s15 =	rddreg [dreg:$0x13];
	[sflag:s28] =	ssyncadd.s32 $0xFFFFEC00  }
0x2b3: {  	[tilespmem:s17], [sflag:$0xB] =	stream.linear.gather [spmem:s15], $0x280, $0x38;
	[tilespmem:$0x19370] =	vst v63  }
0x2b4: {  	_ =	swait.ge [sflag:s28], $0x280  }
0x2b5: {  	[sflag:s28] =	ssyncset.done $0x0  }
0x2b6: {  	s14 =	simm.s32 $0x0;
	s15 =	rddreg [dreg:$0x14];
	[sflag:s28] =	ssyncadd.s32 $0xFFFFFD80  }
0x2b7: {  	[hbm4b:s15+s14] =	stream.linear.scatter [tilespmem:s17], [sflag:$0xB], $0x280, $0x38;
	[tilespmem:$0x19370] =	vst v63  }
0x2b8: {  	_ =	swait.ge [sflag:s28], $0x280  }
0x2b9: {  	s13 =	sadd.s32 $0x1, s13;
	s17 =	rddreg [dreg:$0x15]  }
0x2ba: {  	p1 =	sne.s32 s13, s17  }
.Ltmp3:
0x2bb: {  	_ = 	snop;
	(pc) =	sbr.rel @p1 .LBB2_1-.Ltmp3, $3  }
0x2bc: {  	_ =	sdelay $0x1  }
0x2bd: {  	[sflag:s28] =	ssyncset.done $0x0  }
0x2be: {  	[sflag:s28] =	ssyncadd.s32 $0xFFFFFD80  }
0x2bf: {  	_ =	sfence.sel $0x180000  }
0x2c0: {  	[bflag:$0x0] =	sbarrier.arrive $0xFFFF  }
0x2c1: {  	_ =	strace $0x90000047  }
0x2c2: {  	[bflag:$0x2] =	sbarrier.arrive $0xFFFF  }
0x2c3: {  	s0 =	rddreg [dreg:$0x4]  }
0x2c4: {  	s0 =	sadd.s32 @!p0 $0x100000, s0  }
0x2c5: {  	[sflag:s0] =	ssyncadd.tile.s32 @!p0 $0x1;
	_ =	shalt  }
.Lfunc_end2:
_tile_overlayer_lowered:
.L_overlay_start_2:
0x2c6: {  	(tag) =	ssettag $0x2  }
0x2c7: {  	s0 =	rddreg [dreg:$0x0];
	s2 =	stileid.u32  }
0x2c8: {  	s1 =	rddreg [dreg:$0x1];
	p0 =	sne.s32 s2, $0x0  }
0x2c9: {  	s3 =	rddreg [dreg:$0x2];
	[bflag:$0x3] =	sbarrier.arrive $0xFFFF;
	s2 =	simm.s32 @!p0 $0x1C0B  }
0x2ca: {  	[timem:s3], [sflag:s2] =	dma.local @!p0 [hbm:s0], s1  }
0x2cb: {  	s0 =	simm.s32 @!p0 $0xB  }
0x2cc: {  	_ =	swait.ge @!p0 [sflag:s0], s1  }
0x2cd: {  	s1 =	ssub.s32 @!p0 $0x0, s1;
	[sflag:s0] =	ssyncset.done @!p0 $0x0  }
0x2ce: {  	[sflag:s0] =	ssyncadd.s32 @!p0 s1  }
0x2cf: {  	[bflag:$0x3] =	sbarrier.arrive $0xFFFF  }
0x2d0: {  	_ =	shalt  }

</sc_bundles>
